<compile_context>
chip_gen: v7x
topology: tpu7x:2x2x1
jax: 0.10.2.dev20260603
libtpu: 0.0.44.dev20260713+nightly
codegen_flags: <defaults>
</compile_context>

<pallas_src>
import functools

import jax
import jax.numpy as jnp
from jax import lax
from jax.experimental import pallas as pl
from jax.experimental.pallas import tpu as pltpu
from jax.experimental.pallas import tpu_sc as plsc

_T = 7
_H = 16
_N = 10000
_E = 320000
_D = 32
_IN = 128

_NC = 2
_NS = 16
_NW = _NC * _NS
_EPW = _E // _NW
_CHUNK = 400
_NCHUNK = _EPW // _CHUNK
_RPT = 640
_RPT_LAST = _N - _RPT * (_NS - 1)
_DP = 32

_HI = jax.lax.Precision.DEFAULT

_GDN = lax.GatherDimensionNumbers(
    offset_dims=(), collapsed_slice_dims=(0,), start_index_map=(0,))


def _lane_broadcast(vec, r):
    idx = jnp.full((16, 1), r, jnp.int32)
    return lax.gather(vec, idx, dimension_numbers=_GDN, slice_sizes=(1,),
                      mode=lax.GatherScatterMode.PROMISE_IN_BOUNDS)


def _combined_mats(w_ref, u_ref, in_dim):
    cols = []
    for t in range(_T):
        cols.append(jnp.dot(w_ref[t], u_ref[pl.ds(t * _H, _H), :],
                            preferred_element_type=jnp.float32, precision=_HI))
    return jnp.concatenate(cols, axis=1)


_NB = 2000
_NGRID = _N // _NB


def _select_by_type(p, ty):
    v = jnp.zeros((p.shape[0], _D), jnp.float32)
    for t in range(_T):
        v = v + jnp.where(ty == t, p[:, t * _D:(t + 1) * _D], 0.0)
    return v


def _dense1_body(x_ref, ty_ref, w1_ref, u1_ref, v_ref):
    m = _combined_mats(w1_ref, u1_ref, _IN)
    p = jnp.dot(x_ref[...], m, preferred_element_type=jnp.float32,
                precision=_HI)
    v_ref[...] = _select_by_type(p, ty_ref[...])


def _mid_body(acc_ref, ty_ref, b1_ref, u1_ref, c1_ref, w2_ref, u2_ref, v_ref):
    const1 = jnp.dot(b1_ref[...], u1_ref[...],
                     preferred_element_type=jnp.float32, precision=_HI) + c1_ref[...]
    s = acc_ref[0] + acc_ref[1] + const1
    h = jnp.where(s >= 0, s, 0.01 * s)
    m = _combined_mats(w2_ref, u2_ref, _D)
    p = jnp.dot(h, m, preferred_element_type=jnp.float32, precision=_HI)
    v_ref[...] = _select_by_type(p, ty_ref[...])


def _final_body(acc_ref, b2_ref, u2_ref, c2_ref, out_ref):
    const2 = jnp.dot(b2_ref[...], u2_ref[...],
                     preferred_element_type=jnp.float32, precision=_HI) + c2_ref[...]
    s = acc_ref[0] + acc_ref[1] + const2
    sig = jax.nn.sigmoid(s)
    out_ref[...] = jnp.sum(sig, axis=0, keepdims=True)


_dense1 = pl.pallas_call(
    _dense1_body,
    grid=(_NGRID,),
    in_specs=[
        pl.BlockSpec((_NB, _IN), lambda i: (i, 0)),
        pl.BlockSpec((_NB, 1), lambda i: (i, 0)),
        pl.BlockSpec((_T, _IN, _H), lambda i: (0, 0, 0)),
        pl.BlockSpec((_T * _H, _D), lambda i: (0, 0)),
    ],
    out_specs=pl.BlockSpec((_NB, _D), lambda i: (i, 0)),
    out_shape=jax.ShapeDtypeStruct((_N, _D), jnp.float32))

_mid = pl.pallas_call(
    _mid_body,
    grid=(_NGRID,),
    in_specs=[
        pl.BlockSpec((2, _NB, _D), lambda i: (0, i, 0)),
        pl.BlockSpec((_NB, 1), lambda i: (i, 0)),
        pl.BlockSpec((1, _T * _H), lambda i: (0, 0)),
        pl.BlockSpec((_T * _H, _D), lambda i: (0, 0)),
        pl.BlockSpec((1, _D), lambda i: (0, 0)),
        pl.BlockSpec((_T, _D, _H), lambda i: (0, 0, 0)),
        pl.BlockSpec((_T * _H, _D), lambda i: (0, 0)),
    ],
    out_specs=pl.BlockSpec((_NB, _D), lambda i: (i, 0)),
    out_shape=jax.ShapeDtypeStruct((_N, _D), jnp.float32))

_final = pl.pallas_call(
    _final_body, out_shape=jax.ShapeDtypeStruct((1, _D), jnp.float32))


@functools.partial(
    pl.kernel,
    out_type=jax.ShapeDtypeStruct((2 * _N, _DP), jnp.float32),
    mesh=plsc.VectorSubcoreMesh(core_axis_name="c", subcore_axis_name="s"),
    compiler_params=pltpu.CompilerParams(use_tc_tiling_on_sc=False),
    scratch_types=[
        pltpu.VMEM((_EPW,), jnp.int32),
        pltpu.VMEM((_EPW,), jnp.int32),
        pltpu.VMEM((_EPW,), jnp.float32),
        pltpu.SemaphoreType.DMA,
        pltpu.SemaphoreType.DMA,
        pltpu.VMEM((_CHUNK, _DP), jnp.float32),
        pltpu.VMEM((_CHUNK, _DP), jnp.float32),
        pltpu.VMEM((_RPT, _DP), jnp.float32),
        pltpu.VMEM_SHARED((_N, _DP), jnp.float32),
        pltpu.SemaphoreType.DMA,
        pltpu.SemaphoreType.DMA,
    ],
)
def _seg_sum_sc(v_hbm, src_hbm, dst_hbm, w_hbm, zeros_hbm, out_hbm,
                src_flat, dst_flat, w_flat, sem_sa, sem_sb,
                rows_a, rows_b, stage_v, acc_sh, sem_ga, sem_gb):
    cid = lax.axis_index("c")
    sid = lax.axis_index("s")
    row0 = sid * _RPT
    wid = sid * _NC + cid

    pltpu.sync_copy(zeros_hbm, stage_v)
    pltpu.sync_copy(src_hbm.at[pl.ds(wid * _EPW, _EPW)], src_flat)
    pltpu.sync_copy(dst_hbm.at[pl.ds(wid * _EPW, _EPW)], dst_flat)
    pltpu.sync_copy(w_hbm.at[pl.ds(wid * _EPW, _EPW)], w_flat)

    @pl.when(sid < _NS - 1)
    def _():
        pltpu.sync_copy(stage_v, acc_sh.at[pl.ds(row0, _RPT)])

    @pl.when(sid == _NS - 1)
    def _():
        pltpu.sync_copy(stage_v.at[pl.ds(0, _RPT_LAST)],
                        acc_sh.at[pl.ds(_RPT * (_NS - 1), _RPT_LAST)])

    plsc.subcore_barrier()

    def gather_desc(i, rows, sem):
        idx = src_flat.at[pl.ds(i * _CHUNK, _CHUNK)]
        return pltpu.make_async_copy(v_hbm.at[idx], rows, sem)

    def scatter_start(i, rows, sem):
        idx = dst_flat.at[pl.ds(i * _CHUNK, _CHUNK)]
        pltpu.async_copy(rows, acc_sh.at[idx], sem, add=True)

    def scatter_wait(i, rows, sem):
        idx = dst_flat.at[pl.ds(i * _CHUNK, _CHUNK)]
        pltpu.make_async_copy(rows, acc_sh.at[idx], sem).wait()

    def scale(i, rows):
        def group(g, carry):
            wvec = w_flat[pl.ds(i * _CHUNK + g * 16, 16)]
            for r in range(16):
                wspl = _lane_broadcast(wvec, r)
                row = g * 16 + r
                rows[row, pl.ds(0, 16)] = rows[row, pl.ds(0, 16)] * wspl
                rows[row, pl.ds(16, 16)] = rows[row, pl.ds(16, 16)] * wspl
            return carry

        lax.fori_loop(0, _CHUNK // 16, group, 0)

    gather_desc(0, rows_a, sem_ga).start()
    gather_desc(1, rows_b, sem_gb).start()

    def superstep(j, carry):
        ca = 2 * j
        gather_desc(ca, rows_a, sem_ga).wait()
        scale(ca, rows_a)
        scatter_start(ca, rows_a, sem_sa)
        gather_desc(ca + 1, rows_b, sem_gb).wait()
        scale(ca + 1, rows_b)
        scatter_start(ca + 1, rows_b, sem_sb)
        scatter_wait(ca, rows_a, sem_sa)
        gather_desc(ca + 2, rows_a, sem_ga).start()
        scatter_wait(ca + 1, rows_b, sem_sb)

        @pl.when(ca + 3 < _NCHUNK)
        def _():
            gather_desc(ca + 3, rows_b, sem_gb).start()

        return carry

    lax.fori_loop(0, (_NCHUNK - 1) // 2, superstep, 0)
    last = _NCHUNK - 1
    gather_desc(last, rows_a, sem_ga).wait()
    scale(last, rows_a)
    scatter_start(last, rows_a, sem_sa)
    scatter_wait(last, rows_a, sem_sa)
    plsc.subcore_barrier()

    @pl.when(sid < _NS - 1)
    def _():
        pltpu.sync_copy(acc_sh.at[pl.ds(row0, _RPT)], stage_v)
        pltpu.sync_copy(stage_v, out_hbm.at[pl.ds(cid * _N + row0, _RPT)])

    @pl.when(sid == _NS - 1)
    def _():
        last0 = _RPT * (_NS - 1)
        pltpu.sync_copy(acc_sh.at[pl.ds(last0, _RPT_LAST)],
                        stage_v.at[pl.ds(0, _RPT_LAST)])
        pltpu.sync_copy(stage_v.at[pl.ds(0, _RPT_LAST)],
                        out_hbm.at[pl.ds(cid * _N + last0, _RPT_LAST)])


def kernel(x_node_feature, x_edge_index, x_edge_weight, x_node_types,
           W1, b1, U1, c1, W2, b2, U2, c2):
    src = x_edge_index[0].astype(jnp.int32)
    dst = x_edge_index[1].astype(jnp.int32)
    ty = x_node_types.astype(jnp.int32).reshape(_N, 1)
    w = x_edge_weight.astype(jnp.float32)
    zeros = jnp.zeros((_RPT, _DP), jnp.float32)

    v1 = _dense1(x_node_feature, ty, W1, U1)
    acc1 = _seg_sum_sc(v1, src, dst, w, zeros)
    v2 = _mid(acc1.reshape(2, _N, _D), ty, b1.reshape(1, _T * _H), U1,
              c1.reshape(1, _D), W2, U2)
    acc2 = _seg_sum_sc(v2, src, dst, w, zeros)
    out = _final(acc2.reshape(2, _N, _D), b2.reshape(1, _T * _H), U2,
                 c2.reshape(1, _D))
    return out.reshape(_D)

# --- scband reference (transcript-rebuilt; emitter-appended) ---
"""Pipeline reference for scband-het-gcn-3-17884243821060 (READ-ONLY COPY).

The authoritative reference and input builder live on the scoring server;
editing this copy changes nothing except your own understanding.
"""

import jax, jax.numpy as jnp
import numpy as np

NUM_TYPES = 7
HIDDEN = 16
IN_DIM = 128
MID_DIM = 32
OUT_DIM = 32
N_NODES = 10000
N_EDGES = 320000


def setup_inputs(seed: int = 0) -> dict:
    key = jax.random.key(seed)
    ks = jax.random.split(key, 12)
    x_node_feature = jax.random.normal(ks[0], (N_NODES, IN_DIM), dtype=jnp.float32)
    x_edge_index = jax.random.randint(ks[1], (2, N_EDGES), 0, N_NODES, dtype=jnp.int64)
    x_edge_weight = jax.random.uniform(ks[2], (N_EDGES,), dtype=jnp.float32)
    x_node_types = jax.random.randint(ks[3], (N_NODES,), 0, NUM_TYPES, dtype=jnp.int64)
    # conv1 params: per-type linear (in->hidden), combine linear (T*hidden -> 32)
    W1 = jax.random.normal(ks[4], (NUM_TYPES, IN_DIM, HIDDEN), dtype=jnp.float32) * (1.0 / np.sqrt(IN_DIM))
    b1 = jnp.full((NUM_TYPES, HIDDEN), 0.1, dtype=jnp.float32)
    U1 = jax.random.normal(ks[5], (NUM_TYPES * HIDDEN, MID_DIM), dtype=jnp.float32) * (1.0 / np.sqrt(NUM_TYPES * HIDDEN))
    c1 = jnp.full((MID_DIM,), 0.1, dtype=jnp.float32)
    # conv2 params: per-type linear (32->hidden), combine linear (T*hidden -> out)
    W2 = jax.random.normal(ks[6], (NUM_TYPES, MID_DIM, HIDDEN), dtype=jnp.float32) * (1.0 / np.sqrt(MID_DIM))
    b2 = jnp.full((NUM_TYPES, HIDDEN), 0.1, dtype=jnp.float32)
    U2 = jax.random.normal(ks[7], (NUM_TYPES * HIDDEN, OUT_DIM), dtype=jnp.float32) * (1.0 / np.sqrt(NUM_TYPES * HIDDEN))
    c2 = jnp.full((OUT_DIM,), 0.1, dtype=jnp.float32)
    return {
        'x_node_feature': x_node_feature,
        'x_edge_index': x_edge_index,
        'x_edge_weight': x_edge_weight,
        'x_node_types': x_node_types,
        'W1': W1, 'b1': b1, 'U1': U1, 'c1': c1,
        'W2': W2, 'b2': b2, 'U2': U2, 'c2': c2,
    }


def _het_gcn_conv(x, edge_index, node_types, edge_weight, W, b, U, c):
    src = edge_index[0]
    dst = edge_index[1]
    n = x.shape[0]
    msg = x[src] * edge_weight[:, None]  # gather + weight
    src_types = node_types[src]
    outs = []
    for t in range(NUM_TYPES):
        mask = (src_types == t).astype(x.dtype)[:, None]
        agg = jax.ops.segment_sum(msg * mask, dst, num_segments=n)  # scatter-add per type
        outs.append(agg @ W[t] + b[t])
    h = jnp.concatenate(outs, axis=-1)  # [N, T*hidden]
    return h @ U + c


def reference(x_node_feature, x_edge_index, x_edge_weight, x_node_types,
              W1, b1, U1, c1, W2, b2, U2, c2):
    h = _het_gcn_conv(x_node_feature, x_edge_index, x_node_types, x_edge_weight, W1, b1, U1, c1)
    h = jax.nn.leaky_relu(h, negative_slope=0.01)
    h = _het_gcn_conv(h, x_edge_index, x_node_types, x_edge_weight, W2, b2, U2, c2)
    h = jax.nn.sigmoid(h)
    graph_embedding = jnp.sum(h, axis=0)  # graph_node_pooling
    return graph_embedding

if __name__ == "__main__":
    import jax
    _d = setup_inputs()
    print(jax.jit(kernel)(*tuple(_d.values())))

</pallas_src>

<mosaic_0001>
#map = affine_map<(d0, d1) -> (0, 0)>
#map1 = affine_map<(d0, d1) -> (0)>
module attributes {stable_mosaic.version = 14 : i64} {
  func.func @_seg_sum_sc(%arg0: i32, %arg1: i32, %arg2: memref<10000x32xf32, #tpu.memory_space<hbm>>, %arg3: memref<320000xi32, #tpu.memory_space<hbm>>, %arg4: memref<320000xi32, #tpu.memory_space<hbm>>, %arg5: memref<320000xf32, #tpu.memory_space<hbm>>, %arg6: memref<640x32xf32, #tpu.memory_space<hbm>>, %arg7: memref<20000x32xf32, #tpu.memory_space<hbm>>, %arg8: memref<10000xi32, #tpu.memory_space<vmem>>, %arg9: memref<10000xi32, #tpu.memory_space<vmem>>, %arg10: memref<10000xf32, #tpu.memory_space<vmem>>, %arg11: memref<!tpu.dma_semaphore, #tpu.memory_space<semaphore_mem>>, %arg12: memref<!tpu.dma_semaphore, #tpu.memory_space<semaphore_mem>>, %arg13: memref<400x32xf32, #tpu.memory_space<vmem>>, %arg14: memref<400x32xf32, #tpu.memory_space<vmem>>, %arg15: memref<640x32xf32, #tpu.memory_space<vmem>>, %arg16: memref<10000x32xf32, #tpu.memory_space<vmem_shared>>, %arg17: memref<!tpu.dma_semaphore, #tpu.memory_space<semaphore_mem>>, %arg18: memref<!tpu.dma_semaphore, #tpu.memory_space<semaphore_mem>>) attributes {dimension_semantics = [#tpu.dimension_semantics<core_parallel>, #tpu.dimension_semantics<subcore_parallel>], iteration_bounds = array<i64: 2, 16>, scalar_prefetch = 0 : i64, scratch_operands = 11 : i64, tpu.core_type = #tpu.core_type<sc_vector_subcore>, window_params = [{transform_indices = #map}, {transform_indices = #map1}, {transform_indices = #map1}, {transform_indices = #map1}, {transform_indices = #map}, {transform_indices = #map}]} {
    %mul3A = arith.constant 640 : i32
    %mul3A_0 = arith.muli %arg1, %mul3A : i32
    %mul3A_1 = arith.constant 2 : i32
    %mul3A_2 = arith.muli %arg1, %mul3A_1 : i32
    %add3A = arith.addi %mul3A_2, %arg0 : i32
    "tpu.region"() ({
      %run_scoped3A = tpu.sem_alloc : memref<!tpu.dma_semaphore, #tpu.memory_space<semaphore_mem>>
      tpu.enqueue_dma source(%arg6 : memref<640x32xf32, #tpu.memory_space<hbm>>) target(%arg15 : memref<640x32xf32, #tpu.memory_space<vmem>>) target_semaphore(%run_scoped3A : memref<!tpu.dma_semaphore, #tpu.memory_space<semaphore_mem>>)
      tpu.wait_dma2 semaphore(%run_scoped3A : memref<!tpu.dma_semaphore, #tpu.memory_space<semaphore_mem>>) src(%arg6 : memref<640x32xf32, #tpu.memory_space<hbm>>) dst(%arg15 : memref<640x32xf32, #tpu.memory_space<vmem>>)
      tpu.yield
    }) : () -> ()
    %mul3A_3 = arith.constant 10000 : i32
    %mul3A_4 = arith.muli %add3A, %mul3A_3 : i32
    "tpu.region"() ({
      %run_scoped3A = tpu.sem_alloc : memref<!tpu.dma_semaphore, #tpu.memory_space<semaphore_mem>>
      %dma_start3A_60 = tpu.memref_slice %arg3[%mul3A_4] : memref<320000xi32, #tpu.memory_space<hbm>> -> memref<10000xi32, #tpu.memory_space<hbm>>
      %dma_start3A_61 = tpu.memref_slice %arg3[%mul3A_4] : memref<320000xi32, #tpu.memory_space<hbm>> -> memref<10000xi32, #tpu.memory_space<hbm>>
      tpu.enqueue_dma source(%dma_start3A_61 : memref<10000xi32, #tpu.memory_space<hbm>>) target(%arg8 : memref<10000xi32, #tpu.memory_space<vmem>>) target_semaphore(%run_scoped3A : memref<!tpu.dma_semaphore, #tpu.memory_space<semaphore_mem>>)
      %dma_wait3A_62 = tpu.memref_slice %arg3[%mul3A_4] : memref<320000xi32, #tpu.memory_space<hbm>> -> memref<10000xi32, #tpu.memory_space<hbm>>
      %dma_wait3A_63 = tpu.memref_slice %arg3[%mul3A_4] : memref<320000xi32, #tpu.memory_space<hbm>> -> memref<10000xi32, #tpu.memory_space<hbm>>
      tpu.wait_dma2 semaphore(%run_scoped3A : memref<!tpu.dma_semaphore, #tpu.memory_space<semaphore_mem>>) src(%dma_wait3A_63 : memref<10000xi32, #tpu.memory_space<hbm>>) dst(%arg8 : memref<10000xi32, #tpu.memory_space<vmem>>)
      tpu.yield
    }) : () -> ()
    %mul3A_5 = arith.constant 10000 : i32
    %mul3A_6 = arith.muli %add3A, %mul3A_5 : i32
    "tpu.region"() ({
      %run_scoped3A = tpu.sem_alloc : memref<!tpu.dma_semaphore, #tpu.memory_space<semaphore_mem>>
      %dma_start3A_60 = tpu.memref_slice %arg4[%mul3A_6] : memref<320000xi32, #tpu.memory_space<hbm>> -> memref<10000xi32, #tpu.memory_space<hbm>>
      %dma_start3A_61 = tpu.memref_slice %arg4[%mul3A_6] : memref<320000xi32, #tpu.memory_space<hbm>> -> memref<10000xi32, #tpu.memory_space<hbm>>
      tpu.enqueue_dma source(%dma_start3A_61 : memref<10000xi32, #tpu.memory_space<hbm>>) target(%arg9 : memref<10000xi32, #tpu.memory_space<vmem>>) target_semaphore(%run_scoped3A : memref<!tpu.dma_semaphore, #tpu.memory_space<semaphore_mem>>)
      %dma_wait3A_62 = tpu.memref_slice %arg4[%mul3A_6] : memref<320000xi32, #tpu.memory_space<hbm>> -> memref<10000xi32, #tpu.memory_space<hbm>>
      %dma_wait3A_63 = tpu.memref_slice %arg4[%mul3A_6] : memref<320000xi32, #tpu.memory_space<hbm>> -> memref<10000xi32, #tpu.memory_space<hbm>>
      tpu.wait_dma2 semaphore(%run_scoped3A : memref<!tpu.dma_semaphore, #tpu.memory_space<semaphore_mem>>) src(%dma_wait3A_63 : memref<10000xi32, #tpu.memory_space<hbm>>) dst(%arg9 : memref<10000xi32, #tpu.memory_space<vmem>>)
      tpu.yield
    }) : () -> ()
    %mul3A_7 = arith.constant 10000 : i32
    %mul3A_8 = arith.muli %add3A, %mul3A_7 : i32
    "tpu.region"() ({
      %run_scoped3A = tpu.sem_alloc : memref<!tpu.dma_semaphore, #tpu.memory_space<semaphore_mem>>
      %dma_start3A_60 = tpu.memref_slice %arg5[%mul3A_8] : memref<320000xf32, #tpu.memory_space<hbm>> -> memref<10000xf32, #tpu.memory_space<hbm>>
      %dma_start3A_61 = tpu.memref_slice %arg5[%mul3A_8] : memref<320000xf32, #tpu.memory_space<hbm>> -> memref<10000xf32, #tpu.memory_space<hbm>>
      tpu.enqueue_dma source(%dma_start3A_61 : memref<10000xf32, #tpu.memory_space<hbm>>) target(%arg10 : memref<10000xf32, #tpu.memory_space<vmem>>) target_semaphore(%run_scoped3A : memref<!tpu.dma_semaphore, #tpu.memory_space<semaphore_mem>>)
      %dma_wait3A_62 = tpu.memref_slice %arg5[%mul3A_8] : memref<320000xf32, #tpu.memory_space<hbm>> -> memref<10000xf32, #tpu.memory_space<hbm>>
      %dma_wait3A_63 = tpu.memref_slice %arg5[%mul3A_8] : memref<320000xf32, #tpu.memory_space<hbm>> -> memref<10000xf32, #tpu.memory_space<hbm>>
      tpu.wait_dma2 semaphore(%run_scoped3A : memref<!tpu.dma_semaphore, #tpu.memory_space<semaphore_mem>>) src(%dma_wait3A_63 : memref<10000xf32, #tpu.memory_space<hbm>>) dst(%arg10 : memref<10000xf32, #tpu.memory_space<vmem>>)
      tpu.yield
    }) : () -> ()
    %lt3A = arith.constant 15 : i32
    %lt3A_9 = arith.cmpi slt, %arg1, %lt3A : i32
    %convert_element_type3A = arith.extui %lt3A_9 : i1 to i32
    %cond3A = arith.constant 0 : i32
    %cond3A_10 = arith.cmpi ne, %convert_element_type3A, %cond3A : i32
    scf.if %cond3A_10 {
      "tpu.region"() ({
        %run_scoped3A = tpu.sem_alloc : memref<!tpu.dma_semaphore, #tpu.memory_space<semaphore_mem>>
        %dma_start3A_60 = arith.constant 0 : i32
        %dma_start3A_61 = tpu.memref_slice %arg16[%mul3A_0, %dma_start3A_60] : memref<10000x32xf32, #tpu.memory_space<vmem_shared>> -> memref<640x32xf32, #tpu.memory_space<vmem_shared>>
        %dma_start3A_62 = arith.constant 0 : i32
        %dma_start3A_63 = tpu.memref_slice %arg16[%mul3A_0, %dma_start3A_62] : memref<10000x32xf32, #tpu.memory_space<vmem_shared>> -> memref<640x32xf32, #tpu.memory_space<vmem_shared>>
        tpu.enqueue_dma source(%arg15 : memref<640x32xf32, #tpu.memory_space<vmem>>) target(%dma_start3A_63 : memref<640x32xf32, #tpu.memory_space<vmem_shared>>) target_semaphore(%run_scoped3A : memref<!tpu.dma_semaphore, #tpu.memory_space<semaphore_mem>>)
        %dma_wait3A_64 = arith.constant 0 : i32
        %dma_wait3A_65 = tpu.memref_slice %arg16[%mul3A_0, %dma_wait3A_64] : memref<10000x32xf32, #tpu.memory_space<vmem_shared>> -> memref<640x32xf32, #tpu.memory_space<vmem_shared>>
        %dma_wait3A_66 = arith.constant 0 : i32
        %dma_wait3A_67 = tpu.memref_slice %arg16[%mul3A_0, %dma_wait3A_66] : memref<10000x32xf32, #tpu.memory_space<vmem_shared>> -> memref<640x32xf32, #tpu.memory_space<vmem_shared>>
        tpu.wait_dma2 semaphore(%run_scoped3A : memref<!tpu.dma_semaphore, #tpu.memory_space<semaphore_mem>>) src(%arg15 : memref<640x32xf32, #tpu.memory_space<vmem>>) dst(%dma_wait3A_67 : memref<640x32xf32, #tpu.memory_space<vmem_shared>>)
        tpu.yield
      }) : () -> ()
    } else {
    }
    %eq3A = arith.constant 15 : i32
    %eq3A_11 = arith.cmpi eq, %arg1, %eq3A : i32
    %convert_element_type3A_12 = arith.extui %eq3A_11 : i1 to i32
    %cond3A_13 = arith.constant 0 : i32
    %cond3A_14 = arith.cmpi ne, %convert_element_type3A_12, %cond3A_13 : i32
    scf.if %cond3A_14 {
      "tpu.region"() ({
        %run_scoped3A = tpu.sem_alloc : memref<!tpu.dma_semaphore, #tpu.memory_space<semaphore_mem>>
        %dma_start3A_60 = arith.constant 0 : i32
        %dma_start3A_61 = arith.constant 0 : i32
        %dma_start3A_62 = tpu.memref_slice %arg15[%dma_start3A_60, %dma_start3A_61] : memref<640x32xf32, #tpu.memory_space<vmem>> -> memref<400x32xf32, #tpu.memory_space<vmem>>
        %dma_start3A_63 = arith.constant 9600 : i32
        %dma_start3A_64 = arith.constant 0 : i32
        %dma_start3A_65 = tpu.memref_slice %arg16[%dma_start3A_63, %dma_start3A_64] : memref<10000x32xf32, #tpu.memory_space<vmem_shared>> -> memref<400x32xf32, #tpu.memory_space<vmem_shared>>
        %dma_start3A_66 = arith.constant 9600 : i32
        %dma_start3A_67 = arith.constant 0 : i32
        %dma_start3A_68 = tpu.memref_slice %arg16[%dma_start3A_66, %dma_start3A_67] : memref<10000x32xf32, #tpu.memory_space<vmem_shared>> -> memref<400x32xf32, #tpu.memory_space<vmem_shared>>
        %dma_start3A_69 = arith.constant 0 : i32
        %dma_start3A_70 = arith.constant 0 : i32
        %dma_start3A_71 = tpu.memref_slice %arg15[%dma_start3A_69, %dma_start3A_70] : memref<640x32xf32, #tpu.memory_space<vmem>> -> memref<400x32xf32, #tpu.memory_space<vmem>>
        tpu.enqueue_dma source(%dma_start3A_71 : memref<400x32xf32, #tpu.memory_space<vmem>>) target(%dma_start3A_68 : memref<400x32xf32, #tpu.memory_space<vmem_shared>>) target_semaphore(%run_scoped3A : memref<!tpu.dma_semaphore, #tpu.memory_space<semaphore_mem>>)
        %dma_wait3A_72 = arith.constant 0 : i32
        %dma_wait3A_73 = arith.constant 0 : i32
        %dma_wait3A_74 = tpu.memref_slice %arg15[%dma_wait3A_72, %dma_wait3A_73] : memref<640x32xf32, #tpu.memory_space<vmem>> -> memref<400x32xf32, #tpu.memory_space<vmem>>
        %dma_wait3A_75 = arith.constant 9600 : i32
        %dma_wait3A_76 = arith.constant 0 : i32
        %dma_wait3A_77 = tpu.memref_slice %arg16[%dma_wait3A_75, %dma_wait3A_76] : memref<10000x32xf32, #tpu.memory_space<vmem_shared>> -> memref<400x32xf32, #tpu.memory_space<vmem_shared>>
        %dma_wait3A_78 = arith.constant 9600 : i32
        %dma_wait3A_79 = arith.constant 0 : i32
        %dma_wait3A_80 = tpu.memref_slice %arg16[%dma_wait3A_78, %dma_wait3A_79] : memref<10000x32xf32, #tpu.memory_space<vmem_shared>> -> memref<400x32xf32, #tpu.memory_space<vmem_shared>>
        %dma_wait3A_81 = arith.constant 0 : i32
        %dma_wait3A_82 = arith.constant 0 : i32
        %dma_wait3A_83 = tpu.memref_slice %arg15[%dma_wait3A_81, %dma_wait3A_82] : memref<640x32xf32, #tpu.memory_space<vmem>> -> memref<400x32xf32, #tpu.memory_space<vmem>>
        tpu.wait_dma2 semaphore(%run_scoped3A : memref<!tpu.dma_semaphore, #tpu.memory_space<semaphore_mem>>) src(%dma_wait3A_83 : memref<400x32xf32, #tpu.memory_space<vmem>>) dst(%dma_wait3A_80 : memref<400x32xf32, #tpu.memory_space<vmem_shared>>)
        tpu.yield
      }) : () -> ()
    } else {
    }
    %barrier3A = arith.constant 0 : index
    tpu.barrier barrier_id(%barrier3A)
    %dma_start3A = arith.constant 0 : i32
    %dma_start3A_15 = tpu.memref_slice %arg8[%dma_start3A] : memref<10000xi32, #tpu.memory_space<vmem>> -> memref<400xi32, #tpu.memory_space<vmem>>
    %dma_start3A_16 = arith.constant 0 : i32
    %dma_start3A_17 = arith.constant 0 : i32
    %dma_start3A_18 = tpu.memref_slice %arg2[%dma_start3A_16, %dma_start3A_17] : memref<10000x32xf32, #tpu.memory_space<hbm>> -> memref<10000x32xf32, #tpu.memory_space<hbm>>
    tpu.enqueue_indirect_dma source(%dma_start3A_18 : memref<10000x32xf32, #tpu.memory_space<hbm>>) target(%arg13 : memref<400x32xf32, #tpu.memory_space<vmem>>) offsets(%dma_start3A_15 : memref<400xi32, #tpu.memory_space<vmem>>) semaphore(%arg17 : memref<!tpu.dma_semaphore, #tpu.memory_space<semaphore_mem>>)
    %dma_start3A_19 = arith.constant 400 : i32
    %dma_start3A_20 = tpu.memref_slice %arg8[%dma_start3A_19] : memref<10000xi32, #tpu.memory_space<vmem>> -> memref<400xi32, #tpu.memory_space<vmem>>
    %dma_start3A_21 = arith.constant 0 : i32
    %dma_start3A_22 = arith.constant 0 : i32
    %dma_start3A_23 = tpu.memref_slice %arg2[%dma_start3A_21, %dma_start3A_22] : memref<10000x32xf32, #tpu.memory_space<hbm>> -> memref<10000x32xf32, #tpu.memory_space<hbm>>
    tpu.enqueue_indirect_dma source(%dma_start3A_23 : memref<10000x32xf32, #tpu.memory_space<hbm>>) target(%arg14 : memref<400x32xf32, #tpu.memory_space<vmem>>) offsets(%dma_start3A_20 : memref<400xi32, #tpu.memory_space<vmem>>) semaphore(%arg18 : memref<!tpu.dma_semaphore, #tpu.memory_space<semaphore_mem>>)
    %scan3A = arith.constant 0 : i32
    %scan3A_24 = arith.constant 0 : i32
    %scan3A_25 = arith.constant 12 : i32
    %scan3A_26 = arith.addi %scan3A_24, %scan3A_25 : i32
    %scan3A_27 = arith.constant 1 : i32
    scf.for %scan3A_60 = %scan3A_24 to %scan3A_26 step %scan3A_27  : i32 {
      %mul3A_61 = arith.constant 2 : i32
      %mul3A_62 = arith.muli %mul3A_61, %scan3A_60 : i32
      %mul3A_63 = arith.constant 400 : i32
      %mul3A_64 = arith.muli %mul3A_62, %mul3A_63 : i32
      %dma_wait3A_65 = tpu.memref_slice %arg8[%mul3A_64] : memref<10000xi32, #tpu.memory_space<vmem>> -> memref<400xi32, #tpu.memory_space<vmem>>
      %dma_wait3A_66 = arith.constant 0 : i32
      %dma_wait3A_67 = arith.constant 0 : i32
      %dma_wait3A_68 = tpu.memref_slice %arg2[%dma_wait3A_66, %dma_wait3A_67] : memref<10000x32xf32, #tpu.memory_space<hbm>> -> memref<10000x32xf32, #tpu.memory_space<hbm>>
      tpu.wait_indirect_dma semaphore(%arg17 : memref<!tpu.dma_semaphore, #tpu.memory_space<semaphore_mem>>) src(%dma_wait3A_68 : memref<10000x32xf32, #tpu.memory_space<hbm>>) dst(%arg13 : memref<400x32xf32, #tpu.memory_space<vmem>>)
      %scan3A_69 = arith.constant 0 : i32
      %scan3A_70 = arith.constant 0 : i32
      %scan3A_71 = arith.constant 25 : i32
      %scan3A_72 = arith.addi %scan3A_70, %scan3A_71 : i32
      %scan3A_73 = arith.constant 1 : i32
      scf.for %scan3A_134 = %scan3A_70 to %scan3A_72 step %scan3A_73  : i32 {
        %mul3A_135 = arith.constant 400 : i32
        %mul3A_136 = arith.muli %mul3A_62, %mul3A_135 : i32
        %mul3A_137 = arith.constant 16 : i32
        %mul3A_138 = arith.muli %scan3A_134, %mul3A_137 : i32
        %add3A_139 = arith.addi %mul3A_136, %mul3A_138 : i32
        %get3A = arith.index_cast %add3A_139 : i32 to index
        %get3A_140 = tpu.vector_load %arg10[%get3A] {strides = array<i32>} : memref<10000xf32, #tpu.memory_space<vmem>>, vector<16xf32>,
        %get3A_141 = vector.shape_cast %get3A_140 : vector<16xf32> to vector<16xf32>
        %broadcast_in_dim3A = arith.constant 0 : i32
        %broadcast_in_dim3A_142 = vector.broadcast %broadcast_in_dim3A : i32 to vector<16x1xi32>
        %gather3A = vector.shape_cast %broadcast_in_dim3A_142 : vector<16x1xi32> to vector<16xi32>
        %gather3A_143 = tpu.dynamic_gather %get3A_141[%gather3A] in [0] : vector<16xf32>, vector<16xi32> -> vector<16xf32>
        %mul3A_144 = arith.constant 16 : i32
        %mul3A_145 = arith.muli %scan3A_134, %mul3A_144 : i32
        %add3A_146 = arith.constant 0 : i32
        %add3A_147 = arith.addi %mul3A_145, %add3A_146 : i32
        %get3A_148 = arith.index_cast %add3A_147 : i32 to index
        %get3A_149 = arith.constant 0 : index
        %get3A_150 = tpu.vector_load %arg13[%get3A_148, %get3A_149] {strides = array<i32>} : memref<400x32xf32, #tpu.memory_space<vmem>>, vector<1x16xf32>,
        %get3A_151 = vector.shape_cast %get3A_150 : vector<1x16xf32> to vector<16xf32>
        %mul3A_152 = arith.mulf %get3A_151, %gather3A_143 : vector<16xf32>
        %swap3A = arith.index_cast %add3A_147 : i32 to index
        %swap3A_153 = arith.constant 0 : index
        %swap3A_154 = tpu.vector_load %arg13[%swap3A, %swap3A_153] {strides = array<i32>} : memref<400x32xf32, #tpu.memory_space<vmem>>, vector<1x16xf32>,
        %swap3A_155 = vector.shape_cast %swap3A_154 : vector<1x16xf32> to vector<16xf32>
        %swap3A_156 = vector.shape_cast %mul3A_152 : vector<16xf32> to vector<1x16xf32>
        tpu.vector_store %arg13[%swap3A, %swap3A_153], %swap3A_156 {strides = array<i32>} : memref<400x32xf32, #tpu.memory_space<vmem>>, vector<1x16xf32>,
        %get3A_157 = arith.index_cast %add3A_147 : i32 to index
        %get3A_158 = arith.constant 16 : index
        %get3A_159 = tpu.vector_load %arg13[%get3A_157, %get3A_158] {strides = array<i32>} : memref<400x32xf32, #tpu.memory_space<vmem>>, vector<1x16xf32>,
        %get3A_160 = vector.shape_cast %get3A_159 : vector<1x16xf32> to vector<16xf32>
        %mul3A_161 = arith.mulf %get3A_160, %gather3A_143 : vector<16xf32>
        %swap3A_162 = arith.index_cast %add3A_147 : i32 to index
        %swap3A_163 = arith.constant 16 : index
        %swap3A_164 = tpu.vector_load %arg13[%swap3A_162, %swap3A_163] {strides = array<i32>} : memref<400x32xf32, #tpu.memory_space<vmem>>, vector<1x16xf32>,
        %swap3A_165 = vector.shape_cast %swap3A_164 : vector<1x16xf32> to vector<16xf32>
        %swap3A_166 = vector.shape_cast %mul3A_161 : vector<16xf32> to vector<1x16xf32>
        tpu.vector_store %arg13[%swap3A_162, %swap3A_163], %swap3A_166 {strides = array<i32>} : memref<400x32xf32, #tpu.memory_space<vmem>>, vector<1x16xf32>,
        %broadcast_in_dim3A_167 = arith.constant 1 : i32
        %broadcast_in_dim3A_168 = vector.broadcast %broadcast_in_dim3A_167 : i32 to vector<16x1xi32>
        %gather3A_169 = vector.shape_cast %broadcast_in_dim3A_168 : vector<16x1xi32> to vector<16xi32>
        %gather3A_170 = tpu.dynamic_gather %get3A_141[%gather3A_169] in [0] : vector<16xf32>, vector<16xi32> -> vector<16xf32>
        %mul3A_171 = arith.constant 16 : i32
        %mul3A_172 = arith.muli %scan3A_134, %mul3A_171 : i32
        %add3A_173 = arith.constant 1 : i32
        %add3A_174 = arith.addi %mul3A_172, %add3A_173 : i32
        %get3A_175 = arith.index_cast %add3A_174 : i32 to index
        %get3A_176 = arith.constant 0 : index
        %get3A_177 = tpu.vector_load %arg13[%get3A_175, %get3A_176] {strides = array<i32>} : memref<400x32xf32, #tpu.memory_space<vmem>>, vector<1x16xf32>,
        %get3A_178 = vector.shape_cast %get3A_177 : vector<1x16xf32> to vector<16xf32>
        %mul3A_179 = arith.mulf %get3A_178, %gather3A_170 : vector<16xf32>
        %swap3A_180 = arith.index_cast %add3A_174 : i32 to index
        %swap3A_181 = arith.constant 0 : index
        %swap3A_182 = tpu.vector_load %arg13[%swap3A_180, %swap3A_181] {strides = array<i32>} : memref<400x32xf32, #tpu.memory_space<vmem>>, vector<1x16xf32>,
        %swap3A_183 = vector.shape_cast %swap3A_182 : vector<1x16xf32> to vector<16xf32>
        %swap3A_184 = vector.shape_cast %mul3A_179 : vector<16xf32> to vector<1x16xf32>
        tpu.vector_store %arg13[%swap3A_180, %swap3A_181], %swap3A_184 {strides = array<i32>} : memref<400x32xf32, #tpu.memory_space<vmem>>, vector<1x16xf32>,
        %get3A_185 = arith.index_cast %add3A_174 : i32 to index
        %get3A_186 = arith.constant 16 : index
        %get3A_187 = tpu.vector_load %arg13[%get3A_185, %get3A_186] {strides = array<i32>} : memref<400x32xf32, #tpu.memory_space<vmem>>, vector<1x16xf32>,
        %get3A_188 = vector.shape_cast %get3A_187 : vector<1x16xf32> to vector<16xf32>
        %mul3A_189 = arith.mulf %get3A_188, %gather3A_170 : vector<16xf32>
        %swap3A_190 = arith.index_cast %add3A_174 : i32 to index
        %swap3A_191 = arith.constant 16 : index
        %swap3A_192 = tpu.vector_load %arg13[%swap3A_190, %swap3A_191] {strides = array<i32>} : memref<400x32xf32, #tpu.memory_space<vmem>>, vector<1x16xf32>,
        %swap3A_193 = vector.shape_cast %swap3A_192 : vector<1x16xf32> to vector<16xf32>
        %swap3A_194 = vector.shape_cast %mul3A_189 : vector<16xf32> to vector<1x16xf32>
        tpu.vector_store %arg13[%swap3A_190, %swap3A_191], %swap3A_194 {strides = array<i32>} : memref<400x32xf32, #tpu.memory_space<vmem>>, vector<1x16xf32>,
        %broadcast_in_dim3A_195 = arith.constant 2 : i32
        %broadcast_in_dim3A_196 = vector.broadcast %broadcast_in_dim3A_195 : i32 to vector<16x1xi32>
        %gather3A_197 = vector.shape_cast %broadcast_in_dim3A_196 : vector<16x1xi32> to vector<16xi32>
        %gather3A_198 = tpu.dynamic_gather %get3A_141[%gather3A_197] in [0] : vector<16xf32>, vector<16xi32> -> vector<16xf32>
        %mul3A_199 = arith.constant 16 : i32
        %mul3A_200 = arith.muli %scan3A_134, %mul3A_199 : i32
        %add3A_201 = arith.constant 2 : i32
        %add3A_202 = arith.addi %mul3A_200, %add3A_201 : i32
        %get3A_203 = arith.index_cast %add3A_202 : i32 to index
        %get3A_204 = arith.constant 0 : index
        %get3A_205 = tpu.vector_load %arg13[%get3A_203, %get3A_204] {strides = array<i32>} : memref<400x32xf32, #tpu.memory_space<vmem>>, vector<1x16xf32>,
        %get3A_206 = vector.shape_cast %get3A_205 : vector<1x16xf32> to vector<16xf32>
        %mul3A_207 = arith.mulf %get3A_206, %gather3A_198 : vector<16xf32>
        %swap3A_208 = arith.index_cast %add3A_202 : i32 to index
        %swap3A_209 = arith.constant 0 : index
        %swap3A_210 = tpu.vector_load %arg13[%swap3A_208, %swap3A_209] {strides = array<i32>} : memref<400x32xf32, #tpu.memory_space<vmem>>, vector<1x16xf32>,
        %swap3A_211 = vector.shape_cast %swap3A_210 : vector<1x16xf32> to vector<16xf32>
        %swap3A_212 = vector.shape_cast %mul3A_207 : vector<16xf32> to vector<1x16xf32>
        tpu.vector_store %arg13[%swap3A_208, %swap3A_209], %swap3A_212 {strides = array<i32>} : memref<400x32xf32, #tpu.memory_space<vmem>>, vector<1x16xf32>,
        %get3A_213 = arith.index_cast %add3A_202 : i32 to index
        %get3A_214 = arith.constant 16 : index
        %get3A_215 = tpu.vector_load %arg13[%get3A_213, %get3A_214] {strides = array<i32>} : memref<400x32xf32, #tpu.memory_space<vmem>>, vector<1x16xf32>,
        %get3A_216 = vector.shape_cast %get3A_215 : vector<1x16xf32> to vector<16xf32>
        %mul3A_217 = arith.mulf %get3A_216, %gather3A_198 : vector<16xf32>
        %swap3A_218 = arith.index_cast %add3A_202 : i32 to index
        %swap3A_219 = arith.constant 16 : index
        %swap3A_220 = tpu.vector_load %arg13[%swap3A_218, %swap3A_219] {strides = array<i32>} : memref<400x32xf32, #tpu.memory_space<vmem>>, vector<1x16xf32>,
        %swap3A_221 = vector.shape_cast %swap3A_220 : vector<1x16xf32> to vector<16xf32>
        %swap3A_222 = vector.shape_cast %mul3A_217 : vector<16xf32> to vector<1x16xf32>
        tpu.vector_store %arg13[%swap3A_218, %swap3A_219], %swap3A_222 {strides = array<i32>} : memref<400x32xf32, #tpu.memory_space<vmem>>, vector<1x16xf32>,
        %broadcast_in_dim3A_223 = arith.constant 3 : i32
        %broadcast_in_dim3A_224 = vector.broadcast %broadcast_in_dim3A_223 : i32 to vector<16x1xi32>
        %gather3A_225 = vector.shape_cast %broadcast_in_dim3A_224 : vector<16x1xi32> to vector<16xi32>
        %gather3A_226 = tpu.dynamic_gather %get3A_141[%gather3A_225] in [0] : vector<16xf32>, vector<16xi32> -> vector<16xf32>
        %mul3A_227 = arith.constant 16 : i32
        %mul3A_228 = arith.muli %scan3A_134, %mul3A_227 : i32
        %add3A_229 = arith.constant 3 : i32
        %add3A_230 = arith.addi %mul3A_228, %add3A_229 : i32
        %get3A_231 = arith.index_cast %add3A_230 : i32 to index
        %get3A_232 = arith.constant 0 : index
        %get3A_233 = tpu.vector_load %arg13[%get3A_231, %get3A_232] {strides = array<i32>} : memref<400x32xf32, #tpu.memory_space<vmem>>, vector<1x16xf32>,
        %get3A_234 = vector.shape_cast %get3A_233 : vector<1x16xf32> to vector<16xf32>
        %mul3A_235 = arith.mulf %get3A_234, %gather3A_226 : vector<16xf32>
        %swap3A_236 = arith.index_cast %add3A_230 : i32 to index
        %swap3A_237 = arith.constant 0 : index
        %swap3A_238 = tpu.vector_load %arg13[%swap3A_236, %swap3A_237] {strides = array<i32>} : memref<400x32xf32, #tpu.memory_space<vmem>>, vector<1x16xf32>,
        %swap3A_239 = vector.shape_cast %swap3A_238 : vector<1x16xf32> to vector<16xf32>
        %swap3A_240 = vector.shape_cast %mul3A_235 : vector<16xf32> to vector<1x16xf32>
        tpu.vector_store %arg13[%swap3A_236, %swap3A_237], %swap3A_240 {strides = array<i32>} : memref<400x32xf32, #tpu.memory_space<vmem>>, vector<1x16xf32>,
        %get3A_241 = arith.index_cast %add3A_230 : i32 to index
        %get3A_242 = arith.constant 16 : index
        %get3A_243 = tpu.vector_load %arg13[%get3A_241, %get3A_242] {strides = array<i32>} : memref<400x32xf32, #tpu.memory_space<vmem>>, vector<1x16xf32>,
        %get3A_244 = vector.shape_cast %get3A_243 : vector<1x16xf32> to vector<16xf32>
        %mul3A_245 = arith.mulf %get3A_244, %gather3A_226 : vector<16xf32>
        %swap3A_246 = arith.index_cast %add3A_230 : i32 to index
        %swap3A_247 = arith.constant 16 : index
        %swap3A_248 = tpu.vector_load %arg13[%swap3A_246, %swap3A_247] {strides = array<i32>} : memref<400x32xf32, #tpu.memory_space<vmem>>, vector<1x16xf32>,
        %swap3A_249 = vector.shape_cast %swap3A_248 : vector<1x16xf32> to vector<16xf32>
        %swap3A_250 = vector.shape_cast %mul3A_245 : vector<16xf32> to vector<1x16xf32>
        tpu.vector_store %arg13[%swap3A_246, %swap3A_247], %swap3A_250 {strides = array<i32>} : memref<400x32xf32, #tpu.memory_space<vmem>>, vector<1x16xf32>,
        %broadcast_in_dim3A_251 = arith.constant 4 : i32
        %broadcast_in_dim3A_252 = vector.broadcast %broadcast_in_dim3A_251 : i32 to vector<16x1xi32>
        %gather3A_253 = vector.shape_cast %broadcast_in_dim3A_252 : vector<16x1xi32> to vector<16xi32>
        %gather3A_254 = tpu.dynamic_gather %get3A_141[%gather3A_253] in [0] : vector<16xf32>, vector<16xi32> -> vector<16xf32>
        %mul3A_255 = arith.constant 16 : i32
        %mul3A_256 = arith.muli %scan3A_134, %mul3A_255 : i32
        %add3A_257 = arith.constant 4 : i32
        %add3A_258 = arith.addi %mul3A_256, %add3A_257 : i32
        %get3A_259 = arith.index_cast %add3A_258 : i32 to index
        %get3A_260 = arith.constant 0 : index
        %get3A_261 = tpu.vector_load %arg13[%get3A_259, %get3A_260] {strides = array<i32>} : memref<400x32xf32, #tpu.memory_space<vmem>>, vector<1x16xf32>,
        %get3A_262 = vector.shape_cast %get3A_261 : vector<1x16xf32> to vector<16xf32>
        %mul3A_263 = arith.mulf %get3A_262, %gather3A_254 : vector<16xf32>
        %swap3A_264 = arith.index_cast %add3A_258 : i32 to index
        %swap3A_265 = arith.constant 0 : index
        %swap3A_266 = tpu.vector_load %arg13[%swap3A_264, %swap3A_265] {strides = array<i32>} : memref<400x32xf32, #tpu.memory_space<vmem>>, vector<1x16xf32>,
        %swap3A_267 = vector.shape_cast %swap3A_266 : vector<1x16xf32> to vector<16xf32>
        %swap3A_268 = vector.shape_cast %mul3A_263 : vector<16xf32> to vector<1x16xf32>
        tpu.vector_store %arg13[%swap3A_264, %swap3A_265], %swap3A_268 {strides = array<i32>} : memref<400x32xf32, #tpu.memory_space<vmem>>, vector<1x16xf32>,
        %get3A_269 = arith.index_cast %add3A_258 : i32 to index
        %get3A_270 = arith.constant 16 : index
        %get3A_271 = tpu.vector_load %arg13[%get3A_269, %get3A_270] {strides = array<i32>} : memref<400x32xf32, #tpu.memory_space<vmem>>, vector<1x16xf32>,
        %get3A_272 = vector.shape_cast %get3A_271 : vector<1x16xf32> to vector<16xf32>
        %mul3A_273 = arith.mulf %get3A_272, %gather3A_254 : vector<16xf32>
        %swap3A_274 = arith.index_cast %add3A_258 : i32 to index
        %swap3A_275 = arith.constant 16 : index
        %swap3A_276 = tpu.vector_load %arg13[%swap3A_274, %swap3A_275] {strides = array<i32>} : memref<400x32xf32, #tpu.memory_space<vmem>>, vector<1x16xf32>,
        %swap3A_277 = vector.shape_cast %swap3A_276 : vector<1x16xf32> to vector<16xf32>
        %swap3A_278 = vector.shape_cast %mul3A_273 : vector<16xf32> to vector<1x16xf32>
        tpu.vector_store %arg13[%swap3A_274, %swap3A_275], %swap3A_278 {strides = array<i32>} : memref<400x32xf32, #tpu.memory_space<vmem>>, vector<1x16xf32>,
        %broadcast_in_dim3A_279 = arith.constant 5 : i32
        %broadcast_in_dim3A_280 = vector.broadcast %broadcast_in_dim3A_279 : i32 to vector<16x1xi32>
        %gather3A_281 = vector.shape_cast %broadcast_in_dim3A_280 : vector<16x1xi32> to vector<16xi32>
        %gather3A_282 = tpu.dynamic_gather %get3A_141[%gather3A_281] in [0] : vector<16xf32>, vector<16xi32> -> vector<16xf32>
        %mul3A_283 = arith.constant 16 : i32
        %mul3A_284 = arith.muli %scan3A_134, %mul3A_283 : i32
        %add3A_285 = arith.constant 5 : i32
        %add3A_286 = arith.addi %mul3A_284, %add3A_285 : i32
        %get3A_287 = arith.index_cast %add3A_286 : i32 to index
        %get3A_288 = arith.constant 0 : index
        %get3A_289 = tpu.vector_load %arg13[%get3A_287, %get3A_288] {strides = array<i32>} : memref<400x32xf32, #tpu.memory_space<vmem>>, vector<1x16xf32>,
        %get3A_290 = vector.shape_cast %get3A_289 : vector<1x16xf32> to vector<16xf32>
        %mul3A_291 = arith.mulf %get3A_290, %gather3A_282 : vector<16xf32>
        %swap3A_292 = arith.index_cast %add3A_286 : i32 to index
        %swap3A_293 = arith.constant 0 : index
        %swap3A_294 = tpu.vector_load %arg13[%swap3A_292, %swap3A_293] {strides = array<i32>} : memref<400x32xf32, #tpu.memory_space<vmem>>, vector<1x16xf32>,
        %swap3A_295 = vector.shape_cast %swap3A_294 : vector<1x16xf32> to vector<16xf32>
        %swap3A_296 = vector.shape_cast %mul3A_291 : vector<16xf32> to vector<1x16xf32>
        tpu.vector_store %arg13[%swap3A_292, %swap3A_293], %swap3A_296 {strides = array<i32>} : memref<400x32xf32, #tpu.memory_space<vmem>>, vector<1x16xf32>,
        %get3A_297 = arith.index_cast %add3A_286 : i32 to index
        %get3A_298 = arith.constant 16 : index
        %get3A_299 = tpu.vector_load %arg13[%get3A_297, %get3A_298] {strides = array<i32>} : memref<400x32xf32, #tpu.memory_space<vmem>>, vector<1x16xf32>,
        %get3A_300 = vector.shape_cast %get3A_299 : vector<1x16xf32> to vector<16xf32>
        %mul3A_301 = arith.mulf %get3A_300, %gather3A_282 : vector<16xf32>
        %swap3A_302 = arith.index_cast %add3A_286 : i32 to index
        %swap3A_303 = arith.constant 16 : index
        %swap3A_304 = tpu.vector_load %arg13[%swap3A_302, %swap3A_303] {strides = array<i32>} : memref<400x32xf32, #tpu.memory_space<vmem>>, vector<1x16xf32>,
        %swap3A_305 = vector.shape_cast %swap3A_304 : vector<1x16xf32> to vector<16xf32>
        %swap3A_306 = vector.shape_cast %mul3A_301 : vector<16xf32> to vector<1x16xf32>
        tpu.vector_store %arg13[%swap3A_302, %swap3A_303], %swap3A_306 {strides = array<i32>} : memref<400x32xf32, #tpu.memory_space<vmem>>, vector<1x16xf32>,
        %broadcast_in_dim3A_307 = arith.constant 6 : i32
        %broadcast_in_dim3A_308 = vector.broadcast %broadcast_in_dim3A_307 : i32 to vector<16x1xi32>
        %gather3A_309 = vector.shape_cast %broadcast_in_dim3A_308 : vector<16x1xi32> to vector<16xi32>
        %gather3A_310 = tpu.dynamic_gather %get3A_141[%gather3A_309] in [0] : vector<16xf32>, vector<16xi32> -> vector<16xf32>
        %mul3A_311 = arith.constant 16 : i32
        %mul3A_312 = arith.muli %scan3A_134, %mul3A_311 : i32
        %add3A_313 = arith.constant 6 : i32
        %add3A_314 = arith.addi %mul3A_312, %add3A_313 : i32
        %get3A_315 = arith.index_cast %add3A_314 : i32 to index
        %get3A_316 = arith.constant 0 : index
        %get3A_317 = tpu.vector_load %arg13[%get3A_315, %get3A_316] {strides = array<i32>} : memref<400x32xf32, #tpu.memory_space<vmem>>, vector<1x16xf32>,
        %get3A_318 = vector.shape_cast %get3A_317 : vector<1x16xf32> to vector<16xf32>
        %mul3A_319 = arith.mulf %get3A_318, %gather3A_310 : vector<16xf32>
        %swap3A_320 = arith.index_cast %add3A_314 : i32 to index
        %swap3A_321 = arith.constant 0 : index
        %swap3A_322 = tpu.vector_load %arg13[%swap3A_320, %swap3A_321] {strides = array<i32>} : memref<400x32xf32, #tpu.memory_space<vmem>>, vector<1x16xf32>,
        %swap3A_323 = vector.shape_cast %swap3A_322 : vector<1x16xf32> to vector<16xf32>
        %swap3A_324 = vector.shape_cast %mul3A_319 : vector<16xf32> to vector<1x16xf32>
        tpu.vector_store %arg13[%swap3A_320, %swap3A_321], %swap3A_324 {strides = array<i32>} : memref<400x32xf32, #tpu.memory_space<vmem>>, vector<1x16xf32>,
        %get3A_325 = arith.index_cast %add3A_314 : i32 to index
        %get3A_326 = arith.constant 16 : index
        %get3A_327 = tpu.vector_load %arg13[%get3A_325, %get3A_326] {strides = array<i32>} : memref<400x32xf32, #tpu.memory_space<vmem>>, vector<1x16xf32>,
        %get3A_328 = vector.shape_cast %get3A_327 : vector<1x16xf32> to vector<16xf32>
        %mul3A_329 = arith.mulf %get3A_328, %gather3A_310 : vector<16xf32>
        %swap3A_330 = arith.index_cast %add3A_314 : i32 to index
        %swap3A_331 = arith.constant 16 : index
        %swap3A_332 = tpu.vector_load %arg13[%swap3A_330, %swap3A_331] {strides = array<i32>} : memref<400x32xf32, #tpu.memory_space<vmem>>, vector<1x16xf32>,
        %swap3A_333 = vector.shape_cast %swap3A_332 : vector<1x16xf32> to vector<16xf32>
        %swap3A_334 = vector.shape_cast %mul3A_329 : vector<16xf32> to vector<1x16xf32>
        tpu.vector_store %arg13[%swap3A_330, %swap3A_331], %swap3A_334 {strides = array<i32>} : memref<400x32xf32, #tpu.memory_space<vmem>>, vector<1x16xf32>,
        %broadcast_in_dim3A_335 = arith.constant 7 : i32
        %broadcast_in_dim3A_336 = vector.broadcast %broadcast_in_dim3A_335 : i32 to vector<16x1xi32>
        %gather3A_337 = vector.shape_cast %broadcast_in_dim3A_336 : vector<16x1xi32> to vector<16xi32>
        %gather3A_338 = tpu.dynamic_gather %get3A_141[%gather3A_337] in [0] : vector<16xf32>, vector<16xi32> -> vector<16xf32>
        %mul3A_339 = arith.constant 16 : i32
        %mul3A_340 = arith.muli %scan3A_134, %mul3A_339 : i32
        %add3A_341 = arith.constant 7 : i32
        %add3A_342 = arith.addi %mul3A_340, %add3A_341 : i32
        %get3A_343 = arith.index_cast %add3A_342 : i32 to index
        %get3A_344 = arith.constant 0 : index
        %get3A_345 = tpu.vector_load %arg13[%get3A_343, %get3A_344] {strides = array<i32>} : memref<400x32xf32, #tpu.memory_space<vmem>>, vector<1x16xf32>,
        %get3A_346 = vector.shape_cast %get3A_345 : vector<1x16xf32> to vector<16xf32>
        %mul3A_347 = arith.mulf %get3A_346, %gather3A_338 : vector<16xf32>
        %swap3A_348 = arith.index_cast %add3A_342 : i32 to index
        %swap3A_349 = arith.constant 0 : index
        %swap3A_350 = tpu.vector_load %arg13[%swap3A_348, %swap3A_349] {strides = array<i32>} : memref<400x32xf32, #tpu.memory_space<vmem>>, vector<1x16xf32>,
        %swap3A_351 = vector.shape_cast %swap3A_350 : vector<1x16xf32> to vector<16xf32>
        %swap3A_352 = vector.shape_cast %mul3A_347 : vector<16xf32> to vector<1x16xf32>
        tpu.vector_store %arg13[%swap3A_348, %swap3A_349], %swap3A_352 {strides = array<i32>} : memref<400x32xf32, #tpu.memory_space<vmem>>, vector<1x16xf32>,
        %get3A_353 = arith.index_cast %add3A_342 : i32 to index
        %get3A_354 = arith.constant 16 : index
        %get3A_355 = tpu.vector_load %arg13[%get3A_353, %get3A_354] {strides = array<i32>} : memref<400x32xf32, #tpu.memory_space<vmem>>, vector<1x16xf32>,
        %get3A_356 = vector.shape_cast %get3A_355 : vector<1x16xf32> to vector<16xf32>
        %mul3A_357 = arith.mulf %get3A_356, %gather3A_338 : vector<16xf32>
        %swap3A_358 = arith.index_cast %add3A_342 : i32 to index
        %swap3A_359 = arith.constant 16 : index
        %swap3A_360 = tpu.vector_load %arg13[%swap3A_358, %swap3A_359] {strides = array<i32>} : memref<400x32xf32, #tpu.memory_space<vmem>>, vector<1x16xf32>,
        %swap3A_361 = vector.shape_cast %swap3A_360 : vector<1x16xf32> to vector<16xf32>
        %swap3A_362 = vector.shape_cast %mul3A_357 : vector<16xf32> to vector<1x16xf32>
        tpu.vector_store %arg13[%swap3A_358, %swap3A_359], %swap3A_362 {strides = array<i32>} : memref<400x32xf32, #tpu.memory_space<vmem>>, vector<1x16xf32>,
        %broadcast_in_dim3A_363 = arith.constant 8 : i32
        %broadcast_in_dim3A_364 = vector.broadcast %broadcast_in_dim3A_363 : i32 to vector<16x1xi32>
        %gather3A_365 = vector.shape_cast %broadcast_in_dim3A_364 : vector<16x1xi32> to vector<16xi32>
        %gather3A_366 = tpu.dynamic_gather %get3A_141[%gather3A_365] in [0] : vector<16xf32>, vector<16xi32> -> vector<16xf32>
        %mul3A_367 = arith.constant 16 : i32
        %mul3A_368 = arith.muli %scan3A_134, %mul3A_367 : i32
        %add3A_369 = arith.constant 8 : i32
        %add3A_370 = arith.addi %mul3A_368, %add3A_369 : i32
        %get3A_371 = arith.index_cast %add3A_370 : i32 to index
        %get3A_372 = arith.constant 0 : index
        %get3A_373 = tpu.vector_load %arg13[%get3A_371, %get3A_372] {strides = array<i32>} : memref<400x32xf32, #tpu.memory_space<vmem>>, vector<1x16xf32>,
        %get3A_374 = vector.shape_cast %get3A_373 : vector<1x16xf32> to vector<16xf32>
        %mul3A_375 = arith.mulf %get3A_374, %gather3A_366 : vector<16xf32>
        %swap3A_376 = arith.index_cast %add3A_370 : i32 to index
        %swap3A_377 = arith.constant 0 : index
        %swap3A_378 = tpu.vector_load %arg13[%swap3A_376, %swap3A_377] {strides = array<i32>} : memref<400x32xf32, #tpu.memory_space<vmem>>, vector<1x16xf32>,
        %swap3A_379 = vector.shape_cast %swap3A_378 : vector<1x16xf32> to vector<16xf32>
        %swap3A_380 = vector.shape_cast %mul3A_375 : vector<16xf32> to vector<1x16xf32>
        tpu.vector_store %arg13[%swap3A_376, %swap3A_377], %swap3A_380 {strides = array<i32>} : memref<400x32xf32, #tpu.memory_space<vmem>>, vector<1x16xf32>,
        %get3A_381 = arith.index_cast %add3A_370 : i32 to index
        %get3A_382 = arith.constant 16 : index
        %get3A_383 = tpu.vector_load %arg13[%get3A_381, %get3A_382] {strides = array<i32>} : memref<400x32xf32, #tpu.memory_space<vmem>>, vector<1x16xf32>,
        %get3A_384 = vector.shape_cast %get3A_383 : vector<1x16xf32> to vector<16xf32>
        %mul3A_385 = arith.mulf %get3A_384, %gather3A_366 : vector<16xf32>
        %swap3A_386 = arith.index_cast %add3A_370 : i32 to index
        %swap3A_387 = arith.constant 16 : index
        %swap3A_388 = tpu.vector_load %arg13[%swap3A_386, %swap3A_387] {strides = array<i32>} : memref<400x32xf32, #tpu.memory_space<vmem>>, vector<1x16xf32>,
        %swap3A_389 = vector.shape_cast %swap3A_388 : vector<1x16xf32> to vector<16xf32>
        %swap3A_390 = vector.shape_cast %mul3A_385 : vector<16xf32> to vector<1x16xf32>
        tpu.vector_store %arg13[%swap3A_386, %swap3A_387], %swap3A_390 {strides = array<i32>} : memref<400x32xf32, #tpu.memory_space<vmem>>, vector<1x16xf32>,
        %broadcast_in_dim3A_391 = arith.constant 9 : i32
        %broadcast_in_dim3A_392 = vector.broadcast %broadcast_in_dim3A_391 : i32 to vector<16x1xi32>
        %gather3A_393 = vector.shape_cast %broadcast_in_dim3A_392 : vector<16x1xi32> to vector<16xi32>
        %gather3A_394 = tpu.dynamic_gather %get3A_141[%gather3A_393] in [0] : vector<16xf32>, vector<16xi32> -> vector<16xf32>
        %mul3A_395 = arith.constant 16 : i32
        %mul3A_396 = arith.muli %scan3A_134, %mul3A_395 : i32
        %add3A_397 = arith.constant 9 : i32
        %add3A_398 = arith.addi %mul3A_396, %add3A_397 : i32
        %get3A_399 = arith.index_cast %add3A_398 : i32 to index
        %get3A_400 = arith.constant 0 : index
        %get3A_401 = tpu.vector_load %arg13[%get3A_399, %get3A_400] {strides = array<i32>} : memref<400x32xf32, #tpu.memory_space<vmem>>, vector<1x16xf32>,
        %get3A_402 = vector.shape_cast %get3A_401 : vector<1x16xf32> to vector<16xf32>
        %mul3A_403 = arith.mulf %get3A_402, %gather3A_394 : vector<16xf32>
        %swap3A_404 = arith.index_cast %add3A_398 : i32 to index
        %swap3A_405 = arith.constant 0 : index
        %swap3A_406 = tpu.vector_load %arg13[%swap3A_404, %swap3A_405] {strides = array<i32>} : memref<400x32xf32, #tpu.memory_space<vmem>>, vector<1x16xf32>,
        %swap3A_407 = vector.shape_cast %swap3A_406 : vector<1x16xf32> to vector<16xf32>
        %swap3A_408 = vector.shape_cast %mul3A_403 : vector<16xf32> to vector<1x16xf32>
        tpu.vector_store %arg13[%swap3A_404, %swap3A_405], %swap3A_408 {strides = array<i32>} : memref<400x32xf32, #tpu.memory_space<vmem>>, vector<1x16xf32>,
        %get3A_409 = arith.index_cast %add3A_398 : i32 to index
        %get3A_410 = arith.constant 16 : index
        %get3A_411 = tpu.vector_load %arg13[%get3A_409, %get3A_410] {strides = array<i32>} : memref<400x32xf32, #tpu.memory_space<vmem>>, vector<1x16xf32>,
        %get3A_412 = vector.shape_cast %get3A_411 : vector<1x16xf32> to vector<16xf32>
        %mul3A_413 = arith.mulf %get3A_412, %gather3A_394 : vector<16xf32>
        %swap3A_414 = arith.index_cast %add3A_398 : i32 to index
        %swap3A_415 = arith.constant 16 : index
        %swap3A_416 = tpu.vector_load %arg13[%swap3A_414, %swap3A_415] {strides = array<i32>} : memref<400x32xf32, #tpu.memory_space<vmem>>, vector<1x16xf32>,
        %swap3A_417 = vector.shape_cast %swap3A_416 : vector<1x16xf32> to vector<16xf32>
        %swap3A_418 = vector.shape_cast %mul3A_413 : vector<16xf32> to vector<1x16xf32>
        tpu.vector_store %arg13[%swap3A_414, %swap3A_415], %swap3A_418 {strides = array<i32>} : memref<400x32xf32, #tpu.memory_space<vmem>>, vector<1x16xf32>,
        %broadcast_in_dim3A_419 = arith.constant 10 : i32
        %broadcast_in_dim3A_420 = vector.broadcast %broadcast_in_dim3A_419 : i32 to vector<16x1xi32>
        %gather3A_421 = vector.shape_cast %broadcast_in_dim3A_420 : vector<16x1xi32> to vector<16xi32>
        %gather3A_422 = tpu.dynamic_gather %get3A_141[%gather3A_421] in [0] : vector<16xf32>, vector<16xi32> -> vector<16xf32>
        %mul3A_423 = arith.constant 16 : i32
        %mul3A_424 = arith.muli %scan3A_134, %mul3A_423 : i32
        %add3A_425 = arith.constant 10 : i32
        %add3A_426 = arith.addi %mul3A_424, %add3A_425 : i32
        %get3A_427 = arith.index_cast %add3A_426 : i32 to index
        %get3A_428 = arith.constant 0 : index
        %get3A_429 = tpu.vector_load %arg13[%get3A_427, %get3A_428] {strides = array<i32>} : memref<400x32xf32, #tpu.memory_space<vmem>>, vector<1x16xf32>,
        %get3A_430 = vector.shape_cast %get3A_429 : vector<1x16xf32> to vector<16xf32>
        %mul3A_431 = arith.mulf %get3A_430, %gather3A_422 : vector<16xf32>
        %swap3A_432 = arith.index_cast %add3A_426 : i32 to index
        %swap3A_433 = arith.constant 0 : index
        %swap3A_434 = tpu.vector_load %arg13[%swap3A_432, %swap3A_433] {strides = array<i32>} : memref<400x32xf32, #tpu.memory_space<vmem>>, vector<1x16xf32>,
        %swap3A_435 = vector.shape_cast %swap3A_434 : vector<1x16xf32> to vector<16xf32>
        %swap3A_436 = vector.shape_cast %mul3A_431 : vector<16xf32> to vector<1x16xf32>
        tpu.vector_store %arg13[%swap3A_432, %swap3A_433], %swap3A_436 {strides = array<i32>} : memref<400x32xf32, #tpu.memory_space<vmem>>, vector<1x16xf32>,
        %get3A_437 = arith.index_cast %add3A_426 : i32 to index
        %get3A_438 = arith.constant 16 : index
        %get3A_439 = tpu.vector_load %arg13[%get3A_437, %get3A_438] {strides = array<i32>} : memref<400x32xf32, #tpu.memory_space<vmem>>, vector<1x16xf32>,
        %get3A_440 = vector.shape_cast %get3A_439 : vector<1x16xf32> to vector<16xf32>
        %mul3A_441 = arith.mulf %get3A_440, %gather3A_422 : vector<16xf32>
        %swap3A_442 = arith.index_cast %add3A_426 : i32 to index
        %swap3A_443 = arith.constant 16 : index
        %swap3A_444 = tpu.vector_load %arg13[%swap3A_442, %swap3A_443] {strides = array<i32>} : memref<400x32xf32, #tpu.memory_space<vmem>>, vector<1x16xf32>,
        %swap3A_445 = vector.shape_cast %swap3A_444 : vector<1x16xf32> to vector<16xf32>
        %swap3A_446 = vector.shape_cast %mul3A_441 : vector<16xf32> to vector<1x16xf32>
        tpu.vector_store %arg13[%swap3A_442, %swap3A_443], %swap3A_446 {strides = array<i32>} : memref<400x32xf32, #tpu.memory_space<vmem>>, vector<1x16xf32>,
        %broadcast_in_dim3A_447 = arith.constant 11 : i32
        %broadcast_in_dim3A_448 = vector.broadcast %broadcast_in_dim3A_447 : i32 to vector<16x1xi32>
        %gather3A_449 = vector.shape_cast %broadcast_in_dim3A_448 : vector<16x1xi32> to vector<16xi32>
        %gather3A_450 = tpu.dynamic_gather %get3A_141[%gather3A_449] in [0] : vector<16xf32>, vector<16xi32> -> vector<16xf32>
        %mul3A_451 = arith.constant 16 : i32
        %mul3A_452 = arith.muli %scan3A_134, %mul3A_451 : i32
        %add3A_453 = arith.constant 11 : i32
        %add3A_454 = arith.addi %mul3A_452, %add3A_453 : i32
        %get3A_455 = arith.index_cast %add3A_454 : i32 to index
        %get3A_456 = arith.constant 0 : index
        %get3A_457 = tpu.vector_load %arg13[%get3A_455, %get3A_456] {strides = array<i32>} : memref<400x32xf32, #tpu.memory_space<vmem>>, vector<1x16xf32>,
        %get3A_458 = vector.shape_cast %get3A_457 : vector<1x16xf32> to vector<16xf32>
        %mul3A_459 = arith.mulf %get3A_458, %gather3A_450 : vector<16xf32>
        %swap3A_460 = arith.index_cast %add3A_454 : i32 to index
        %swap3A_461 = arith.constant 0 : index
        %swap3A_462 = tpu.vector_load %arg13[%swap3A_460, %swap3A_461] {strides = array<i32>} : memref<400x32xf32, #tpu.memory_space<vmem>>, vector<1x16xf32>,
        %swap3A_463 = vector.shape_cast %swap3A_462 : vector<1x16xf32> to vector<16xf32>
        %swap3A_464 = vector.shape_cast %mul3A_459 : vector<16xf32> to vector<1x16xf32>
        tpu.vector_store %arg13[%swap3A_460, %swap3A_461], %swap3A_464 {strides = array<i32>} : memref<400x32xf32, #tpu.memory_space<vmem>>, vector<1x16xf32>,
        %get3A_465 = arith.index_cast %add3A_454 : i32 to index
        %get3A_466 = arith.constant 16 : index
        %get3A_467 = tpu.vector_load %arg13[%get3A_465, %get3A_466] {strides = array<i32>} : memref<400x32xf32, #tpu.memory_space<vmem>>, vector<1x16xf32>,
        %get3A_468 = vector.shape_cast %get3A_467 : vector<1x16xf32> to vector<16xf32>
        %mul3A_469 = arith.mulf %get3A_468, %gather3A_450 : vector<16xf32>
        %swap3A_470 = arith.index_cast %add3A_454 : i32 to index
        %swap3A_471 = arith.constant 16 : index
        %swap3A_472 = tpu.vector_load %arg13[%swap3A_470, %swap3A_471] {strides = array<i32>} : memref<400x32xf32, #tpu.memory_space<vmem>>, vector<1x16xf32>,
        %swap3A_473 = vector.shape_cast %swap3A_472 : vector<1x16xf32> to vector<16xf32>
        %swap3A_474 = vector.shape_cast %mul3A_469 : vector<16xf32> to vector<1x16xf32>
        tpu.vector_store %arg13[%swap3A_470, %swap3A_471], %swap3A_474 {strides = array<i32>} : memref<400x32xf32, #tpu.memory_space<vmem>>, vector<1x16xf32>,
        %broadcast_in_dim3A_475 = arith.constant 12 : i32
        %broadcast_in_dim3A_476 = vector.broadcast %broadcast_in_dim3A_475 : i32 to vector<16x1xi32>
        %gather3A_477 = vector.shape_cast %broadcast_in_dim3A_476 : vector<16x1xi32> to vector<16xi32>
        %gather3A_478 = tpu.dynamic_gather %get3A_141[%gather3A_477] in [0] : vector<16xf32>, vector<16xi32> -> vector<16xf32>
        %mul3A_479 = arith.constant 16 : i32
        %mul3A_480 = arith.muli %scan3A_134, %mul3A_479 : i32
        %add3A_481 = arith.constant 12 : i32
        %add3A_482 = arith.addi %mul3A_480, %add3A_481 : i32
        %get3A_483 = arith.index_cast %add3A_482 : i32 to index
        %get3A_484 = arith.constant 0 : index
        %get3A_485 = tpu.vector_load %arg13[%get3A_483, %get3A_484] {strides = array<i32>} : memref<400x32xf32, #tpu.memory_space<vmem>>, vector<1x16xf32>,
        %get3A_486 = vector.shape_cast %get3A_485 : vector<1x16xf32> to vector<16xf32>
        %mul3A_487 = arith.mulf %get3A_486, %gather3A_478 : vector<16xf32>
        %swap3A_488 = arith.index_cast %add3A_482 : i32 to index
        %swap3A_489 = arith.constant 0 : index
        %swap3A_490 = tpu.vector_load %arg13[%swap3A_488, %swap3A_489] {strides = array<i32>} : memref<400x32xf32, #tpu.memory_space<vmem>>, vector<1x16xf32>,
        %swap3A_491 = vector.shape_cast %swap3A_490 : vector<1x16xf32> to vector<16xf32>
        %swap3A_492 = vector.shape_cast %mul3A_487 : vector<16xf32> to vector<1x16xf32>
        tpu.vector_store %arg13[%swap3A_488, %swap3A_489], %swap3A_492 {strides = array<i32>} : memref<400x32xf32, #tpu.memory_space<vmem>>, vector<1x16xf32>,
        %get3A_493 = arith.index_cast %add3A_482 : i32 to index
        %get3A_494 = arith.constant 16 : index
        %get3A_495 = tpu.vector_load %arg13[%get3A_493, %get3A_494] {strides = array<i32>} : memref<400x32xf32, #tpu.memory_space<vmem>>, vector<1x16xf32>,
        %get3A_496 = vector.shape_cast %get3A_495 : vector<1x16xf32> to vector<16xf32>
        %mul3A_497 = arith.mulf %get3A_496, %gather3A_478 : vector<16xf32>
        %swap3A_498 = arith.index_cast %add3A_482 : i32 to index
        %swap3A_499 = arith.constant 16 : index
        %swap3A_500 = tpu.vector_load %arg13[%swap3A_498, %swap3A_499] {strides = array<i32>} : memref<400x32xf32, #tpu.memory_space<vmem>>, vector<1x16xf32>,
        %swap3A_501 = vector.shape_cast %swap3A_500 : vector<1x16xf32> to vector<16xf32>
        %swap3A_502 = vector.shape_cast %mul3A_497 : vector<16xf32> to vector<1x16xf32>
        tpu.vector_store %arg13[%swap3A_498, %swap3A_499], %swap3A_502 {strides = array<i32>} : memref<400x32xf32, #tpu.memory_space<vmem>>, vector<1x16xf32>,
        %broadcast_in_dim3A_503 = arith.constant 13 : i32
        %broadcast_in_dim3A_504 = vector.broadcast %broadcast_in_dim3A_503 : i32 to vector<16x1xi32>
        %gather3A_505 = vector.shape_cast %broadcast_in_dim3A_504 : vector<16x1xi32> to vector<16xi32>
        %gather3A_506 = tpu.dynamic_gather %get3A_141[%gather3A_505] in [0] : vector<16xf32>, vector<16xi32> -> vector<16xf32>
        %mul3A_507 = arith.constant 16 : i32
        %mul3A_508 = arith.muli %scan3A_134, %mul3A_507 : i32
        %add3A_509 = arith.constant 13 : i32
        %add3A_510 = arith.addi %mul3A_508, %add3A_509 : i32
        %get3A_511 = arith.index_cast %add3A_510 : i32 to index
        %get3A_512 = arith.constant 0 : index
        %get3A_513 = tpu.vector_load %arg13[%get3A_511, %get3A_512] {strides = array<i32>} : memref<400x32xf32, #tpu.memory_space<vmem>>, vector<1x16xf32>,
        %get3A_514 = vector.shape_cast %get3A_513 : vector<1x16xf32> to vector<16xf32>
        %mul3A_515 = arith.mulf %get3A_514, %gather3A_506 : vector<16xf32>
        %swap3A_516 = arith.index_cast %add3A_510 : i32 to index
        %swap3A_517 = arith.constant 0 : index
        %swap3A_518 = tpu.vector_load %arg13[%swap3A_516, %swap3A_517] {strides = array<i32>} : memref<400x32xf32, #tpu.memory_space<vmem>>, vector<1x16xf32>,
        %swap3A_519 = vector.shape_cast %swap3A_518 : vector<1x16xf32> to vector<16xf32>
        %swap3A_520 = vector.shape_cast %mul3A_515 : vector<16xf32> to vector<1x16xf32>
        tpu.vector_store %arg13[%swap3A_516, %swap3A_517], %swap3A_520 {strides = array<i32>} : memref<400x32xf32, #tpu.memory_space<vmem>>, vector<1x16xf32>,
        %get3A_521 = arith.index_cast %add3A_510 : i32 to index
        %get3A_522 = arith.constant 16 : index
        %get3A_523 = tpu.vector_load %arg13[%get3A_521, %get3A_522] {strides = array<i32>} : memref<400x32xf32, #tpu.memory_space<vmem>>, vector<1x16xf32>,
        %get3A_524 = vector.shape_cast %get3A_523 : vector<1x16xf32> to vector<16xf32>
        %mul3A_525 = arith.mulf %get3A_524, %gather3A_506 : vector<16xf32>
        %swap3A_526 = arith.index_cast %add3A_510 : i32 to index
        %swap3A_527 = arith.constant 16 : index
        %swap3A_528 = tpu.vector_load %arg13[%swap3A_526, %swap3A_527] {strides = array<i32>} : memref<400x32xf32, #tpu.memory_space<vmem>>, vector<1x16xf32>,
        %swap3A_529 = vector.shape_cast %swap3A_528 : vector<1x16xf32> to vector<16xf32>
        %swap3A_530 = vector.shape_cast %mul3A_525 : vector<16xf32> to vector<1x16xf32>
        tpu.vector_store %arg13[%swap3A_526, %swap3A_527], %swap3A_530 {strides = array<i32>} : memref<400x32xf32, #tpu.memory_space<vmem>>, vector<1x16xf32>,
        %broadcast_in_dim3A_531 = arith.constant 14 : i32
        %broadcast_in_dim3A_532 = vector.broadcast %broadcast_in_dim3A_531 : i32 to vector<16x1xi32>
        %gather3A_533 = vector.shape_cast %broadcast_in_dim3A_532 : vector<16x1xi32> to vector<16xi32>
        %gather3A_534 = tpu.dynamic_gather %get3A_141[%gather3A_533] in [0] : vector<16xf32>, vector<16xi32> -> vector<16xf32>
        %mul3A_535 = arith.constant 16 : i32
        %mul3A_536 = arith.muli %scan3A_134, %mul3A_535 : i32
        %add3A_537 = arith.constant 14 : i32
        %add3A_538 = arith.addi %mul3A_536, %add3A_537 : i32
        %get3A_539 = arith.index_cast %add3A_538 : i32 to index
        %get3A_540 = arith.constant 0 : index
        %get3A_541 = tpu.vector_load %arg13[%get3A_539, %get3A_540] {strides = array<i32>} : memref<400x32xf32, #tpu.memory_space<vmem>>, vector<1x16xf32>,
        %get3A_542 = vector.shape_cast %get3A_541 : vector<1x16xf32> to vector<16xf32>
        %mul3A_543 = arith.mulf %get3A_542, %gather3A_534 : vector<16xf32>
        %swap3A_544 = arith.index_cast %add3A_538 : i32 to index
        %swap3A_545 = arith.constant 0 : index
        %swap3A_546 = tpu.vector_load %arg13[%swap3A_544, %swap3A_545] {strides = array<i32>} : memref<400x32xf32, #tpu.memory_space<vmem>>, vector<1x16xf32>,
        %swap3A_547 = vector.shape_cast %swap3A_546 : vector<1x16xf32> to vector<16xf32>
        %swap3A_548 = vector.shape_cast %mul3A_543 : vector<16xf32> to vector<1x16xf32>
        tpu.vector_store %arg13[%swap3A_544, %swap3A_545], %swap3A_548 {strides = array<i32>} : memref<400x32xf32, #tpu.memory_space<vmem>>, vector<1x16xf32>,
        %get3A_549 = arith.index_cast %add3A_538 : i32 to index
        %get3A_550 = arith.constant 16 : index
        %get3A_551 = tpu.vector_load %arg13[%get3A_549, %get3A_550] {strides = array<i32>} : memref<400x32xf32, #tpu.memory_space<vmem>>, vector<1x16xf32>,
        %get3A_552 = vector.shape_cast %get3A_551 : vector<1x16xf32> to vector<16xf32>
        %mul3A_553 = arith.mulf %get3A_552, %gather3A_534 : vector<16xf32>
        %swap3A_554 = arith.index_cast %add3A_538 : i32 to index
        %swap3A_555 = arith.constant 16 : index
        %swap3A_556 = tpu.vector_load %arg13[%swap3A_554, %swap3A_555] {strides = array<i32>} : memref<400x32xf32, #tpu.memory_space<vmem>>, vector<1x16xf32>,
        %swap3A_557 = vector.shape_cast %swap3A_556 : vector<1x16xf32> to vector<16xf32>
        %swap3A_558 = vector.shape_cast %mul3A_553 : vector<16xf32> to vector<1x16xf32>
        tpu.vector_store %arg13[%swap3A_554, %swap3A_555], %swap3A_558 {strides = array<i32>} : memref<400x32xf32, #tpu.memory_space<vmem>>, vector<1x16xf32>,
        %broadcast_in_dim3A_559 = arith.constant 15 : i32
        %broadcast_in_dim3A_560 = vector.broadcast %broadcast_in_dim3A_559 : i32 to vector<16x1xi32>
        %gather3A_561 = vector.shape_cast %broadcast_in_dim3A_560 : vector<16x1xi32> to vector<16xi32>
        %gather3A_562 = tpu.dynamic_gather %get3A_141[%gather3A_561] in [0] : vector<16xf32>, vector<16xi32> -> vector<16xf32>
        %mul3A_563 = arith.constant 16 : i32
        %mul3A_564 = arith.muli %scan3A_134, %mul3A_563 : i32
        %add3A_565 = arith.constant 15 : i32
        %add3A_566 = arith.addi %mul3A_564, %add3A_565 : i32
        %get3A_567 = arith.index_cast %add3A_566 : i32 to index
        %get3A_568 = arith.constant 0 : index
        %get3A_569 = tpu.vector_load %arg13[%get3A_567, %get3A_568] {strides = array<i32>} : memref<400x32xf32, #tpu.memory_space<vmem>>, vector<1x16xf32>,
        %get3A_570 = vector.shape_cast %get3A_569 : vector<1x16xf32> to vector<16xf32>
        %mul3A_571 = arith.mulf %get3A_570, %gather3A_562 : vector<16xf32>
        %swap3A_572 = arith.index_cast %add3A_566 : i32 to index
        %swap3A_573 = arith.constant 0 : index
        %swap3A_574 = tpu.vector_load %arg13[%swap3A_572, %swap3A_573] {strides = array<i32>} : memref<400x32xf32, #tpu.memory_space<vmem>>, vector<1x16xf32>,
        %swap3A_575 = vector.shape_cast %swap3A_574 : vector<1x16xf32> to vector<16xf32>
        %swap3A_576 = vector.shape_cast %mul3A_571 : vector<16xf32> to vector<1x16xf32>
        tpu.vector_store %arg13[%swap3A_572, %swap3A_573], %swap3A_576 {strides = array<i32>} : memref<400x32xf32, #tpu.memory_space<vmem>>, vector<1x16xf32>,
        %get3A_577 = arith.index_cast %add3A_566 : i32 to index
        %get3A_578 = arith.constant 16 : index
        %get3A_579 = tpu.vector_load %arg13[%get3A_577, %get3A_578] {strides = array<i32>} : memref<400x32xf32, #tpu.memory_space<vmem>>, vector<1x16xf32>,
        %get3A_580 = vector.shape_cast %get3A_579 : vector<1x16xf32> to vector<16xf32>
        %mul3A_581 = arith.mulf %get3A_580, %gather3A_562 : vector<16xf32>
        %swap3A_582 = arith.index_cast %add3A_566 : i32 to index
        %swap3A_583 = arith.constant 16 : index
        %swap3A_584 = tpu.vector_load %arg13[%swap3A_582, %swap3A_583] {strides = array<i32>} : memref<400x32xf32, #tpu.memory_space<vmem>>, vector<1x16xf32>,
        %swap3A_585 = vector.shape_cast %swap3A_584 : vector<1x16xf32> to vector<16xf32>
        %swap3A_586 = vector.shape_cast %mul3A_581 : vector<16xf32> to vector<1x16xf32>
        tpu.vector_store %arg13[%swap3A_582, %swap3A_583], %swap3A_586 {strides = array<i32>} : memref<400x32xf32, #tpu.memory_space<vmem>>, vector<1x16xf32>,
      }
      %scan3A_74 = arith.constant 25 : i32
      %mul3A_75 = arith.constant 400 : i32
      %mul3A_76 = arith.muli %mul3A_62, %mul3A_75 : i32
      %dma_start3A_77 = tpu.memref_slice %arg9[%mul3A_76] : memref<10000xi32, #tpu.memory_space<vmem>> -> memref<400xi32, #tpu.memory_space<vmem>>
      %dma_start3A_78 = arith.constant 0 : i32
      %dma_start3A_79 = arith.constant 0 : i32
      %dma_start3A_80 = tpu.memref_slice %arg16[%dma_start3A_78, %dma_start3A_79] : memref<10000x32xf32, #tpu.memory_space<vmem_shared>> -> memref<10000x32xf32, #tpu.memory_space<vmem_shared>>
      tpu.enqueue_indirect_dma source(%arg13 : memref<400x32xf32, #tpu.memory_space<vmem>>) target(%dma_start3A_80 : memref<10000x32xf32, #tpu.memory_space<vmem_shared>>) offsets(%dma_start3A_77 : memref<400xi32, #tpu.memory_space<vmem>>) semaphore(%arg11 : memref<!tpu.dma_semaphore, #tpu.memory_space<semaphore_mem>>) {add = true}
      %add3A_81 = arith.constant 1 : i32
      %add3A_82 = arith.addi %mul3A_62, %add3A_81 : i32
      %mul3A_83 = arith.constant 400 : i32
      %mul3A_84 = arith.muli %add3A_82, %mul3A_83 : i32
      %dma_wait3A_85 = tpu.memref_slice %arg8[%mul3A_84] : memref<10000xi32, #tpu.memory_space<vmem>> -> memref<400xi32, #tpu.memory_space<vmem>>
      %dma_wait3A_86 = arith.constant 0 : i32
      %dma_wait3A_87 = arith.constant 0 : i32
      %dma_wait3A_88 = tpu.memref_slice %arg2[%dma_wait3A_86, %dma_wait3A_87] : memref<10000x32xf32, #tpu.memory_space<hbm>> -> memref<10000x32xf32, #tpu.memory_space<hbm>>
      tpu.wait_indirect_dma semaphore(%arg18 : memref<!tpu.dma_semaphore, #tpu.memory_space<semaphore_mem>>) src(%dma_wait3A_88 : memref<10000x32xf32, #tpu.memory_space<hbm>>) dst(%arg14 : memref<400x32xf32, #tpu.memory_space<vmem>>)
      %add3A_89 = arith.constant 1 : i32
      %add3A_90 = arith.addi %mul3A_62, %add3A_89 : i32
      %scan3A_91 = arith.constant 0 : i32
      %scan3A_92 = arith.constant 0 : i32
      %scan3A_93 = arith.constant 25 : i32
      %scan3A_94 = arith.addi %scan3A_92, %scan3A_93 : i32
      %scan3A_95 = arith.constant 1 : i32
      scf.for %scan3A_134 = %scan3A_92 to %scan3A_94 step %scan3A_95  : i32 {
        %mul3A_135 = arith.constant 400 : i32
        %mul3A_136 = arith.muli %add3A_90, %mul3A_135 : i32
        %mul3A_137 = arith.constant 16 : i32
        %mul3A_138 = arith.muli %scan3A_134, %mul3A_137 : i32
        %add3A_139 = arith.addi %mul3A_136, %mul3A_138 : i32
        %get3A = arith.index_cast %add3A_139 : i32 to index
        %get3A_140 = tpu.vector_load %arg10[%get3A] {strides = array<i32>} : memref<10000xf32, #tpu.memory_space<vmem>>, vector<16xf32>,
        %get3A_141 = vector.shape_cast %get3A_140 : vector<16xf32> to vector<16xf32>
        %broadcast_in_dim3A = arith.constant 0 : i32
        %broadcast_in_dim3A_142 = vector.broadcast %broadcast_in_dim3A : i32 to vector<16x1xi32>
        %gather3A = vector.shape_cast %broadcast_in_dim3A_142 : vector<16x1xi32> to vector<16xi32>
        %gather3A_143 = tpu.dynamic_gather %get3A_141[%gather3A] in [0] : vector<16xf32>, vector<16xi32> -> vector<16xf32>
        %mul3A_144 = arith.constant 16 : i32
        %mul3A_145 = arith.muli %scan3A_134, %mul3A_144 : i32
        %add3A_146 = arith.constant 0 : i32
        %add3A_147 = arith.addi %mul3A_145, %add3A_146 : i32
        %get3A_148 = arith.index_cast %add3A_147 : i32 to index
        %get3A_149 = arith.constant 0 : index
        %get3A_150 = tpu.vector_load %arg14[%get3A_148, %get3A_149] {strides = array<i32>} : memref<400x32xf32, #tpu.memory_space<vmem>>, vector<1x16xf32>,
        %get3A_151 = vector.shape_cast %get3A_150 : vector<1x16xf32> to vector<16xf32>
        %mul3A_152 = arith.mulf %get3A_151, %gather3A_143 : vector<16xf32>
        %swap3A = arith.index_cast %add3A_147 : i32 to index
        %swap3A_153 = arith.constant 0 : index
        %swap3A_154 = tpu.vector_load %arg14[%swap3A, %swap3A_153] {strides = array<i32>} : memref<400x32xf32, #tpu.memory_space<vmem>>, vector<1x16xf32>,
        %swap3A_155 = vector.shape_cast %swap3A_154 : vector<1x16xf32> to vector<16xf32>
        %swap3A_156 = vector.shape_cast %mul3A_152 : vector<16xf32> to vector<1x16xf32>
        tpu.vector_store %arg14[%swap3A, %swap3A_153], %swap3A_156 {strides = array<i32>} : memref<400x32xf32, #tpu.memory_space<vmem>>, vector<1x16xf32>,
        %get3A_157 = arith.index_cast %add3A_147 : i32 to index
        %get3A_158 = arith.constant 16 : index
        %get3A_159 = tpu.vector_load %arg14[%get3A_157, %get3A_158] {strides = array<i32>} : memref<400x32xf32, #tpu.memory_space<vmem>>, vector<1x16xf32>,
        %get3A_160 = vector.shape_cast %get3A_159 : vector<1x16xf32> to vector<16xf32>
        %mul3A_161 = arith.mulf %get3A_160, %gather3A_143 : vector<16xf32>
        %swap3A_162 = arith.index_cast %add3A_147 : i32 to index
        %swap3A_163 = arith.constant 16 : index
        %swap3A_164 = tpu.vector_load %arg14[%swap3A_162, %swap3A_163] {strides = array<i32>} : memref<400x32xf32, #tpu.memory_space<vmem>>, vector<1x16xf32>,
        %swap3A_165 = vector.shape_cast %swap3A_164 : vector<1x16xf32> to vector<16xf32>
        %swap3A_166 = vector.shape_cast %mul3A_161 : vector<16xf32> to vector<1x16xf32>
        tpu.vector_store %arg14[%swap3A_162, %swap3A_163], %swap3A_166 {strides = array<i32>} : memref<400x32xf32, #tpu.memory_space<vmem>>, vector<1x16xf32>,
        %broadcast_in_dim3A_167 = arith.constant 1 : i32
        %broadcast_in_dim3A_168 = vector.broadcast %broadcast_in_dim3A_167 : i32 to vector<16x1xi32>
        %gather3A_169 = vector.shape_cast %broadcast_in_dim3A_168 : vector<16x1xi32> to vector<16xi32>
        %gather3A_170 = tpu.dynamic_gather %get3A_141[%gather3A_169] in [0] : vector<16xf32>, vector<16xi32> -> vector<16xf32>
        %mul3A_171 = arith.constant 16 : i32
        %mul3A_172 = arith.muli %scan3A_134, %mul3A_171 : i32
        %add3A_173 = arith.constant 1 : i32
        %add3A_174 = arith.addi %mul3A_172, %add3A_173 : i32
        %get3A_175 = arith.index_cast %add3A_174 : i32 to index
        %get3A_176 = arith.constant 0 : index
        %get3A_177 = tpu.vector_load %arg14[%get3A_175, %get3A_176] {strides = array<i32>} : memref<400x32xf32, #tpu.memory_space<vmem>>, vector<1x16xf32>,
        %get3A_178 = vector.shape_cast %get3A_177 : vector<1x16xf32> to vector<16xf32>
        %mul3A_179 = arith.mulf %get3A_178, %gather3A_170 : vector<16xf32>
        %swap3A_180 = arith.index_cast %add3A_174 : i32 to index
        %swap3A_181 = arith.constant 0 : index
        %swap3A_182 = tpu.vector_load %arg14[%swap3A_180, %swap3A_181] {strides = array<i32>} : memref<400x32xf32, #tpu.memory_space<vmem>>, vector<1x16xf32>,
        %swap3A_183 = vector.shape_cast %swap3A_182 : vector<1x16xf32> to vector<16xf32>
        %swap3A_184 = vector.shape_cast %mul3A_179 : vector<16xf32> to vector<1x16xf32>
        tpu.vector_store %arg14[%swap3A_180, %swap3A_181], %swap3A_184 {strides = array<i32>} : memref<400x32xf32, #tpu.memory_space<vmem>>, vector<1x16xf32>,
        %get3A_185 = arith.index_cast %add3A_174 : i32 to index
        %get3A_186 = arith.constant 16 : index
        %get3A_187 = tpu.vector_load %arg14[%get3A_185, %get3A_186] {strides = array<i32>} : memref<400x32xf32, #tpu.memory_space<vmem>>, vector<1x16xf32>,
        %get3A_188 = vector.shape_cast %get3A_187 : vector<1x16xf32> to vector<16xf32>
        %mul3A_189 = arith.mulf %get3A_188, %gather3A_170 : vector<16xf32>
        %swap3A_190 = arith.index_cast %add3A_174 : i32 to index
        %swap3A_191 = arith.constant 16 : index
        %swap3A_192 = tpu.vector_load %arg14[%swap3A_190, %swap3A_191] {strides = array<i32>} : memref<400x32xf32, #tpu.memory_space<vmem>>, vector<1x16xf32>,
        %swap3A_193 = vector.shape_cast %swap3A_192 : vector<1x16xf32> to vector<16xf32>
        %swap3A_194 = vector.shape_cast %mul3A_189 : vector<16xf32> to vector<1x16xf32>
        tpu.vector_store %arg14[%swap3A_190, %swap3A_191], %swap3A_194 {strides = array<i32>} : memref<400x32xf32, #tpu.memory_space<vmem>>, vector<1x16xf32>,
        %broadcast_in_dim3A_195 = arith.constant 2 : i32
        %broadcast_in_dim3A_196 = vector.broadcast %broadcast_in_dim3A_195 : i32 to vector<16x1xi32>
        %gather3A_197 = vector.shape_cast %broadcast_in_dim3A_196 : vector<16x1xi32> to vector<16xi32>
        %gather3A_198 = tpu.dynamic_gather %get3A_141[%gather3A_197] in [0] : vector<16xf32>, vector<16xi32> -> vector<16xf32>
        %mul3A_199 = arith.constant 16 : i32
        %mul3A_200 = arith.muli %scan3A_134, %mul3A_199 : i32
        %add3A_201 = arith.constant 2 : i32
        %add3A_202 = arith.addi %mul3A_200, %add3A_201 : i32
        %get3A_203 = arith.index_cast %add3A_202 : i32 to index
        %get3A_204 = arith.constant 0 : index
        %get3A_205 = tpu.vector_load %arg14[%get3A_203, %get3A_204] {strides = array<i32>} : memref<400x32xf32, #tpu.memory_space<vmem>>, vector<1x16xf32>,
        %get3A_206 = vector.shape_cast %get3A_205 : vector<1x16xf32> to vector<16xf32>
        %mul3A_207 = arith.mulf %get3A_206, %gather3A_198 : vector<16xf32>
        %swap3A_208 = arith.index_cast %add3A_202 : i32 to index
        %swap3A_209 = arith.constant 0 : index
        %swap3A_210 = tpu.vector_load %arg14[%swap3A_208, %swap3A_209] {strides = array<i32>} : memref<400x32xf32, #tpu.memory_space<vmem>>, vector<1x16xf32>,
        %swap3A_211 = vector.shape_cast %swap3A_210 : vector<1x16xf32> to vector<16xf32>
        %swap3A_212 = vector.shape_cast %mul3A_207 : vector<16xf32> to vector<1x16xf32>
        tpu.vector_store %arg14[%swap3A_208, %swap3A_209], %swap3A_212 {strides = array<i32>} : memref<400x32xf32, #tpu.memory_space<vmem>>, vector<1x16xf32>,
        %get3A_213 = arith.index_cast %add3A_202 : i32 to index
        %get3A_214 = arith.constant 16 : index
        %get3A_215 = tpu.vector_load %arg14[%get3A_213, %get3A_214] {strides = array<i32>} : memref<400x32xf32, #tpu.memory_space<vmem>>, vector<1x16xf32>,
        %get3A_216 = vector.shape_cast %get3A_215 : vector<1x16xf32> to vector<16xf32>
        %mul3A_217 = arith.mulf %get3A_216, %gather3A_198 : vector<16xf32>
        %swap3A_218 = arith.index_cast %add3A_202 : i32 to index
        %swap3A_219 = arith.constant 16 : index
        %swap3A_220 = tpu.vector_load %arg14[%swap3A_218, %swap3A_219] {strides = array<i32>} : memref<400x32xf32, #tpu.memory_space<vmem>>, vector<1x16xf32>,
        %swap3A_221 = vector.shape_cast %swap3A_220 : vector<1x16xf32> to vector<16xf32>
        %swap3A_222 = vector.shape_cast %mul3A_217 : vector<16xf32> to vector<1x16xf32>
        tpu.vector_store %arg14[%swap3A_218, %swap3A_219], %swap3A_222 {strides = array<i32>} : memref<400x32xf32, #tpu.memory_space<vmem>>, vector<1x16xf32>,
        %broadcast_in_dim3A_223 = arith.constant 3 : i32
        %broadcast_in_dim3A_224 = vector.broadcast %broadcast_in_dim3A_223 : i32 to vector<16x1xi32>
        %gather3A_225 = vector.shape_cast %broadcast_in_dim3A_224 : vector<16x1xi32> to vector<16xi32>
        %gather3A_226 = tpu.dynamic_gather %get3A_141[%gather3A_225] in [0] : vector<16xf32>, vector<16xi32> -> vector<16xf32>
        %mul3A_227 = arith.constant 16 : i32
        %mul3A_228 = arith.muli %scan3A_134, %mul3A_227 : i32
        %add3A_229 = arith.constant 3 : i32
        %add3A_230 = arith.addi %mul3A_228, %add3A_229 : i32
        %get3A_231 = arith.index_cast %add3A_230 : i32 to index
        %get3A_232 = arith.constant 0 : index
        %get3A_233 = tpu.vector_load %arg14[%get3A_231, %get3A_232] {strides = array<i32>} : memref<400x32xf32, #tpu.memory_space<vmem>>, vector<1x16xf32>,
        %get3A_234 = vector.shape_cast %get3A_233 : vector<1x16xf32> to vector<16xf32>
        %mul3A_235 = arith.mulf %get3A_234, %gather3A_226 : vector<16xf32>
        %swap3A_236 = arith.index_cast %add3A_230 : i32 to index
        %swap3A_237 = arith.constant 0 : index
        %swap3A_238 = tpu.vector_load %arg14[%swap3A_236, %swap3A_237] {strides = array<i32>} : memref<400x32xf32, #tpu.memory_space<vmem>>, vector<1x16xf32>,
        %swap3A_239 = vector.shape_cast %swap3A_238 : vector<1x16xf32> to vector<16xf32>
        %swap3A_240 = vector.shape_cast %mul3A_235 : vector<16xf32> to vector<1x16xf32>
        tpu.vector_store %arg14[%swap3A_236, %swap3A_237], %swap3A_240 {strides = array<i32>} : memref<400x32xf32, #tpu.memory_space<vmem>>, vector<1x16xf32>,
        %get3A_241 = arith.index_cast %add3A_230 : i32 to index
        %get3A_242 = arith.constant 16 : index
        %get3A_243 = tpu.vector_load %arg14[%get3A_241, %get3A_242] {strides = array<i32>} : memref<400x32xf32, #tpu.memory_space<vmem>>, vector<1x16xf32>,
        %get3A_244 = vector.shape_cast %get3A_243 : vector<1x16xf32> to vector<16xf32>
        %mul3A_245 = arith.mulf %get3A_244, %gather3A_226 : vector<16xf32>
        %swap3A_246 = arith.index_cast %add3A_230 : i32 to index
        %swap3A_247 = arith.constant 16 : index
        %swap3A_248 = tpu.vector_load %arg14[%swap3A_246, %swap3A_247] {strides = array<i32>} : memref<400x32xf32, #tpu.memory_space<vmem>>, vector<1x16xf32>,
        %swap3A_249 = vector.shape_cast %swap3A_248 : vector<1x16xf32> to vector<16xf32>
        %swap3A_250 = vector.shape_cast %mul3A_245 : vector<16xf32> to vector<1x16xf32>
        tpu.vector_store %arg14[%swap3A_246, %swap3A_247], %swap3A_250 {strides = array<i32>} : memref<400x32xf32, #tpu.memory_space<vmem>>, vector<1x16xf32>,
        %broadcast_in_dim3A_251 = arith.constant 4 : i32
        %broadcast_in_dim3A_252 = vector.broadcast %broadcast_in_dim3A_251 : i32 to vector<16x1xi32>
        %gather3A_253 = vector.shape_cast %broadcast_in_dim3A_252 : vector<16x1xi32> to vector<16xi32>
        %gather3A_254 = tpu.dynamic_gather %get3A_141[%gather3A_253] in [0] : vector<16xf32>, vector<16xi32> -> vector<16xf32>
        %mul3A_255 = arith.constant 16 : i32
        %mul3A_256 = arith.muli %scan3A_134, %mul3A_255 : i32
        %add3A_257 = arith.constant 4 : i32
        %add3A_258 = arith.addi %mul3A_256, %add3A_257 : i32
        %get3A_259 = arith.index_cast %add3A_258 : i32 to index
        %get3A_260 = arith.constant 0 : index
        %get3A_261 = tpu.vector_load %arg14[%get3A_259, %get3A_260] {strides = array<i32>} : memref<400x32xf32, #tpu.memory_space<vmem>>, vector<1x16xf32>,
        %get3A_262 = vector.shape_cast %get3A_261 : vector<1x16xf32> to vector<16xf32>
        %mul3A_263 = arith.mulf %get3A_262, %gather3A_254 : vector<16xf32>
        %swap3A_264 = arith.index_cast %add3A_258 : i32 to index
        %swap3A_265 = arith.constant 0 : index
        %swap3A_266 = tpu.vector_load %arg14[%swap3A_264, %swap3A_265] {strides = array<i32>} : memref<400x32xf32, #tpu.memory_space<vmem>>, vector<1x16xf32>,
        %swap3A_267 = vector.shape_cast %swap3A_266 : vector<1x16xf32> to vector<16xf32>
        %swap3A_268 = vector.shape_cast %mul3A_263 : vector<16xf32> to vector<1x16xf32>
        tpu.vector_store %arg14[%swap3A_264, %swap3A_265], %swap3A_268 {strides = array<i32>} : memref<400x32xf32, #tpu.memory_space<vmem>>, vector<1x16xf32>,
        %get3A_269 = arith.index_cast %add3A_258 : i32 to index
        %get3A_270 = arith.constant 16 : index
        %get3A_271 = tpu.vector_load %arg14[%get3A_269, %get3A_270] {strides = array<i32>} : memref<400x32xf32, #tpu.memory_space<vmem>>, vector<1x16xf32>,
        %get3A_272 = vector.shape_cast %get3A_271 : vector<1x16xf32> to vector<16xf32>
        %mul3A_273 = arith.mulf %get3A_272, %gather3A_254 : vector<16xf32>
        %swap3A_274 = arith.index_cast %add3A_258 : i32 to index
        %swap3A_275 = arith.constant 16 : index
        %swap3A_276 = tpu.vector_load %arg14[%swap3A_274, %swap3A_275] {strides = array<i32>} : memref<400x32xf32, #tpu.memory_space<vmem>>, vector<1x16xf32>,
        %swap3A_277 = vector.shape_cast %swap3A_276 : vector<1x16xf32> to vector<16xf32>
        %swap3A_278 = vector.shape_cast %mul3A_273 : vector<16xf32> to vector<1x16xf32>
        tpu.vector_store %arg14[%swap3A_274, %swap3A_275], %swap3A_278 {strides = array<i32>} : memref<400x32xf32, #tpu.memory_space<vmem>>, vector<1x16xf32>,
        %broadcast_in_dim3A_279 = arith.constant 5 : i32
        %broadcast_in_dim3A_280 = vector.broadcast %broadcast_in_dim3A_279 : i32 to vector<16x1xi32>
        %gather3A_281 = vector.shape_cast %broadcast_in_dim3A_280 : vector<16x1xi32> to vector<16xi32>
        %gather3A_282 = tpu.dynamic_gather %get3A_141[%gather3A_281] in [0] : vector<16xf32>, vector<16xi32> -> vector<16xf32>
        %mul3A_283 = arith.constant 16 : i32
        %mul3A_284 = arith.muli %scan3A_134, %mul3A_283 : i32
        %add3A_285 = arith.constant 5 : i32
        %add3A_286 = arith.addi %mul3A_284, %add3A_285 : i32
        %get3A_287 = arith.index_cast %add3A_286 : i32 to index
        %get3A_288 = arith.constant 0 : index
        %get3A_289 = tpu.vector_load %arg14[%get3A_287, %get3A_288] {strides = array<i32>} : memref<400x32xf32, #tpu.memory_space<vmem>>, vector<1x16xf32>,
        %get3A_290 = vector.shape_cast %get3A_289 : vector<1x16xf32> to vector<16xf32>
        %mul3A_291 = arith.mulf %get3A_290, %gather3A_282 : vector<16xf32>
        %swap3A_292 = arith.index_cast %add3A_286 : i32 to index
        %swap3A_293 = arith.constant 0 : index
        %swap3A_294 = tpu.vector_load %arg14[%swap3A_292, %swap3A_293] {strides = array<i32>} : memref<400x32xf32, #tpu.memory_space<vmem>>, vector<1x16xf32>,
        %swap3A_295 = vector.shape_cast %swap3A_294 : vector<1x16xf32> to vector<16xf32>
        %swap3A_296 = vector.shape_cast %mul3A_291 : vector<16xf32> to vector<1x16xf32>
        tpu.vector_store %arg14[%swap3A_292, %swap3A_293], %swap3A_296 {strides = array<i32>} : memref<400x32xf32, #tpu.memory_space<vmem>>, vector<1x16xf32>,
        %get3A_297 = arith.index_cast %add3A_286 : i32 to index
        %get3A_298 = arith.constant 16 : index
        %get3A_299 = tpu.vector_load %arg14[%get3A_297, %get3A_298] {strides = array<i32>} : memref<400x32xf32, #tpu.memory_space<vmem>>, vector<1x16xf32>,
        %get3A_300 = vector.shape_cast %get3A_299 : vector<1x16xf32> to vector<16xf32>
        %mul3A_301 = arith.mulf %get3A_300, %gather3A_282 : vector<16xf32>
        %swap3A_302 = arith.index_cast %add3A_286 : i32 to index
        %swap3A_303 = arith.constant 16 : index
        %swap3A_304 = tpu.vector_load %arg14[%swap3A_302, %swap3A_303] {strides = array<i32>} : memref<400x32xf32, #tpu.memory_space<vmem>>, vector<1x16xf32>,
        %swap3A_305 = vector.shape_cast %swap3A_304 : vector<1x16xf32> to vector<16xf32>
        %swap3A_306 = vector.shape_cast %mul3A_301 : vector<16xf32> to vector<1x16xf32>
        tpu.vector_store %arg14[%swap3A_302, %swap3A_303], %swap3A_306 {strides = array<i32>} : memref<400x32xf32, #tpu.memory_space<vmem>>, vector<1x16xf32>,
        %broadcast_in_dim3A_307 = arith.constant 6 : i32
        %broadcast_in_dim3A_308 = vector.broadcast %broadcast_in_dim3A_307 : i32 to vector<16x1xi32>
        %gather3A_309 = vector.shape_cast %broadcast_in_dim3A_308 : vector<16x1xi32> to vector<16xi32>
        %gather3A_310 = tpu.dynamic_gather %get3A_141[%gather3A_309] in [0] : vector<16xf32>, vector<16xi32> -> vector<16xf32>
        %mul3A_311 = arith.constant 16 : i32
        %mul3A_312 = arith.muli %scan3A_134, %mul3A_311 : i32
        %add3A_313 = arith.constant 6 : i32
        %add3A_314 = arith.addi %mul3A_312, %add3A_313 : i32
        %get3A_315 = arith.index_cast %add3A_314 : i32 to index
        %get3A_316 = arith.constant 0 : index
        %get3A_317 = tpu.vector_load %arg14[%get3A_315, %get3A_316] {strides = array<i32>} : memref<400x32xf32, #tpu.memory_space<vmem>>, vector<1x16xf32>,
        %get3A_318 = vector.shape_cast %get3A_317 : vector<1x16xf32> to vector<16xf32>
        %mul3A_319 = arith.mulf %get3A_318, %gather3A_310 : vector<16xf32>
        %swap3A_320 = arith.index_cast %add3A_314 : i32 to index
        %swap3A_321 = arith.constant 0 : index
        %swap3A_322 = tpu.vector_load %arg14[%swap3A_320, %swap3A_321] {strides = array<i32>} : memref<400x32xf32, #tpu.memory_space<vmem>>, vector<1x16xf32>,
        %swap3A_323 = vector.shape_cast %swap3A_322 : vector<1x16xf32> to vector<16xf32>
        %swap3A_324 = vector.shape_cast %mul3A_319 : vector<16xf32> to vector<1x16xf32>
        tpu.vector_store %arg14[%swap3A_320, %swap3A_321], %swap3A_324 {strides = array<i32>} : memref<400x32xf32, #tpu.memory_space<vmem>>, vector<1x16xf32>,
        %get3A_325 = arith.index_cast %add3A_314 : i32 to index
        %get3A_326 = arith.constant 16 : index
        %get3A_327 = tpu.vector_load %arg14[%get3A_325, %get3A_326] {strides = array<i32>} : memref<400x32xf32, #tpu.memory_space<vmem>>, vector<1x16xf32>,
        %get3A_328 = vector.shape_cast %get3A_327 : vector<1x16xf32> to vector<16xf32>
        %mul3A_329 = arith.mulf %get3A_328, %gather3A_310 : vector<16xf32>
        %swap3A_330 = arith.index_cast %add3A_314 : i32 to index
        %swap3A_331 = arith.constant 16 : index
        %swap3A_332 = tpu.vector_load %arg14[%swap3A_330, %swap3A_331] {strides = array<i32>} : memref<400x32xf32, #tpu.memory_space<vmem>>, vector<1x16xf32>,
        %swap3A_333 = vector.shape_cast %swap3A_332 : vector<1x16xf32> to vector<16xf32>
        %swap3A_334 = vector.shape_cast %mul3A_329 : vector<16xf32> to vector<1x16xf32>
        tpu.vector_store %arg14[%swap3A_330, %swap3A_331], %swap3A_334 {strides = array<i32>} : memref<400x32xf32, #tpu.memory_space<vmem>>, vector<1x16xf32>,
        %broadcast_in_dim3A_335 = arith.constant 7 : i32
        %broadcast_in_dim3A_336 = vector.broadcast %broadcast_in_dim3A_335 : i32 to vector<16x1xi32>
        %gather3A_337 = vector.shape_cast %broadcast_in_dim3A_336 : vector<16x1xi32> to vector<16xi32>
        %gather3A_338 = tpu.dynamic_gather %get3A_141[%gather3A_337] in [0] : vector<16xf32>, vector<16xi32> -> vector<16xf32>
        %mul3A_339 = arith.constant 16 : i32
        %mul3A_340 = arith.muli %scan3A_134, %mul3A_339 : i32
        %add3A_341 = arith.constant 7 : i32
        %add3A_342 = arith.addi %mul3A_340, %add3A_341 : i32
        %get3A_343 = arith.index_cast %add3A_342 : i32 to index
        %get3A_344 = arith.constant 0 : index
        %get3A_345 = tpu.vector_load %arg14[%get3A_343, %get3A_344] {strides = array<i32>} : memref<400x32xf32, #tpu.memory_space<vmem>>, vector<1x16xf32>,
        %get3A_346 = vector.shape_cast %get3A_345 : vector<1x16xf32> to vector<16xf32>
        %mul3A_347 = arith.mulf %get3A_346, %gather3A_338 : vector<16xf32>
        %swap3A_348 = arith.index_cast %add3A_342 : i32 to index
        %swap3A_349 = arith.constant 0 : index
        %swap3A_350 = tpu.vector_load %arg14[%swap3A_348, %swap3A_349] {strides = array<i32>} : memref<400x32xf32, #tpu.memory_space<vmem>>, vector<1x16xf32>,
        %swap3A_351 = vector.shape_cast %swap3A_350 : vector<1x16xf32> to vector<16xf32>
        %swap3A_352 = vector.shape_cast %mul3A_347 : vector<16xf32> to vector<1x16xf32>
        tpu.vector_store %arg14[%swap3A_348, %swap3A_349], %swap3A_352 {strides = array<i32>} : memref<400x32xf32, #tpu.memory_space<vmem>>, vector<1x16xf32>,
        %get3A_353 = arith.index_cast %add3A_342 : i32 to index
        %get3A_354 = arith.constant 16 : index
        %get3A_355 = tpu.vector_load %arg14[%get3A_353, %get3A_354] {strides = array<i32>} : memref<400x32xf32, #tpu.memory_space<vmem>>, vector<1x16xf32>,
        %get3A_356 = vector.shape_cast %get3A_355 : vector<1x16xf32> to vector<16xf32>
        %mul3A_357 = arith.mulf %get3A_356, %gather3A_338 : vector<16xf32>
        %swap3A_358 = arith.index_cast %add3A_342 : i32 to index
        %swap3A_359 = arith.constant 16 : index
        %swap3A_360 = tpu.vector_load %arg14[%swap3A_358, %swap3A_359] {strides = array<i32>} : memref<400x32xf32, #tpu.memory_space<vmem>>, vector<1x16xf32>,
        %swap3A_361 = vector.shape_cast %swap3A_360 : vector<1x16xf32> to vector<16xf32>
        %swap3A_362 = vector.shape_cast %mul3A_357 : vector<16xf32> to vector<1x16xf32>
        tpu.vector_store %arg14[%swap3A_358, %swap3A_359], %swap3A_362 {strides = array<i32>} : memref<400x32xf32, #tpu.memory_space<vmem>>, vector<1x16xf32>,
        %broadcast_in_dim3A_363 = arith.constant 8 : i32
        %broadcast_in_dim3A_364 = vector.broadcast %broadcast_in_dim3A_363 : i32 to vector<16x1xi32>
        %gather3A_365 = vector.shape_cast %broadcast_in_dim3A_364 : vector<16x1xi32> to vector<16xi32>
        %gather3A_366 = tpu.dynamic_gather %get3A_141[%gather3A_365] in [0] : vector<16xf32>, vector<16xi32> -> vector<16xf32>
        %mul3A_367 = arith.constant 16 : i32
        %mul3A_368 = arith.muli %scan3A_134, %mul3A_367 : i32
        %add3A_369 = arith.constant 8 : i32
        %add3A_370 = arith.addi %mul3A_368, %add3A_369 : i32
        %get3A_371 = arith.index_cast %add3A_370 : i32 to index
        %get3A_372 = arith.constant 0 : index
        %get3A_373 = tpu.vector_load %arg14[%get3A_371, %get3A_372] {strides = array<i32>} : memref<400x32xf32, #tpu.memory_space<vmem>>, vector<1x16xf32>,
        %get3A_374 = vector.shape_cast %get3A_373 : vector<1x16xf32> to vector<16xf32>
        %mul3A_375 = arith.mulf %get3A_374, %gather3A_366 : vector<16xf32>
        %swap3A_376 = arith.index_cast %add3A_370 : i32 to index
        %swap3A_377 = arith.constant 0 : index
        %swap3A_378 = tpu.vector_load %arg14[%swap3A_376, %swap3A_377] {strides = array<i32>} : memref<400x32xf32, #tpu.memory_space<vmem>>, vector<1x16xf32>,
        %swap3A_379 = vector.shape_cast %swap3A_378 : vector<1x16xf32> to vector<16xf32>
        %swap3A_380 = vector.shape_cast %mul3A_375 : vector<16xf32> to vector<1x16xf32>
        tpu.vector_store %arg14[%swap3A_376, %swap3A_377], %swap3A_380 {strides = array<i32>} : memref<400x32xf32, #tpu.memory_space<vmem>>, vector<1x16xf32>,
        %get3A_381 = arith.index_cast %add3A_370 : i32 to index
        %get3A_382 = arith.constant 16 : index
        %get3A_383 = tpu.vector_load %arg14[%get3A_381, %get3A_382] {strides = array<i32>} : memref<400x32xf32, #tpu.memory_space<vmem>>, vector<1x16xf32>,
        %get3A_384 = vector.shape_cast %get3A_383 : vector<1x16xf32> to vector<16xf32>
        %mul3A_385 = arith.mulf %get3A_384, %gather3A_366 : vector<16xf32>
        %swap3A_386 = arith.index_cast %add3A_370 : i32 to index
        %swap3A_387 = arith.constant 16 : index
        %swap3A_388 = tpu.vector_load %arg14[%swap3A_386, %swap3A_387] {strides = array<i32>} : memref<400x32xf32, #tpu.memory_space<vmem>>, vector<1x16xf32>,
        %swap3A_389 = vector.shape_cast %swap3A_388 : vector<1x16xf32> to vector<16xf32>
        %swap3A_390 = vector.shape_cast %mul3A_385 : vector<16xf32> to vector<1x16xf32>
        tpu.vector_store %arg14[%swap3A_386, %swap3A_387], %swap3A_390 {strides = array<i32>} : memref<400x32xf32, #tpu.memory_space<vmem>>, vector<1x16xf32>,
        %broadcast_in_dim3A_391 = arith.constant 9 : i32
        %broadcast_in_dim3A_392 = vector.broadcast %broadcast_in_dim3A_391 : i32 to vector<16x1xi32>
        %gather3A_393 = vector.shape_cast %broadcast_in_dim3A_392 : vector<16x1xi32> to vector<16xi32>
        %gather3A_394 = tpu.dynamic_gather %get3A_141[%gather3A_393] in [0] : vector<16xf32>, vector<16xi32> -> vector<16xf32>
        %mul3A_395 = arith.constant 16 : i32
        %mul3A_396 = arith.muli %scan3A_134, %mul3A_395 : i32
        %add3A_397 = arith.constant 9 : i32
        %add3A_398 = arith.addi %mul3A_396, %add3A_397 : i32
        %get3A_399 = arith.index_cast %add3A_398 : i32 to index
        %get3A_400 = arith.constant 0 : index
        %get3A_401 = tpu.vector_load %arg14[%get3A_399, %get3A_400] {strides = array<i32>} : memref<400x32xf32, #tpu.memory_space<vmem>>, vector<1x16xf32>,
        %get3A_402 = vector.shape_cast %get3A_401 : vector<1x16xf32> to vector<16xf32>
        %mul3A_403 = arith.mulf %get3A_402, %gather3A_394 : vector<16xf32>
        %swap3A_404 = arith.index_cast %add3A_398 : i32 to index
        %swap3A_405 = arith.constant 0 : index
        %swap3A_406 = tpu.vector_load %arg14[%swap3A_404, %swap3A_405] {strides = array<i32>} : memref<400x32xf32, #tpu.memory_space<vmem>>, vector<1x16xf32>,
        %swap3A_407 = vector.shape_cast %swap3A_406 : vector<1x16xf32> to vector<16xf32>
        %swap3A_408 = vector.shape_cast %mul3A_403 : vector<16xf32> to vector<1x16xf32>
        tpu.vector_store %arg14[%swap3A_404, %swap3A_405], %swap3A_408 {strides = array<i32>} : memref<400x32xf32, #tpu.memory_space<vmem>>, vector<1x16xf32>,
        %get3A_409 = arith.index_cast %add3A_398 : i32 to index
        %get3A_410 = arith.constant 16 : index
        %get3A_411 = tpu.vector_load %arg14[%get3A_409, %get3A_410] {strides = array<i32>} : memref<400x32xf32, #tpu.memory_space<vmem>>, vector<1x16xf32>,
        %get3A_412 = vector.shape_cast %get3A_411 : vector<1x16xf32> to vector<16xf32>
        %mul3A_413 = arith.mulf %get3A_412, %gather3A_394 : vector<16xf32>
        %swap3A_414 = arith.index_cast %add3A_398 : i32 to index
        %swap3A_415 = arith.constant 16 : index
        %swap3A_416 = tpu.vector_load %arg14[%swap3A_414, %swap3A_415] {strides = array<i32>} : memref<400x32xf32, #tpu.memory_space<vmem>>, vector<1x16xf32>,
        %swap3A_417 = vector.shape_cast %swap3A_416 : vector<1x16xf32> to vector<16xf32>
        %swap3A_418 = vector.shape_cast %mul3A_413 : vector<16xf32> to vector<1x16xf32>
        tpu.vector_store %arg14[%swap3A_414, %swap3A_415], %swap3A_418 {strides = array<i32>} : memref<400x32xf32, #tpu.memory_space<vmem>>, vector<1x16xf32>,
        %broadcast_in_dim3A_419 = arith.constant 10 : i32
        %broadcast_in_dim3A_420 = vector.broadcast %broadcast_in_dim3A_419 : i32 to vector<16x1xi32>
        %gather3A_421 = vector.shape_cast %broadcast_in_dim3A_420 : vector<16x1xi32> to vector<16xi32>
        %gather3A_422 = tpu.dynamic_gather %get3A_141[%gather3A_421] in [0] : vector<16xf32>, vector<16xi32> -> vector<16xf32>
        %mul3A_423 = arith.constant 16 : i32
        %mul3A_424 = arith.muli %scan3A_134, %mul3A_423 : i32
        %add3A_425 = arith.constant 10 : i32
        %add3A_426 = arith.addi %mul3A_424, %add3A_425 : i32
        %get3A_427 = arith.index_cast %add3A_426 : i32 to index
        %get3A_428 = arith.constant 0 : index
        %get3A_429 = tpu.vector_load %arg14[%get3A_427, %get3A_428] {strides = array<i32>} : memref<400x32xf32, #tpu.memory_space<vmem>>, vector<1x16xf32>,
        %get3A_430 = vector.shape_cast %get3A_429 : vector<1x16xf32> to vector<16xf32>
        %mul3A_431 = arith.mulf %get3A_430, %gather3A_422 : vector<16xf32>
        %swap3A_432 = arith.index_cast %add3A_426 : i32 to index
        %swap3A_433 = arith.constant 0 : index
        %swap3A_434 = tpu.vector_load %arg14[%swap3A_432, %swap3A_433] {strides = array<i32>} : memref<400x32xf32, #tpu.memory_space<vmem>>, vector<1x16xf32>,
        %swap3A_435 = vector.shape_cast %swap3A_434 : vector<1x16xf32> to vector<16xf32>
        %swap3A_436 = vector.shape_cast %mul3A_431 : vector<16xf32> to vector<1x16xf32>
        tpu.vector_store %arg14[%swap3A_432, %swap3A_433], %swap3A_436 {strides = array<i32>} : memref<400x32xf32, #tpu.memory_space<vmem>>, vector<1x16xf32>,
        %get3A_437 = arith.index_cast %add3A_426 : i32 to index
        %get3A_438 = arith.constant 16 : index
        %get3A_439 = tpu.vector_load %arg14[%get3A_437, %get3A_438] {strides = array<i32>} : memref<400x32xf32, #tpu.memory_space<vmem>>, vector<1x16xf32>,
        %get3A_440 = vector.shape_cast %get3A_439 : vector<1x16xf32> to vector<16xf32>
        %mul3A_441 = arith.mulf %get3A_440, %gather3A_422 : vector<16xf32>
        %swap3A_442 = arith.index_cast %add3A_426 : i32 to index
        %swap3A_443 = arith.constant 16 : index
        %swap3A_444 = tpu.vector_load %arg14[%swap3A_442, %swap3A_443] {strides = array<i32>} : memref<400x32xf32, #tpu.memory_space<vmem>>, vector<1x16xf32>,
        %swap3A_445 = vector.shape_cast %swap3A_444 : vector<1x16xf32> to vector<16xf32>
        %swap3A_446 = vector.shape_cast %mul3A_441 : vector<16xf32> to vector<1x16xf32>
        tpu.vector_store %arg14[%swap3A_442, %swap3A_443], %swap3A_446 {strides = array<i32>} : memref<400x32xf32, #tpu.memory_space<vmem>>, vector<1x16xf32>,
        %broadcast_in_dim3A_447 = arith.constant 11 : i32
        %broadcast_in_dim3A_448 = vector.broadcast %broadcast_in_dim3A_447 : i32 to vector<16x1xi32>
        %gather3A_449 = vector.shape_cast %broadcast_in_dim3A_448 : vector<16x1xi32> to vector<16xi32>
        %gather3A_450 = tpu.dynamic_gather %get3A_141[%gather3A_449] in [0] : vector<16xf32>, vector<16xi32> -> vector<16xf32>
        %mul3A_451 = arith.constant 16 : i32
        %mul3A_452 = arith.muli %scan3A_134, %mul3A_451 : i32
        %add3A_453 = arith.constant 11 : i32
        %add3A_454 = arith.addi %mul3A_452, %add3A_453 : i32
        %get3A_455 = arith.index_cast %add3A_454 : i32 to index
        %get3A_456 = arith.constant 0 : index
        %get3A_457 = tpu.vector_load %arg14[%get3A_455, %get3A_456] {strides = array<i32>} : memref<400x32xf32, #tpu.memory_space<vmem>>, vector<1x16xf32>,
        %get3A_458 = vector.shape_cast %get3A_457 : vector<1x16xf32> to vector<16xf32>
        %mul3A_459 = arith.mulf %get3A_458, %gather3A_450 : vector<16xf32>
        %swap3A_460 = arith.index_cast %add3A_454 : i32 to index
        %swap3A_461 = arith.constant 0 : index
        %swap3A_462 = tpu.vector_load %arg14[%swap3A_460, %swap3A_461] {strides = array<i32>} : memref<400x32xf32, #tpu.memory_space<vmem>>, vector<1x16xf32>,
        %swap3A_463 = vector.shape_cast %swap3A_462 : vector<1x16xf32> to vector<16xf32>
        %swap3A_464 = vector.shape_cast %mul3A_459 : vector<16xf32> to vector<1x16xf32>
        tpu.vector_store %arg14[%swap3A_460, %swap3A_461], %swap3A_464 {strides = array<i32>} : memref<400x32xf32, #tpu.memory_space<vmem>>, vector<1x16xf32>,
        %get3A_465 = arith.index_cast %add3A_454 : i32 to index
        %get3A_466 = arith.constant 16 : index
        %get3A_467 = tpu.vector_load %arg14[%get3A_465, %get3A_466] {strides = array<i32>} : memref<400x32xf32, #tpu.memory_space<vmem>>, vector<1x16xf32>,
        %get3A_468 = vector.shape_cast %get3A_467 : vector<1x16xf32> to vector<16xf32>
        %mul3A_469 = arith.mulf %get3A_468, %gather3A_450 : vector<16xf32>
        %swap3A_470 = arith.index_cast %add3A_454 : i32 to index
        %swap3A_471 = arith.constant 16 : index
        %swap3A_472 = tpu.vector_load %arg14[%swap3A_470, %swap3A_471] {strides = array<i32>} : memref<400x32xf32, #tpu.memory_space<vmem>>, vector<1x16xf32>,
        %swap3A_473 = vector.shape_cast %swap3A_472 : vector<1x16xf32> to vector<16xf32>
        %swap3A_474 = vector.shape_cast %mul3A_469 : vector<16xf32> to vector<1x16xf32>
        tpu.vector_store %arg14[%swap3A_470, %swap3A_471], %swap3A_474 {strides = array<i32>} : memref<400x32xf32, #tpu.memory_space<vmem>>, vector<1x16xf32>,
        %broadcast_in_dim3A_475 = arith.constant 12 : i32
        %broadcast_in_dim3A_476 = vector.broadcast %broadcast_in_dim3A_475 : i32 to vector<16x1xi32>
        %gather3A_477 = vector.shape_cast %broadcast_in_dim3A_476 : vector<16x1xi32> to vector<16xi32>
        %gather3A_478 = tpu.dynamic_gather %get3A_141[%gather3A_477] in [0] : vector<16xf32>, vector<16xi32> -> vector<16xf32>
        %mul3A_479 = arith.constant 16 : i32
        %mul3A_480 = arith.muli %scan3A_134, %mul3A_479 : i32
        %add3A_481 = arith.constant 12 : i32
        %add3A_482 = arith.addi %mul3A_480, %add3A_481 : i32
        %get3A_483 = arith.index_cast %add3A_482 : i32 to index
        %get3A_484 = arith.constant 0 : index
        %get3A_485 = tpu.vector_load %arg14[%get3A_483, %get3A_484] {strides = array<i32>} : memref<400x32xf32, #tpu.memory_space<vmem>>, vector<1x16xf32>,
        %get3A_486 = vector.shape_cast %get3A_485 : vector<1x16xf32> to vector<16xf32>
        %mul3A_487 = arith.mulf %get3A_486, %gather3A_478 : vector<16xf32>
        %swap3A_488 = arith.index_cast %add3A_482 : i32 to index
        %swap3A_489 = arith.constant 0 : index
        %swap3A_490 = tpu.vector_load %arg14[%swap3A_488, %swap3A_489] {strides = array<i32>} : memref<400x32xf32, #tpu.memory_space<vmem>>, vector<1x16xf32>,
        %swap3A_491 = vector.shape_cast %swap3A_490 : vector<1x16xf32> to vector<16xf32>
        %swap3A_492 = vector.shape_cast %mul3A_487 : vector<16xf32> to vector<1x16xf32>
        tpu.vector_store %arg14[%swap3A_488, %swap3A_489], %swap3A_492 {strides = array<i32>} : memref<400x32xf32, #tpu.memory_space<vmem>>, vector<1x16xf32>,
        %get3A_493 = arith.index_cast %add3A_482 : i32 to index
        %get3A_494 = arith.constant 16 : index
        %get3A_495 = tpu.vector_load %arg14[%get3A_493, %get3A_494] {strides = array<i32>} : memref<400x32xf32, #tpu.memory_space<vmem>>, vector<1x16xf32>,
        %get3A_496 = vector.shape_cast %get3A_495 : vector<1x16xf32> to vector<16xf32>
        %mul3A_497 = arith.mulf %get3A_496, %gather3A_478 : vector<16xf32>
        %swap3A_498 = arith.index_cast %add3A_482 : i32 to index
        %swap3A_499 = arith.constant 16 : index
        %swap3A_500 = tpu.vector_load %arg14[%swap3A_498, %swap3A_499] {strides = array<i32>} : memref<400x32xf32, #tpu.memory_space<vmem>>, vector<1x16xf32>,
        %swap3A_501 = vector.shape_cast %swap3A_500 : vector<1x16xf32> to vector<16xf32>
        %swap3A_502 = vector.shape_cast %mul3A_497 : vector<16xf32> to vector<1x16xf32>
        tpu.vector_store %arg14[%swap3A_498, %swap3A_499], %swap3A_502 {strides = array<i32>} : memref<400x32xf32, #tpu.memory_space<vmem>>, vector<1x16xf32>,
        %broadcast_in_dim3A_503 = arith.constant 13 : i32
        %broadcast_in_dim3A_504 = vector.broadcast %broadcast_in_dim3A_503 : i32 to vector<16x1xi32>
        %gather3A_505 = vector.shape_cast %broadcast_in_dim3A_504 : vector<16x1xi32> to vector<16xi32>
        %gather3A_506 = tpu.dynamic_gather %get3A_141[%gather3A_505] in [0] : vector<16xf32>, vector<16xi32> -> vector<16xf32>
        %mul3A_507 = arith.constant 16 : i32
        %mul3A_508 = arith.muli %scan3A_134, %mul3A_507 : i32
        %add3A_509 = arith.constant 13 : i32
        %add3A_510 = arith.addi %mul3A_508, %add3A_509 : i32
        %get3A_511 = arith.index_cast %add3A_510 : i32 to index
        %get3A_512 = arith.constant 0 : index
        %get3A_513 = tpu.vector_load %arg14[%get3A_511, %get3A_512] {strides = array<i32>} : memref<400x32xf32, #tpu.memory_space<vmem>>, vector<1x16xf32>,
        %get3A_514 = vector.shape_cast %get3A_513 : vector<1x16xf32> to vector<16xf32>
        %mul3A_515 = arith.mulf %get3A_514, %gather3A_506 : vector<16xf32>
        %swap3A_516 = arith.index_cast %add3A_510 : i32 to index
        %swap3A_517 = arith.constant 0 : index
        %swap3A_518 = tpu.vector_load %arg14[%swap3A_516, %swap3A_517] {strides = array<i32>} : memref<400x32xf32, #tpu.memory_space<vmem>>, vector<1x16xf32>,
        %swap3A_519 = vector.shape_cast %swap3A_518 : vector<1x16xf32> to vector<16xf32>
        %swap3A_520 = vector.shape_cast %mul3A_515 : vector<16xf32> to vector<1x16xf32>
        tpu.vector_store %arg14[%swap3A_516, %swap3A_517], %swap3A_520 {strides = array<i32>} : memref<400x32xf32, #tpu.memory_space<vmem>>, vector<1x16xf32>,
        %get3A_521 = arith.index_cast %add3A_510 : i32 to index
        %get3A_522 = arith.constant 16 : index
        %get3A_523 = tpu.vector_load %arg14[%get3A_521, %get3A_522] {strides = array<i32>} : memref<400x32xf32, #tpu.memory_space<vmem>>, vector<1x16xf32>,
        %get3A_524 = vector.shape_cast %get3A_523 : vector<1x16xf32> to vector<16xf32>
        %mul3A_525 = arith.mulf %get3A_524, %gather3A_506 : vector<16xf32>
        %swap3A_526 = arith.index_cast %add3A_510 : i32 to index
        %swap3A_527 = arith.constant 16 : index
        %swap3A_528 = tpu.vector_load %arg14[%swap3A_526, %swap3A_527] {strides = array<i32>} : memref<400x32xf32, #tpu.memory_space<vmem>>, vector<1x16xf32>,
        %swap3A_529 = vector.shape_cast %swap3A_528 : vector<1x16xf32> to vector<16xf32>
        %swap3A_530 = vector.shape_cast %mul3A_525 : vector<16xf32> to vector<1x16xf32>
        tpu.vector_store %arg14[%swap3A_526, %swap3A_527], %swap3A_530 {strides = array<i32>} : memref<400x32xf32, #tpu.memory_space<vmem>>, vector<1x16xf32>,
        %broadcast_in_dim3A_531 = arith.constant 14 : i32
        %broadcast_in_dim3A_532 = vector.broadcast %broadcast_in_dim3A_531 : i32 to vector<16x1xi32>
        %gather3A_533 = vector.shape_cast %broadcast_in_dim3A_532 : vector<16x1xi32> to vector<16xi32>
        %gather3A_534 = tpu.dynamic_gather %get3A_141[%gather3A_533] in [0] : vector<16xf32>, vector<16xi32> -> vector<16xf32>
        %mul3A_535 = arith.constant 16 : i32
        %mul3A_536 = arith.muli %scan3A_134, %mul3A_535 : i32
        %add3A_537 = arith.constant 14 : i32
        %add3A_538 = arith.addi %mul3A_536, %add3A_537 : i32
        %get3A_539 = arith.index_cast %add3A_538 : i32 to index
        %get3A_540 = arith.constant 0 : index
        %get3A_541 = tpu.vector_load %arg14[%get3A_539, %get3A_540] {strides = array<i32>} : memref<400x32xf32, #tpu.memory_space<vmem>>, vector<1x16xf32>,
        %get3A_542 = vector.shape_cast %get3A_541 : vector<1x16xf32> to vector<16xf32>
        %mul3A_543 = arith.mulf %get3A_542, %gather3A_534 : vector<16xf32>
        %swap3A_544 = arith.index_cast %add3A_538 : i32 to index
        %swap3A_545 = arith.constant 0 : index
        %swap3A_546 = tpu.vector_load %arg14[%swap3A_544, %swap3A_545] {strides = array<i32>} : memref<400x32xf32, #tpu.memory_space<vmem>>, vector<1x16xf32>,
        %swap3A_547 = vector.shape_cast %swap3A_546 : vector<1x16xf32> to vector<16xf32>
        %swap3A_548 = vector.shape_cast %mul3A_543 : vector<16xf32> to vector<1x16xf32>
        tpu.vector_store %arg14[%swap3A_544, %swap3A_545], %swap3A_548 {strides = array<i32>} : memref<400x32xf32, #tpu.memory_space<vmem>>, vector<1x16xf32>,
        %get3A_549 = arith.index_cast %add3A_538 : i32 to index
        %get3A_550 = arith.constant 16 : index
        %get3A_551 = tpu.vector_load %arg14[%get3A_549, %get3A_550] {strides = array<i32>} : memref<400x32xf32, #tpu.memory_space<vmem>>, vector<1x16xf32>,
        %get3A_552 = vector.shape_cast %get3A_551 : vector<1x16xf32> to vector<16xf32>
        %mul3A_553 = arith.mulf %get3A_552, %gather3A_534 : vector<16xf32>
        %swap3A_554 = arith.index_cast %add3A_538 : i32 to index
        %swap3A_555 = arith.constant 16 : index
        %swap3A_556 = tpu.vector_load %arg14[%swap3A_554, %swap3A_555] {strides = array<i32>} : memref<400x32xf32, #tpu.memory_space<vmem>>, vector<1x16xf32>,
        %swap3A_557 = vector.shape_cast %swap3A_556 : vector<1x16xf32> to vector<16xf32>
        %swap3A_558 = vector.shape_cast %mul3A_553 : vector<16xf32> to vector<1x16xf32>
        tpu.vector_store %arg14[%swap3A_554, %swap3A_555], %swap3A_558 {strides = array<i32>} : memref<400x32xf32, #tpu.memory_space<vmem>>, vector<1x16xf32>,
        %broadcast_in_dim3A_559 = arith.constant 15 : i32
        %broadcast_in_dim3A_560 = vector.broadcast %broadcast_in_dim3A_559 : i32 to vector<16x1xi32>
        %gather3A_561 = vector.shape_cast %broadcast_in_dim3A_560 : vector<16x1xi32> to vector<16xi32>
        %gather3A_562 = tpu.dynamic_gather %get3A_141[%gather3A_561] in [0] : vector<16xf32>, vector<16xi32> -> vector<16xf32>
        %mul3A_563 = arith.constant 16 : i32
        %mul3A_564 = arith.muli %scan3A_134, %mul3A_563 : i32
        %add3A_565 = arith.constant 15 : i32
        %add3A_566 = arith.addi %mul3A_564, %add3A_565 : i32
        %get3A_567 = arith.index_cast %add3A_566 : i32 to index
        %get3A_568 = arith.constant 0 : index
        %get3A_569 = tpu.vector_load %arg14[%get3A_567, %get3A_568] {strides = array<i32>} : memref<400x32xf32, #tpu.memory_space<vmem>>, vector<1x16xf32>,
        %get3A_570 = vector.shape_cast %get3A_569 : vector<1x16xf32> to vector<16xf32>
        %mul3A_571 = arith.mulf %get3A_570, %gather3A_562 : vector<16xf32>
        %swap3A_572 = arith.index_cast %add3A_566 : i32 to index
        %swap3A_573 = arith.constant 0 : index
        %swap3A_574 = tpu.vector_load %arg14[%swap3A_572, %swap3A_573] {strides = array<i32>} : memref<400x32xf32, #tpu.memory_space<vmem>>, vector<1x16xf32>,
        %swap3A_575 = vector.shape_cast %swap3A_574 : vector<1x16xf32> to vector<16xf32>
        %swap3A_576 = vector.shape_cast %mul3A_571 : vector<16xf32> to vector<1x16xf32>
        tpu.vector_store %arg14[%swap3A_572, %swap3A_573], %swap3A_576 {strides = array<i32>} : memref<400x32xf32, #tpu.memory_space<vmem>>, vector<1x16xf32>,
        %get3A_577 = arith.index_cast %add3A_566 : i32 to index
        %get3A_578 = arith.constant 16 : index
        %get3A_579 = tpu.vector_load %arg14[%get3A_577, %get3A_578] {strides = array<i32>} : memref<400x32xf32, #tpu.memory_space<vmem>>, vector<1x16xf32>,
        %get3A_580 = vector.shape_cast %get3A_579 : vector<1x16xf32> to vector<16xf32>
        %mul3A_581 = arith.mulf %get3A_580, %gather3A_562 : vector<16xf32>
        %swap3A_582 = arith.index_cast %add3A_566 : i32 to index
        %swap3A_583 = arith.constant 16 : index
        %swap3A_584 = tpu.vector_load %arg14[%swap3A_582, %swap3A_583] {strides = array<i32>} : memref<400x32xf32, #tpu.memory_space<vmem>>, vector<1x16xf32>,
        %swap3A_585 = vector.shape_cast %swap3A_584 : vector<1x16xf32> to vector<16xf32>
        %swap3A_586 = vector.shape_cast %mul3A_581 : vector<16xf32> to vector<1x16xf32>
        tpu.vector_store %arg14[%swap3A_582, %swap3A_583], %swap3A_586 {strides = array<i32>} : memref<400x32xf32, #tpu.memory_space<vmem>>, vector<1x16xf32>,
      }
      %scan3A_96 = arith.constant 25 : i32
      %add3A_97 = arith.constant 1 : i32
      %add3A_98 = arith.addi %mul3A_62, %add3A_97 : i32
      %mul3A_99 = arith.constant 400 : i32
      %mul3A_100 = arith.muli %add3A_98, %mul3A_99 : i32
      %dma_start3A_101 = tpu.memref_slice %arg9[%mul3A_100] : memref<10000xi32, #tpu.memory_space<vmem>> -> memref<400xi32, #tpu.memory_space<vmem>>
      %dma_start3A_102 = arith.constant 0 : i32
      %dma_start3A_103 = arith.constant 0 : i32
      %dma_start3A_104 = tpu.memref_slice %arg16[%dma_start3A_102, %dma_start3A_103] : memref<10000x32xf32, #tpu.memory_space<vmem_shared>> -> memref<10000x32xf32, #tpu.memory_space<vmem_shared>>
      tpu.enqueue_indirect_dma source(%arg14 : memref<400x32xf32, #tpu.memory_space<vmem>>) target(%dma_start3A_104 : memref<10000x32xf32, #tpu.memory_space<vmem_shared>>) offsets(%dma_start3A_101 : memref<400xi32, #tpu.memory_space<vmem>>) semaphore(%arg12 : memref<!tpu.dma_semaphore, #tpu.memory_space<semaphore_mem>>) {add = true}
      %mul3A_105 = arith.constant 400 : i32
      %mul3A_106 = arith.muli %mul3A_62, %mul3A_105 : i32
      %dma_wait3A_107 = tpu.memref_slice %arg9[%mul3A_106] : memref<10000xi32, #tpu.memory_space<vmem>> -> memref<400xi32, #tpu.memory_space<vmem>>
      %dma_wait3A_108 = arith.constant 0 : i32
      %dma_wait3A_109 = arith.constant 0 : i32
      %dma_wait3A_110 = tpu.memref_slice %arg16[%dma_wait3A_108, %dma_wait3A_109] : memref<10000x32xf32, #tpu.memory_space<vmem_shared>> -> memref<10000x32xf32, #tpu.memory_space<vmem_shared>>
      tpu.wait_indirect_dma semaphore(%arg11 : memref<!tpu.dma_semaphore, #tpu.memory_space<semaphore_mem>>) src(%arg13 : memref<400x32xf32, #tpu.memory_space<vmem>>) dst(%dma_wait3A_110 : memref<10000x32xf32, #tpu.memory_space<vmem_shared>>)
      %add3A_111 = arith.constant 2 : i32
      %add3A_112 = arith.addi %mul3A_62, %add3A_111 : i32
      %mul3A_113 = arith.constant 400 : i32
      %mul3A_114 = arith.muli %add3A_112, %mul3A_113 : i32
      %dma_start3A_115 = tpu.memref_slice %arg8[%mul3A_114] : memref<10000xi32, #tpu.memory_space<vmem>> -> memref<400xi32, #tpu.memory_space<vmem>>
      %dma_start3A_116 = arith.constant 0 : i32
      %dma_start3A_117 = arith.constant 0 : i32
      %dma_start3A_118 = tpu.memref_slice %arg2[%dma_start3A_116, %dma_start3A_117] : memref<10000x32xf32, #tpu.memory_space<hbm>> -> memref<10000x32xf32, #tpu.memory_space<hbm>>
      tpu.enqueue_indirect_dma source(%dma_start3A_118 : memref<10000x32xf32, #tpu.memory_space<hbm>>) target(%arg13 : memref<400x32xf32, #tpu.memory_space<vmem>>) offsets(%dma_start3A_115 : memref<400xi32, #tpu.memory_space<vmem>>) semaphore(%arg17 : memref<!tpu.dma_semaphore, #tpu.memory_space<semaphore_mem>>)
      %add3A_119 = arith.constant 1 : i32
      %add3A_120 = arith.addi %mul3A_62, %add3A_119 : i32
      %mul3A_121 = arith.constant 400 : i32
      %mul3A_122 = arith.muli %add3A_120, %mul3A_121 : i32
      %dma_wait3A_123 = tpu.memref_slice %arg9[%mul3A_122] : memref<10000xi32, #tpu.memory_space<vmem>> -> memref<400xi32, #tpu.memory_space<vmem>>
      %dma_wait3A_124 = arith.constant 0 : i32
      %dma_wait3A_125 = arith.constant 0 : i32
      %dma_wait3A_126 = tpu.memref_slice %arg16[%dma_wait3A_124, %dma_wait3A_125] : memref<10000x32xf32, #tpu.memory_space<vmem_shared>> -> memref<10000x32xf32, #tpu.memory_space<vmem_shared>>
      tpu.wait_indirect_dma semaphore(%arg12 : memref<!tpu.dma_semaphore, #tpu.memory_space<semaphore_mem>>) src(%arg14 : memref<400x32xf32, #tpu.memory_space<vmem>>) dst(%dma_wait3A_126 : memref<10000x32xf32, #tpu.memory_space<vmem_shared>>)
      %add3A_127 = arith.constant 3 : i32
      %add3A_128 = arith.addi %mul3A_62, %add3A_127 : i32
      %lt3A_129 = arith.constant 25 : i32
      %lt3A_130 = arith.cmpi slt, %add3A_128, %lt3A_129 : i32
      %convert_element_type3A_131 = arith.extui %lt3A_130 : i1 to i32
      %cond3A_132 = arith.constant 0 : i32
      %cond3A_133 = arith.cmpi ne, %convert_element_type3A_131, %cond3A_132 : i32
      scf.if %cond3A_133 {
        %add3A_134 = arith.constant 3 : i32
        %add3A_135 = arith.addi %mul3A_62, %add3A_134 : i32
        %mul3A_136 = arith.constant 400 : i32
        %mul3A_137 = arith.muli %add3A_135, %mul3A_136 : i32
        %dma_start3A_138 = tpu.memref_slice %arg8[%mul3A_137] : memref<10000xi32, #tpu.memory_space<vmem>> -> memref<400xi32, #tpu.memory_space<vmem>>
        %dma_start3A_139 = arith.constant 0 : i32
        %dma_start3A_140 = arith.constant 0 : i32
        %dma_start3A_141 = tpu.memref_slice %arg2[%dma_start3A_139, %dma_start3A_140] : memref<10000x32xf32, #tpu.memory_space<hbm>> -> memref<10000x32xf32, #tpu.memory_space<hbm>>
        tpu.enqueue_indirect_dma source(%dma_start3A_141 : memref<10000x32xf32, #tpu.memory_space<hbm>>) target(%arg14 : memref<400x32xf32, #tpu.memory_space<vmem>>) offsets(%dma_start3A_138 : memref<400xi32, #tpu.memory_space<vmem>>) semaphore(%arg18 : memref<!tpu.dma_semaphore, #tpu.memory_space<semaphore_mem>>)
      } else {
      }
    }
    %scan3A_28 = arith.constant 12 : i32
    %dma_wait3A = arith.constant 9600 : i32
    %dma_wait3A_29 = tpu.memref_slice %arg8[%dma_wait3A] : memref<10000xi32, #tpu.memory_space<vmem>> -> memref<400xi32, #tpu.memory_space<vmem>>
    %dma_wait3A_30 = arith.constant 0 : i32
    %dma_wait3A_31 = arith.constant 0 : i32
    %dma_wait3A_32 = tpu.memref_slice %arg2[%dma_wait3A_30, %dma_wait3A_31] : memref<10000x32xf32, #tpu.memory_space<hbm>> -> memref<10000x32xf32, #tpu.memory_space<hbm>>
    tpu.wait_indirect_dma semaphore(%arg17 : memref<!tpu.dma_semaphore, #tpu.memory_space<semaphore_mem>>) src(%dma_wait3A_32 : memref<10000x32xf32, #tpu.memory_space<hbm>>) dst(%arg13 : memref<400x32xf32, #tpu.memory_space<vmem>>)
    %scan3A_33 = arith.constant 0 : i32
    %scan3A_34 = arith.constant 0 : i32
    %scan3A_35 = arith.constant 25 : i32
    %scan3A_36 = arith.addi %scan3A_34, %scan3A_35 : i32
    %scan3A_37 = arith.constant 1 : i32
    scf.for %scan3A_60 = %scan3A_34 to %scan3A_36 step %scan3A_37  : i32 {
      %mul3A_61 = arith.constant 16 : i32
      %mul3A_62 = arith.muli %scan3A_60, %mul3A_61 : i32
      %add3A_63 = arith.constant 9600 : i32
      %add3A_64 = arith.addi %add3A_63, %mul3A_62 : i32
      %get3A = arith.index_cast %add3A_64 : i32 to index
      %get3A_65 = tpu.vector_load %arg10[%get3A] {strides = array<i32>} : memref<10000xf32, #tpu.memory_space<vmem>>, vector<16xf32>,
      %get3A_66 = vector.shape_cast %get3A_65 : vector<16xf32> to vector<16xf32>
      %broadcast_in_dim3A = arith.constant 0 : i32
      %broadcast_in_dim3A_67 = vector.broadcast %broadcast_in_dim3A : i32 to vector<16x1xi32>
      %gather3A = vector.shape_cast %broadcast_in_dim3A_67 : vector<16x1xi32> to vector<16xi32>
      %gather3A_68 = tpu.dynamic_gather %get3A_66[%gather3A] in [0] : vector<16xf32>, vector<16xi32> -> vector<16xf32>
      %mul3A_69 = arith.constant 16 : i32
      %mul3A_70 = arith.muli %scan3A_60, %mul3A_69 : i32
      %add3A_71 = arith.constant 0 : i32
      %add3A_72 = arith.addi %mul3A_70, %add3A_71 : i32
      %get3A_73 = arith.index_cast %add3A_72 : i32 to index
      %get3A_74 = arith.constant 0 : index
      %get3A_75 = tpu.vector_load %arg13[%get3A_73, %get3A_74] {strides = array<i32>} : memref<400x32xf32, #tpu.memory_space<vmem>>, vector<1x16xf32>,
      %get3A_76 = vector.shape_cast %get3A_75 : vector<1x16xf32> to vector<16xf32>
      %mul3A_77 = arith.mulf %get3A_76, %gather3A_68 : vector<16xf32>
      %swap3A = arith.index_cast %add3A_72 : i32 to index
      %swap3A_78 = arith.constant 0 : index
      %swap3A_79 = tpu.vector_load %arg13[%swap3A, %swap3A_78] {strides = array<i32>} : memref<400x32xf32, #tpu.memory_space<vmem>>, vector<1x16xf32>,
      %swap3A_80 = vector.shape_cast %swap3A_79 : vector<1x16xf32> to vector<16xf32>
      %swap3A_81 = vector.shape_cast %mul3A_77 : vector<16xf32> to vector<1x16xf32>
      tpu.vector_store %arg13[%swap3A, %swap3A_78], %swap3A_81 {strides = array<i32>} : memref<400x32xf32, #tpu.memory_space<vmem>>, vector<1x16xf32>,
      %get3A_82 = arith.index_cast %add3A_72 : i32 to index
      %get3A_83 = arith.constant 16 : index
      %get3A_84 = tpu.vector_load %arg13[%get3A_82, %get3A_83] {strides = array<i32>} : memref<400x32xf32, #tpu.memory_space<vmem>>, vector<1x16xf32>,
      %get3A_85 = vector.shape_cast %get3A_84 : vector<1x16xf32> to vector<16xf32>
      %mul3A_86 = arith.mulf %get3A_85, %gather3A_68 : vector<16xf32>
      %swap3A_87 = arith.index_cast %add3A_72 : i32 to index
      %swap3A_88 = arith.constant 16 : index
      %swap3A_89 = tpu.vector_load %arg13[%swap3A_87, %swap3A_88] {strides = array<i32>} : memref<400x32xf32, #tpu.memory_space<vmem>>, vector<1x16xf32>,
      %swap3A_90 = vector.shape_cast %swap3A_89 : vector<1x16xf32> to vector<16xf32>
      %swap3A_91 = vector.shape_cast %mul3A_86 : vector<16xf32> to vector<1x16xf32>
      tpu.vector_store %arg13[%swap3A_87, %swap3A_88], %swap3A_91 {strides = array<i32>} : memref<400x32xf32, #tpu.memory_space<vmem>>, vector<1x16xf32>,
      %broadcast_in_dim3A_92 = arith.constant 1 : i32
      %broadcast_in_dim3A_93 = vector.broadcast %broadcast_in_dim3A_92 : i32 to vector<16x1xi32>
      %gather3A_94 = vector.shape_cast %broadcast_in_dim3A_93 : vector<16x1xi32> to vector<16xi32>
      %gather3A_95 = tpu.dynamic_gather %get3A_66[%gather3A_94] in [0] : vector<16xf32>, vector<16xi32> -> vector<16xf32>
      %mul3A_96 = arith.constant 16 : i32
      %mul3A_97 = arith.muli %scan3A_60, %mul3A_96 : i32
      %add3A_98 = arith.constant 1 : i32
      %add3A_99 = arith.addi %mul3A_97, %add3A_98 : i32
      %get3A_100 = arith.index_cast %add3A_99 : i32 to index
      %get3A_101 = arith.constant 0 : index
      %get3A_102 = tpu.vector_load %arg13[%get3A_100, %get3A_101] {strides = array<i32>} : memref<400x32xf32, #tpu.memory_space<vmem>>, vector<1x16xf32>,
      %get3A_103 = vector.shape_cast %get3A_102 : vector<1x16xf32> to vector<16xf32>
      %mul3A_104 = arith.mulf %get3A_103, %gather3A_95 : vector<16xf32>
      %swap3A_105 = arith.index_cast %add3A_99 : i32 to index
      %swap3A_106 = arith.constant 0 : index
      %swap3A_107 = tpu.vector_load %arg13[%swap3A_105, %swap3A_106] {strides = array<i32>} : memref<400x32xf32, #tpu.memory_space<vmem>>, vector<1x16xf32>,
      %swap3A_108 = vector.shape_cast %swap3A_107 : vector<1x16xf32> to vector<16xf32>
      %swap3A_109 = vector.shape_cast %mul3A_104 : vector<16xf32> to vector<1x16xf32>
      tpu.vector_store %arg13[%swap3A_105, %swap3A_106], %swap3A_109 {strides = array<i32>} : memref<400x32xf32, #tpu.memory_space<vmem>>, vector<1x16xf32>,
      %get3A_110 = arith.index_cast %add3A_99 : i32 to index
      %get3A_111 = arith.constant 16 : index
      %get3A_112 = tpu.vector_load %arg13[%get3A_110, %get3A_111] {strides = array<i32>} : memref<400x32xf32, #tpu.memory_space<vmem>>, vector<1x16xf32>,
      %get3A_113 = vector.shape_cast %get3A_112 : vector<1x16xf32> to vector<16xf32>
      %mul3A_114 = arith.mulf %get3A_113, %gather3A_95 : vector<16xf32>
      %swap3A_115 = arith.index_cast %add3A_99 : i32 to index
      %swap3A_116 = arith.constant 16 : index
      %swap3A_117 = tpu.vector_load %arg13[%swap3A_115, %swap3A_116] {strides = array<i32>} : memref<400x32xf32, #tpu.memory_space<vmem>>, vector<1x16xf32>,
      %swap3A_118 = vector.shape_cast %swap3A_117 : vector<1x16xf32> to vector<16xf32>
      %swap3A_119 = vector.shape_cast %mul3A_114 : vector<16xf32> to vector<1x16xf32>
      tpu.vector_store %arg13[%swap3A_115, %swap3A_116], %swap3A_119 {strides = array<i32>} : memref<400x32xf32, #tpu.memory_space<vmem>>, vector<1x16xf32>,
      %broadcast_in_dim3A_120 = arith.constant 2 : i32
      %broadcast_in_dim3A_121 = vector.broadcast %broadcast_in_dim3A_120 : i32 to vector<16x1xi32>
      %gather3A_122 = vector.shape_cast %broadcast_in_dim3A_121 : vector<16x1xi32> to vector<16xi32>
      %gather3A_123 = tpu.dynamic_gather %get3A_66[%gather3A_122] in [0] : vector<16xf32>, vector<16xi32> -> vector<16xf32>
      %mul3A_124 = arith.constant 16 : i32
      %mul3A_125 = arith.muli %scan3A_60, %mul3A_124 : i32
      %add3A_126 = arith.constant 2 : i32
      %add3A_127 = arith.addi %mul3A_125, %add3A_126 : i32
      %get3A_128 = arith.index_cast %add3A_127 : i32 to index
      %get3A_129 = arith.constant 0 : index
      %get3A_130 = tpu.vector_load %arg13[%get3A_128, %get3A_129] {strides = array<i32>} : memref<400x32xf32, #tpu.memory_space<vmem>>, vector<1x16xf32>,
      %get3A_131 = vector.shape_cast %get3A_130 : vector<1x16xf32> to vector<16xf32>
      %mul3A_132 = arith.mulf %get3A_131, %gather3A_123 : vector<16xf32>
      %swap3A_133 = arith.index_cast %add3A_127 : i32 to index
      %swap3A_134 = arith.constant 0 : index
      %swap3A_135 = tpu.vector_load %arg13[%swap3A_133, %swap3A_134] {strides = array<i32>} : memref<400x32xf32, #tpu.memory_space<vmem>>, vector<1x16xf32>,
      %swap3A_136 = vector.shape_cast %swap3A_135 : vector<1x16xf32> to vector<16xf32>
      %swap3A_137 = vector.shape_cast %mul3A_132 : vector<16xf32> to vector<1x16xf32>
      tpu.vector_store %arg13[%swap3A_133, %swap3A_134], %swap3A_137 {strides = array<i32>} : memref<400x32xf32, #tpu.memory_space<vmem>>, vector<1x16xf32>,
      %get3A_138 = arith.index_cast %add3A_127 : i32 to index
      %get3A_139 = arith.constant 16 : index
      %get3A_140 = tpu.vector_load %arg13[%get3A_138, %get3A_139] {strides = array<i32>} : memref<400x32xf32, #tpu.memory_space<vmem>>, vector<1x16xf32>,
      %get3A_141 = vector.shape_cast %get3A_140 : vector<1x16xf32> to vector<16xf32>
      %mul3A_142 = arith.mulf %get3A_141, %gather3A_123 : vector<16xf32>
      %swap3A_143 = arith.index_cast %add3A_127 : i32 to index
      %swap3A_144 = arith.constant 16 : index
      %swap3A_145 = tpu.vector_load %arg13[%swap3A_143, %swap3A_144] {strides = array<i32>} : memref<400x32xf32, #tpu.memory_space<vmem>>, vector<1x16xf32>,
      %swap3A_146 = vector.shape_cast %swap3A_145 : vector<1x16xf32> to vector<16xf32>
      %swap3A_147 = vector.shape_cast %mul3A_142 : vector<16xf32> to vector<1x16xf32>
      tpu.vector_store %arg13[%swap3A_143, %swap3A_144], %swap3A_147 {strides = array<i32>} : memref<400x32xf32, #tpu.memory_space<vmem>>, vector<1x16xf32>,
      %broadcast_in_dim3A_148 = arith.constant 3 : i32
      %broadcast_in_dim3A_149 = vector.broadcast %broadcast_in_dim3A_148 : i32 to vector<16x1xi32>
      %gather3A_150 = vector.shape_cast %broadcast_in_dim3A_149 : vector<16x1xi32> to vector<16xi32>
      %gather3A_151 = tpu.dynamic_gather %get3A_66[%gather3A_150] in [0] : vector<16xf32>, vector<16xi32> -> vector<16xf32>
      %mul3A_152 = arith.constant 16 : i32
      %mul3A_153 = arith.muli %scan3A_60, %mul3A_152 : i32
      %add3A_154 = arith.constant 3 : i32
      %add3A_155 = arith.addi %mul3A_153, %add3A_154 : i32
      %get3A_156 = arith.index_cast %add3A_155 : i32 to index
      %get3A_157 = arith.constant 0 : index
      %get3A_158 = tpu.vector_load %arg13[%get3A_156, %get3A_157] {strides = array<i32>} : memref<400x32xf32, #tpu.memory_space<vmem>>, vector<1x16xf32>,
      %get3A_159 = vector.shape_cast %get3A_158 : vector<1x16xf32> to vector<16xf32>
      %mul3A_160 = arith.mulf %get3A_159, %gather3A_151 : vector<16xf32>
      %swap3A_161 = arith.index_cast %add3A_155 : i32 to index
      %swap3A_162 = arith.constant 0 : index
      %swap3A_163 = tpu.vector_load %arg13[%swap3A_161, %swap3A_162] {strides = array<i32>} : memref<400x32xf32, #tpu.memory_space<vmem>>, vector<1x16xf32>,
      %swap3A_164 = vector.shape_cast %swap3A_163 : vector<1x16xf32> to vector<16xf32>
      %swap3A_165 = vector.shape_cast %mul3A_160 : vector<16xf32> to vector<1x16xf32>
      tpu.vector_store %arg13[%swap3A_161, %swap3A_162], %swap3A_165 {strides = array<i32>} : memref<400x32xf32, #tpu.memory_space<vmem>>, vector<1x16xf32>,
      %get3A_166 = arith.index_cast %add3A_155 : i32 to index
      %get3A_167 = arith.constant 16 : index
      %get3A_168 = tpu.vector_load %arg13[%get3A_166, %get3A_167] {strides = array<i32>} : memref<400x32xf32, #tpu.memory_space<vmem>>, vector<1x16xf32>,
      %get3A_169 = vector.shape_cast %get3A_168 : vector<1x16xf32> to vector<16xf32>
      %mul3A_170 = arith.mulf %get3A_169, %gather3A_151 : vector<16xf32>
      %swap3A_171 = arith.index_cast %add3A_155 : i32 to index
      %swap3A_172 = arith.constant 16 : index
      %swap3A_173 = tpu.vector_load %arg13[%swap3A_171, %swap3A_172] {strides = array<i32>} : memref<400x32xf32, #tpu.memory_space<vmem>>, vector<1x16xf32>,
      %swap3A_174 = vector.shape_cast %swap3A_173 : vector<1x16xf32> to vector<16xf32>
      %swap3A_175 = vector.shape_cast %mul3A_170 : vector<16xf32> to vector<1x16xf32>
      tpu.vector_store %arg13[%swap3A_171, %swap3A_172], %swap3A_175 {strides = array<i32>} : memref<400x32xf32, #tpu.memory_space<vmem>>, vector<1x16xf32>,
      %broadcast_in_dim3A_176 = arith.constant 4 : i32
      %broadcast_in_dim3A_177 = vector.broadcast %broadcast_in_dim3A_176 : i32 to vector<16x1xi32>
      %gather3A_178 = vector.shape_cast %broadcast_in_dim3A_177 : vector<16x1xi32> to vector<16xi32>
      %gather3A_179 = tpu.dynamic_gather %get3A_66[%gather3A_178] in [0] : vector<16xf32>, vector<16xi32> -> vector<16xf32>
      %mul3A_180 = arith.constant 16 : i32
      %mul3A_181 = arith.muli %scan3A_60, %mul3A_180 : i32
      %add3A_182 = arith.constant 4 : i32
      %add3A_183 = arith.addi %mul3A_181, %add3A_182 : i32
      %get3A_184 = arith.index_cast %add3A_183 : i32 to index
      %get3A_185 = arith.constant 0 : index
      %get3A_186 = tpu.vector_load %arg13[%get3A_184, %get3A_185] {strides = array<i32>} : memref<400x32xf32, #tpu.memory_space<vmem>>, vector<1x16xf32>,
      %get3A_187 = vector.shape_cast %get3A_186 : vector<1x16xf32> to vector<16xf32>
      %mul3A_188 = arith.mulf %get3A_187, %gather3A_179 : vector<16xf32>
      %swap3A_189 = arith.index_cast %add3A_183 : i32 to index
      %swap3A_190 = arith.constant 0 : index
      %swap3A_191 = tpu.vector_load %arg13[%swap3A_189, %swap3A_190] {strides = array<i32>} : memref<400x32xf32, #tpu.memory_space<vmem>>, vector<1x16xf32>,
      %swap3A_192 = vector.shape_cast %swap3A_191 : vector<1x16xf32> to vector<16xf32>
      %swap3A_193 = vector.shape_cast %mul3A_188 : vector<16xf32> to vector<1x16xf32>
      tpu.vector_store %arg13[%swap3A_189, %swap3A_190], %swap3A_193 {strides = array<i32>} : memref<400x32xf32, #tpu.memory_space<vmem>>, vector<1x16xf32>,
      %get3A_194 = arith.index_cast %add3A_183 : i32 to index
      %get3A_195 = arith.constant 16 : index
      %get3A_196 = tpu.vector_load %arg13[%get3A_194, %get3A_195] {strides = array<i32>} : memref<400x32xf32, #tpu.memory_space<vmem>>, vector<1x16xf32>,
      %get3A_197 = vector.shape_cast %get3A_196 : vector<1x16xf32> to vector<16xf32>
      %mul3A_198 = arith.mulf %get3A_197, %gather3A_179 : vector<16xf32>
      %swap3A_199 = arith.index_cast %add3A_183 : i32 to index
      %swap3A_200 = arith.constant 16 : index
      %swap3A_201 = tpu.vector_load %arg13[%swap3A_199, %swap3A_200] {strides = array<i32>} : memref<400x32xf32, #tpu.memory_space<vmem>>, vector<1x16xf32>,
      %swap3A_202 = vector.shape_cast %swap3A_201 : vector<1x16xf32> to vector<16xf32>
      %swap3A_203 = vector.shape_cast %mul3A_198 : vector<16xf32> to vector<1x16xf32>
      tpu.vector_store %arg13[%swap3A_199, %swap3A_200], %swap3A_203 {strides = array<i32>} : memref<400x32xf32, #tpu.memory_space<vmem>>, vector<1x16xf32>,
      %broadcast_in_dim3A_204 = arith.constant 5 : i32
      %broadcast_in_dim3A_205 = vector.broadcast %broadcast_in_dim3A_204 : i32 to vector<16x1xi32>
      %gather3A_206 = vector.shape_cast %broadcast_in_dim3A_205 : vector<16x1xi32> to vector<16xi32>
      %gather3A_207 = tpu.dynamic_gather %get3A_66[%gather3A_206] in [0] : vector<16xf32>, vector<16xi32> -> vector<16xf32>
      %mul3A_208 = arith.constant 16 : i32
      %mul3A_209 = arith.muli %scan3A_60, %mul3A_208 : i32
      %add3A_210 = arith.constant 5 : i32
      %add3A_211 = arith.addi %mul3A_209, %add3A_210 : i32
      %get3A_212 = arith.index_cast %add3A_211 : i32 to index
      %get3A_213 = arith.constant 0 : index
      %get3A_214 = tpu.vector_load %arg13[%get3A_212, %get3A_213] {strides = array<i32>} : memref<400x32xf32, #tpu.memory_space<vmem>>, vector<1x16xf32>,
      %get3A_215 = vector.shape_cast %get3A_214 : vector<1x16xf32> to vector<16xf32>
      %mul3A_216 = arith.mulf %get3A_215, %gather3A_207 : vector<16xf32>
      %swap3A_217 = arith.index_cast %add3A_211 : i32 to index
      %swap3A_218 = arith.constant 0 : index
      %swap3A_219 = tpu.vector_load %arg13[%swap3A_217, %swap3A_218] {strides = array<i32>} : memref<400x32xf32, #tpu.memory_space<vmem>>, vector<1x16xf32>,
      %swap3A_220 = vector.shape_cast %swap3A_219 : vector<1x16xf32> to vector<16xf32>
      %swap3A_221 = vector.shape_cast %mul3A_216 : vector<16xf32> to vector<1x16xf32>
      tpu.vector_store %arg13[%swap3A_217, %swap3A_218], %swap3A_221 {strides = array<i32>} : memref<400x32xf32, #tpu.memory_space<vmem>>, vector<1x16xf32>,
      %get3A_222 = arith.index_cast %add3A_211 : i32 to index
      %get3A_223 = arith.constant 16 : index
      %get3A_224 = tpu.vector_load %arg13[%get3A_222, %get3A_223] {strides = array<i32>} : memref<400x32xf32, #tpu.memory_space<vmem>>, vector<1x16xf32>,
      %get3A_225 = vector.shape_cast %get3A_224 : vector<1x16xf32> to vector<16xf32>
      %mul3A_226 = arith.mulf %get3A_225, %gather3A_207 : vector<16xf32>
      %swap3A_227 = arith.index_cast %add3A_211 : i32 to index
      %swap3A_228 = arith.constant 16 : index
      %swap3A_229 = tpu.vector_load %arg13[%swap3A_227, %swap3A_228] {strides = array<i32>} : memref<400x32xf32, #tpu.memory_space<vmem>>, vector<1x16xf32>,
      %swap3A_230 = vector.shape_cast %swap3A_229 : vector<1x16xf32> to vector<16xf32>
      %swap3A_231 = vector.shape_cast %mul3A_226 : vector<16xf32> to vector<1x16xf32>
      tpu.vector_store %arg13[%swap3A_227, %swap3A_228], %swap3A_231 {strides = array<i32>} : memref<400x32xf32, #tpu.memory_space<vmem>>, vector<1x16xf32>,
      %broadcast_in_dim3A_232 = arith.constant 6 : i32
      %broadcast_in_dim3A_233 = vector.broadcast %broadcast_in_dim3A_232 : i32 to vector<16x1xi32>
      %gather3A_234 = vector.shape_cast %broadcast_in_dim3A_233 : vector<16x1xi32> to vector<16xi32>
      %gather3A_235 = tpu.dynamic_gather %get3A_66[%gather3A_234] in [0] : vector<16xf32>, vector<16xi32> -> vector<16xf32>
      %mul3A_236 = arith.constant 16 : i32
      %mul3A_237 = arith.muli %scan3A_60, %mul3A_236 : i32
      %add3A_238 = arith.constant 6 : i32
      %add3A_239 = arith.addi %mul3A_237, %add3A_238 : i32
      %get3A_240 = arith.index_cast %add3A_239 : i32 to index
      %get3A_241 = arith.constant 0 : index
      %get3A_242 = tpu.vector_load %arg13[%get3A_240, %get3A_241] {strides = array<i32>} : memref<400x32xf32, #tpu.memory_space<vmem>>, vector<1x16xf32>,
      %get3A_243 = vector.shape_cast %get3A_242 : vector<1x16xf32> to vector<16xf32>
      %mul3A_244 = arith.mulf %get3A_243, %gather3A_235 : vector<16xf32>
      %swap3A_245 = arith.index_cast %add3A_239 : i32 to index
      %swap3A_246 = arith.constant 0 : index
      %swap3A_247 = tpu.vector_load %arg13[%swap3A_245, %swap3A_246] {strides = array<i32>} : memref<400x32xf32, #tpu.memory_space<vmem>>, vector<1x16xf32>,
      %swap3A_248 = vector.shape_cast %swap3A_247 : vector<1x16xf32> to vector<16xf32>
      %swap3A_249 = vector.shape_cast %mul3A_244 : vector<16xf32> to vector<1x16xf32>
      tpu.vector_store %arg13[%swap3A_245, %swap3A_246], %swap3A_249 {strides = array<i32>} : memref<400x32xf32, #tpu.memory_space<vmem>>, vector<1x16xf32>,
      %get3A_250 = arith.index_cast %add3A_239 : i32 to index
      %get3A_251 = arith.constant 16 : index
      %get3A_252 = tpu.vector_load %arg13[%get3A_250, %get3A_251] {strides = array<i32>} : memref<400x32xf32, #tpu.memory_space<vmem>>, vector<1x16xf32>,
      %get3A_253 = vector.shape_cast %get3A_252 : vector<1x16xf32> to vector<16xf32>
      %mul3A_254 = arith.mulf %get3A_253, %gather3A_235 : vector<16xf32>
      %swap3A_255 = arith.index_cast %add3A_239 : i32 to index
      %swap3A_256 = arith.constant 16 : index
      %swap3A_257 = tpu.vector_load %arg13[%swap3A_255, %swap3A_256] {strides = array<i32>} : memref<400x32xf32, #tpu.memory_space<vmem>>, vector<1x16xf32>,
      %swap3A_258 = vector.shape_cast %swap3A_257 : vector<1x16xf32> to vector<16xf32>
      %swap3A_259 = vector.shape_cast %mul3A_254 : vector<16xf32> to vector<1x16xf32>
      tpu.vector_store %arg13[%swap3A_255, %swap3A_256], %swap3A_259 {strides = array<i32>} : memref<400x32xf32, #tpu.memory_space<vmem>>, vector<1x16xf32>,
      %broadcast_in_dim3A_260 = arith.constant 7 : i32
      %broadcast_in_dim3A_261 = vector.broadcast %broadcast_in_dim3A_260 : i32 to vector<16x1xi32>
      %gather3A_262 = vector.shape_cast %broadcast_in_dim3A_261 : vector<16x1xi32> to vector<16xi32>
      %gather3A_263 = tpu.dynamic_gather %get3A_66[%gather3A_262] in [0] : vector<16xf32>, vector<16xi32> -> vector<16xf32>
      %mul3A_264 = arith.constant 16 : i32
      %mul3A_265 = arith.muli %scan3A_60, %mul3A_264 : i32
      %add3A_266 = arith.constant 7 : i32
      %add3A_267 = arith.addi %mul3A_265, %add3A_266 : i32
      %get3A_268 = arith.index_cast %add3A_267 : i32 to index
      %get3A_269 = arith.constant 0 : index
      %get3A_270 = tpu.vector_load %arg13[%get3A_268, %get3A_269] {strides = array<i32>} : memref<400x32xf32, #tpu.memory_space<vmem>>, vector<1x16xf32>,
      %get3A_271 = vector.shape_cast %get3A_270 : vector<1x16xf32> to vector<16xf32>
      %mul3A_272 = arith.mulf %get3A_271, %gather3A_263 : vector<16xf32>
      %swap3A_273 = arith.index_cast %add3A_267 : i32 to index
      %swap3A_274 = arith.constant 0 : index
      %swap3A_275 = tpu.vector_load %arg13[%swap3A_273, %swap3A_274] {strides = array<i32>} : memref<400x32xf32, #tpu.memory_space<vmem>>, vector<1x16xf32>,
      %swap3A_276 = vector.shape_cast %swap3A_275 : vector<1x16xf32> to vector<16xf32>
      %swap3A_277 = vector.shape_cast %mul3A_272 : vector<16xf32> to vector<1x16xf32>
      tpu.vector_store %arg13[%swap3A_273, %swap3A_274], %swap3A_277 {strides = array<i32>} : memref<400x32xf32, #tpu.memory_space<vmem>>, vector<1x16xf32>,
      %get3A_278 = arith.index_cast %add3A_267 : i32 to index
      %get3A_279 = arith.constant 16 : index
      %get3A_280 = tpu.vector_load %arg13[%get3A_278, %get3A_279] {strides = array<i32>} : memref<400x32xf32, #tpu.memory_space<vmem>>, vector<1x16xf32>,
      %get3A_281 = vector.shape_cast %get3A_280 : vector<1x16xf32> to vector<16xf32>
      %mul3A_282 = arith.mulf %get3A_281, %gather3A_263 : vector<16xf32>
      %swap3A_283 = arith.index_cast %add3A_267 : i32 to index
      %swap3A_284 = arith.constant 16 : index
      %swap3A_285 = tpu.vector_load %arg13[%swap3A_283, %swap3A_284] {strides = array<i32>} : memref<400x32xf32, #tpu.memory_space<vmem>>, vector<1x16xf32>,
      %swap3A_286 = vector.shape_cast %swap3A_285 : vector<1x16xf32> to vector<16xf32>
      %swap3A_287 = vector.shape_cast %mul3A_282 : vector<16xf32> to vector<1x16xf32>
      tpu.vector_store %arg13[%swap3A_283, %swap3A_284], %swap3A_287 {strides = array<i32>} : memref<400x32xf32, #tpu.memory_space<vmem>>, vector<1x16xf32>,
      %broadcast_in_dim3A_288 = arith.constant 8 : i32
      %broadcast_in_dim3A_289 = vector.broadcast %broadcast_in_dim3A_288 : i32 to vector<16x1xi32>
      %gather3A_290 = vector.shape_cast %broadcast_in_dim3A_289 : vector<16x1xi32> to vector<16xi32>
      %gather3A_291 = tpu.dynamic_gather %get3A_66[%gather3A_290] in [0] : vector<16xf32>, vector<16xi32> -> vector<16xf32>
      %mul3A_292 = arith.constant 16 : i32
      %mul3A_293 = arith.muli %scan3A_60, %mul3A_292 : i32
      %add3A_294 = arith.constant 8 : i32
      %add3A_295 = arith.addi %mul3A_293, %add3A_294 : i32
      %get3A_296 = arith.index_cast %add3A_295 : i32 to index
      %get3A_297 = arith.constant 0 : index
      %get3A_298 = tpu.vector_load %arg13[%get3A_296, %get3A_297] {strides = array<i32>} : memref<400x32xf32, #tpu.memory_space<vmem>>, vector<1x16xf32>,
      %get3A_299 = vector.shape_cast %get3A_298 : vector<1x16xf32> to vector<16xf32>
      %mul3A_300 = arith.mulf %get3A_299, %gather3A_291 : vector<16xf32>
      %swap3A_301 = arith.index_cast %add3A_295 : i32 to index
      %swap3A_302 = arith.constant 0 : index
      %swap3A_303 = tpu.vector_load %arg13[%swap3A_301, %swap3A_302] {strides = array<i32>} : memref<400x32xf32, #tpu.memory_space<vmem>>, vector<1x16xf32>,
      %swap3A_304 = vector.shape_cast %swap3A_303 : vector<1x16xf32> to vector<16xf32>
      %swap3A_305 = vector.shape_cast %mul3A_300 : vector<16xf32> to vector<1x16xf32>
      tpu.vector_store %arg13[%swap3A_301, %swap3A_302], %swap3A_305 {strides = array<i32>} : memref<400x32xf32, #tpu.memory_space<vmem>>, vector<1x16xf32>,
      %get3A_306 = arith.index_cast %add3A_295 : i32 to index
      %get3A_307 = arith.constant 16 : index
      %get3A_308 = tpu.vector_load %arg13[%get3A_306, %get3A_307] {strides = array<i32>} : memref<400x32xf32, #tpu.memory_space<vmem>>, vector<1x16xf32>,
      %get3A_309 = vector.shape_cast %get3A_308 : vector<1x16xf32> to vector<16xf32>
      %mul3A_310 = arith.mulf %get3A_309, %gather3A_291 : vector<16xf32>
      %swap3A_311 = arith.index_cast %add3A_295 : i32 to index
      %swap3A_312 = arith.constant 16 : index
      %swap3A_313 = tpu.vector_load %arg13[%swap3A_311, %swap3A_312] {strides = array<i32>} : memref<400x32xf32, #tpu.memory_space<vmem>>, vector<1x16xf32>,
      %swap3A_314 = vector.shape_cast %swap3A_313 : vector<1x16xf32> to vector<16xf32>
      %swap3A_315 = vector.shape_cast %mul3A_310 : vector<16xf32> to vector<1x16xf32>
      tpu.vector_store %arg13[%swap3A_311, %swap3A_312], %swap3A_315 {strides = array<i32>} : memref<400x32xf32, #tpu.memory_space<vmem>>, vector<1x16xf32>,
      %broadcast_in_dim3A_316 = arith.constant 9 : i32
      %broadcast_in_dim3A_317 = vector.broadcast %broadcast_in_dim3A_316 : i32 to vector<16x1xi32>
      %gather3A_318 = vector.shape_cast %broadcast_in_dim3A_317 : vector<16x1xi32> to vector<16xi32>
      %gather3A_319 = tpu.dynamic_gather %get3A_66[%gather3A_318] in [0] : vector<16xf32>, vector<16xi32> -> vector<16xf32>
      %mul3A_320 = arith.constant 16 : i32
      %mul3A_321 = arith.muli %scan3A_60, %mul3A_320 : i32
      %add3A_322 = arith.constant 9 : i32
      %add3A_323 = arith.addi %mul3A_321, %add3A_322 : i32
      %get3A_324 = arith.index_cast %add3A_323 : i32 to index
      %get3A_325 = arith.constant 0 : index
      %get3A_326 = tpu.vector_load %arg13[%get3A_324, %get3A_325] {strides = array<i32>} : memref<400x32xf32, #tpu.memory_space<vmem>>, vector<1x16xf32>,
      %get3A_327 = vector.shape_cast %get3A_326 : vector<1x16xf32> to vector<16xf32>
      %mul3A_328 = arith.mulf %get3A_327, %gather3A_319 : vector<16xf32>
      %swap3A_329 = arith.index_cast %add3A_323 : i32 to index
      %swap3A_330 = arith.constant 0 : index
      %swap3A_331 = tpu.vector_load %arg13[%swap3A_329, %swap3A_330] {strides = array<i32>} : memref<400x32xf32, #tpu.memory_space<vmem>>, vector<1x16xf32>,
      %swap3A_332 = vector.shape_cast %swap3A_331 : vector<1x16xf32> to vector<16xf32>
      %swap3A_333 = vector.shape_cast %mul3A_328 : vector<16xf32> to vector<1x16xf32>
      tpu.vector_store %arg13[%swap3A_329, %swap3A_330], %swap3A_333 {strides = array<i32>} : memref<400x32xf32, #tpu.memory_space<vmem>>, vector<1x16xf32>,
      %get3A_334 = arith.index_cast %add3A_323 : i32 to index
      %get3A_335 = arith.constant 16 : index
      %get3A_336 = tpu.vector_load %arg13[%get3A_334, %get3A_335] {strides = array<i32>} : memref<400x32xf32, #tpu.memory_space<vmem>>, vector<1x16xf32>,
      %get3A_337 = vector.shape_cast %get3A_336 : vector<1x16xf32> to vector<16xf32>
      %mul3A_338 = arith.mulf %get3A_337, %gather3A_319 : vector<16xf32>
      %swap3A_339 = arith.index_cast %add3A_323 : i32 to index
      %swap3A_340 = arith.constant 16 : index
      %swap3A_341 = tpu.vector_load %arg13[%swap3A_339, %swap3A_340] {strides = array<i32>} : memref<400x32xf32, #tpu.memory_space<vmem>>, vector<1x16xf32>,
      %swap3A_342 = vector.shape_cast %swap3A_341 : vector<1x16xf32> to vector<16xf32>
      %swap3A_343 = vector.shape_cast %mul3A_338 : vector<16xf32> to vector<1x16xf32>
      tpu.vector_store %arg13[%swap3A_339, %swap3A_340], %swap3A_343 {strides = array<i32>} : memref<400x32xf32, #tpu.memory_space<vmem>>, vector<1x16xf32>,
      %broadcast_in_dim3A_344 = arith.constant 10 : i32
      %broadcast_in_dim3A_345 = vector.broadcast %broadcast_in_dim3A_344 : i32 to vector<16x1xi32>
      %gather3A_346 = vector.shape_cast %broadcast_in_dim3A_345 : vector<16x1xi32> to vector<16xi32>
      %gather3A_347 = tpu.dynamic_gather %get3A_66[%gather3A_346] in [0] : vector<16xf32>, vector<16xi32> -> vector<16xf32>
      %mul3A_348 = arith.constant 16 : i32
      %mul3A_349 = arith.muli %scan3A_60, %mul3A_348 : i32
      %add3A_350 = arith.constant 10 : i32
      %add3A_351 = arith.addi %mul3A_349, %add3A_350 : i32
      %get3A_352 = arith.index_cast %add3A_351 : i32 to index
      %get3A_353 = arith.constant 0 : index
      %get3A_354 = tpu.vector_load %arg13[%get3A_352, %get3A_353] {strides = array<i32>} : memref<400x32xf32, #tpu.memory_space<vmem>>, vector<1x16xf32>,
      %get3A_355 = vector.shape_cast %get3A_354 : vector<1x16xf32> to vector<16xf32>
      %mul3A_356 = arith.mulf %get3A_355, %gather3A_347 : vector<16xf32>
      %swap3A_357 = arith.index_cast %add3A_351 : i32 to index
      %swap3A_358 = arith.constant 0 : index
      %swap3A_359 = tpu.vector_load %arg13[%swap3A_357, %swap3A_358] {strides = array<i32>} : memref<400x32xf32, #tpu.memory_space<vmem>>, vector<1x16xf32>,
      %swap3A_360 = vector.shape_cast %swap3A_359 : vector<1x16xf32> to vector<16xf32>
      %swap3A_361 = vector.shape_cast %mul3A_356 : vector<16xf32> to vector<1x16xf32>
      tpu.vector_store %arg13[%swap3A_357, %swap3A_358], %swap3A_361 {strides = array<i32>} : memref<400x32xf32, #tpu.memory_space<vmem>>, vector<1x16xf32>,
      %get3A_362 = arith.index_cast %add3A_351 : i32 to index
      %get3A_363 = arith.constant 16 : index
      %get3A_364 = tpu.vector_load %arg13[%get3A_362, %get3A_363] {strides = array<i32>} : memref<400x32xf32, #tpu.memory_space<vmem>>, vector<1x16xf32>,
      %get3A_365 = vector.shape_cast %get3A_364 : vector<1x16xf32> to vector<16xf32>
      %mul3A_366 = arith.mulf %get3A_365, %gather3A_347 : vector<16xf32>
      %swap3A_367 = arith.index_cast %add3A_351 : i32 to index
      %swap3A_368 = arith.constant 16 : index
      %swap3A_369 = tpu.vector_load %arg13[%swap3A_367, %swap3A_368] {strides = array<i32>} : memref<400x32xf32, #tpu.memory_space<vmem>>, vector<1x16xf32>,
      %swap3A_370 = vector.shape_cast %swap3A_369 : vector<1x16xf32> to vector<16xf32>
      %swap3A_371 = vector.shape_cast %mul3A_366 : vector<16xf32> to vector<1x16xf32>
      tpu.vector_store %arg13[%swap3A_367, %swap3A_368], %swap3A_371 {strides = array<i32>} : memref<400x32xf32, #tpu.memory_space<vmem>>, vector<1x16xf32>,
      %broadcast_in_dim3A_372 = arith.constant 11 : i32
      %broadcast_in_dim3A_373 = vector.broadcast %broadcast_in_dim3A_372 : i32 to vector<16x1xi32>
      %gather3A_374 = vector.shape_cast %broadcast_in_dim3A_373 : vector<16x1xi32> to vector<16xi32>
      %gather3A_375 = tpu.dynamic_gather %get3A_66[%gather3A_374] in [0] : vector<16xf32>, vector<16xi32> -> vector<16xf32>
      %mul3A_376 = arith.constant 16 : i32
      %mul3A_377 = arith.muli %scan3A_60, %mul3A_376 : i32
      %add3A_378 = arith.constant 11 : i32
      %add3A_379 = arith.addi %mul3A_377, %add3A_378 : i32
      %get3A_380 = arith.index_cast %add3A_379 : i32 to index
      %get3A_381 = arith.constant 0 : index
      %get3A_382 = tpu.vector_load %arg13[%get3A_380, %get3A_381] {strides = array<i32>} : memref<400x32xf32, #tpu.memory_space<vmem>>, vector<1x16xf32>,
      %get3A_383 = vector.shape_cast %get3A_382 : vector<1x16xf32> to vector<16xf32>
      %mul3A_384 = arith.mulf %get3A_383, %gather3A_375 : vector<16xf32>
      %swap3A_385 = arith.index_cast %add3A_379 : i32 to index
      %swap3A_386 = arith.constant 0 : index
      %swap3A_387 = tpu.vector_load %arg13[%swap3A_385, %swap3A_386] {strides = array<i32>} : memref<400x32xf32, #tpu.memory_space<vmem>>, vector<1x16xf32>,
      %swap3A_388 = vector.shape_cast %swap3A_387 : vector<1x16xf32> to vector<16xf32>
      %swap3A_389 = vector.shape_cast %mul3A_384 : vector<16xf32> to vector<1x16xf32>
      tpu.vector_store %arg13[%swap3A_385, %swap3A_386], %swap3A_389 {strides = array<i32>} : memref<400x32xf32, #tpu.memory_space<vmem>>, vector<1x16xf32>,
      %get3A_390 = arith.index_cast %add3A_379 : i32 to index
      %get3A_391 = arith.constant 16 : index
      %get3A_392 = tpu.vector_load %arg13[%get3A_390, %get3A_391] {strides = array<i32>} : memref<400x32xf32, #tpu.memory_space<vmem>>, vector<1x16xf32>,
      %get3A_393 = vector.shape_cast %get3A_392 : vector<1x16xf32> to vector<16xf32>
      %mul3A_394 = arith.mulf %get3A_393, %gather3A_375 : vector<16xf32>
      %swap3A_395 = arith.index_cast %add3A_379 : i32 to index
      %swap3A_396 = arith.constant 16 : index
      %swap3A_397 = tpu.vector_load %arg13[%swap3A_395, %swap3A_396] {strides = array<i32>} : memref<400x32xf32, #tpu.memory_space<vmem>>, vector<1x16xf32>,
      %swap3A_398 = vector.shape_cast %swap3A_397 : vector<1x16xf32> to vector<16xf32>
      %swap3A_399 = vector.shape_cast %mul3A_394 : vector<16xf32> to vector<1x16xf32>
      tpu.vector_store %arg13[%swap3A_395, %swap3A_396], %swap3A_399 {strides = array<i32>} : memref<400x32xf32, #tpu.memory_space<vmem>>, vector<1x16xf32>,
      %broadcast_in_dim3A_400 = arith.constant 12 : i32
      %broadcast_in_dim3A_401 = vector.broadcast %broadcast_in_dim3A_400 : i32 to vector<16x1xi32>
      %gather3A_402 = vector.shape_cast %broadcast_in_dim3A_401 : vector<16x1xi32> to vector<16xi32>
      %gather3A_403 = tpu.dynamic_gather %get3A_66[%gather3A_402] in [0] : vector<16xf32>, vector<16xi32> -> vector<16xf32>
      %mul3A_404 = arith.constant 16 : i32
      %mul3A_405 = arith.muli %scan3A_60, %mul3A_404 : i32
      %add3A_406 = arith.constant 12 : i32
      %add3A_407 = arith.addi %mul3A_405, %add3A_406 : i32
      %get3A_408 = arith.index_cast %add3A_407 : i32 to index
      %get3A_409 = arith.constant 0 : index
      %get3A_410 = tpu.vector_load %arg13[%get3A_408, %get3A_409] {strides = array<i32>} : memref<400x32xf32, #tpu.memory_space<vmem>>, vector<1x16xf32>,
      %get3A_411 = vector.shape_cast %get3A_410 : vector<1x16xf32> to vector<16xf32>
      %mul3A_412 = arith.mulf %get3A_411, %gather3A_403 : vector<16xf32>
      %swap3A_413 = arith.index_cast %add3A_407 : i32 to index
      %swap3A_414 = arith.constant 0 : index
      %swap3A_415 = tpu.vector_load %arg13[%swap3A_413, %swap3A_414] {strides = array<i32>} : memref<400x32xf32, #tpu.memory_space<vmem>>, vector<1x16xf32>,
      %swap3A_416 = vector.shape_cast %swap3A_415 : vector<1x16xf32> to vector<16xf32>
      %swap3A_417 = vector.shape_cast %mul3A_412 : vector<16xf32> to vector<1x16xf32>
      tpu.vector_store %arg13[%swap3A_413, %swap3A_414], %swap3A_417 {strides = array<i32>} : memref<400x32xf32, #tpu.memory_space<vmem>>, vector<1x16xf32>,
      %get3A_418 = arith.index_cast %add3A_407 : i32 to index
      %get3A_419 = arith.constant 16 : index
      %get3A_420 = tpu.vector_load %arg13[%get3A_418, %get3A_419] {strides = array<i32>} : memref<400x32xf32, #tpu.memory_space<vmem>>, vector<1x16xf32>,
      %get3A_421 = vector.shape_cast %get3A_420 : vector<1x16xf32> to vector<16xf32>
      %mul3A_422 = arith.mulf %get3A_421, %gather3A_403 : vector<16xf32>
      %swap3A_423 = arith.index_cast %add3A_407 : i32 to index
      %swap3A_424 = arith.constant 16 : index
      %swap3A_425 = tpu.vector_load %arg13[%swap3A_423, %swap3A_424] {strides = array<i32>} : memref<400x32xf32, #tpu.memory_space<vmem>>, vector<1x16xf32>,
      %swap3A_426 = vector.shape_cast %swap3A_425 : vector<1x16xf32> to vector<16xf32>
      %swap3A_427 = vector.shape_cast %mul3A_422 : vector<16xf32> to vector<1x16xf32>
      tpu.vector_store %arg13[%swap3A_423, %swap3A_424], %swap3A_427 {strides = array<i32>} : memref<400x32xf32, #tpu.memory_space<vmem>>, vector<1x16xf32>,
      %broadcast_in_dim3A_428 = arith.constant 13 : i32
      %broadcast_in_dim3A_429 = vector.broadcast %broadcast_in_dim3A_428 : i32 to vector<16x1xi32>
      %gather3A_430 = vector.shape_cast %broadcast_in_dim3A_429 : vector<16x1xi32> to vector<16xi32>
      %gather3A_431 = tpu.dynamic_gather %get3A_66[%gather3A_430] in [0] : vector<16xf32>, vector<16xi32> -> vector<16xf32>
      %mul3A_432 = arith.constant 16 : i32
      %mul3A_433 = arith.muli %scan3A_60, %mul3A_432 : i32
      %add3A_434 = arith.constant 13 : i32
      %add3A_435 = arith.addi %mul3A_433, %add3A_434 : i32
      %get3A_436 = arith.index_cast %add3A_435 : i32 to index
      %get3A_437 = arith.constant 0 : index
      %get3A_438 = tpu.vector_load %arg13[%get3A_436, %get3A_437] {strides = array<i32>} : memref<400x32xf32, #tpu.memory_space<vmem>>, vector<1x16xf32>,
      %get3A_439 = vector.shape_cast %get3A_438 : vector<1x16xf32> to vector<16xf32>
      %mul3A_440 = arith.mulf %get3A_439, %gather3A_431 : vector<16xf32>
      %swap3A_441 = arith.index_cast %add3A_435 : i32 to index
      %swap3A_442 = arith.constant 0 : index
      %swap3A_443 = tpu.vector_load %arg13[%swap3A_441, %swap3A_442] {strides = array<i32>} : memref<400x32xf32, #tpu.memory_space<vmem>>, vector<1x16xf32>,
      %swap3A_444 = vector.shape_cast %swap3A_443 : vector<1x16xf32> to vector<16xf32>
      %swap3A_445 = vector.shape_cast %mul3A_440 : vector<16xf32> to vector<1x16xf32>
      tpu.vector_store %arg13[%swap3A_441, %swap3A_442], %swap3A_445 {strides = array<i32>} : memref<400x32xf32, #tpu.memory_space<vmem>>, vector<1x16xf32>,
      %get3A_446 = arith.index_cast %add3A_435 : i32 to index
      %get3A_447 = arith.constant 16 : index
      %get3A_448 = tpu.vector_load %arg13[%get3A_446, %get3A_447] {strides = array<i32>} : memref<400x32xf32, #tpu.memory_space<vmem>>, vector<1x16xf32>,
      %get3A_449 = vector.shape_cast %get3A_448 : vector<1x16xf32> to vector<16xf32>
      %mul3A_450 = arith.mulf %get3A_449, %gather3A_431 : vector<16xf32>
      %swap3A_451 = arith.index_cast %add3A_435 : i32 to index
      %swap3A_452 = arith.constant 16 : index
      %swap3A_453 = tpu.vector_load %arg13[%swap3A_451, %swap3A_452] {strides = array<i32>} : memref<400x32xf32, #tpu.memory_space<vmem>>, vector<1x16xf32>,
      %swap3A_454 = vector.shape_cast %swap3A_453 : vector<1x16xf32> to vector<16xf32>
      %swap3A_455 = vector.shape_cast %mul3A_450 : vector<16xf32> to vector<1x16xf32>
      tpu.vector_store %arg13[%swap3A_451, %swap3A_452], %swap3A_455 {strides = array<i32>} : memref<400x32xf32, #tpu.memory_space<vmem>>, vector<1x16xf32>,
      %broadcast_in_dim3A_456 = arith.constant 14 : i32
      %broadcast_in_dim3A_457 = vector.broadcast %broadcast_in_dim3A_456 : i32 to vector<16x1xi32>
      %gather3A_458 = vector.shape_cast %broadcast_in_dim3A_457 : vector<16x1xi32> to vector<16xi32>
      %gather3A_459 = tpu.dynamic_gather %get3A_66[%gather3A_458] in [0] : vector<16xf32>, vector<16xi32> -> vector<16xf32>
      %mul3A_460 = arith.constant 16 : i32
      %mul3A_461 = arith.muli %scan3A_60, %mul3A_460 : i32
      %add3A_462 = arith.constant 14 : i32
      %add3A_463 = arith.addi %mul3A_461, %add3A_462 : i32
      %get3A_464 = arith.index_cast %add3A_463 : i32 to index
      %get3A_465 = arith.constant 0 : index
      %get3A_466 = tpu.vector_load %arg13[%get3A_464, %get3A_465] {strides = array<i32>} : memref<400x32xf32, #tpu.memory_space<vmem>>, vector<1x16xf32>,
      %get3A_467 = vector.shape_cast %get3A_466 : vector<1x16xf32> to vector<16xf32>
      %mul3A_468 = arith.mulf %get3A_467, %gather3A_459 : vector<16xf32>
      %swap3A_469 = arith.index_cast %add3A_463 : i32 to index
      %swap3A_470 = arith.constant 0 : index
      %swap3A_471 = tpu.vector_load %arg13[%swap3A_469, %swap3A_470] {strides = array<i32>} : memref<400x32xf32, #tpu.memory_space<vmem>>, vector<1x16xf32>,
      %swap3A_472 = vector.shape_cast %swap3A_471 : vector<1x16xf32> to vector<16xf32>
      %swap3A_473 = vector.shape_cast %mul3A_468 : vector<16xf32> to vector<1x16xf32>
      tpu.vector_store %arg13[%swap3A_469, %swap3A_470], %swap3A_473 {strides = array<i32>} : memref<400x32xf32, #tpu.memory_space<vmem>>, vector<1x16xf32>,
      %get3A_474 = arith.index_cast %add3A_463 : i32 to index
      %get3A_475 = arith.constant 16 : index
      %get3A_476 = tpu.vector_load %arg13[%get3A_474, %get3A_475] {strides = array<i32>} : memref<400x32xf32, #tpu.memory_space<vmem>>, vector<1x16xf32>,
      %get3A_477 = vector.shape_cast %get3A_476 : vector<1x16xf32> to vector<16xf32>
      %mul3A_478 = arith.mulf %get3A_477, %gather3A_459 : vector<16xf32>
      %swap3A_479 = arith.index_cast %add3A_463 : i32 to index
      %swap3A_480 = arith.constant 16 : index
      %swap3A_481 = tpu.vector_load %arg13[%swap3A_479, %swap3A_480] {strides = array<i32>} : memref<400x32xf32, #tpu.memory_space<vmem>>, vector<1x16xf32>,
      %swap3A_482 = vector.shape_cast %swap3A_481 : vector<1x16xf32> to vector<16xf32>
      %swap3A_483 = vector.shape_cast %mul3A_478 : vector<16xf32> to vector<1x16xf32>
      tpu.vector_store %arg13[%swap3A_479, %swap3A_480], %swap3A_483 {strides = array<i32>} : memref<400x32xf32, #tpu.memory_space<vmem>>, vector<1x16xf32>,
      %broadcast_in_dim3A_484 = arith.constant 15 : i32
      %broadcast_in_dim3A_485 = vector.broadcast %broadcast_in_dim3A_484 : i32 to vector<16x1xi32>
      %gather3A_486 = vector.shape_cast %broadcast_in_dim3A_485 : vector<16x1xi32> to vector<16xi32>
      %gather3A_487 = tpu.dynamic_gather %get3A_66[%gather3A_486] in [0] : vector<16xf32>, vector<16xi32> -> vector<16xf32>
      %mul3A_488 = arith.constant 16 : i32
      %mul3A_489 = arith.muli %scan3A_60, %mul3A_488 : i32
      %add3A_490 = arith.constant 15 : i32
      %add3A_491 = arith.addi %mul3A_489, %add3A_490 : i32
      %get3A_492 = arith.index_cast %add3A_491 : i32 to index
      %get3A_493 = arith.constant 0 : index
      %get3A_494 = tpu.vector_load %arg13[%get3A_492, %get3A_493] {strides = array<i32>} : memref<400x32xf32, #tpu.memory_space<vmem>>, vector<1x16xf32>,
      %get3A_495 = vector.shape_cast %get3A_494 : vector<1x16xf32> to vector<16xf32>
      %mul3A_496 = arith.mulf %get3A_495, %gather3A_487 : vector<16xf32>
      %swap3A_497 = arith.index_cast %add3A_491 : i32 to index
      %swap3A_498 = arith.constant 0 : index
      %swap3A_499 = tpu.vector_load %arg13[%swap3A_497, %swap3A_498] {strides = array<i32>} : memref<400x32xf32, #tpu.memory_space<vmem>>, vector<1x16xf32>,
      %swap3A_500 = vector.shape_cast %swap3A_499 : vector<1x16xf32> to vector<16xf32>
      %swap3A_501 = vector.shape_cast %mul3A_496 : vector<16xf32> to vector<1x16xf32>
      tpu.vector_store %arg13[%swap3A_497, %swap3A_498], %swap3A_501 {strides = array<i32>} : memref<400x32xf32, #tpu.memory_space<vmem>>, vector<1x16xf32>,
      %get3A_502 = arith.index_cast %add3A_491 : i32 to index
      %get3A_503 = arith.constant 16 : index
      %get3A_504 = tpu.vector_load %arg13[%get3A_502, %get3A_503] {strides = array<i32>} : memref<400x32xf32, #tpu.memory_space<vmem>>, vector<1x16xf32>,
      %get3A_505 = vector.shape_cast %get3A_504 : vector<1x16xf32> to vector<16xf32>
      %mul3A_506 = arith.mulf %get3A_505, %gather3A_487 : vector<16xf32>
      %swap3A_507 = arith.index_cast %add3A_491 : i32 to index
      %swap3A_508 = arith.constant 16 : index
      %swap3A_509 = tpu.vector_load %arg13[%swap3A_507, %swap3A_508] {strides = array<i32>} : memref<400x32xf32, #tpu.memory_space<vmem>>, vector<1x16xf32>,
      %swap3A_510 = vector.shape_cast %swap3A_509 : vector<1x16xf32> to vector<16xf32>
      %swap3A_511 = vector.shape_cast %mul3A_506 : vector<16xf32> to vector<1x16xf32>
      tpu.vector_store %arg13[%swap3A_507, %swap3A_508], %swap3A_511 {strides = array<i32>} : memref<400x32xf32, #tpu.memory_space<vmem>>, vector<1x16xf32>,
    }
    %scan3A_38 = arith.constant 25 : i32
    %dma_start3A_39 = arith.constant 9600 : i32
    %dma_start3A_40 = tpu.memref_slice %arg9[%dma_start3A_39] : memref<10000xi32, #tpu.memory_space<vmem>> -> memref<400xi32, #tpu.memory_space<vmem>>
    %dma_start3A_41 = arith.constant 0 : i32
    %dma_start3A_42 = arith.constant 0 : i32
    %dma_start3A_43 = tpu.memref_slice %arg16[%dma_start3A_41, %dma_start3A_42] : memref<10000x32xf32, #tpu.memory_space<vmem_shared>> -> memref<10000x32xf32, #tpu.memory_space<vmem_shared>>
    tpu.enqueue_indirect_dma source(%arg13 : memref<400x32xf32, #tpu.memory_space<vmem>>) target(%dma_start3A_43 : memref<10000x32xf32, #tpu.memory_space<vmem_shared>>) offsets(%dma_start3A_40 : memref<400xi32, #tpu.memory_space<vmem>>) semaphore(%arg11 : memref<!tpu.dma_semaphore, #tpu.memory_space<semaphore_mem>>) {add = true}
    %dma_wait3A_44 = arith.constant 9600 : i32
    %dma_wait3A_45 = tpu.memref_slice %arg9[%dma_wait3A_44] : memref<10000xi32, #tpu.memory_space<vmem>> -> memref<400xi32, #tpu.memory_space<vmem>>
    %dma_wait3A_46 = arith.constant 0 : i32
    %dma_wait3A_47 = arith.constant 0 : i32
    %dma_wait3A_48 = tpu.memref_slice %arg16[%dma_wait3A_46, %dma_wait3A_47] : memref<10000x32xf32, #tpu.memory_space<vmem_shared>> -> memref<10000x32xf32, #tpu.memory_space<vmem_shared>>
    tpu.wait_indirect_dma semaphore(%arg11 : memref<!tpu.dma_semaphore, #tpu.memory_space<semaphore_mem>>) src(%arg13 : memref<400x32xf32, #tpu.memory_space<vmem>>) dst(%dma_wait3A_48 : memref<10000x32xf32, #tpu.memory_space<vmem_shared>>)
    %barrier3A_49 = arith.constant 0 : index
    tpu.barrier barrier_id(%barrier3A_49)
    %lt3A_50 = arith.constant 15 : i32
    %lt3A_51 = arith.cmpi slt, %arg1, %lt3A_50 : i32
    %convert_element_type3A_52 = arith.extui %lt3A_51 : i1 to i32
    %cond3A_53 = arith.constant 0 : i32
    %cond3A_54 = arith.cmpi ne, %convert_element_type3A_52, %cond3A_53 : i32
    scf.if %cond3A_54 {
      "tpu.region"() ({
        %run_scoped3A = tpu.sem_alloc : memref<!tpu.dma_semaphore, #tpu.memory_space<semaphore_mem>>
        %dma_start3A_63 = arith.constant 0 : i32
        %dma_start3A_64 = tpu.memref_slice %arg16[%mul3A_0, %dma_start3A_63] : memref<10000x32xf32, #tpu.memory_space<vmem_shared>> -> memref<640x32xf32, #tpu.memory_space<vmem_shared>>
        %dma_start3A_65 = arith.constant 0 : i32
        %dma_start3A_66 = tpu.memref_slice %arg16[%mul3A_0, %dma_start3A_65] : memref<10000x32xf32, #tpu.memory_space<vmem_shared>> -> memref<640x32xf32, #tpu.memory_space<vmem_shared>>
        tpu.enqueue_dma source(%dma_start3A_66 : memref<640x32xf32, #tpu.memory_space<vmem_shared>>) target(%arg15 : memref<640x32xf32, #tpu.memory_space<vmem>>) target_semaphore(%run_scoped3A : memref<!tpu.dma_semaphore, #tpu.memory_space<semaphore_mem>>)
        %dma_wait3A_67 = arith.constant 0 : i32
        %dma_wait3A_68 = tpu.memref_slice %arg16[%mul3A_0, %dma_wait3A_67] : memref<10000x32xf32, #tpu.memory_space<vmem_shared>> -> memref<640x32xf32, #tpu.memory_space<vmem_shared>>
        %dma_wait3A_69 = arith.constant 0 : i32
        %dma_wait3A_70 = tpu.memref_slice %arg16[%mul3A_0, %dma_wait3A_69] : memref<10000x32xf32, #tpu.memory_space<vmem_shared>> -> memref<640x32xf32, #tpu.memory_space<vmem_shared>>
        tpu.wait_dma2 semaphore(%run_scoped3A : memref<!tpu.dma_semaphore, #tpu.memory_space<semaphore_mem>>) src(%dma_wait3A_70 : memref<640x32xf32, #tpu.memory_space<vmem_shared>>) dst(%arg15 : memref<640x32xf32, #tpu.memory_space<vmem>>)
        tpu.yield
      }) : () -> ()
      %mul3A_60 = arith.constant 10000 : i32
      %mul3A_61 = arith.muli %arg0, %mul3A_60 : i32
      %add3A_62 = arith.addi %mul3A_61, %mul3A_0 : i32
      "tpu.region"() ({
        %run_scoped3A = tpu.sem_alloc : memref<!tpu.dma_semaphore, #tpu.memory_space<semaphore_mem>>
        %dma_start3A_63 = arith.constant 0 : i32
        %dma_start3A_64 = tpu.memref_slice %arg7[%add3A_62, %dma_start3A_63] : memref<20000x32xf32, #tpu.memory_space<hbm>> -> memref<640x32xf32, #tpu.memory_space<hbm>>
        %dma_start3A_65 = arith.constant 0 : i32
        %dma_start3A_66 = tpu.memref_slice %arg7[%add3A_62, %dma_start3A_65] : memref<20000x32xf32, #tpu.memory_space<hbm>> -> memref<640x32xf32, #tpu.memory_space<hbm>>
        tpu.enqueue_dma source(%arg15 : memref<640x32xf32, #tpu.memory_space<vmem>>) target(%dma_start3A_66 : memref<640x32xf32, #tpu.memory_space<hbm>>) target_semaphore(%run_scoped3A : memref<!tpu.dma_semaphore, #tpu.memory_space<semaphore_mem>>)
        %dma_wait3A_67 = arith.constant 0 : i32
        %dma_wait3A_68 = tpu.memref_slice %arg7[%add3A_62, %dma_wait3A_67] : memref<20000x32xf32, #tpu.memory_space<hbm>> -> memref<640x32xf32, #tpu.memory_space<hbm>>
        %dma_wait3A_69 = arith.constant 0 : i32
        %dma_wait3A_70 = tpu.memref_slice %arg7[%add3A_62, %dma_wait3A_69] : memref<20000x32xf32, #tpu.memory_space<hbm>> -> memref<640x32xf32, #tpu.memory_space<hbm>>
        tpu.wait_dma2 semaphore(%run_scoped3A : memref<!tpu.dma_semaphore, #tpu.memory_space<semaphore_mem>>) src(%arg15 : memref<640x32xf32, #tpu.memory_space<vmem>>) dst(%dma_wait3A_70 : memref<640x32xf32, #tpu.memory_space<hbm>>)
        tpu.yield
      }) : () -> ()
    } else {
    }
    %eq3A_55 = arith.constant 15 : i32
    %eq3A_56 = arith.cmpi eq, %arg1, %eq3A_55 : i32
    %convert_element_type3A_57 = arith.extui %eq3A_56 : i1 to i32
    %cond3A_58 = arith.constant 0 : i32
    %cond3A_59 = arith.cmpi ne, %convert_element_type3A_57, %cond3A_58 : i32
    scf.if %cond3A_59 {
      "tpu.region"() ({
        %run_scoped3A = tpu.sem_alloc : memref<!tpu.dma_semaphore, #tpu.memory_space<semaphore_mem>>
        %dma_start3A_64 = arith.constant 0 : i32
        %dma_start3A_65 = arith.constant 0 : i32
        %dma_start3A_66 = tpu.memref_slice %arg15[%dma_start3A_64, %dma_start3A_65] : memref<640x32xf32, #tpu.memory_space<vmem>> -> memref<400x32xf32, #tpu.memory_space<vmem>>
        %dma_start3A_67 = arith.constant 9600 : i32
        %dma_start3A_68 = arith.constant 0 : i32
        %dma_start3A_69 = tpu.memref_slice %arg16[%dma_start3A_67, %dma_start3A_68] : memref<10000x32xf32, #tpu.memory_space<vmem_shared>> -> memref<400x32xf32, #tpu.memory_space<vmem_shared>>
        %dma_start3A_70 = arith.constant 0 : i32
        %dma_start3A_71 = arith.constant 0 : i32
        %dma_start3A_72 = tpu.memref_slice %arg15[%dma_start3A_70, %dma_start3A_71] : memref<640x32xf32, #tpu.memory_space<vmem>> -> memref<400x32xf32, #tpu.memory_space<vmem>>
        %dma_start3A_73 = arith.constant 9600 : i32
        %dma_start3A_74 = arith.constant 0 : i32
        %dma_start3A_75 = tpu.memref_slice %arg16[%dma_start3A_73, %dma_start3A_74] : memref<10000x32xf32, #tpu.memory_space<vmem_shared>> -> memref<400x32xf32, #tpu.memory_space<vmem_shared>>
        tpu.enqueue_dma source(%dma_start3A_75 : memref<400x32xf32, #tpu.memory_space<vmem_shared>>) target(%dma_start3A_72 : memref<400x32xf32, #tpu.memory_space<vmem>>) target_semaphore(%run_scoped3A : memref<!tpu.dma_semaphore, #tpu.memory_space<semaphore_mem>>)
        %dma_wait3A_76 = arith.constant 0 : i32
        %dma_wait3A_77 = arith.constant 0 : i32
        %dma_wait3A_78 = tpu.memref_slice %arg15[%dma_wait3A_76, %dma_wait3A_77] : memref<640x32xf32, #tpu.memory_space<vmem>> -> memref<400x32xf32, #tpu.memory_space<vmem>>
        %dma_wait3A_79 = arith.constant 9600 : i32
        %dma_wait3A_80 = arith.constant 0 : i32
        %dma_wait3A_81 = tpu.memref_slice %arg16[%dma_wait3A_79, %dma_wait3A_80] : memref<10000x32xf32, #tpu.memory_space<vmem_shared>> -> memref<400x32xf32, #tpu.memory_space<vmem_shared>>
        %dma_wait3A_82 = arith.constant 0 : i32
        %dma_wait3A_83 = arith.constant 0 : i32
        %dma_wait3A_84 = tpu.memref_slice %arg15[%dma_wait3A_82, %dma_wait3A_83] : memref<640x32xf32, #tpu.memory_space<vmem>> -> memref<400x32xf32, #tpu.memory_space<vmem>>
        %dma_wait3A_85 = arith.constant 9600 : i32
        %dma_wait3A_86 = arith.constant 0 : i32
        %dma_wait3A_87 = tpu.memref_slice %arg16[%dma_wait3A_85, %dma_wait3A_86] : memref<10000x32xf32, #tpu.memory_space<vmem_shared>> -> memref<400x32xf32, #tpu.memory_space<vmem_shared>>
        tpu.wait_dma2 semaphore(%run_scoped3A : memref<!tpu.dma_semaphore, #tpu.memory_space<semaphore_mem>>) src(%dma_wait3A_87 : memref<400x32xf32, #tpu.memory_space<vmem_shared>>) dst(%dma_wait3A_84 : memref<400x32xf32, #tpu.memory_space<vmem>>)
        tpu.yield
      }) : () -> ()
      %mul3A_60 = arith.constant 10000 : i32
      %mul3A_61 = arith.muli %arg0, %mul3A_60 : i32
      %add3A_62 = arith.constant 9600 : i32
      %add3A_63 = arith.addi %mul3A_61, %add3A_62 : i32
      "tpu.region"() ({
        %run_scoped3A = tpu.sem_alloc : memref<!tpu.dma_semaphore, #tpu.memory_space<semaphore_mem>>
        %dma_start3A_64 = arith.constant 0 : i32
        %dma_start3A_65 = arith.constant 0 : i32
        %dma_start3A_66 = tpu.memref_slice %arg15[%dma_start3A_64, %dma_start3A_65] : memref<640x32xf32, #tpu.memory_space<vmem>> -> memref<400x32xf32, #tpu.memory_space<vmem>>
        %dma_start3A_67 = arith.constant 0 : i32
        %dma_start3A_68 = tpu.memref_slice %arg7[%add3A_63, %dma_start3A_67] : memref<20000x32xf32, #tpu.memory_space<hbm>> -> memref<400x32xf32, #tpu.memory_space<hbm>>
        %dma_start3A_69 = arith.constant 0 : i32
        %dma_start3A_70 = tpu.memref_slice %arg7[%add3A_63, %dma_start3A_69] : memref<20000x32xf32, #tpu.memory_space<hbm>> -> memref<400x32xf32, #tpu.memory_space<hbm>>
        %dma_start3A_71 = arith.constant 0 : i32
        %dma_start3A_72 = arith.constant 0 : i32
        %dma_start3A_73 = tpu.memref_slice %arg15[%dma_start3A_71, %dma_start3A_72] : memref<640x32xf32, #tpu.memory_space<vmem>> -> memref<400x32xf32, #tpu.memory_space<vmem>>
        tpu.enqueue_dma source(%dma_start3A_73 : memref<400x32xf32, #tpu.memory_space<vmem>>) target(%dma_start3A_70 : memref<400x32xf32, #tpu.memory_space<hbm>>) target_semaphore(%run_scoped3A : memref<!tpu.dma_semaphore, #tpu.memory_space<semaphore_mem>>)
        %dma_wait3A_74 = arith.constant 0 : i32
        %dma_wait3A_75 = arith.constant 0 : i32
        %dma_wait3A_76 = tpu.memref_slice %arg15[%dma_wait3A_74, %dma_wait3A_75] : memref<640x32xf32, #tpu.memory_space<vmem>> -> memref<400x32xf32, #tpu.memory_space<vmem>>
        %dma_wait3A_77 = arith.constant 0 : i32
        %dma_wait3A_78 = tpu.memref_slice %arg7[%add3A_63, %dma_wait3A_77] : memref<20000x32xf32, #tpu.memory_space<hbm>> -> memref<400x32xf32, #tpu.memory_space<hbm>>
        %dma_wait3A_79 = arith.constant 0 : i32
        %dma_wait3A_80 = tpu.memref_slice %arg7[%add3A_63, %dma_wait3A_79] : memref<20000x32xf32, #tpu.memory_space<hbm>> -> memref<400x32xf32, #tpu.memory_space<hbm>>
        %dma_wait3A_81 = arith.constant 0 : i32
        %dma_wait3A_82 = arith.constant 0 : i32
        %dma_wait3A_83 = tpu.memref_slice %arg15[%dma_wait3A_81, %dma_wait3A_82] : memref<640x32xf32, #tpu.memory_space<vmem>> -> memref<400x32xf32, #tpu.memory_space<vmem>>
        tpu.wait_dma2 semaphore(%run_scoped3A : memref<!tpu.dma_semaphore, #tpu.memory_space<semaphore_mem>>) src(%dma_wait3A_83 : memref<400x32xf32, #tpu.memory_space<vmem>>) dst(%dma_wait3A_80 : memref<400x32xf32, #tpu.memory_space<hbm>>)
        tpu.yield
      }) : () -> ()
    } else {
    }
    return
  }
}

#map = affine_map<(d0, d1) -> (0, 0)>
#map1 = affine_map<(d0, d1) -> (0)>
module attributes {stable_mosaic.version = 14 : i64} {
  func.func @_seg_sum_sc(%arg0: i32, %arg1: i32, %arg2: memref<10000x32xf32, #tpu.memory_space<hbm>>, %arg3: memref<320000xi32, #tpu.memory_space<hbm>>, %arg4: memref<320000xi32, #tpu.memory_space<hbm>>, %arg5: memref<320000xf32, #tpu.memory_space<hbm>>, %arg6: memref<640x32xf32, #tpu.memory_space<hbm>>, %arg7: memref<20000x32xf32, #tpu.memory_space<hbm>>, %arg8: memref<10000xi32, #tpu.memory_space<vmem>>, %arg9: memref<10000xi32, #tpu.memory_space<vmem>>, %arg10: memref<10000xf32, #tpu.memory_space<vmem>>, %arg11: memref<!tpu.dma_semaphore, #tpu.memory_space<semaphore_mem>>, %arg12: memref<!tpu.dma_semaphore, #tpu.memory_space<semaphore_mem>>, %arg13: memref<400x32xf32, #tpu.memory_space<vmem>>, %arg14: memref<400x32xf32, #tpu.memory_space<vmem>>, %arg15: memref<640x32xf32, #tpu.memory_space<vmem>>, %arg16: memref<10000x32xf32, #tpu.memory_space<vmem_shared>>, %arg17: memref<!tpu.dma_semaphore, #tpu.memory_space<semaphore_mem>>, %arg18: memref<!tpu.dma_semaphore, #tpu.memory_space<semaphore_mem>>) attributes {dimension_semantics = [#tpu.dimension_semantics<core_parallel>, #tpu.dimension_semantics<subcore_parallel>], iteration_bounds = array<i64: 2, 16>, scalar_prefetch = 0 : i64, scratch_operands = 11 : i64, tpu.core_type = #tpu.core_type<sc_vector_subcore>, window_params = [{transform_indices = #map}, {transform_indices = #map1}, {transform_indices = #map1}, {transform_indices = #map1}, {transform_indices = #map}, {transform_indices = #map}]} {
    %mul3A = arith.constant 640 : i32
    %mul3A_0 = arith.muli %arg1, %mul3A : i32
    %mul3A_1 = arith.constant 2 : i32
    %mul3A_2 = arith.muli %arg1, %mul3A_1 : i32
    %add3A = arith.addi %mul3A_2, %arg0 : i32
    "tpu.region"() ({
      %run_scoped3A = tpu.sem_alloc : memref<!tpu.dma_semaphore, #tpu.memory_space<semaphore_mem>>
      tpu.enqueue_dma source(%arg6 : memref<640x32xf32, #tpu.memory_space<hbm>>) target(%arg15 : memref<640x32xf32, #tpu.memory_space<vmem>>) target_semaphore(%run_scoped3A : memref<!tpu.dma_semaphore, #tpu.memory_space<semaphore_mem>>)
      tpu.wait_dma2 semaphore(%run_scoped3A : memref<!tpu.dma_semaphore, #tpu.memory_space<semaphore_mem>>) src(%arg6 : memref<640x32xf32, #tpu.memory_space<hbm>>) dst(%arg15 : memref<640x32xf32, #tpu.memory_space<vmem>>)
      tpu.yield
    }) : () -> ()
    %mul3A_3 = arith.constant 10000 : i32
    %mul3A_4 = arith.muli %add3A, %mul3A_3 : i32
    "tpu.region"() ({
      %run_scoped3A = tpu.sem_alloc : memref<!tpu.dma_semaphore, #tpu.memory_space<semaphore_mem>>
      %dma_start3A_60 = tpu.memref_slice %arg3[%mul3A_4] : memref<320000xi32, #tpu.memory_space<hbm>> -> memref<10000xi32, #tpu.memory_space<hbm>>
      %dma_start3A_61 = tpu.memref_slice %arg3[%mul3A_4] : memref<320000xi32, #tpu.memory_space<hbm>> -> memref<10000xi32, #tpu.memory_space<hbm>>
      tpu.enqueue_dma source(%dma_start3A_61 : memref<10000xi32, #tpu.memory_space<hbm>>) target(%arg8 : memref<10000xi32, #tpu.memory_space<vmem>>) target_semaphore(%run_scoped3A : memref<!tpu.dma_semaphore, #tpu.memory_space<semaphore_mem>>)
      %dma_wait3A_62 = tpu.memref_slice %arg3[%mul3A_4] : memref<320000xi32, #tpu.memory_space<hbm>> -> memref<10000xi32, #tpu.memory_space<hbm>>
      %dma_wait3A_63 = tpu.memref_slice %arg3[%mul3A_4] : memref<320000xi32, #tpu.memory_space<hbm>> -> memref<10000xi32, #tpu.memory_space<hbm>>
      tpu.wait_dma2 semaphore(%run_scoped3A : memref<!tpu.dma_semaphore, #tpu.memory_space<semaphore_mem>>) src(%dma_wait3A_63 : memref<10000xi32, #tpu.memory_space<hbm>>) dst(%arg8 : memref<10000xi32, #tpu.memory_space<vmem>>)
      tpu.yield
    }) : () -> ()
    %mul3A_5 = arith.constant 10000 : i32
    %mul3A_6 = arith.muli %add3A, %mul3A_5 : i32
    "tpu.region"() ({
      %run_scoped3A = tpu.sem_alloc : memref<!tpu.dma_semaphore, #tpu.memory_space<semaphore_mem>>
      %dma_start3A_60 = tpu.memref_slice %arg4[%mul3A_6] : memref<320000xi32, #tpu.memory_space<hbm>> -> memref<10000xi32, #tpu.memory_space<hbm>>
      %dma_start3A_61 = tpu.memref_slice %arg4[%mul3A_6] : memref<320000xi32, #tpu.memory_space<hbm>> -> memref<10000xi32, #tpu.memory_space<hbm>>
      tpu.enqueue_dma source(%dma_start3A_61 : memref<10000xi32, #tpu.memory_space<hbm>>) target(%arg9 : memref<10000xi32, #tpu.memory_space<vmem>>) target_semaphore(%run_scoped3A : memref<!tpu.dma_semaphore, #tpu.memory_space<semaphore_mem>>)
      %dma_wait3A_62 = tpu.memref_slice %arg4[%mul3A_6] : memref<320000xi32, #tpu.memory_space<hbm>> -> memref<10000xi32, #tpu.memory_space<hbm>>
      %dma_wait3A_63 = tpu.memref_slice %arg4[%mul3A_6] : memref<320000xi32, #tpu.memory_space<hbm>> -> memref<10000xi32, #tpu.memory_space<hbm>>
      tpu.wait_dma2 semaphore(%run_scoped3A : memref<!tpu.dma_semaphore, #tpu.memory_space<semaphore_mem>>) src(%dma_wait3A_63 : memref<10000xi32, #tpu.memory_space<hbm>>) dst(%arg9 : memref<10000xi32, #tpu.memory_space<vmem>>)
      tpu.yield
    }) : () -> ()
    %mul3A_7 = arith.constant 10000 : i32
    %mul3A_8 = arith.muli %add3A, %mul3A_7 : i32
    "tpu.region"() ({
      %run_scoped3A = tpu.sem_alloc : memref<!tpu.dma_semaphore, #tpu.memory_space<semaphore_mem>>
      %dma_start3A_60 = tpu.memref_slice %arg5[%mul3A_8] : memref<320000xf32, #tpu.memory_space<hbm>> -> memref<10000xf32, #tpu.memory_space<hbm>>
      %dma_start3A_61 = tpu.memref_slice %arg5[%mul3A_8] : memref<320000xf32, #tpu.memory_space<hbm>> -> memref<10000xf32, #tpu.memory_space<hbm>>
      tpu.enqueue_dma source(%dma_start3A_61 : memref<10000xf32, #tpu.memory_space<hbm>>) target(%arg10 : memref<10000xf32, #tpu.memory_space<vmem>>) target_semaphore(%run_scoped3A : memref<!tpu.dma_semaphore, #tpu.memory_space<semaphore_mem>>)
      %dma_wait3A_62 = tpu.memref_slice %arg5[%mul3A_8] : memref<320000xf32, #tpu.memory_space<hbm>> -> memref<10000xf32, #tpu.memory_space<hbm>>
      %dma_wait3A_63 = tpu.memref_slice %arg5[%mul3A_8] : memref<320000xf32, #tpu.memory_space<hbm>> -> memref<10000xf32, #tpu.memory_space<hbm>>
      tpu.wait_dma2 semaphore(%run_scoped3A : memref<!tpu.dma_semaphore, #tpu.memory_space<semaphore_mem>>) src(%dma_wait3A_63 : memref<10000xf32, #tpu.memory_space<hbm>>) dst(%arg10 : memref<10000xf32, #tpu.memory_space<vmem>>)
      tpu.yield
    }) : () -> ()
    %lt3A = arith.constant 15 : i32
    %lt3A_9 = arith.cmpi slt, %arg1, %lt3A : i32
    %convert_element_type3A = arith.extui %lt3A_9 : i1 to i32
    %cond3A = arith.constant 0 : i32
    %cond3A_10 = arith.cmpi ne, %convert_element_type3A, %cond3A : i32
    scf.if %cond3A_10 {
      "tpu.region"() ({
        %run_scoped3A = tpu.sem_alloc : memref<!tpu.dma_semaphore, #tpu.memory_space<semaphore_mem>>
        %dma_start3A_60 = arith.constant 0 : i32
        %dma_start3A_61 = tpu.memref_slice %arg16[%mul3A_0, %dma_start3A_60] : memref<10000x32xf32, #tpu.memory_space<vmem_shared>> -> memref<640x32xf32, #tpu.memory_space<vmem_shared>>
        %dma_start3A_62 = arith.constant 0 : i32
        %dma_start3A_63 = tpu.memref_slice %arg16[%mul3A_0, %dma_start3A_62] : memref<10000x32xf32, #tpu.memory_space<vmem_shared>> -> memref<640x32xf32, #tpu.memory_space<vmem_shared>>
        tpu.enqueue_dma source(%arg15 : memref<640x32xf32, #tpu.memory_space<vmem>>) target(%dma_start3A_63 : memref<640x32xf32, #tpu.memory_space<vmem_shared>>) target_semaphore(%run_scoped3A : memref<!tpu.dma_semaphore, #tpu.memory_space<semaphore_mem>>)
        %dma_wait3A_64 = arith.constant 0 : i32
        %dma_wait3A_65 = tpu.memref_slice %arg16[%mul3A_0, %dma_wait3A_64] : memref<10000x32xf32, #tpu.memory_space<vmem_shared>> -> memref<640x32xf32, #tpu.memory_space<vmem_shared>>
        %dma_wait3A_66 = arith.constant 0 : i32
        %dma_wait3A_67 = tpu.memref_slice %arg16[%mul3A_0, %dma_wait3A_66] : memref<10000x32xf32, #tpu.memory_space<vmem_shared>> -> memref<640x32xf32, #tpu.memory_space<vmem_shared>>
        tpu.wait_dma2 semaphore(%run_scoped3A : memref<!tpu.dma_semaphore, #tpu.memory_space<semaphore_mem>>) src(%arg15 : memref<640x32xf32, #tpu.memory_space<vmem>>) dst(%dma_wait3A_67 : memref<640x32xf32, #tpu.memory_space<vmem_shared>>)
        tpu.yield
      }) : () -> ()
    } else {
    }
    %eq3A = arith.constant 15 : i32
    %eq3A_11 = arith.cmpi eq, %arg1, %eq3A : i32
    %convert_element_type3A_12 = arith.extui %eq3A_11 : i1 to i32
    %cond3A_13 = arith.constant 0 : i32
    %cond3A_14 = arith.cmpi ne, %convert_element_type3A_12, %cond3A_13 : i32
    scf.if %cond3A_14 {
      "tpu.region"() ({
        %run_scoped3A = tpu.sem_alloc : memref<!tpu.dma_semaphore, #tpu.memory_space<semaphore_mem>>
        %dma_start3A_60 = arith.constant 0 : i32
        %dma_start3A_61 = arith.constant 0 : i32
        %dma_start3A_62 = tpu.memref_slice %arg15[%dma_start3A_60, %dma_start3A_61] : memref<640x32xf32, #tpu.memory_space<vmem>> -> memref<400x32xf32, #tpu.memory_space<vmem>>
        %dma_start3A_63 = arith.constant 9600 : i32
        %dma_start3A_64 = arith.constant 0 : i32
        %dma_start3A_65 = tpu.memref_slice %arg16[%dma_start3A_63, %dma_start3A_64] : memref<10000x32xf32, #tpu.memory_space<vmem_shared>> -> memref<400x32xf32, #tpu.memory_space<vmem_shared>>
        %dma_start3A_66 = arith.constant 9600 : i32
        %dma_start3A_67 = arith.constant 0 : i32
        %dma_start3A_68 = tpu.memref_slice %arg16[%dma_start3A_66, %dma_start3A_67] : memref<10000x32xf32, #tpu.memory_space<vmem_shared>> -> memref<400x32xf32, #tpu.memory_space<vmem_shared>>
        %dma_start3A_69 = arith.constant 0 : i32
        %dma_start3A_70 = arith.constant 0 : i32
        %dma_start3A_71 = tpu.memref_slice %arg15[%dma_start3A_69, %dma_start3A_70] : memref<640x32xf32, #tpu.memory_space<vmem>> -> memref<400x32xf32, #tpu.memory_space<vmem>>
        tpu.enqueue_dma source(%dma_start3A_71 : memref<400x32xf32, #tpu.memory_space<vmem>>) target(%dma_start3A_68 : memref<400x32xf32, #tpu.memory_space<vmem_shared>>) target_semaphore(%run_scoped3A : memref<!tpu.dma_semaphore, #tpu.memory_space<semaphore_mem>>)
        %dma_wait3A_72 = arith.constant 0 : i32
        %dma_wait3A_73 = arith.constant 0 : i32
        %dma_wait3A_74 = tpu.memref_slice %arg15[%dma_wait3A_72, %dma_wait3A_73] : memref<640x32xf32, #tpu.memory_space<vmem>> -> memref<400x32xf32, #tpu.memory_space<vmem>>
        %dma_wait3A_75 = arith.constant 9600 : i32
        %dma_wait3A_76 = arith.constant 0 : i32
        %dma_wait3A_77 = tpu.memref_slice %arg16[%dma_wait3A_75, %dma_wait3A_76] : memref<10000x32xf32, #tpu.memory_space<vmem_shared>> -> memref<400x32xf32, #tpu.memory_space<vmem_shared>>
        %dma_wait3A_78 = arith.constant 9600 : i32
        %dma_wait3A_79 = arith.constant 0 : i32
        %dma_wait3A_80 = tpu.memref_slice %arg16[%dma_wait3A_78, %dma_wait3A_79] : memref<10000x32xf32, #tpu.memory_space<vmem_shared>> -> memref<400x32xf32, #tpu.memory_space<vmem_shared>>
        %dma_wait3A_81 = arith.constant 0 : i32
        %dma_wait3A_82 = arith.constant 0 : i32
        %dma_wait3A_83 = tpu.memref_slice %arg15[%dma_wait3A_81, %dma_wait3A_82] : memref<640x32xf32, #tpu.memory_space<vmem>> -> memref<400x32xf32, #tpu.memory_space<vmem>>
        tpu.wait_dma2 semaphore(%run_scoped3A : memref<!tpu.dma_semaphore, #tpu.memory_space<semaphore_mem>>) src(%dma_wait3A_83 : memref<400x32xf32, #tpu.memory_space<vmem>>) dst(%dma_wait3A_80 : memref<400x32xf32, #tpu.memory_space<vmem_shared>>)
        tpu.yield
      }) : () -> ()
    } else {
    }
    %barrier3A = arith.constant 0 : index
    tpu.barrier barrier_id(%barrier3A)
    %dma_start3A = arith.constant 0 : i32
    %dma_start3A_15 = tpu.memref_slice %arg8[%dma_start3A] : memref<10000xi32, #tpu.memory_space<vmem>> -> memref<400xi32, #tpu.memory_space<vmem>>
    %dma_start3A_16 = arith.constant 0 : i32
    %dma_start3A_17 = arith.constant 0 : i32
    %dma_start3A_18 = tpu.memref_slice %arg2[%dma_start3A_16, %dma_start3A_17] : memref<10000x32xf32, #tpu.memory_space<hbm>> -> memref<10000x32xf32, #tpu.memory_space<hbm>>
    tpu.enqueue_indirect_dma source(%dma_start3A_18 : memref<10000x32xf32, #tpu.memory_space<hbm>>) target(%arg13 : memref<400x32xf32, #tpu.memory_space<vmem>>) offsets(%dma_start3A_15 : memref<400xi32, #tpu.memory_space<vmem>>) semaphore(%arg17 : memref<!tpu.dma_semaphore, #tpu.memory_space<semaphore_mem>>)
    %dma_start3A_19 = arith.constant 400 : i32
    %dma_start3A_20 = tpu.memref_slice %arg8[%dma_start3A_19] : memref<10000xi32, #tpu.memory_space<vmem>> -> memref<400xi32, #tpu.memory_space<vmem>>
    %dma_start3A_21 = arith.constant 0 : i32
    %dma_start3A_22 = arith.constant 0 : i32
    %dma_start3A_23 = tpu.memref_slice %arg2[%dma_start3A_21, %dma_start3A_22] : memref<10000x32xf32, #tpu.memory_space<hbm>> -> memref<10000x32xf32, #tpu.memory_space<hbm>>
    tpu.enqueue_indirect_dma source(%dma_start3A_23 : memref<10000x32xf32, #tpu.memory_space<hbm>>) target(%arg14 : memref<400x32xf32, #tpu.memory_space<vmem>>) offsets(%dma_start3A_20 : memref<400xi32, #tpu.memory_space<vmem>>) semaphore(%arg18 : memref<!tpu.dma_semaphore, #tpu.memory_space<semaphore_mem>>)
    %scan3A = arith.constant 0 : i32
    %scan3A_24 = arith.constant 0 : i32
    %scan3A_25 = arith.constant 12 : i32
    %scan3A_26 = arith.addi %scan3A_24, %scan3A_25 : i32
    %scan3A_27 = arith.constant 1 : i32
    scf.for %scan3A_60 = %scan3A_24 to %scan3A_26 step %scan3A_27  : i32 {
      %mul3A_61 = arith.constant 2 : i32
      %mul3A_62 = arith.muli %mul3A_61, %scan3A_60 : i32
      %mul3A_63 = arith.constant 400 : i32
      %mul3A_64 = arith.muli %mul3A_62, %mul3A_63 : i32
      %dma_wait3A_65 = tpu.memref_slice %arg8[%mul3A_64] : memref<10000xi32, #tpu.memory_space<vmem>> -> memref<400xi32, #tpu.memory_space<vmem>>
      %dma_wait3A_66 = arith.constant 0 : i32
      %dma_wait3A_67 = arith.constant 0 : i32
      %dma_wait3A_68 = tpu.memref_slice %arg2[%dma_wait3A_66, %dma_wait3A_67] : memref<10000x32xf32, #tpu.memory_space<hbm>> -> memref<10000x32xf32, #tpu.memory_space<hbm>>
      tpu.wait_indirect_dma semaphore(%arg17 : memref<!tpu.dma_semaphore, #tpu.memory_space<semaphore_mem>>) src(%dma_wait3A_68 : memref<10000x32xf32, #tpu.memory_space<hbm>>) dst(%arg13 : memref<400x32xf32, #tpu.memory_space<vmem>>)
      %scan3A_69 = arith.constant 0 : i32
      %scan3A_70 = arith.constant 0 : i32
      %scan3A_71 = arith.constant 25 : i32
      %scan3A_72 = arith.addi %scan3A_70, %scan3A_71 : i32
      %scan3A_73 = arith.constant 1 : i32
      scf.for %scan3A_134 = %scan3A_70 to %scan3A_72 step %scan3A_73  : i32 {
        %mul3A_135 = arith.constant 400 : i32
        %mul3A_136 = arith.muli %mul3A_62, %mul3A_135 : i32
        %mul3A_137 = arith.constant 16 : i32
        %mul3A_138 = arith.muli %scan3A_134, %mul3A_137 : i32
        %add3A_139 = arith.addi %mul3A_136, %mul3A_138 : i32
        %get3A = arith.index_cast %add3A_139 : i32 to index
        %get3A_140 = tpu.vector_load %arg10[%get3A] {strides = array<i32>} : memref<10000xf32, #tpu.memory_space<vmem>>, vector<16xf32>,
        %get3A_141 = vector.shape_cast %get3A_140 : vector<16xf32> to vector<16xf32>
        %broadcast_in_dim3A = arith.constant 0 : i32
        %broadcast_in_dim3A_142 = vector.broadcast %broadcast_in_dim3A : i32 to vector<16x1xi32>
        %gather3A = vector.shape_cast %broadcast_in_dim3A_142 : vector<16x1xi32> to vector<16xi32>
        %gather3A_143 = tpu.dynamic_gather %get3A_141[%gather3A] in [0] : vector<16xf32>, vector<16xi32> -> vector<16xf32>
        %mul3A_144 = arith.constant 16 : i32
        %mul3A_145 = arith.muli %scan3A_134, %mul3A_144 : i32
        %add3A_146 = arith.constant 0 : i32
        %add3A_147 = arith.addi %mul3A_145, %add3A_146 : i32
        %get3A_148 = arith.index_cast %add3A_147 : i32 to index
        %get3A_149 = arith.constant 0 : index
        %get3A_150 = tpu.vector_load %arg13[%get3A_148, %get3A_149] {strides = array<i32>} : memref<400x32xf32, #tpu.memory_space<vmem>>, vector<1x16xf32>,
        %get3A_151 = vector.shape_cast %get3A_150 : vector<1x16xf32> to vector<16xf32>
        %mul3A_152 = arith.mulf %get3A_151, %gather3A_143 : vector<16xf32>
        %swap3A = arith.index_cast %add3A_147 : i32 to index
        %swap3A_153 = arith.constant 0 : index
        %swap3A_154 = tpu.vector_load %arg13[%swap3A, %swap3A_153] {strides = array<i32>} : memref<400x32xf32, #tpu.memory_space<vmem>>, vector<1x16xf32>,
        %swap3A_155 = vector.shape_cast %swap3A_154 : vector<1x16xf32> to vector<16xf32>
        %swap3A_156 = vector.shape_cast %mul3A_152 : vector<16xf32> to vector<1x16xf32>
        tpu.vector_store %arg13[%swap3A, %swap3A_153], %swap3A_156 {strides = array<i32>} : memref<400x32xf32, #tpu.memory_space<vmem>>, vector<1x16xf32>,
        %get3A_157 = arith.index_cast %add3A_147 : i32 to index
        %get3A_158 = arith.constant 16 : index
        %get3A_159 = tpu.vector_load %arg13[%get3A_157, %get3A_158] {strides = array<i32>} : memref<400x32xf32, #tpu.memory_space<vmem>>, vector<1x16xf32>,
        %get3A_160 = vector.shape_cast %get3A_159 : vector<1x16xf32> to vector<16xf32>
        %mul3A_161 = arith.mulf %get3A_160, %gather3A_143 : vector<16xf32>
        %swap3A_162 = arith.index_cast %add3A_147 : i32 to index
        %swap3A_163 = arith.constant 16 : index
        %swap3A_164 = tpu.vector_load %arg13[%swap3A_162, %swap3A_163] {strides = array<i32>} : memref<400x32xf32, #tpu.memory_space<vmem>>, vector<1x16xf32>,
        %swap3A_165 = vector.shape_cast %swap3A_164 : vector<1x16xf32> to vector<16xf32>
        %swap3A_166 = vector.shape_cast %mul3A_161 : vector<16xf32> to vector<1x16xf32>
        tpu.vector_store %arg13[%swap3A_162, %swap3A_163], %swap3A_166 {strides = array<i32>} : memref<400x32xf32, #tpu.memory_space<vmem>>, vector<1x16xf32>,
        %broadcast_in_dim3A_167 = arith.constant 1 : i32
        %broadcast_in_dim3A_168 = vector.broadcast %broadcast_in_dim3A_167 : i32 to vector<16x1xi32>
        %gather3A_169 = vector.shape_cast %broadcast_in_dim3A_168 : vector<16x1xi32> to vector<16xi32>
        %gather3A_170 = tpu.dynamic_gather %get3A_141[%gather3A_169] in [0] : vector<16xf32>, vector<16xi32> -> vector<16xf32>
        %mul3A_171 = arith.constant 16 : i32
        %mul3A_172 = arith.muli %scan3A_134, %mul3A_171 : i32
        %add3A_173 = arith.constant 1 : i32
        %add3A_174 = arith.addi %mul3A_172, %add3A_173 : i32
        %get3A_175 = arith.index_cast %add3A_174 : i32 to index
        %get3A_176 = arith.constant 0 : index
        %get3A_177 = tpu.vector_load %arg13[%get3A_175, %get3A_176] {strides = array<i32>} : memref<400x32xf32, #tpu.memory_space<vmem>>, vector<1x16xf32>,
        %get3A_178 = vector.shape_cast %get3A_177 : vector<1x16xf32> to vector<16xf32>
        %mul3A_179 = arith.mulf %get3A_178, %gather3A_170 : vector<16xf32>
        %swap3A_180 = arith.index_cast %add3A_174 : i32 to index
        %swap3A_181 = arith.constant 0 : index
        %swap3A_182 = tpu.vector_load %arg13[%swap3A_180, %swap3A_181] {strides = array<i32>} : memref<400x32xf32, #tpu.memory_space<vmem>>, vector<1x16xf32>,
        %swap3A_183 = vector.shape_cast %swap3A_182 : vector<1x16xf32> to vector<16xf32>
        %swap3A_184 = vector.shape_cast %mul3A_179 : vector<16xf32> to vector<1x16xf32>
        tpu.vector_store %arg13[%swap3A_180, %swap3A_181], %swap3A_184 {strides = array<i32>} : memref<400x32xf32, #tpu.memory_space<vmem>>, vector<1x16xf32>,
        %get3A_185 = arith.index_cast %add3A_174 : i32 to index
        %get3A_186 = arith.constant 16 : index
        %get3A_187 = tpu.vector_load %arg13[%get3A_185, %get3A_186] {strides = array<i32>} : memref<400x32xf32, #tpu.memory_space<vmem>>, vector<1x16xf32>,
        %get3A_188 = vector.shape_cast %get3A_187 : vector<1x16xf32> to vector<16xf32>
        %mul3A_189 = arith.mulf %get3A_188, %gather3A_170 : vector<16xf32>
        %swap3A_190 = arith.index_cast %add3A_174 : i32 to index
        %swap3A_191 = arith.constant 16 : index
        %swap3A_192 = tpu.vector_load %arg13[%swap3A_190, %swap3A_191] {strides = array<i32>} : memref<400x32xf32, #tpu.memory_space<vmem>>, vector<1x16xf32>,
        %swap3A_193 = vector.shape_cast %swap3A_192 : vector<1x16xf32> to vector<16xf32>
        %swap3A_194 = vector.shape_cast %mul3A_189 : vector<16xf32> to vector<1x16xf32>
        tpu.vector_store %arg13[%swap3A_190, %swap3A_191], %swap3A_194 {strides = array<i32>} : memref<400x32xf32, #tpu.memory_space<vmem>>, vector<1x16xf32>,
        %broadcast_in_dim3A_195 = arith.constant 2 : i32
        %broadcast_in_dim3A_196 = vector.broadcast %broadcast_in_dim3A_195 : i32 to vector<16x1xi32>
        %gather3A_197 = vector.shape_cast %broadcast_in_dim3A_196 : vector<16x1xi32> to vector<16xi32>
        %gather3A_198 = tpu.dynamic_gather %get3A_141[%gather3A_197] in [0] : vector<16xf32>, vector<16xi32> -> vector<16xf32>
        %mul3A_199 = arith.constant 16 : i32
        %mul3A_200 = arith.muli %scan3A_134, %mul3A_199 : i32
        %add3A_201 = arith.constant 2 : i32
        %add3A_202 = arith.addi %mul3A_200, %add3A_201 : i32
        %get3A_203 = arith.index_cast %add3A_202 : i32 to index
        %get3A_204 = arith.constant 0 : index
        %get3A_205 = tpu.vector_load %arg13[%get3A_203, %get3A_204] {strides = array<i32>} : memref<400x32xf32, #tpu.memory_space<vmem>>, vector<1x16xf32>,
        %get3A_206 = vector.shape_cast %get3A_205 : vector<1x16xf32> to vector<16xf32>
        %mul3A_207 = arith.mulf %get3A_206, %gather3A_198 : vector<16xf32>
        %swap3A_208 = arith.index_cast %add3A_202 : i32 to index
        %swap3A_209 = arith.constant 0 : index
        %swap3A_210 = tpu.vector_load %arg13[%swap3A_208, %swap3A_209] {strides = array<i32>} : memref<400x32xf32, #tpu.memory_space<vmem>>, vector<1x16xf32>,
        %swap3A_211 = vector.shape_cast %swap3A_210 : vector<1x16xf32> to vector<16xf32>
        %swap3A_212 = vector.shape_cast %mul3A_207 : vector<16xf32> to vector<1x16xf32>
        tpu.vector_store %arg13[%swap3A_208, %swap3A_209], %swap3A_212 {strides = array<i32>} : memref<400x32xf32, #tpu.memory_space<vmem>>, vector<1x16xf32>,
        %get3A_213 = arith.index_cast %add3A_202 : i32 to index
        %get3A_214 = arith.constant 16 : index
        %get3A_215 = tpu.vector_load %arg13[%get3A_213, %get3A_214] {strides = array<i32>} : memref<400x32xf32, #tpu.memory_space<vmem>>, vector<1x16xf32>,
        %get3A_216 = vector.shape_cast %get3A_215 : vector<1x16xf32> to vector<16xf32>
        %mul3A_217 = arith.mulf %get3A_216, %gather3A_198 : vector<16xf32>
        %swap3A_218 = arith.index_cast %add3A_202 : i32 to index
        %swap3A_219 = arith.constant 16 : index
        %swap3A_220 = tpu.vector_load %arg13[%swap3A_218, %swap3A_219] {strides = array<i32>} : memref<400x32xf32, #tpu.memory_space<vmem>>, vector<1x16xf32>,
        %swap3A_221 = vector.shape_cast %swap3A_220 : vector<1x16xf32> to vector<16xf32>
        %swap3A_222 = vector.shape_cast %mul3A_217 : vector<16xf32> to vector<1x16xf32>
        tpu.vector_store %arg13[%swap3A_218, %swap3A_219], %swap3A_222 {strides = array<i32>} : memref<400x32xf32, #tpu.memory_space<vmem>>, vector<1x16xf32>,
        %broadcast_in_dim3A_223 = arith.constant 3 : i32
        %broadcast_in_dim3A_224 = vector.broadcast %broadcast_in_dim3A_223 : i32 to vector<16x1xi32>
        %gather3A_225 = vector.shape_cast %broadcast_in_dim3A_224 : vector<16x1xi32> to vector<16xi32>
        %gather3A_226 = tpu.dynamic_gather %get3A_141[%gather3A_225] in [0] : vector<16xf32>, vector<16xi32> -> vector<16xf32>
        %mul3A_227 = arith.constant 16 : i32
        %mul3A_228 = arith.muli %scan3A_134, %mul3A_227 : i32
        %add3A_229 = arith.constant 3 : i32
        %add3A_230 = arith.addi %mul3A_228, %add3A_229 : i32
        %get3A_231 = arith.index_cast %add3A_230 : i32 to index
        %get3A_232 = arith.constant 0 : index
        %get3A_233 = tpu.vector_load %arg13[%get3A_231, %get3A_232] {strides = array<i32>} : memref<400x32xf32, #tpu.memory_space<vmem>>, vector<1x16xf32>,
        %get3A_234 = vector.shape_cast %get3A_233 : vector<1x16xf32> to vector<16xf32>
        %mul3A_235 = arith.mulf %get3A_234, %gather3A_226 : vector<16xf32>
        %swap3A_236 = arith.index_cast %add3A_230 : i32 to index
        %swap3A_237 = arith.constant 0 : index
        %swap3A_238 = tpu.vector_load %arg13[%swap3A_236, %swap3A_237] {strides = array<i32>} : memref<400x32xf32, #tpu.memory_space<vmem>>, vector<1x16xf32>,
        %swap3A_239 = vector.shape_cast %swap3A_238 : vector<1x16xf32> to vector<16xf32>
        %swap3A_240 = vector.shape_cast %mul3A_235 : vector<16xf32> to vector<1x16xf32>
        tpu.vector_store %arg13[%swap3A_236, %swap3A_237], %swap3A_240 {strides = array<i32>} : memref<400x32xf32, #tpu.memory_space<vmem>>, vector<1x16xf32>,
        %get3A_241 = arith.index_cast %add3A_230 : i32 to index
        %get3A_242 = arith.constant 16 : index
        %get3A_243 = tpu.vector_load %arg13[%get3A_241, %get3A_242] {strides = array<i32>} : memref<400x32xf32, #tpu.memory_space<vmem>>, vector<1x16xf32>,
        %get3A_244 = vector.shape_cast %get3A_243 : vector<1x16xf32> to vector<16xf32>
        %mul3A_245 = arith.mulf %get3A_244, %gather3A_226 : vector<16xf32>
        %swap3A_246 = arith.index_cast %add3A_230 : i32 to index
        %swap3A_247 = arith.constant 16 : index
        %swap3A_248 = tpu.vector_load %arg13[%swap3A_246, %swap3A_247] {strides = array<i32>} : memref<400x32xf32, #tpu.memory_space<vmem>>, vector<1x16xf32>,
        %swap3A_249 = vector.shape_cast %swap3A_248 : vector<1x16xf32> to vector<16xf32>
        %swap3A_250 = vector.shape_cast %mul3A_245 : vector<16xf32> to vector<1x16xf32>
        tpu.vector_store %arg13[%swap3A_246, %swap3A_247], %swap3A_250 {strides = array<i32>} : memref<400x32xf32, #tpu.memory_space<vmem>>, vector<1x16xf32>,
        %broadcast_in_dim3A_251 = arith.constant 4 : i32
        %broadcast_in_dim3A_252 = vector.broadcast %broadcast_in_dim3A_251 : i32 to vector<16x1xi32>
        %gather3A_253 = vector.shape_cast %broadcast_in_dim3A_252 : vector<16x1xi32> to vector<16xi32>
        %gather3A_254 = tpu.dynamic_gather %get3A_141[%gather3A_253] in [0] : vector<16xf32>, vector<16xi32> -> vector<16xf32>
        %mul3A_255 = arith.constant 16 : i32
        %mul3A_256 = arith.muli %scan3A_134, %mul3A_255 : i32
        %add3A_257 = arith.constant 4 : i32
        %add3A_258 = arith.addi %mul3A_256, %add3A_257 : i32
        %get3A_259 = arith.index_cast %add3A_258 : i32 to index
        %get3A_260 = arith.constant 0 : index
        %get3A_261 = tpu.vector_load %arg13[%get3A_259, %get3A_260] {strides = array<i32>} : memref<400x32xf32, #tpu.memory_space<vmem>>, vector<1x16xf32>,
        %get3A_262 = vector.shape_cast %get3A_261 : vector<1x16xf32> to vector<16xf32>
        %mul3A_263 = arith.mulf %get3A_262, %gather3A_254 : vector<16xf32>
        %swap3A_264 = arith.index_cast %add3A_258 : i32 to index
        %swap3A_265 = arith.constant 0 : index
        %swap3A_266 = tpu.vector_load %arg13[%swap3A_264, %swap3A_265] {strides = array<i32>} : memref<400x32xf32, #tpu.memory_space<vmem>>, vector<1x16xf32>,
        %swap3A_267 = vector.shape_cast %swap3A_266 : vector<1x16xf32> to vector<16xf32>
        %swap3A_268 = vector.shape_cast %mul3A_263 : vector<16xf32> to vector<1x16xf32>
        tpu.vector_store %arg13[%swap3A_264, %swap3A_265], %swap3A_268 {strides = array<i32>} : memref<400x32xf32, #tpu.memory_space<vmem>>, vector<1x16xf32>,
        %get3A_269 = arith.index_cast %add3A_258 : i32 to index
        %get3A_270 = arith.constant 16 : index
        %get3A_271 = tpu.vector_load %arg13[%get3A_269, %get3A_270] {strides = array<i32>} : memref<400x32xf32, #tpu.memory_space<vmem>>, vector<1x16xf32>,
        %get3A_272 = vector.shape_cast %get3A_271 : vector<1x16xf32> to vector<16xf32>
        %mul3A_273 = arith.mulf %get3A_272, %gather3A_254 : vector<16xf32>
        %swap3A_274 = arith.index_cast %add3A_258 : i32 to index
        %swap3A_275 = arith.constant 16 : index
        %swap3A_276 = tpu.vector_load %arg13[%swap3A_274, %swap3A_275] {strides = array<i32>} : memref<400x32xf32, #tpu.memory_space<vmem>>, vector<1x16xf32>,
        %swap3A_277 = vector.shape_cast %swap3A_276 : vector<1x16xf32> to vector<16xf32>
        %swap3A_278 = vector.shape_cast %mul3A_273 : vector<16xf32> to vector<1x16xf32>
        tpu.vector_store %arg13[%swap3A_274, %swap3A_275], %swap3A_278 {strides = array<i32>} : memref<400x32xf32, #tpu.memory_space<vmem>>, vector<1x16xf32>,
        %broadcast_in_dim3A_279 = arith.constant 5 : i32
        %broadcast_in_dim3A_280 = vector.broadcast %broadcast_in_dim3A_279 : i32 to vector<16x1xi32>
        %gather3A_281 = vector.shape_cast %broadcast_in_dim3A_280 : vector<16x1xi32> to vector<16xi32>
        %gather3A_282 = tpu.dynamic_gather %get3A_141[%gather3A_281] in [0] : vector<16xf32>, vector<16xi32> -> vector<16xf32>
        %mul3A_283 = arith.constant 16 : i32
        %mul3A_284 = arith.muli %scan3A_134, %mul3A_283 : i32
        %add3A_285 = arith.constant 5 : i32
        %add3A_286 = arith.addi %mul3A_284, %add3A_285 : i32
        %get3A_287 = arith.index_cast %add3A_286 : i32 to index
        %get3A_288 = arith.constant 0 : index
        %get3A_289 = tpu.vector_load %arg13[%get3A_287, %get3A_288] {strides = array<i32>} : memref<400x32xf32, #tpu.memory_space<vmem>>, vector<1x16xf32>,
        %get3A_290 = vector.shape_cast %get3A_289 : vector<1x16xf32> to vector<16xf32>
        %mul3A_291 = arith.mulf %get3A_290, %gather3A_282 : vector<16xf32>
        %swap3A_292 = arith.index_cast %add3A_286 : i32 to index
        %swap3A_293 = arith.constant 0 : index
        %swap3A_294 = tpu.vector_load %arg13[%swap3A_292, %swap3A_293] {strides = array<i32>} : memref<400x32xf32, #tpu.memory_space<vmem>>, vector<1x16xf32>,
        %swap3A_295 = vector.shape_cast %swap3A_294 : vector<1x16xf32> to vector<16xf32>
        %swap3A_296 = vector.shape_cast %mul3A_291 : vector<16xf32> to vector<1x16xf32>
        tpu.vector_store %arg13[%swap3A_292, %swap3A_293], %swap3A_296 {strides = array<i32>} : memref<400x32xf32, #tpu.memory_space<vmem>>, vector<1x16xf32>,
        %get3A_297 = arith.index_cast %add3A_286 : i32 to index
        %get3A_298 = arith.constant 16 : index
        %get3A_299 = tpu.vector_load %arg13[%get3A_297, %get3A_298] {strides = array<i32>} : memref<400x32xf32, #tpu.memory_space<vmem>>, vector<1x16xf32>,
        %get3A_300 = vector.shape_cast %get3A_299 : vector<1x16xf32> to vector<16xf32>
        %mul3A_301 = arith.mulf %get3A_300, %gather3A_282 : vector<16xf32>
        %swap3A_302 = arith.index_cast %add3A_286 : i32 to index
        %swap3A_303 = arith.constant 16 : index
        %swap3A_304 = tpu.vector_load %arg13[%swap3A_302, %swap3A_303] {strides = array<i32>} : memref<400x32xf32, #tpu.memory_space<vmem>>, vector<1x16xf32>,
        %swap3A_305 = vector.shape_cast %swap3A_304 : vector<1x16xf32> to vector<16xf32>
        %swap3A_306 = vector.shape_cast %mul3A_301 : vector<16xf32> to vector<1x16xf32>
        tpu.vector_store %arg13[%swap3A_302, %swap3A_303], %swap3A_306 {strides = array<i32>} : memref<400x32xf32, #tpu.memory_space<vmem>>, vector<1x16xf32>,
        %broadcast_in_dim3A_307 = arith.constant 6 : i32
        %broadcast_in_dim3A_308 = vector.broadcast %broadcast_in_dim3A_307 : i32 to vector<16x1xi32>
        %gather3A_309 = vector.shape_cast %broadcast_in_dim3A_308 : vector<16x1xi32> to vector<16xi32>
        %gather3A_310 = tpu.dynamic_gather %get3A_141[%gather3A_309] in [0] : vector<16xf32>, vector<16xi32> -> vector<16xf32>
        %mul3A_311 = arith.constant 16 : i32
        %mul3A_312 = arith.muli %scan3A_134, %mul3A_311 : i32
        %add3A_313 = arith.constant 6 : i32
        %add3A_314 = arith.addi %mul3A_312, %add3A_313 : i32
        %get3A_315 = arith.index_cast %add3A_314 : i32 to index
        %get3A_316 = arith.constant 0 : index
        %get3A_317 = tpu.vector_load %arg13[%get3A_315, %get3A_316] {strides = array<i32>} : memref<400x32xf32, #tpu.memory_space<vmem>>, vector<1x16xf32>,
        %get3A_318 = vector.shape_cast %get3A_317 : vector<1x16xf32> to vector<16xf32>
        %mul3A_319 = arith.mulf %get3A_318, %gather3A_310 : vector<16xf32>
        %swap3A_320 = arith.index_cast %add3A_314 : i32 to index
        %swap3A_321 = arith.constant 0 : index
        %swap3A_322 = tpu.vector_load %arg13[%swap3A_320, %swap3A_321] {strides = array<i32>} : memref<400x32xf32, #tpu.memory_space<vmem>>, vector<1x16xf32>,
        %swap3A_323 = vector.shape_cast %swap3A_322 : vector<1x16xf32> to vector<16xf32>
        %swap3A_324 = vector.shape_cast %mul3A_319 : vector<16xf32> to vector<1x16xf32>
        tpu.vector_store %arg13[%swap3A_320, %swap3A_321], %swap3A_324 {strides = array<i32>} : memref<400x32xf32, #tpu.memory_space<vmem>>, vector<1x16xf32>,
        %get3A_325 = arith.index_cast %add3A_314 : i32 to index
        %get3A_326 = arith.constant 16 : index
        %get3A_327 = tpu.vector_load %arg13[%get3A_325, %get3A_326] {strides = array<i32>} : memref<400x32xf32, #tpu.memory_space<vmem>>, vector<1x16xf32>,
        %get3A_328 = vector.shape_cast %get3A_327 : vector<1x16xf32> to vector<16xf32>
        %mul3A_329 = arith.mulf %get3A_328, %gather3A_310 : vector<16xf32>
        %swap3A_330 = arith.index_cast %add3A_314 : i32 to index
        %swap3A_331 = arith.constant 16 : index
        %swap3A_332 = tpu.vector_load %arg13[%swap3A_330, %swap3A_331] {strides = array<i32>} : memref<400x32xf32, #tpu.memory_space<vmem>>, vector<1x16xf32>,
        %swap3A_333 = vector.shape_cast %swap3A_332 : vector<1x16xf32> to vector<16xf32>
        %swap3A_334 = vector.shape_cast %mul3A_329 : vector<16xf32> to vector<1x16xf32>
        tpu.vector_store %arg13[%swap3A_330, %swap3A_331], %swap3A_334 {strides = array<i32>} : memref<400x32xf32, #tpu.memory_space<vmem>>, vector<1x16xf32>,
        %broadcast_in_dim3A_335 = arith.constant 7 : i32
        %broadcast_in_dim3A_336 = vector.broadcast %broadcast_in_dim3A_335 : i32 to vector<16x1xi32>
        %gather3A_337 = vector.shape_cast %broadcast_in_dim3A_336 : vector<16x1xi32> to vector<16xi32>
        %gather3A_338 = tpu.dynamic_gather %get3A_141[%gather3A_337] in [0] : vector<16xf32>, vector<16xi32> -> vector<16xf32>
        %mul3A_339 = arith.constant 16 : i32
        %mul3A_340 = arith.muli %scan3A_134, %mul3A_339 : i32
        %add3A_341 = arith.constant 7 : i32
        %add3A_342 = arith.addi %mul3A_340, %add3A_341 : i32
        %get3A_343 = arith.index_cast %add3A_342 : i32 to index
        %get3A_344 = arith.constant 0 : index
        %get3A_345 = tpu.vector_load %arg13[%get3A_343, %get3A_344] {strides = array<i32>} : memref<400x32xf32, #tpu.memory_space<vmem>>, vector<1x16xf32>,
        %get3A_346 = vector.shape_cast %get3A_345 : vector<1x16xf32> to vector<16xf32>
        %mul3A_347 = arith.mulf %get3A_346, %gather3A_338 : vector<16xf32>
        %swap3A_348 = arith.index_cast %add3A_342 : i32 to index
        %swap3A_349 = arith.constant 0 : index
        %swap3A_350 = tpu.vector_load %arg13[%swap3A_348, %swap3A_349] {strides = array<i32>} : memref<400x32xf32, #tpu.memory_space<vmem>>, vector<1x16xf32>,
        %swap3A_351 = vector.shape_cast %swap3A_350 : vector<1x16xf32> to vector<16xf32>
        %swap3A_352 = vector.shape_cast %mul3A_347 : vector<16xf32> to vector<1x16xf32>
        tpu.vector_store %arg13[%swap3A_348, %swap3A_349], %swap3A_352 {strides = array<i32>} : memref<400x32xf32, #tpu.memory_space<vmem>>, vector<1x16xf32>,
        %get3A_353 = arith.index_cast %add3A_342 : i32 to index
        %get3A_354 = arith.constant 16 : index
        %get3A_355 = tpu.vector_load %arg13[%get3A_353, %get3A_354] {strides = array<i32>} : memref<400x32xf32, #tpu.memory_space<vmem>>, vector<1x16xf32>,
        %get3A_356 = vector.shape_cast %get3A_355 : vector<1x16xf32> to vector<16xf32>
        %mul3A_357 = arith.mulf %get3A_356, %gather3A_338 : vector<16xf32>
        %swap3A_358 = arith.index_cast %add3A_342 : i32 to index
        %swap3A_359 = arith.constant 16 : index
        %swap3A_360 = tpu.vector_load %arg13[%swap3A_358, %swap3A_359] {strides = array<i32>} : memref<400x32xf32, #tpu.memory_space<vmem>>, vector<1x16xf32>,
        %swap3A_361 = vector.shape_cast %swap3A_360 : vector<1x16xf32> to vector<16xf32>
        %swap3A_362 = vector.shape_cast %mul3A_357 : vector<16xf32> to vector<1x16xf32>
        tpu.vector_store %arg13[%swap3A_358, %swap3A_359], %swap3A_362 {strides = array<i32>} : memref<400x32xf32, #tpu.memory_space<vmem>>, vector<1x16xf32>,
        %broadcast_in_dim3A_363 = arith.constant 8 : i32
        %broadcast_in_dim3A_364 = vector.broadcast %broadcast_in_dim3A_363 : i32 to vector<16x1xi32>
        %gather3A_365 = vector.shape_cast %broadcast_in_dim3A_364 : vector<16x1xi32> to vector<16xi32>
        %gather3A_366 = tpu.dynamic_gather %get3A_141[%gather3A_365] in [0] : vector<16xf32>, vector<16xi32> -> vector<16xf32>
        %mul3A_367 = arith.constant 16 : i32
        %mul3A_368 = arith.muli %scan3A_134, %mul3A_367 : i32
        %add3A_369 = arith.constant 8 : i32
        %add3A_370 = arith.addi %mul3A_368, %add3A_369 : i32
        %get3A_371 = arith.index_cast %add3A_370 : i32 to index
        %get3A_372 = arith.constant 0 : index
        %get3A_373 = tpu.vector_load %arg13[%get3A_371, %get3A_372] {strides = array<i32>} : memref<400x32xf32, #tpu.memory_space<vmem>>, vector<1x16xf32>,
        %get3A_374 = vector.shape_cast %get3A_373 : vector<1x16xf32> to vector<16xf32>
        %mul3A_375 = arith.mulf %get3A_374, %gather3A_366 : vector<16xf32>
        %swap3A_376 = arith.index_cast %add3A_370 : i32 to index
        %swap3A_377 = arith.constant 0 : index
        %swap3A_378 = tpu.vector_load %arg13[%swap3A_376, %swap3A_377] {strides = array<i32>} : memref<400x32xf32, #tpu.memory_space<vmem>>, vector<1x16xf32>,
        %swap3A_379 = vector.shape_cast %swap3A_378 : vector<1x16xf32> to vector<16xf32>
        %swap3A_380 = vector.shape_cast %mul3A_375 : vector<16xf32> to vector<1x16xf32>
        tpu.vector_store %arg13[%swap3A_376, %swap3A_377], %swap3A_380 {strides = array<i32>} : memref<400x32xf32, #tpu.memory_space<vmem>>, vector<1x16xf32>,
        %get3A_381 = arith.index_cast %add3A_370 : i32 to index
        %get3A_382 = arith.constant 16 : index
        %get3A_383 = tpu.vector_load %arg13[%get3A_381, %get3A_382] {strides = array<i32>} : memref<400x32xf32, #tpu.memory_space<vmem>>, vector<1x16xf32>,
        %get3A_384 = vector.shape_cast %get3A_383 : vector<1x16xf32> to vector<16xf32>
        %mul3A_385 = arith.mulf %get3A_384, %gather3A_366 : vector<16xf32>
        %swap3A_386 = arith.index_cast %add3A_370 : i32 to index
        %swap3A_387 = arith.constant 16 : index
        %swap3A_388 = tpu.vector_load %arg13[%swap3A_386, %swap3A_387] {strides = array<i32>} : memref<400x32xf32, #tpu.memory_space<vmem>>, vector<1x16xf32>,
        %swap3A_389 = vector.shape_cast %swap3A_388 : vector<1x16xf32> to vector<16xf32>
        %swap3A_390 = vector.shape_cast %mul3A_385 : vector<16xf32> to vector<1x16xf32>
        tpu.vector_store %arg13[%swap3A_386, %swap3A_387], %swap3A_390 {strides = array<i32>} : memref<400x32xf32, #tpu.memory_space<vmem>>, vector<1x16xf32>,
        %broadcast_in_dim3A_391 = arith.constant 9 : i32
        %broadcast_in_dim3A_392 = vector.broadcast %broadcast_in_dim3A_391 : i32 to vector<16x1xi32>
        %gather3A_393 = vector.shape_cast %broadcast_in_dim3A_392 : vector<16x1xi32> to vector<16xi32>
        %gather3A_394 = tpu.dynamic_gather %get3A_141[%gather3A_393] in [0] : vector<16xf32>, vector<16xi32> -> vector<16xf32>
        %mul3A_395 = arith.constant 16 : i32
        %mul3A_396 = arith.muli %scan3A_134, %mul3A_395 : i32
        %add3A_397 = arith.constant 9 : i32
        %add3A_398 = arith.addi %mul3A_396, %add3A_397 : i32
        %get3A_399 = arith.index_cast %add3A_398 : i32 to index
        %get3A_400 = arith.constant 0 : index
        %get3A_401 = tpu.vector_load %arg13[%get3A_399, %get3A_400] {strides = array<i32>} : memref<400x32xf32, #tpu.memory_space<vmem>>, vector<1x16xf32>,
        %get3A_402 = vector.shape_cast %get3A_401 : vector<1x16xf32> to vector<16xf32>
        %mul3A_403 = arith.mulf %get3A_402, %gather3A_394 : vector<16xf32>
        %swap3A_404 = arith.index_cast %add3A_398 : i32 to index
        %swap3A_405 = arith.constant 0 : index
        %swap3A_406 = tpu.vector_load %arg13[%swap3A_404, %swap3A_405] {strides = array<i32>} : memref<400x32xf32, #tpu.memory_space<vmem>>, vector<1x16xf32>,
        %swap3A_407 = vector.shape_cast %swap3A_406 : vector<1x16xf32> to vector<16xf32>
        %swap3A_408 = vector.shape_cast %mul3A_403 : vector<16xf32> to vector<1x16xf32>
        tpu.vector_store %arg13[%swap3A_404, %swap3A_405], %swap3A_408 {strides = array<i32>} : memref<400x32xf32, #tpu.memory_space<vmem>>, vector<1x16xf32>,
        %get3A_409 = arith.index_cast %add3A_398 : i32 to index
        %get3A_410 = arith.constant 16 : index
        %get3A_411 = tpu.vector_load %arg13[%get3A_409, %get3A_410] {strides = array<i32>} : memref<400x32xf32, #tpu.memory_space<vmem>>, vector<1x16xf32>,
        %get3A_412 = vector.shape_cast %get3A_411 : vector<1x16xf32> to vector<16xf32>
        %mul3A_413 = arith.mulf %get3A_412, %gather3A_394 : vector<16xf32>
        %swap3A_414 = arith.index_cast %add3A_398 : i32 to index
        %swap3A_415 = arith.constant 16 : index
        %swap3A_416 = tpu.vector_load %arg13[%swap3A_414, %swap3A_415] {strides = array<i32>} : memref<400x32xf32, #tpu.memory_space<vmem>>, vector<1x16xf32>,
        %swap3A_417 = vector.shape_cast %swap3A_416 : vector<1x16xf32> to vector<16xf32>
        %swap3A_418 = vector.shape_cast %mul3A_413 : vector<16xf32> to vector<1x16xf32>
        tpu.vector_store %arg13[%swap3A_414, %swap3A_415], %swap3A_418 {strides = array<i32>} : memref<400x32xf32, #tpu.memory_space<vmem>>, vector<1x16xf32>,
        %broadcast_in_dim3A_419 = arith.constant 10 : i32
        %broadcast_in_dim3A_420 = vector.broadcast %broadcast_in_dim3A_419 : i32 to vector<16x1xi32>
        %gather3A_421 = vector.shape_cast %broadcast_in_dim3A_420 : vector<16x1xi32> to vector<16xi32>
        %gather3A_422 = tpu.dynamic_gather %get3A_141[%gather3A_421] in [0] : vector<16xf32>, vector<16xi32> -> vector<16xf32>
        %mul3A_423 = arith.constant 16 : i32
        %mul3A_424 = arith.muli %scan3A_134, %mul3A_423 : i32
        %add3A_425 = arith.constant 10 : i32
        %add3A_426 = arith.addi %mul3A_424, %add3A_425 : i32
        %get3A_427 = arith.index_cast %add3A_426 : i32 to index
        %get3A_428 = arith.constant 0 : index
        %get3A_429 = tpu.vector_load %arg13[%get3A_427, %get3A_428] {strides = array<i32>} : memref<400x32xf32, #tpu.memory_space<vmem>>, vector<1x16xf32>,
        %get3A_430 = vector.shape_cast %get3A_429 : vector<1x16xf32> to vector<16xf32>
        %mul3A_431 = arith.mulf %get3A_430, %gather3A_422 : vector<16xf32>
        %swap3A_432 = arith.index_cast %add3A_426 : i32 to index
        %swap3A_433 = arith.constant 0 : index
        %swap3A_434 = tpu.vector_load %arg13[%swap3A_432, %swap3A_433] {strides = array<i32>} : memref<400x32xf32, #tpu.memory_space<vmem>>, vector<1x16xf32>,
        %swap3A_435 = vector.shape_cast %swap3A_434 : vector<1x16xf32> to vector<16xf32>
        %swap3A_436 = vector.shape_cast %mul3A_431 : vector<16xf32> to vector<1x16xf32>
        tpu.vector_store %arg13[%swap3A_432, %swap3A_433], %swap3A_436 {strides = array<i32>} : memref<400x32xf32, #tpu.memory_space<vmem>>, vector<1x16xf32>,
        %get3A_437 = arith.index_cast %add3A_426 : i32 to index
        %get3A_438 = arith.constant 16 : index
        %get3A_439 = tpu.vector_load %arg13[%get3A_437, %get3A_438] {strides = array<i32>} : memref<400x32xf32, #tpu.memory_space<vmem>>, vector<1x16xf32>,
        %get3A_440 = vector.shape_cast %get3A_439 : vector<1x16xf32> to vector<16xf32>
        %mul3A_441 = arith.mulf %get3A_440, %gather3A_422 : vector<16xf32>
        %swap3A_442 = arith.index_cast %add3A_426 : i32 to index
        %swap3A_443 = arith.constant 16 : index
        %swap3A_444 = tpu.vector_load %arg13[%swap3A_442, %swap3A_443] {strides = array<i32>} : memref<400x32xf32, #tpu.memory_space<vmem>>, vector<1x16xf32>,
        %swap3A_445 = vector.shape_cast %swap3A_444 : vector<1x16xf32> to vector<16xf32>
        %swap3A_446 = vector.shape_cast %mul3A_441 : vector<16xf32> to vector<1x16xf32>
        tpu.vector_store %arg13[%swap3A_442, %swap3A_443], %swap3A_446 {strides = array<i32>} : memref<400x32xf32, #tpu.memory_space<vmem>>, vector<1x16xf32>,
        %broadcast_in_dim3A_447 = arith.constant 11 : i32
        %broadcast_in_dim3A_448 = vector.broadcast %broadcast_in_dim3A_447 : i32 to vector<16x1xi32>
        %gather3A_449 = vector.shape_cast %broadcast_in_dim3A_448 : vector<16x1xi32> to vector<16xi32>
        %gather3A_450 = tpu.dynamic_gather %get3A_141[%gather3A_449] in [0] : vector<16xf32>, vector<16xi32> -> vector<16xf32>
        %mul3A_451 = arith.constant 16 : i32
        %mul3A_452 = arith.muli %scan3A_134, %mul3A_451 : i32
        %add3A_453 = arith.constant 11 : i32
        %add3A_454 = arith.addi %mul3A_452, %add3A_453 : i32
        %get3A_455 = arith.index_cast %add3A_454 : i32 to index
        %get3A_456 = arith.constant 0 : index
        %get3A_457 = tpu.vector_load %arg13[%get3A_455, %get3A_456] {strides = array<i32>} : memref<400x32xf32, #tpu.memory_space<vmem>>, vector<1x16xf32>,
        %get3A_458 = vector.shape_cast %get3A_457 : vector<1x16xf32> to vector<16xf32>
        %mul3A_459 = arith.mulf %get3A_458, %gather3A_450 : vector<16xf32>
        %swap3A_460 = arith.index_cast %add3A_454 : i32 to index
        %swap3A_461 = arith.constant 0 : index
        %swap3A_462 = tpu.vector_load %arg13[%swap3A_460, %swap3A_461] {strides = array<i32>} : memref<400x32xf32, #tpu.memory_space<vmem>>, vector<1x16xf32>,
        %swap3A_463 = vector.shape_cast %swap3A_462 : vector<1x16xf32> to vector<16xf32>
        %swap3A_464 = vector.shape_cast %mul3A_459 : vector<16xf32> to vector<1x16xf32>
        tpu.vector_store %arg13[%swap3A_460, %swap3A_461], %swap3A_464 {strides = array<i32>} : memref<400x32xf32, #tpu.memory_space<vmem>>, vector<1x16xf32>,
        %get3A_465 = arith.index_cast %add3A_454 : i32 to index
        %get3A_466 = arith.constant 16 : index
        %get3A_467 = tpu.vector_load %arg13[%get3A_465, %get3A_466] {strides = array<i32>} : memref<400x32xf32, #tpu.memory_space<vmem>>, vector<1x16xf32>,
        %get3A_468 = vector.shape_cast %get3A_467 : vector<1x16xf32> to vector<16xf32>
        %mul3A_469 = arith.mulf %get3A_468, %gather3A_450 : vector<16xf32>
        %swap3A_470 = arith.index_cast %add3A_454 : i32 to index
        %swap3A_471 = arith.constant 16 : index
        %swap3A_472 = tpu.vector_load %arg13[%swap3A_470, %swap3A_471] {strides = array<i32>} : memref<400x32xf32, #tpu.memory_space<vmem>>, vector<1x16xf32>,
        %swap3A_473 = vector.shape_cast %swap3A_472 : vector<1x16xf32> to vector<16xf32>
        %swap3A_474 = vector.shape_cast %mul3A_469 : vector<16xf32> to vector<1x16xf32>
        tpu.vector_store %arg13[%swap3A_470, %swap3A_471], %swap3A_474 {strides = array<i32>} : memref<400x32xf32, #tpu.memory_space<vmem>>, vector<1x16xf32>,
        %broadcast_in_dim3A_475 = arith.constant 12 : i32
        %broadcast_in_dim3A_476 = vector.broadcast %broadcast_in_dim3A_475 : i32 to vector<16x1xi32>
        %gather3A_477 = vector.shape_cast %broadcast_in_dim3A_476 : vector<16x1xi32> to vector<16xi32>
        %gather3A_478 = tpu.dynamic_gather %get3A_141[%gather3A_477] in [0] : vector<16xf32>, vector<16xi32> -> vector<16xf32>
        %mul3A_479 = arith.constant 16 : i32
        %mul3A_480 = arith.muli %scan3A_134, %mul3A_479 : i32
        %add3A_481 = arith.constant 12 : i32
        %add3A_482 = arith.addi %mul3A_480, %add3A_481 : i32
        %get3A_483 = arith.index_cast %add3A_482 : i32 to index
        %get3A_484 = arith.constant 0 : index
        %get3A_485 = tpu.vector_load %arg13[%get3A_483, %get3A_484] {strides = array<i32>} : memref<400x32xf32, #tpu.memory_space<vmem>>, vector<1x16xf32>,
        %get3A_486 = vector.shape_cast %get3A_485 : vector<1x16xf32> to vector<16xf32>
        %mul3A_487 = arith.mulf %get3A_486, %gather3A_478 : vector<16xf32>
        %swap3A_488 = arith.index_cast %add3A_482 : i32 to index
        %swap3A_489 = arith.constant 0 : index
        %swap3A_490 = tpu.vector_load %arg13[%swap3A_488, %swap3A_489] {strides = array<i32>} : memref<400x32xf32, #tpu.memory_space<vmem>>, vector<1x16xf32>,
        %swap3A_491 = vector.shape_cast %swap3A_490 : vector<1x16xf32> to vector<16xf32>
        %swap3A_492 = vector.shape_cast %mul3A_487 : vector<16xf32> to vector<1x16xf32>
        tpu.vector_store %arg13[%swap3A_488, %swap3A_489], %swap3A_492 {strides = array<i32>} : memref<400x32xf32, #tpu.memory_space<vmem>>, vector<1x16xf32>,
        %get3A_493 = arith.index_cast %add3A_482 : i32 to index
        %get3A_494 = arith.constant 16 : index
        %get3A_495 = tpu.vector_load %arg13[%get3A_493, %get3A_494] {strides = array<i32>} : memref<400x32xf32, #tpu.memory_space<vmem>>, vector<1x16xf32>,
        %get3A_496 = vector.shape_cast %get3A_495 : vector<1x16xf32> to vector<16xf32>
        %mul3A_497 = arith.mulf %get3A_496, %gather3A_478 : vector<16xf32>
        %swap3A_498 = arith.index_cast %add3A_482 : i32 to index
        %swap3A_499 = arith.constant 16 : index
        %swap3A_500 = tpu.vector_load %arg13[%swap3A_498, %swap3A_499] {strides = array<i32>} : memref<400x32xf32, #tpu.memory_space<vmem>>, vector<1x16xf32>,
        %swap3A_501 = vector.shape_cast %swap3A_500 : vector<1x16xf32> to vector<16xf32>
        %swap3A_502 = vector.shape_cast %mul3A_497 : vector<16xf32> to vector<1x16xf32>
        tpu.vector_store %arg13[%swap3A_498, %swap3A_499], %swap3A_502 {strides = array<i32>} : memref<400x32xf32, #tpu.memory_space<vmem>>, vector<1x16xf32>,
        %broadcast_in_dim3A_503 = arith.constant 13 : i32
        %broadcast_in_dim3A_504 = vector.broadcast %broadcast_in_dim3A_503 : i32 to vector<16x1xi32>
        %gather3A_505 = vector.shape_cast %broadcast_in_dim3A_504 : vector<16x1xi32> to vector<16xi32>
        %gather3A_506 = tpu.dynamic_gather %get3A_141[%gather3A_505] in [0] : vector<16xf32>, vector<16xi32> -> vector<16xf32>
        %mul3A_507 = arith.constant 16 : i32
        %mul3A_508 = arith.muli %scan3A_134, %mul3A_507 : i32
        %add3A_509 = arith.constant 13 : i32
        %add3A_510 = arith.addi %mul3A_508, %add3A_509 : i32
        %get3A_511 = arith.index_cast %add3A_510 : i32 to index
        %get3A_512 = arith.constant 0 : index
        %get3A_513 = tpu.vector_load %arg13[%get3A_511, %get3A_512] {strides = array<i32>} : memref<400x32xf32, #tpu.memory_space<vmem>>, vector<1x16xf32>,
        %get3A_514 = vector.shape_cast %get3A_513 : vector<1x16xf32> to vector<16xf32>
        %mul3A_515 = arith.mulf %get3A_514, %gather3A_506 : vector<16xf32>
        %swap3A_516 = arith.index_cast %add3A_510 : i32 to index
        %swap3A_517 = arith.constant 0 : index
        %swap3A_518 = tpu.vector_load %arg13[%swap3A_516, %swap3A_517] {strides = array<i32>} : memref<400x32xf32, #tpu.memory_space<vmem>>, vector<1x16xf32>,
        %swap3A_519 = vector.shape_cast %swap3A_518 : vector<1x16xf32> to vector<16xf32>
        %swap3A_520 = vector.shape_cast %mul3A_515 : vector<16xf32> to vector<1x16xf32>
        tpu.vector_store %arg13[%swap3A_516, %swap3A_517], %swap3A_520 {strides = array<i32>} : memref<400x32xf32, #tpu.memory_space<vmem>>, vector<1x16xf32>,
        %get3A_521 = arith.index_cast %add3A_510 : i32 to index
        %get3A_522 = arith.constant 16 : index
        %get3A_523 = tpu.vector_load %arg13[%get3A_521, %get3A_522] {strides = array<i32>} : memref<400x32xf32, #tpu.memory_space<vmem>>, vector<1x16xf32>,
        %get3A_524 = vector.shape_cast %get3A_523 : vector<1x16xf32> to vector<16xf32>
        %mul3A_525 = arith.mulf %get3A_524, %gather3A_506 : vector<16xf32>
        %swap3A_526 = arith.index_cast %add3A_510 : i32 to index
        %swap3A_527 = arith.constant 16 : index
        %swap3A_528 = tpu.vector_load %arg13[%swap3A_526, %swap3A_527] {strides = array<i32>} : memref<400x32xf32, #tpu.memory_space<vmem>>, vector<1x16xf32>,
        %swap3A_529 = vector.shape_cast %swap3A_528 : vector<1x16xf32> to vector<16xf32>
        %swap3A_530 = vector.shape_cast %mul3A_525 : vector<16xf32> to vector<1x16xf32>
        tpu.vector_store %arg13[%swap3A_526, %swap3A_527], %swap3A_530 {strides = array<i32>} : memref<400x32xf32, #tpu.memory_space<vmem>>, vector<1x16xf32>,
        %broadcast_in_dim3A_531 = arith.constant 14 : i32
        %broadcast_in_dim3A_532 = vector.broadcast %broadcast_in_dim3A_531 : i32 to vector<16x1xi32>
        %gather3A_533 = vector.shape_cast %broadcast_in_dim3A_532 : vector<16x1xi32> to vector<16xi32>
        %gather3A_534 = tpu.dynamic_gather %get3A_141[%gather3A_533] in [0] : vector<16xf32>, vector<16xi32> -> vector<16xf32>
        %mul3A_535 = arith.constant 16 : i32
        %mul3A_536 = arith.muli %scan3A_134, %mul3A_535 : i32
        %add3A_537 = arith.constant 14 : i32
        %add3A_538 = arith.addi %mul3A_536, %add3A_537 : i32
        %get3A_539 = arith.index_cast %add3A_538 : i32 to index
        %get3A_540 = arith.constant 0 : index
        %get3A_541 = tpu.vector_load %arg13[%get3A_539, %get3A_540] {strides = array<i32>} : memref<400x32xf32, #tpu.memory_space<vmem>>, vector<1x16xf32>,
        %get3A_542 = vector.shape_cast %get3A_541 : vector<1x16xf32> to vector<16xf32>
        %mul3A_543 = arith.mulf %get3A_542, %gather3A_534 : vector<16xf32>
        %swap3A_544 = arith.index_cast %add3A_538 : i32 to index
        %swap3A_545 = arith.constant 0 : index
        %swap3A_546 = tpu.vector_load %arg13[%swap3A_544, %swap3A_545] {strides = array<i32>} : memref<400x32xf32, #tpu.memory_space<vmem>>, vector<1x16xf32>,
        %swap3A_547 = vector.shape_cast %swap3A_546 : vector<1x16xf32> to vector<16xf32>
        %swap3A_548 = vector.shape_cast %mul3A_543 : vector<16xf32> to vector<1x16xf32>
        tpu.vector_store %arg13[%swap3A_544, %swap3A_545], %swap3A_548 {strides = array<i32>} : memref<400x32xf32, #tpu.memory_space<vmem>>, vector<1x16xf32>,
        %get3A_549 = arith.index_cast %add3A_538 : i32 to index
        %get3A_550 = arith.constant 16 : index
        %get3A_551 = tpu.vector_load %arg13[%get3A_549, %get3A_550] {strides = array<i32>} : memref<400x32xf32, #tpu.memory_space<vmem>>, vector<1x16xf32>,
        %get3A_552 = vector.shape_cast %get3A_551 : vector<1x16xf32> to vector<16xf32>
        %mul3A_553 = arith.mulf %get3A_552, %gather3A_534 : vector<16xf32>
        %swap3A_554 = arith.index_cast %add3A_538 : i32 to index
        %swap3A_555 = arith.constant 16 : index
        %swap3A_556 = tpu.vector_load %arg13[%swap3A_554, %swap3A_555] {strides = array<i32>} : memref<400x32xf32, #tpu.memory_space<vmem>>, vector<1x16xf32>,
        %swap3A_557 = vector.shape_cast %swap3A_556 : vector<1x16xf32> to vector<16xf32>
        %swap3A_558 = vector.shape_cast %mul3A_553 : vector<16xf32> to vector<1x16xf32>
        tpu.vector_store %arg13[%swap3A_554, %swap3A_555], %swap3A_558 {strides = array<i32>} : memref<400x32xf32, #tpu.memory_space<vmem>>, vector<1x16xf32>,
        %broadcast_in_dim3A_559 = arith.constant 15 : i32
        %broadcast_in_dim3A_560 = vector.broadcast %broadcast_in_dim3A_559 : i32 to vector<16x1xi32>
        %gather3A_561 = vector.shape_cast %broadcast_in_dim3A_560 : vector<16x1xi32> to vector<16xi32>
        %gather3A_562 = tpu.dynamic_gather %get3A_141[%gather3A_561] in [0] : vector<16xf32>, vector<16xi32> -> vector<16xf32>
        %mul3A_563 = arith.constant 16 : i32
        %mul3A_564 = arith.muli %scan3A_134, %mul3A_563 : i32
        %add3A_565 = arith.constant 15 : i32
        %add3A_566 = arith.addi %mul3A_564, %add3A_565 : i32
        %get3A_567 = arith.index_cast %add3A_566 : i32 to index
        %get3A_568 = arith.constant 0 : index
        %get3A_569 = tpu.vector_load %arg13[%get3A_567, %get3A_568] {strides = array<i32>} : memref<400x32xf32, #tpu.memory_space<vmem>>, vector<1x16xf32>,
        %get3A_570 = vector.shape_cast %get3A_569 : vector<1x16xf32> to vector<16xf32>
        %mul3A_571 = arith.mulf %get3A_570, %gather3A_562 : vector<16xf32>
        %swap3A_572 = arith.index_cast %add3A_566 : i32 to index
        %swap3A_573 = arith.constant 0 : index
        %swap3A_574 = tpu.vector_load %arg13[%swap3A_572, %swap3A_573] {strides = array<i32>} : memref<400x32xf32, #tpu.memory_space<vmem>>, vector<1x16xf32>,
        %swap3A_575 = vector.shape_cast %swap3A_574 : vector<1x16xf32> to vector<16xf32>
        %swap3A_576 = vector.shape_cast %mul3A_571 : vector<16xf32> to vector<1x16xf32>
        tpu.vector_store %arg13[%swap3A_572, %swap3A_573], %swap3A_576 {strides = array<i32>} : memref<400x32xf32, #tpu.memory_space<vmem>>, vector<1x16xf32>,
        %get3A_577 = arith.index_cast %add3A_566 : i32 to index
        %get3A_578 = arith.constant 16 : index
        %get3A_579 = tpu.vector_load %arg13[%get3A_577, %get3A_578] {strides = array<i32>} : memref<400x32xf32, #tpu.memory_space<vmem>>, vector<1x16xf32>,
        %get3A_580 = vector.shape_cast %get3A_579 : vector<1x16xf32> to vector<16xf32>
        %mul3A_581 = arith.mulf %get3A_580, %gather3A_562 : vector<16xf32>
        %swap3A_582 = arith.index_cast %add3A_566 : i32 to index
        %swap3A_583 = arith.constant 16 : index
        %swap3A_584 = tpu.vector_load %arg13[%swap3A_582, %swap3A_583] {strides = array<i32>} : memref<400x32xf32, #tpu.memory_space<vmem>>, vector<1x16xf32>,
        %swap3A_585 = vector.shape_cast %swap3A_584 : vector<1x16xf32> to vector<16xf32>
        %swap3A_586 = vector.shape_cast %mul3A_581 : vector<16xf32> to vector<1x16xf32>
        tpu.vector_store %arg13[%swap3A_582, %swap3A_583], %swap3A_586 {strides = array<i32>} : memref<400x32xf32, #tpu.memory_space<vmem>>, vector<1x16xf32>,
      }
      %scan3A_74 = arith.constant 25 : i32
      %mul3A_75 = arith.constant 400 : i32
      %mul3A_76 = arith.muli %mul3A_62, %mul3A_75 : i32
      %dma_start3A_77 = tpu.memref_slice %arg9[%mul3A_76] : memref<10000xi32, #tpu.memory_space<vmem>> -> memref<400xi32, #tpu.memory_space<vmem>>
      %dma_start3A_78 = arith.constant 0 : i32
      %dma_start3A_79 = arith.constant 0 : i32
      %dma_start3A_80 = tpu.memref_slice %arg16[%dma_start3A_78, %dma_start3A_79] : memref<10000x32xf32, #tpu.memory_space<vmem_shared>> -> memref<10000x32xf32, #tpu.memory_space<vmem_shared>>
      tpu.enqueue_indirect_dma source(%arg13 : memref<400x32xf32, #tpu.memory_space<vmem>>) target(%dma_start3A_80 : memref<10000x32xf32, #tpu.memory_space<vmem_shared>>) offsets(%dma_start3A_77 : memref<400xi32, #tpu.memory_space<vmem>>) semaphore(%arg11 : memref<!tpu.dma_semaphore, #tpu.memory_space<semaphore_mem>>) {add = true}
      %add3A_81 = arith.constant 1 : i32
      %add3A_82 = arith.addi %mul3A_62, %add3A_81 : i32
      %mul3A_83 = arith.constant 400 : i32
      %mul3A_84 = arith.muli %add3A_82, %mul3A_83 : i32
      %dma_wait3A_85 = tpu.memref_slice %arg8[%mul3A_84] : memref<10000xi32, #tpu.memory_space<vmem>> -> memref<400xi32, #tpu.memory_space<vmem>>
      %dma_wait3A_86 = arith.constant 0 : i32
      %dma_wait3A_87 = arith.constant 0 : i32
      %dma_wait3A_88 = tpu.memref_slice %arg2[%dma_wait3A_86, %dma_wait3A_87] : memref<10000x32xf32, #tpu.memory_space<hbm>> -> memref<10000x32xf32, #tpu.memory_space<hbm>>
      tpu.wait_indirect_dma semaphore(%arg18 : memref<!tpu.dma_semaphore, #tpu.memory_space<semaphore_mem>>) src(%dma_wait3A_88 : memref<10000x32xf32, #tpu.memory_space<hbm>>) dst(%arg14 : memref<400x32xf32, #tpu.memory_space<vmem>>)
      %add3A_89 = arith.constant 1 : i32
      %add3A_90 = arith.addi %mul3A_62, %add3A_89 : i32
      %scan3A_91 = arith.constant 0 : i32
      %scan3A_92 = arith.constant 0 : i32
      %scan3A_93 = arith.constant 25 : i32
      %scan3A_94 = arith.addi %scan3A_92, %scan3A_93 : i32
      %scan3A_95 = arith.constant 1 : i32
      scf.for %scan3A_134 = %scan3A_92 to %scan3A_94 step %scan3A_95  : i32 {
        %mul3A_135 = arith.constant 400 : i32
        %mul3A_136 = arith.muli %add3A_90, %mul3A_135 : i32
        %mul3A_137 = arith.constant 16 : i32
        %mul3A_138 = arith.muli %scan3A_134, %mul3A_137 : i32
        %add3A_139 = arith.addi %mul3A_136, %mul3A_138 : i32
        %get3A = arith.index_cast %add3A_139 : i32 to index
        %get3A_140 = tpu.vector_load %arg10[%get3A] {strides = array<i32>} : memref<10000xf32, #tpu.memory_space<vmem>>, vector<16xf32>,
        %get3A_141 = vector.shape_cast %get3A_140 : vector<16xf32> to vector<16xf32>
        %broadcast_in_dim3A = arith.constant 0 : i32
        %broadcast_in_dim3A_142 = vector.broadcast %broadcast_in_dim3A : i32 to vector<16x1xi32>
        %gather3A = vector.shape_cast %broadcast_in_dim3A_142 : vector<16x1xi32> to vector<16xi32>
        %gather3A_143 = tpu.dynamic_gather %get3A_141[%gather3A] in [0] : vector<16xf32>, vector<16xi32> -> vector<16xf32>
        %mul3A_144 = arith.constant 16 : i32
        %mul3A_145 = arith.muli %scan3A_134, %mul3A_144 : i32
        %add3A_146 = arith.constant 0 : i32
        %add3A_147 = arith.addi %mul3A_145, %add3A_146 : i32
        %get3A_148 = arith.index_cast %add3A_147 : i32 to index
        %get3A_149 = arith.constant 0 : index
        %get3A_150 = tpu.vector_load %arg14[%get3A_148, %get3A_149] {strides = array<i32>} : memref<400x32xf32, #tpu.memory_space<vmem>>, vector<1x16xf32>,
        %get3A_151 = vector.shape_cast %get3A_150 : vector<1x16xf32> to vector<16xf32>
        %mul3A_152 = arith.mulf %get3A_151, %gather3A_143 : vector<16xf32>
        %swap3A = arith.index_cast %add3A_147 : i32 to index
        %swap3A_153 = arith.constant 0 : index
        %swap3A_154 = tpu.vector_load %arg14[%swap3A, %swap3A_153] {strides = array<i32>} : memref<400x32xf32, #tpu.memory_space<vmem>>, vector<1x16xf32>,
        %swap3A_155 = vector.shape_cast %swap3A_154 : vector<1x16xf32> to vector<16xf32>
        %swap3A_156 = vector.shape_cast %mul3A_152 : vector<16xf32> to vector<1x16xf32>
        tpu.vector_store %arg14[%swap3A, %swap3A_153], %swap3A_156 {strides = array<i32>} : memref<400x32xf32, #tpu.memory_space<vmem>>, vector<1x16xf32>,
        %get3A_157 = arith.index_cast %add3A_147 : i32 to index
        %get3A_158 = arith.constant 16 : index
        %get3A_159 = tpu.vector_load %arg14[%get3A_157, %get3A_158] {strides = array<i32>} : memref<400x32xf32, #tpu.memory_space<vmem>>, vector<1x16xf32>,
        %get3A_160 = vector.shape_cast %get3A_159 : vector<1x16xf32> to vector<16xf32>
        %mul3A_161 = arith.mulf %get3A_160, %gather3A_143 : vector<16xf32>
        %swap3A_162 = arith.index_cast %add3A_147 : i32 to index
        %swap3A_163 = arith.constant 16 : index
        %swap3A_164 = tpu.vector_load %arg14[%swap3A_162, %swap3A_163] {strides = array<i32>} : memref<400x32xf32, #tpu.memory_space<vmem>>, vector<1x16xf32>,
        %swap3A_165 = vector.shape_cast %swap3A_164 : vector<1x16xf32> to vector<16xf32>
        %swap3A_166 = vector.shape_cast %mul3A_161 : vector<16xf32> to vector<1x16xf32>
        tpu.vector_store %arg14[%swap3A_162, %swap3A_163], %swap3A_166 {strides = array<i32>} : memref<400x32xf32, #tpu.memory_space<vmem>>, vector<1x16xf32>,
        %broadcast_in_dim3A_167 = arith.constant 1 : i32
        %broadcast_in_dim3A_168 = vector.broadcast %broadcast_in_dim3A_167 : i32 to vector<16x1xi32>
        %gather3A_169 = vector.shape_cast %broadcast_in_dim3A_168 : vector<16x1xi32> to vector<16xi32>
        %gather3A_170 = tpu.dynamic_gather %get3A_141[%gather3A_169] in [0] : vector<16xf32>, vector<16xi32> -> vector<16xf32>
        %mul3A_171 = arith.constant 16 : i32
        %mul3A_172 = arith.muli %scan3A_134, %mul3A_171 : i32
        %add3A_173 = arith.constant 1 : i32
        %add3A_174 = arith.addi %mul3A_172, %add3A_173 : i32
        %get3A_175 = arith.index_cast %add3A_174 : i32 to index
        %get3A_176 = arith.constant 0 : index
        %get3A_177 = tpu.vector_load %arg14[%get3A_175, %get3A_176] {strides = array<i32>} : memref<400x32xf32, #tpu.memory_space<vmem>>, vector<1x16xf32>,
        %get3A_178 = vector.shape_cast %get3A_177 : vector<1x16xf32> to vector<16xf32>
        %mul3A_179 = arith.mulf %get3A_178, %gather3A_170 : vector<16xf32>
        %swap3A_180 = arith.index_cast %add3A_174 : i32 to index
        %swap3A_181 = arith.constant 0 : index
        %swap3A_182 = tpu.vector_load %arg14[%swap3A_180, %swap3A_181] {strides = array<i32>} : memref<400x32xf32, #tpu.memory_space<vmem>>, vector<1x16xf32>,
        %swap3A_183 = vector.shape_cast %swap3A_182 : vector<1x16xf32> to vector<16xf32>
        %swap3A_184 = vector.shape_cast %mul3A_179 : vector<16xf32> to vector<1x16xf32>
        tpu.vector_store %arg14[%swap3A_180, %swap3A_181], %swap3A_184 {strides = array<i32>} : memref<400x32xf32, #tpu.memory_space<vmem>>, vector<1x16xf32>,
        %get3A_185 = arith.index_cast %add3A_174 : i32 to index
        %get3A_186 = arith.constant 16 : index
        %get3A_187 = tpu.vector_load %arg14[%get3A_185, %get3A_186] {strides = array<i32>} : memref<400x32xf32, #tpu.memory_space<vmem>>, vector<1x16xf32>,
        %get3A_188 = vector.shape_cast %get3A_187 : vector<1x16xf32> to vector<16xf32>
        %mul3A_189 = arith.mulf %get3A_188, %gather3A_170 : vector<16xf32>
        %swap3A_190 = arith.index_cast %add3A_174 : i32 to index
        %swap3A_191 = arith.constant 16 : index
        %swap3A_192 = tpu.vector_load %arg14[%swap3A_190, %swap3A_191] {strides = array<i32>} : memref<400x32xf32, #tpu.memory_space<vmem>>, vector<1x16xf32>,
        %swap3A_193 = vector.shape_cast %swap3A_192 : vector<1x16xf32> to vector<16xf32>
        %swap3A_194 = vector.shape_cast %mul3A_189 : vector<16xf32> to vector<1x16xf32>
        tpu.vector_store %arg14[%swap3A_190, %swap3A_191], %swap3A_194 {strides = array<i32>} : memref<400x32xf32, #tpu.memory_space<vmem>>, vector<1x16xf32>,
        %broadcast_in_dim3A_195 = arith.constant 2 : i32
        %broadcast_in_dim3A_196 = vector.broadcast %broadcast_in_dim3A_195 : i32 to vector<16x1xi32>
        %gather3A_197 = vector.shape_cast %broadcast_in_dim3A_196 : vector<16x1xi32> to vector<16xi32>
        %gather3A_198 = tpu.dynamic_gather %get3A_141[%gather3A_197] in [0] : vector<16xf32>, vector<16xi32> -> vector<16xf32>
        %mul3A_199 = arith.constant 16 : i32
        %mul3A_200 = arith.muli %scan3A_134, %mul3A_199 : i32
        %add3A_201 = arith.constant 2 : i32
        %add3A_202 = arith.addi %mul3A_200, %add3A_201 : i32
        %get3A_203 = arith.index_cast %add3A_202 : i32 to index
        %get3A_204 = arith.constant 0 : index
        %get3A_205 = tpu.vector_load %arg14[%get3A_203, %get3A_204] {strides = array<i32>} : memref<400x32xf32, #tpu.memory_space<vmem>>, vector<1x16xf32>,
        %get3A_206 = vector.shape_cast %get3A_205 : vector<1x16xf32> to vector<16xf32>
        %mul3A_207 = arith.mulf %get3A_206, %gather3A_198 : vector<16xf32>
        %swap3A_208 = arith.index_cast %add3A_202 : i32 to index
        %swap3A_209 = arith.constant 0 : index
        %swap3A_210 = tpu.vector_load %arg14[%swap3A_208, %swap3A_209] {strides = array<i32>} : memref<400x32xf32, #tpu.memory_space<vmem>>, vector<1x16xf32>,
        %swap3A_211 = vector.shape_cast %swap3A_210 : vector<1x16xf32> to vector<16xf32>
        %swap3A_212 = vector.shape_cast %mul3A_207 : vector<16xf32> to vector<1x16xf32>
        tpu.vector_store %arg14[%swap3A_208, %swap3A_209], %swap3A_212 {strides = array<i32>} : memref<400x32xf32, #tpu.memory_space<vmem>>, vector<1x16xf32>,
        %get3A_213 = arith.index_cast %add3A_202 : i32 to index
        %get3A_214 = arith.constant 16 : index
        %get3A_215 = tpu.vector_load %arg14[%get3A_213, %get3A_214] {strides = array<i32>} : memref<400x32xf32, #tpu.memory_space<vmem>>, vector<1x16xf32>,
        %get3A_216 = vector.shape_cast %get3A_215 : vector<1x16xf32> to vector<16xf32>
        %mul3A_217 = arith.mulf %get3A_216, %gather3A_198 : vector<16xf32>
        %swap3A_218 = arith.index_cast %add3A_202 : i32 to index
        %swap3A_219 = arith.constant 16 : index
        %swap3A_220 = tpu.vector_load %arg14[%swap3A_218, %swap3A_219] {strides = array<i32>} : memref<400x32xf32, #tpu.memory_space<vmem>>, vector<1x16xf32>,
        %swap3A_221 = vector.shape_cast %swap3A_220 : vector<1x16xf32> to vector<16xf32>
        %swap3A_222 = vector.shape_cast %mul3A_217 : vector<16xf32> to vector<1x16xf32>
        tpu.vector_store %arg14[%swap3A_218, %swap3A_219], %swap3A_222 {strides = array<i32>} : memref<400x32xf32, #tpu.memory_space<vmem>>, vector<1x16xf32>,
        %broadcast_in_dim3A_223 = arith.constant 3 : i32
        %broadcast_in_dim3A_224 = vector.broadcast %broadcast_in_dim3A_223 : i32 to vector<16x1xi32>
        %gather3A_225 = vector.shape_cast %broadcast_in_dim3A_224 : vector<16x1xi32> to vector<16xi32>
        %gather3A_226 = tpu.dynamic_gather %get3A_141[%gather3A_225] in [0] : vector<16xf32>, vector<16xi32> -> vector<16xf32>
        %mul3A_227 = arith.constant 16 : i32
        %mul3A_228 = arith.muli %scan3A_134, %mul3A_227 : i32
        %add3A_229 = arith.constant 3 : i32
        %add3A_230 = arith.addi %mul3A_228, %add3A_229 : i32
        %get3A_231 = arith.index_cast %add3A_230 : i32 to index
        %get3A_232 = arith.constant 0 : index
        %get3A_233 = tpu.vector_load %arg14[%get3A_231, %get3A_232] {strides = array<i32>} : memref<400x32xf32, #tpu.memory_space<vmem>>, vector<1x16xf32>,
        %get3A_234 = vector.shape_cast %get3A_233 : vector<1x16xf32> to vector<16xf32>
        %mul3A_235 = arith.mulf %get3A_234, %gather3A_226 : vector<16xf32>
        %swap3A_236 = arith.index_cast %add3A_230 : i32 to index
        %swap3A_237 = arith.constant 0 : index
        %swap3A_238 = tpu.vector_load %arg14[%swap3A_236, %swap3A_237] {strides = array<i32>} : memref<400x32xf32, #tpu.memory_space<vmem>>, vector<1x16xf32>,
        %swap3A_239 = vector.shape_cast %swap3A_238 : vector<1x16xf32> to vector<16xf32>
        %swap3A_240 = vector.shape_cast %mul3A_235 : vector<16xf32> to vector<1x16xf32>
        tpu.vector_store %arg14[%swap3A_236, %swap3A_237], %swap3A_240 {strides = array<i32>} : memref<400x32xf32, #tpu.memory_space<vmem>>, vector<1x16xf32>,
        %get3A_241 = arith.index_cast %add3A_230 : i32 to index
        %get3A_242 = arith.constant 16 : index
        %get3A_243 = tpu.vector_load %arg14[%get3A_241, %get3A_242] {strides = array<i32>} : memref<400x32xf32, #tpu.memory_space<vmem>>, vector<1x16xf32>,
        %get3A_244 = vector.shape_cast %get3A_243 : vector<1x16xf32> to vector<16xf32>
        %mul3A_245 = arith.mulf %get3A_244, %gather3A_226 : vector<16xf32>
        %swap3A_246 = arith.index_cast %add3A_230 : i32 to index
        %swap3A_247 = arith.constant 16 : index
        %swap3A_248 = tpu.vector_load %arg14[%swap3A_246, %swap3A_247] {strides = array<i32>} : memref<400x32xf32, #tpu.memory_space<vmem>>, vector<1x16xf32>,
        %swap3A_249 = vector.shape_cast %swap3A_248 : vector<1x16xf32> to vector<16xf32>
        %swap3A_250 = vector.shape_cast %mul3A_245 : vector<16xf32> to vector<1x16xf32>
        tpu.vector_store %arg14[%swap3A_246, %swap3A_247], %swap3A_250 {strides = array<i32>} : memref<400x32xf32, #tpu.memory_space<vmem>>, vector<1x16xf32>,
        %broadcast_in_dim3A_251 = arith.constant 4 : i32
        %broadcast_in_dim3A_252 = vector.broadcast %broadcast_in_dim3A_251 : i32 to vector<16x1xi32>
        %gather3A_253 = vector.shape_cast %broadcast_in_dim3A_252 : vector<16x1xi32> to vector<16xi32>
        %gather3A_254 = tpu.dynamic_gather %get3A_141[%gather3A_253] in [0] : vector<16xf32>, vector<16xi32> -> vector<16xf32>
        %mul3A_255 = arith.constant 16 : i32
        %mul3A_256 = arith.muli %scan3A_134, %mul3A_255 : i32
        %add3A_257 = arith.constant 4 : i32
        %add3A_258 = arith.addi %mul3A_256, %add3A_257 : i32
        %get3A_259 = arith.index_cast %add3A_258 : i32 to index
        %get3A_260 = arith.constant 0 : index
        %get3A_261 = tpu.vector_load %arg14[%get3A_259, %get3A_260] {strides = array<i32>} : memref<400x32xf32, #tpu.memory_space<vmem>>, vector<1x16xf32>,
        %get3A_262 = vector.shape_cast %get3A_261 : vector<1x16xf32> to vector<16xf32>
        %mul3A_263 = arith.mulf %get3A_262, %gather3A_254 : vector<16xf32>
        %swap3A_264 = arith.index_cast %add3A_258 : i32 to index
        %swap3A_265 = arith.constant 0 : index
        %swap3A_266 = tpu.vector_load %arg14[%swap3A_264, %swap3A_265] {strides = array<i32>} : memref<400x32xf32, #tpu.memory_space<vmem>>, vector<1x16xf32>,
        %swap3A_267 = vector.shape_cast %swap3A_266 : vector<1x16xf32> to vector<16xf32>
        %swap3A_268 = vector.shape_cast %mul3A_263 : vector<16xf32> to vector<1x16xf32>
        tpu.vector_store %arg14[%swap3A_264, %swap3A_265], %swap3A_268 {strides = array<i32>} : memref<400x32xf32, #tpu.memory_space<vmem>>, vector<1x16xf32>,
        %get3A_269 = arith.index_cast %add3A_258 : i32 to index
        %get3A_270 = arith.constant 16 : index
        %get3A_271 = tpu.vector_load %arg14[%get3A_269, %get3A_270] {strides = array<i32>} : memref<400x32xf32, #tpu.memory_space<vmem>>, vector<1x16xf32>,
        %get3A_272 = vector.shape_cast %get3A_271 : vector<1x16xf32> to vector<16xf32>
        %mul3A_273 = arith.mulf %get3A_272, %gather3A_254 : vector<16xf32>
        %swap3A_274 = arith.index_cast %add3A_258 : i32 to index
        %swap3A_275 = arith.constant 16 : index
        %swap3A_276 = tpu.vector_load %arg14[%swap3A_274, %swap3A_275] {strides = array<i32>} : memref<400x32xf32, #tpu.memory_space<vmem>>, vector<1x16xf32>,
        %swap3A_277 = vector.shape_cast %swap3A_276 : vector<1x16xf32> to vector<16xf32>
        %swap3A_278 = vector.shape_cast %mul3A_273 : vector<16xf32> to vector<1x16xf32>
        tpu.vector_store %arg14[%swap3A_274, %swap3A_275], %swap3A_278 {strides = array<i32>} : memref<400x32xf32, #tpu.memory_space<vmem>>, vector<1x16xf32>,
        %broadcast_in_dim3A_279 = arith.constant 5 : i32
        %broadcast_in_dim3A_280 = vector.broadcast %broadcast_in_dim3A_279 : i32 to vector<16x1xi32>
        %gather3A_281 = vector.shape_cast %broadcast_in_dim3A_280 : vector<16x1xi32> to vector<16xi32>
        %gather3A_282 = tpu.dynamic_gather %get3A_141[%gather3A_281] in [0] : vector<16xf32>, vector<16xi32> -> vector<16xf32>
        %mul3A_283 = arith.constant 16 : i32
        %mul3A_284 = arith.muli %scan3A_134, %mul3A_283 : i32
        %add3A_285 = arith.constant 5 : i32
        %add3A_286 = arith.addi %mul3A_284, %add3A_285 : i32
        %get3A_287 = arith.index_cast %add3A_286 : i32 to index
        %get3A_288 = arith.constant 0 : index
        %get3A_289 = tpu.vector_load %arg14[%get3A_287, %get3A_288] {strides = array<i32>} : memref<400x32xf32, #tpu.memory_space<vmem>>, vector<1x16xf32>,
        %get3A_290 = vector.shape_cast %get3A_289 : vector<1x16xf32> to vector<16xf32>
        %mul3A_291 = arith.mulf %get3A_290, %gather3A_282 : vector<16xf32>
        %swap3A_292 = arith.index_cast %add3A_286 : i32 to index
        %swap3A_293 = arith.constant 0 : index
        %swap3A_294 = tpu.vector_load %arg14[%swap3A_292, %swap3A_293] {strides = array<i32>} : memref<400x32xf32, #tpu.memory_space<vmem>>, vector<1x16xf32>,
        %swap3A_295 = vector.shape_cast %swap3A_294 : vector<1x16xf32> to vector<16xf32>
        %swap3A_296 = vector.shape_cast %mul3A_291 : vector<16xf32> to vector<1x16xf32>
        tpu.vector_store %arg14[%swap3A_292, %swap3A_293], %swap3A_296 {strides = array<i32>} : memref<400x32xf32, #tpu.memory_space<vmem>>, vector<1x16xf32>,
        %get3A_297 = arith.index_cast %add3A_286 : i32 to index
        %get3A_298 = arith.constant 16 : index
        %get3A_299 = tpu.vector_load %arg14[%get3A_297, %get3A_298] {strides = array<i32>} : memref<400x32xf32, #tpu.memory_space<vmem>>, vector<1x16xf32>,
        %get3A_300 = vector.shape_cast %get3A_299 : vector<1x16xf32> to vector<16xf32>
        %mul3A_301 = arith.mulf %get3A_300, %gather3A_282 : vector<16xf32>
        %swap3A_302 = arith.index_cast %add3A_286 : i32 to index
        %swap3A_303 = arith.constant 16 : index
        %swap3A_304 = tpu.vector_load %arg14[%swap3A_302, %swap3A_303] {strides = array<i32>} : memref<400x32xf32, #tpu.memory_space<vmem>>, vector<1x16xf32>,
        %swap3A_305 = vector.shape_cast %swap3A_304 : vector<1x16xf32> to vector<16xf32>
        %swap3A_306 = vector.shape_cast %mul3A_301 : vector<16xf32> to vector<1x16xf32>
        tpu.vector_store %arg14[%swap3A_302, %swap3A_303], %swap3A_306 {strides = array<i32>} : memref<400x32xf32, #tpu.memory_space<vmem>>, vector<1x16xf32>,
        %broadcast_in_dim3A_307 = arith.constant 6 : i32
        %broadcast_in_dim3A_308 = vector.broadcast %broadcast_in_dim3A_307 : i32 to vector<16x1xi32>
        %gather3A_309 = vector.shape_cast %broadcast_in_dim3A_308 : vector<16x1xi32> to vector<16xi32>
        %gather3A_310 = tpu.dynamic_gather %get3A_141[%gather3A_309] in [0] : vector<16xf32>, vector<16xi32> -> vector<16xf32>
        %mul3A_311 = arith.constant 16 : i32
        %mul3A_312 = arith.muli %scan3A_134, %mul3A_311 : i32
        %add3A_313 = arith.constant 6 : i32
        %add3A_314 = arith.addi %mul3A_312, %add3A_313 : i32
        %get3A_315 = arith.index_cast %add3A_314 : i32 to index
        %get3A_316 = arith.constant 0 : index
        %get3A_317 = tpu.vector_load %arg14[%get3A_315, %get3A_316] {strides = array<i32>} : memref<400x32xf32, #tpu.memory_space<vmem>>, vector<1x16xf32>,
        %get3A_318 = vector.shape_cast %get3A_317 : vector<1x16xf32> to vector<16xf32>
        %mul3A_319 = arith.mulf %get3A_318, %gather3A_310 : vector<16xf32>
        %swap3A_320 = arith.index_cast %add3A_314 : i32 to index
        %swap3A_321 = arith.constant 0 : index
        %swap3A_322 = tpu.vector_load %arg14[%swap3A_320, %swap3A_321] {strides = array<i32>} : memref<400x32xf32, #tpu.memory_space<vmem>>, vector<1x16xf32>,
        %swap3A_323 = vector.shape_cast %swap3A_322 : vector<1x16xf32> to vector<16xf32>
        %swap3A_324 = vector.shape_cast %mul3A_319 : vector<16xf32> to vector<1x16xf32>
        tpu.vector_store %arg14[%swap3A_320, %swap3A_321], %swap3A_324 {strides = array<i32>} : memref<400x32xf32, #tpu.memory_space<vmem>>, vector<1x16xf32>,
        %get3A_325 = arith.index_cast %add3A_314 : i32 to index
        %get3A_326 = arith.constant 16 : index
        %get3A_327 = tpu.vector_load %arg14[%get3A_325, %get3A_326] {strides = array<i32>} : memref<400x32xf32, #tpu.memory_space<vmem>>, vector<1x16xf32>,
        %get3A_328 = vector.shape_cast %get3A_327 : vector<1x16xf32> to vector<16xf32>
        %mul3A_329 = arith.mulf %get3A_328, %gather3A_310 : vector<16xf32>
        %swap3A_330 = arith.index_cast %add3A_314 : i32 to index
        %swap3A_331 = arith.constant 16 : index
        %swap3A_332 = tpu.vector_load %arg14[%swap3A_330, %swap3A_331] {strides = array<i32>} : memref<400x32xf32, #tpu.memory_space<vmem>>, vector<1x16xf32>,
        %swap3A_333 = vector.shape_cast %swap3A_332 : vector<1x16xf32> to vector<16xf32>
        %swap3A_334 = vector.shape_cast %mul3A_329 : vector<16xf32> to vector<1x16xf32>
        tpu.vector_store %arg14[%swap3A_330, %swap3A_331], %swap3A_334 {strides = array<i32>} : memref<400x32xf32, #tpu.memory_space<vmem>>, vector<1x16xf32>,
        %broadcast_in_dim3A_335 = arith.constant 7 : i32
        %broadcast_in_dim3A_336 = vector.broadcast %broadcast_in_dim3A_335 : i32 to vector<16x1xi32>
        %gather3A_337 = vector.shape_cast %broadcast_in_dim3A_336 : vector<16x1xi32> to vector<16xi32>
        %gather3A_338 = tpu.dynamic_gather %get3A_141[%gather3A_337] in [0] : vector<16xf32>, vector<16xi32> -> vector<16xf32>
        %mul3A_339 = arith.constant 16 : i32
        %mul3A_340 = arith.muli %scan3A_134, %mul3A_339 : i32
        %add3A_341 = arith.constant 7 : i32
        %add3A_342 = arith.addi %mul3A_340, %add3A_341 : i32
        %get3A_343 = arith.index_cast %add3A_342 : i32 to index
        %get3A_344 = arith.constant 0 : index
        %get3A_345 = tpu.vector_load %arg14[%get3A_343, %get3A_344] {strides = array<i32>} : memref<400x32xf32, #tpu.memory_space<vmem>>, vector<1x16xf32>,
        %get3A_346 = vector.shape_cast %get3A_345 : vector<1x16xf32> to vector<16xf32>
        %mul3A_347 = arith.mulf %get3A_346, %gather3A_338 : vector<16xf32>
        %swap3A_348 = arith.index_cast %add3A_342 : i32 to index
        %swap3A_349 = arith.constant 0 : index
        %swap3A_350 = tpu.vector_load %arg14[%swap3A_348, %swap3A_349] {strides = array<i32>} : memref<400x32xf32, #tpu.memory_space<vmem>>, vector<1x16xf32>,
        %swap3A_351 = vector.shape_cast %swap3A_350 : vector<1x16xf32> to vector<16xf32>
        %swap3A_352 = vector.shape_cast %mul3A_347 : vector<16xf32> to vector<1x16xf32>
        tpu.vector_store %arg14[%swap3A_348, %swap3A_349], %swap3A_352 {strides = array<i32>} : memref<400x32xf32, #tpu.memory_space<vmem>>, vector<1x16xf32>,
        %get3A_353 = arith.index_cast %add3A_342 : i32 to index
        %get3A_354 = arith.constant 16 : index
        %get3A_355 = tpu.vector_load %arg14[%get3A_353, %get3A_354] {strides = array<i32>} : memref<400x32xf32, #tpu.memory_space<vmem>>, vector<1x16xf32>,
        %get3A_356 = vector.shape_cast %get3A_355 : vector<1x16xf32> to vector<16xf32>
        %mul3A_357 = arith.mulf %get3A_356, %gather3A_338 : vector<16xf32>
        %swap3A_358 = arith.index_cast %add3A_342 : i32 to index
        %swap3A_359 = arith.constant 16 : index
        %swap3A_360 = tpu.vector_load %arg14[%swap3A_358, %swap3A_359] {strides = array<i32>} : memref<400x32xf32, #tpu.memory_space<vmem>>, vector<1x16xf32>,
        %swap3A_361 = vector.shape_cast %swap3A_360 : vector<1x16xf32> to vector<16xf32>
        %swap3A_362 = vector.shape_cast %mul3A_357 : vector<16xf32> to vector<1x16xf32>
        tpu.vector_store %arg14[%swap3A_358, %swap3A_359], %swap3A_362 {strides = array<i32>} : memref<400x32xf32, #tpu.memory_space<vmem>>, vector<1x16xf32>,
        %broadcast_in_dim3A_363 = arith.constant 8 : i32
        %broadcast_in_dim3A_364 = vector.broadcast %broadcast_in_dim3A_363 : i32 to vector<16x1xi32>
        %gather3A_365 = vector.shape_cast %broadcast_in_dim3A_364 : vector<16x1xi32> to vector<16xi32>
        %gather3A_366 = tpu.dynamic_gather %get3A_141[%gather3A_365] in [0] : vector<16xf32>, vector<16xi32> -> vector<16xf32>
        %mul3A_367 = arith.constant 16 : i32
        %mul3A_368 = arith.muli %scan3A_134, %mul3A_367 : i32
        %add3A_369 = arith.constant 8 : i32
        %add3A_370 = arith.addi %mul3A_368, %add3A_369 : i32
        %get3A_371 = arith.index_cast %add3A_370 : i32 to index
        %get3A_372 = arith.constant 0 : index
        %get3A_373 = tpu.vector_load %arg14[%get3A_371, %get3A_372] {strides = array<i32>} : memref<400x32xf32, #tpu.memory_space<vmem>>, vector<1x16xf32>,
        %get3A_374 = vector.shape_cast %get3A_373 : vector<1x16xf32> to vector<16xf32>
        %mul3A_375 = arith.mulf %get3A_374, %gather3A_366 : vector<16xf32>
        %swap3A_376 = arith.index_cast %add3A_370 : i32 to index
        %swap3A_377 = arith.constant 0 : index
        %swap3A_378 = tpu.vector_load %arg14[%swap3A_376, %swap3A_377] {strides = array<i32>} : memref<400x32xf32, #tpu.memory_space<vmem>>, vector<1x16xf32>,
        %swap3A_379 = vector.shape_cast %swap3A_378 : vector<1x16xf32> to vector<16xf32>
        %swap3A_380 = vector.shape_cast %mul3A_375 : vector<16xf32> to vector<1x16xf32>
        tpu.vector_store %arg14[%swap3A_376, %swap3A_377], %swap3A_380 {strides = array<i32>} : memref<400x32xf32, #tpu.memory_space<vmem>>, vector<1x16xf32>,
        %get3A_381 = arith.index_cast %add3A_370 : i32 to index
        %get3A_382 = arith.constant 16 : index
        %get3A_383 = tpu.vector_load %arg14[%get3A_381, %get3A_382] {strides = array<i32>} : memref<400x32xf32, #tpu.memory_space<vmem>>, vector<1x16xf32>,
        %get3A_384 = vector.shape_cast %get3A_383 : vector<1x16xf32> to vector<16xf32>
        %mul3A_385 = arith.mulf %get3A_384, %gather3A_366 : vector<16xf32>
        %swap3A_386 = arith.index_cast %add3A_370 : i32 to index
        %swap3A_387 = arith.constant 16 : index
        %swap3A_388 = tpu.vector_load %arg14[%swap3A_386, %swap3A_387] {strides = array<i32>} : memref<400x32xf32, #tpu.memory_space<vmem>>, vector<1x16xf32>,
        %swap3A_389 = vector.shape_cast %swap3A_388 : vector<1x16xf32> to vector<16xf32>
        %swap3A_390 = vector.shape_cast %mul3A_385 : vector<16xf32> to vector<1x16xf32>
        tpu.vector_store %arg14[%swap3A_386, %swap3A_387], %swap3A_390 {strides = array<i32>} : memref<400x32xf32, #tpu.memory_space<vmem>>, vector<1x16xf32>,
        %broadcast_in_dim3A_391 = arith.constant 9 : i32
        %broadcast_in_dim3A_392 = vector.broadcast %broadcast_in_dim3A_391 : i32 to vector<16x1xi32>
        %gather3A_393 = vector.shape_cast %broadcast_in_dim3A_392 : vector<16x1xi32> to vector<16xi32>
        %gather3A_394 = tpu.dynamic_gather %get3A_141[%gather3A_393] in [0] : vector<16xf32>, vector<16xi32> -> vector<16xf32>
        %mul3A_395 = arith.constant 16 : i32
        %mul3A_396 = arith.muli %scan3A_134, %mul3A_395 : i32
        %add3A_397 = arith.constant 9 : i32
        %add3A_398 = arith.addi %mul3A_396, %add3A_397 : i32
        %get3A_399 = arith.index_cast %add3A_398 : i32 to index
        %get3A_400 = arith.constant 0 : index
        %get3A_401 = tpu.vector_load %arg14[%get3A_399, %get3A_400] {strides = array<i32>} : memref<400x32xf32, #tpu.memory_space<vmem>>, vector<1x16xf32>,
        %get3A_402 = vector.shape_cast %get3A_401 : vector<1x16xf32> to vector<16xf32>
        %mul3A_403 = arith.mulf %get3A_402, %gather3A_394 : vector<16xf32>
        %swap3A_404 = arith.index_cast %add3A_398 : i32 to index
        %swap3A_405 = arith.constant 0 : index
        %swap3A_406 = tpu.vector_load %arg14[%swap3A_404, %swap3A_405] {strides = array<i32>} : memref<400x32xf32, #tpu.memory_space<vmem>>, vector<1x16xf32>,
        %swap3A_407 = vector.shape_cast %swap3A_406 : vector<1x16xf32> to vector<16xf32>
        %swap3A_408 = vector.shape_cast %mul3A_403 : vector<16xf32> to vector<1x16xf32>
        tpu.vector_store %arg14[%swap3A_404, %swap3A_405], %swap3A_408 {strides = array<i32>} : memref<400x32xf32, #tpu.memory_space<vmem>>, vector<1x16xf32>,
        %get3A_409 = arith.index_cast %add3A_398 : i32 to index
        %get3A_410 = arith.constant 16 : index
        %get3A_411 = tpu.vector_load %arg14[%get3A_409, %get3A_410] {strides = array<i32>} : memref<400x32xf32, #tpu.memory_space<vmem>>, vector<1x16xf32>,
        %get3A_412 = vector.shape_cast %get3A_411 : vector<1x16xf32> to vector<16xf32>
        %mul3A_413 = arith.mulf %get3A_412, %gather3A_394 : vector<16xf32>
        %swap3A_414 = arith.index_cast %add3A_398 : i32 to index
        %swap3A_415 = arith.constant 16 : index
        %swap3A_416 = tpu.vector_load %arg14[%swap3A_414, %swap3A_415] {strides = array<i32>} : memref<400x32xf32, #tpu.memory_space<vmem>>, vector<1x16xf32>,
        %swap3A_417 = vector.shape_cast %swap3A_416 : vector<1x16xf32> to vector<16xf32>
        %swap3A_418 = vector.shape_cast %mul3A_413 : vector<16xf32> to vector<1x16xf32>
        tpu.vector_store %arg14[%swap3A_414, %swap3A_415], %swap3A_418 {strides = array<i32>} : memref<400x32xf32, #tpu.memory_space<vmem>>, vector<1x16xf32>,
        %broadcast_in_dim3A_419 = arith.constant 10 : i32
        %broadcast_in_dim3A_420 = vector.broadcast %broadcast_in_dim3A_419 : i32 to vector<16x1xi32>
        %gather3A_421 = vector.shape_cast %broadcast_in_dim3A_420 : vector<16x1xi32> to vector<16xi32>
        %gather3A_422 = tpu.dynamic_gather %get3A_141[%gather3A_421] in [0] : vector<16xf32>, vector<16xi32> -> vector<16xf32>
        %mul3A_423 = arith.constant 16 : i32
        %mul3A_424 = arith.muli %scan3A_134, %mul3A_423 : i32
        %add3A_425 = arith.constant 10 : i32
        %add3A_426 = arith.addi %mul3A_424, %add3A_425 : i32
        %get3A_427 = arith.index_cast %add3A_426 : i32 to index
        %get3A_428 = arith.constant 0 : index
        %get3A_429 = tpu.vector_load %arg14[%get3A_427, %get3A_428] {strides = array<i32>} : memref<400x32xf32, #tpu.memory_space<vmem>>, vector<1x16xf32>,
        %get3A_430 = vector.shape_cast %get3A_429 : vector<1x16xf32> to vector<16xf32>
        %mul3A_431 = arith.mulf %get3A_430, %gather3A_422 : vector<16xf32>
        %swap3A_432 = arith.index_cast %add3A_426 : i32 to index
        %swap3A_433 = arith.constant 0 : index
        %swap3A_434 = tpu.vector_load %arg14[%swap3A_432, %swap3A_433] {strides = array<i32>} : memref<400x32xf32, #tpu.memory_space<vmem>>, vector<1x16xf32>,
        %swap3A_435 = vector.shape_cast %swap3A_434 : vector<1x16xf32> to vector<16xf32>
        %swap3A_436 = vector.shape_cast %mul3A_431 : vector<16xf32> to vector<1x16xf32>
        tpu.vector_store %arg14[%swap3A_432, %swap3A_433], %swap3A_436 {strides = array<i32>} : memref<400x32xf32, #tpu.memory_space<vmem>>, vector<1x16xf32>,
        %get3A_437 = arith.index_cast %add3A_426 : i32 to index
        %get3A_438 = arith.constant 16 : index
        %get3A_439 = tpu.vector_load %arg14[%get3A_437, %get3A_438] {strides = array<i32>} : memref<400x32xf32, #tpu.memory_space<vmem>>, vector<1x16xf32>,
        %get3A_440 = vector.shape_cast %get3A_439 : vector<1x16xf32> to vector<16xf32>
        %mul3A_441 = arith.mulf %get3A_440, %gather3A_422 : vector<16xf32>
        %swap3A_442 = arith.index_cast %add3A_426 : i32 to index
        %swap3A_443 = arith.constant 16 : index
        %swap3A_444 = tpu.vector_load %arg14[%swap3A_442, %swap3A_443] {strides = array<i32>} : memref<400x32xf32, #tpu.memory_space<vmem>>, vector<1x16xf32>,
        %swap3A_445 = vector.shape_cast %swap3A_444 : vector<1x16xf32> to vector<16xf32>
        %swap3A_446 = vector.shape_cast %mul3A_441 : vector<16xf32> to vector<1x16xf32>
        tpu.vector_store %arg14[%swap3A_442, %swap3A_443], %swap3A_446 {strides = array<i32>} : memref<400x32xf32, #tpu.memory_space<vmem>>, vector<1x16xf32>,
        %broadcast_in_dim3A_447 = arith.constant 11 : i32
        %broadcast_in_dim3A_448 = vector.broadcast %broadcast_in_dim3A_447 : i32 to vector<16x1xi32>
        %gather3A_449 = vector.shape_cast %broadcast_in_dim3A_448 : vector<16x1xi32> to vector<16xi32>
        %gather3A_450 = tpu.dynamic_gather %get3A_141[%gather3A_449] in [0] : vector<16xf32>, vector<16xi32> -> vector<16xf32>
        %mul3A_451 = arith.constant 16 : i32
        %mul3A_452 = arith.muli %scan3A_134, %mul3A_451 : i32
        %add3A_453 = arith.constant 11 : i32
        %add3A_454 = arith.addi %mul3A_452, %add3A_453 : i32
        %get3A_455 = arith.index_cast %add3A_454 : i32 to index
        %get3A_456 = arith.constant 0 : index
        %get3A_457 = tpu.vector_load %arg14[%get3A_455, %get3A_456] {strides = array<i32>} : memref<400x32xf32, #tpu.memory_space<vmem>>, vector<1x16xf32>,
        %get3A_458 = vector.shape_cast %get3A_457 : vector<1x16xf32> to vector<16xf32>
        %mul3A_459 = arith.mulf %get3A_458, %gather3A_450 : vector<16xf32>
        %swap3A_460 = arith.index_cast %add3A_454 : i32 to index
        %swap3A_461 = arith.constant 0 : index
        %swap3A_462 = tpu.vector_load %arg14[%swap3A_460, %swap3A_461] {strides = array<i32>} : memref<400x32xf32, #tpu.memory_space<vmem>>, vector<1x16xf32>,
        %swap3A_463 = vector.shape_cast %swap3A_462 : vector<1x16xf32> to vector<16xf32>
        %swap3A_464 = vector.shape_cast %mul3A_459 : vector<16xf32> to vector<1x16xf32>
        tpu.vector_store %arg14[%swap3A_460, %swap3A_461], %swap3A_464 {strides = array<i32>} : memref<400x32xf32, #tpu.memory_space<vmem>>, vector<1x16xf32>,
        %get3A_465 = arith.index_cast %add3A_454 : i32 to index
        %get3A_466 = arith.constant 16 : index
        %get3A_467 = tpu.vector_load %arg14[%get3A_465, %get3A_466] {strides = array<i32>} : memref<400x32xf32, #tpu.memory_space<vmem>>, vector<1x16xf32>,
        %get3A_468 = vector.shape_cast %get3A_467 : vector<1x16xf32> to vector<16xf32>
        %mul3A_469 = arith.mulf %get3A_468, %gather3A_450 : vector<16xf32>
        %swap3A_470 = arith.index_cast %add3A_454 : i32 to index
        %swap3A_471 = arith.constant 16 : index
        %swap3A_472 = tpu.vector_load %arg14[%swap3A_470, %swap3A_471] {strides = array<i32>} : memref<400x32xf32, #tpu.memory_space<vmem>>, vector<1x16xf32>,
        %swap3A_473 = vector.shape_cast %swap3A_472 : vector<1x16xf32> to vector<16xf32>
        %swap3A_474 = vector.shape_cast %mul3A_469 : vector<16xf32> to vector<1x16xf32>
        tpu.vector_store %arg14[%swap3A_470, %swap3A_471], %swap3A_474 {strides = array<i32>} : memref<400x32xf32, #tpu.memory_space<vmem>>, vector<1x16xf32>,
        %broadcast_in_dim3A_475 = arith.constant 12 : i32
        %broadcast_in_dim3A_476 = vector.broadcast %broadcast_in_dim3A_475 : i32 to vector<16x1xi32>
        %gather3A_477 = vector.shape_cast %broadcast_in_dim3A_476 : vector<16x1xi32> to vector<16xi32>
        %gather3A_478 = tpu.dynamic_gather %get3A_141[%gather3A_477] in [0] : vector<16xf32>, vector<16xi32> -> vector<16xf32>
        %mul3A_479 = arith.constant 16 : i32
        %mul3A_480 = arith.muli %scan3A_134, %mul3A_479 : i32
        %add3A_481 = arith.constant 12 : i32
        %add3A_482 = arith.addi %mul3A_480, %add3A_481 : i32
        %get3A_483 = arith.index_cast %add3A_482 : i32 to index
        %get3A_484 = arith.constant 0 : index
        %get3A_485 = tpu.vector_load %arg14[%get3A_483, %get3A_484] {strides = array<i32>} : memref<400x32xf32, #tpu.memory_space<vmem>>, vector<1x16xf32>,
        %get3A_486 = vector.shape_cast %get3A_485 : vector<1x16xf32> to vector<16xf32>
        %mul3A_487 = arith.mulf %get3A_486, %gather3A_478 : vector<16xf32>
        %swap3A_488 = arith.index_cast %add3A_482 : i32 to index
        %swap3A_489 = arith.constant 0 : index
        %swap3A_490 = tpu.vector_load %arg14[%swap3A_488, %swap3A_489] {strides = array<i32>} : memref<400x32xf32, #tpu.memory_space<vmem>>, vector<1x16xf32>,
        %swap3A_491 = vector.shape_cast %swap3A_490 : vector<1x16xf32> to vector<16xf32>
        %swap3A_492 = vector.shape_cast %mul3A_487 : vector<16xf32> to vector<1x16xf32>
        tpu.vector_store %arg14[%swap3A_488, %swap3A_489], %swap3A_492 {strides = array<i32>} : memref<400x32xf32, #tpu.memory_space<vmem>>, vector<1x16xf32>,
        %get3A_493 = arith.index_cast %add3A_482 : i32 to index
        %get3A_494 = arith.constant 16 : index
        %get3A_495 = tpu.vector_load %arg14[%get3A_493, %get3A_494] {strides = array<i32>} : memref<400x32xf32, #tpu.memory_space<vmem>>, vector<1x16xf32>,
        %get3A_496 = vector.shape_cast %get3A_495 : vector<1x16xf32> to vector<16xf32>
        %mul3A_497 = arith.mulf %get3A_496, %gather3A_478 : vector<16xf32>
        %swap3A_498 = arith.index_cast %add3A_482 : i32 to index
        %swap3A_499 = arith.constant 16 : index
        %swap3A_500 = tpu.vector_load %arg14[%swap3A_498, %swap3A_499] {strides = array<i32>} : memref<400x32xf32, #tpu.memory_space<vmem>>, vector<1x16xf32>,
        %swap3A_501 = vector.shape_cast %swap3A_500 : vector<1x16xf32> to vector<16xf32>
        %swap3A_502 = vector.shape_cast %mul3A_497 : vector<16xf32> to vector<1x16xf32>
        tpu.vector_store %arg14[%swap3A_498, %swap3A_499], %swap3A_502 {strides = array<i32>} : memref<400x32xf32, #tpu.memory_space<vmem>>, vector<1x16xf32>,
        %broadcast_in_dim3A_503 = arith.constant 13 : i32
        %broadcast_in_dim3A_504 = vector.broadcast %broadcast_in_dim3A_503 : i32 to vector<16x1xi32>
        %gather3A_505 = vector.shape_cast %broadcast_in_dim3A_504 : vector<16x1xi32> to vector<16xi32>
        %gather3A_506 = tpu.dynamic_gather %get3A_141[%gather3A_505] in [0] : vector<16xf32>, vector<16xi32> -> vector<16xf32>
        %mul3A_507 = arith.constant 16 : i32
        %mul3A_508 = arith.muli %scan3A_134, %mul3A_507 : i32
        %add3A_509 = arith.constant 13 : i32
        %add3A_510 = arith.addi %mul3A_508, %add3A_509 : i32
        %get3A_511 = arith.index_cast %add3A_510 : i32 to index
        %get3A_512 = arith.constant 0 : index
        %get3A_513 = tpu.vector_load %arg14[%get3A_511, %get3A_512] {strides = array<i32>} : memref<400x32xf32, #tpu.memory_space<vmem>>, vector<1x16xf32>,
        %get3A_514 = vector.shape_cast %get3A_513 : vector<1x16xf32> to vector<16xf32>
        %mul3A_515 = arith.mulf %get3A_514, %gather3A_506 : vector<16xf32>
        %swap3A_516 = arith.index_cast %add3A_510 : i32 to index
        %swap3A_517 = arith.constant 0 : index
        %swap3A_518 = tpu.vector_load %arg14[%swap3A_516, %swap3A_517] {strides = array<i32>} : memref<400x32xf32, #tpu.memory_space<vmem>>, vector<1x16xf32>,
        %swap3A_519 = vector.shape_cast %swap3A_518 : vector<1x16xf32> to vector<16xf32>
        %swap3A_520 = vector.shape_cast %mul3A_515 : vector<16xf32> to vector<1x16xf32>
        tpu.vector_store %arg14[%swap3A_516, %swap3A_517], %swap3A_520 {strides = array<i32>} : memref<400x32xf32, #tpu.memory_space<vmem>>, vector<1x16xf32>,
        %get3A_521 = arith.index_cast %add3A_510 : i32 to index
        %get3A_522 = arith.constant 16 : index
        %get3A_523 = tpu.vector_load %arg14[%get3A_521, %get3A_522] {strides = array<i32>} : memref<400x32xf32, #tpu.memory_space<vmem>>, vector<1x16xf32>,
        %get3A_524 = vector.shape_cast %get3A_523 : vector<1x16xf32> to vector<16xf32>
        %mul3A_525 = arith.mulf %get3A_524, %gather3A_506 : vector<16xf32>
        %swap3A_526 = arith.index_cast %add3A_510 : i32 to index
        %swap3A_527 = arith.constant 16 : index
        %swap3A_528 = tpu.vector_load %arg14[%swap3A_526, %swap3A_527] {strides = array<i32>} : memref<400x32xf32, #tpu.memory_space<vmem>>, vector<1x16xf32>,
        %swap3A_529 = vector.shape_cast %swap3A_528 : vector<1x16xf32> to vector<16xf32>
        %swap3A_530 = vector.shape_cast %mul3A_525 : vector<16xf32> to vector<1x16xf32>
        tpu.vector_store %arg14[%swap3A_526, %swap3A_527], %swap3A_530 {strides = array<i32>} : memref<400x32xf32, #tpu.memory_space<vmem>>, vector<1x16xf32>,
        %broadcast_in_dim3A_531 = arith.constant 14 : i32
        %broadcast_in_dim3A_532 = vector.broadcast %broadcast_in_dim3A_531 : i32 to vector<16x1xi32>
        %gather3A_533 = vector.shape_cast %broadcast_in_dim3A_532 : vector<16x1xi32> to vector<16xi32>
        %gather3A_534 = tpu.dynamic_gather %get3A_141[%gather3A_533] in [0] : vector<16xf32>, vector<16xi32> -> vector<16xf32>
        %mul3A_535 = arith.constant 16 : i32
        %mul3A_536 = arith.muli %scan3A_134, %mul3A_535 : i32
        %add3A_537 = arith.constant 14 : i32
        %add3A_538 = arith.addi %mul3A_536, %add3A_537 : i32
        %get3A_539 = arith.index_cast %add3A_538 : i32 to index
        %get3A_540 = arith.constant 0 : index
        %get3A_541 = tpu.vector_load %arg14[%get3A_539, %get3A_540] {strides = array<i32>} : memref<400x32xf32, #tpu.memory_space<vmem>>, vector<1x16xf32>,
        %get3A_542 = vector.shape_cast %get3A_541 : vector<1x16xf32> to vector<16xf32>
        %mul3A_543 = arith.mulf %get3A_542, %gather3A_534 : vector<16xf32>
        %swap3A_544 = arith.index_cast %add3A_538 : i32 to index
        %swap3A_545 = arith.constant 0 : index
        %swap3A_546 = tpu.vector_load %arg14[%swap3A_544, %swap3A_545] {strides = array<i32>} : memref<400x32xf32, #tpu.memory_space<vmem>>, vector<1x16xf32>,
        %swap3A_547 = vector.shape_cast %swap3A_546 : vector<1x16xf32> to vector<16xf32>
        %swap3A_548 = vector.shape_cast %mul3A_543 : vector<16xf32> to vector<1x16xf32>
        tpu.vector_store %arg14[%swap3A_544, %swap3A_545], %swap3A_548 {strides = array<i32>} : memref<400x32xf32, #tpu.memory_space<vmem>>, vector<1x16xf32>,
        %get3A_549 = arith.index_cast %add3A_538 : i32 to index
        %get3A_550 = arith.constant 16 : index
        %get3A_551 = tpu.vector_load %arg14[%get3A_549, %get3A_550] {strides = array<i32>} : memref<400x32xf32, #tpu.memory_space<vmem>>, vector<1x16xf32>,
        %get3A_552 = vector.shape_cast %get3A_551 : vector<1x16xf32> to vector<16xf32>
        %mul3A_553 = arith.mulf %get3A_552, %gather3A_534 : vector<16xf32>
        %swap3A_554 = arith.index_cast %add3A_538 : i32 to index
        %swap3A_555 = arith.constant 16 : index
        %swap3A_556 = tpu.vector_load %arg14[%swap3A_554, %swap3A_555] {strides = array<i32>} : memref<400x32xf32, #tpu.memory_space<vmem>>, vector<1x16xf32>,
        %swap3A_557 = vector.shape_cast %swap3A_556 : vector<1x16xf32> to vector<16xf32>
        %swap3A_558 = vector.shape_cast %mul3A_553 : vector<16xf32> to vector<1x16xf32>
        tpu.vector_store %arg14[%swap3A_554, %swap3A_555], %swap3A_558 {strides = array<i32>} : memref<400x32xf32, #tpu.memory_space<vmem>>, vector<1x16xf32>,
        %broadcast_in_dim3A_559 = arith.constant 15 : i32
        %broadcast_in_dim3A_560 = vector.broadcast %broadcast_in_dim3A_559 : i32 to vector<16x1xi32>
        %gather3A_561 = vector.shape_cast %broadcast_in_dim3A_560 : vector<16x1xi32> to vector<16xi32>
        %gather3A_562 = tpu.dynamic_gather %get3A_141[%gather3A_561] in [0] : vector<16xf32>, vector<16xi32> -> vector<16xf32>
        %mul3A_563 = arith.constant 16 : i32
        %mul3A_564 = arith.muli %scan3A_134, %mul3A_563 : i32
        %add3A_565 = arith.constant 15 : i32
        %add3A_566 = arith.addi %mul3A_564, %add3A_565 : i32
        %get3A_567 = arith.index_cast %add3A_566 : i32 to index
        %get3A_568 = arith.constant 0 : index
        %get3A_569 = tpu.vector_load %arg14[%get3A_567, %get3A_568] {strides = array<i32>} : memref<400x32xf32, #tpu.memory_space<vmem>>, vector<1x16xf32>,
        %get3A_570 = vector.shape_cast %get3A_569 : vector<1x16xf32> to vector<16xf32>
        %mul3A_571 = arith.mulf %get3A_570, %gather3A_562 : vector<16xf32>
        %swap3A_572 = arith.index_cast %add3A_566 : i32 to index
        %swap3A_573 = arith.constant 0 : index
        %swap3A_574 = tpu.vector_load %arg14[%swap3A_572, %swap3A_573] {strides = array<i32>} : memref<400x32xf32, #tpu.memory_space<vmem>>, vector<1x16xf32>,
        %swap3A_575 = vector.shape_cast %swap3A_574 : vector<1x16xf32> to vector<16xf32>
        %swap3A_576 = vector.shape_cast %mul3A_571 : vector<16xf32> to vector<1x16xf32>
        tpu.vector_store %arg14[%swap3A_572, %swap3A_573], %swap3A_576 {strides = array<i32>} : memref<400x32xf32, #tpu.memory_space<vmem>>, vector<1x16xf32>,
        %get3A_577 = arith.index_cast %add3A_566 : i32 to index
        %get3A_578 = arith.constant 16 : index
        %get3A_579 = tpu.vector_load %arg14[%get3A_577, %get3A_578] {strides = array<i32>} : memref<400x32xf32, #tpu.memory_space<vmem>>, vector<1x16xf32>,
        %get3A_580 = vector.shape_cast %get3A_579 : vector<1x16xf32> to vector<16xf32>
        %mul3A_581 = arith.mulf %get3A_580, %gather3A_562 : vector<16xf32>
        %swap3A_582 = arith.index_cast %add3A_566 : i32 to index
        %swap3A_583 = arith.constant 16 : index
        %swap3A_584 = tpu.vector_load %arg14[%swap3A_582, %swap3A_583] {strides = array<i32>} : memref<400x32xf32, #tpu.memory_space<vmem>>, vector<1x16xf32>,
        %swap3A_585 = vector.shape_cast %swap3A_584 : vector<1x16xf32> to vector<16xf32>
        %swap3A_586 = vector.shape_cast %mul3A_581 : vector<16xf32> to vector<1x16xf32>
        tpu.vector_store %arg14[%swap3A_582, %swap3A_583], %swap3A_586 {strides = array<i32>} : memref<400x32xf32, #tpu.memory_space<vmem>>, vector<1x16xf32>,
      }
      %scan3A_96 = arith.constant 25 : i32
      %add3A_97 = arith.constant 1 : i32
      %add3A_98 = arith.addi %mul3A_62, %add3A_97 : i32
      %mul3A_99 = arith.constant 400 : i32
      %mul3A_100 = arith.muli %add3A_98, %mul3A_99 : i32
      %dma_start3A_101 = tpu.memref_slice %arg9[%mul3A_100] : memref<10000xi32, #tpu.memory_space<vmem>> -> memref<400xi32, #tpu.memory_space<vmem>>
      %dma_start3A_102 = arith.constant 0 : i32
      %dma_start3A_103 = arith.constant 0 : i32
      %dma_start3A_104 = tpu.memref_slice %arg16[%dma_start3A_102, %dma_start3A_103] : memref<10000x32xf32, #tpu.memory_space<vmem_shared>> -> memref<10000x32xf32, #tpu.memory_space<vmem_shared>>
      tpu.enqueue_indirect_dma source(%arg14 : memref<400x32xf32, #tpu.memory_space<vmem>>) target(%dma_start3A_104 : memref<10000x32xf32, #tpu.memory_space<vmem_shared>>) offsets(%dma_start3A_101 : memref<400xi32, #tpu.memory_space<vmem>>) semaphore(%arg12 : memref<!tpu.dma_semaphore, #tpu.memory_space<semaphore_mem>>) {add = true}
      %mul3A_105 = arith.constant 400 : i32
      %mul3A_106 = arith.muli %mul3A_62, %mul3A_105 : i32
      %dma_wait3A_107 = tpu.memref_slice %arg9[%mul3A_106] : memref<10000xi32, #tpu.memory_space<vmem>> -> memref<400xi32, #tpu.memory_space<vmem>>
      %dma_wait3A_108 = arith.constant 0 : i32
      %dma_wait3A_109 = arith.constant 0 : i32
      %dma_wait3A_110 = tpu.memref_slice %arg16[%dma_wait3A_108, %dma_wait3A_109] : memref<10000x32xf32, #tpu.memory_space<vmem_shared>> -> memref<10000x32xf32, #tpu.memory_space<vmem_shared>>
      tpu.wait_indirect_dma semaphore(%arg11 : memref<!tpu.dma_semaphore, #tpu.memory_space<semaphore_mem>>) src(%arg13 : memref<400x32xf32, #tpu.memory_space<vmem>>) dst(%dma_wait3A_110 : memref<10000x32xf32, #tpu.memory_space<vmem_shared>>)
      %add3A_111 = arith.constant 2 : i32
      %add3A_112 = arith.addi %mul3A_62, %add3A_111 : i32
      %mul3A_113 = arith.constant 400 : i32
      %mul3A_114 = arith.muli %add3A_112, %mul3A_113 : i32
      %dma_start3A_115 = tpu.memref_slice %arg8[%mul3A_114] : memref<10000xi32, #tpu.memory_space<vmem>> -> memref<400xi32, #tpu.memory_space<vmem>>
      %dma_start3A_116 = arith.constant 0 : i32
      %dma_start3A_117 = arith.constant 0 : i32
      %dma_start3A_118 = tpu.memref_slice %arg2[%dma_start3A_116, %dma_start3A_117] : memref<10000x32xf32, #tpu.memory_space<hbm>> -> memref<10000x32xf32, #tpu.memory_space<hbm>>
      tpu.enqueue_indirect_dma source(%dma_start3A_118 : memref<10000x32xf32, #tpu.memory_space<hbm>>) target(%arg13 : memref<400x32xf32, #tpu.memory_space<vmem>>) offsets(%dma_start3A_115 : memref<400xi32, #tpu.memory_space<vmem>>) semaphore(%arg17 : memref<!tpu.dma_semaphore, #tpu.memory_space<semaphore_mem>>)
      %add3A_119 = arith.constant 1 : i32
      %add3A_120 = arith.addi %mul3A_62, %add3A_119 : i32
      %mul3A_121 = arith.constant 400 : i32
      %mul3A_122 = arith.muli %add3A_120, %mul3A_121 : i32
      %dma_wait3A_123 = tpu.memref_slice %arg9[%mul3A_122] : memref<10000xi32, #tpu.memory_space<vmem>> -> memref<400xi32, #tpu.memory_space<vmem>>
      %dma_wait3A_124 = arith.constant 0 : i32
      %dma_wait3A_125 = arith.constant 0 : i32
      %dma_wait3A_126 = tpu.memref_slice %arg16[%dma_wait3A_124, %dma_wait3A_125] : memref<10000x32xf32, #tpu.memory_space<vmem_shared>> -> memref<10000x32xf32, #tpu.memory_space<vmem_shared>>
      tpu.wait_indirect_dma semaphore(%arg12 : memref<!tpu.dma_semaphore, #tpu.memory_space<semaphore_mem>>) src(%arg14 : memref<400x32xf32, #tpu.memory_space<vmem>>) dst(%dma_wait3A_126 : memref<10000x32xf32, #tpu.memory_space<vmem_shared>>)
      %add3A_127 = arith.constant 3 : i32
      %add3A_128 = arith.addi %mul3A_62, %add3A_127 : i32
      %lt3A_129 = arith.constant 25 : i32
      %lt3A_130 = arith.cmpi slt, %add3A_128, %lt3A_129 : i32
      %convert_element_type3A_131 = arith.extui %lt3A_130 : i1 to i32
      %cond3A_132 = arith.constant 0 : i32
      %cond3A_133 = arith.cmpi ne, %convert_element_type3A_131, %cond3A_132 : i32
      scf.if %cond3A_133 {
        %add3A_134 = arith.constant 3 : i32
        %add3A_135 = arith.addi %mul3A_62, %add3A_134 : i32
        %mul3A_136 = arith.constant 400 : i32
        %mul3A_137 = arith.muli %add3A_135, %mul3A_136 : i32
        %dma_start3A_138 = tpu.memref_slice %arg8[%mul3A_137] : memref<10000xi32, #tpu.memory_space<vmem>> -> memref<400xi32, #tpu.memory_space<vmem>>
        %dma_start3A_139 = arith.constant 0 : i32
        %dma_start3A_140 = arith.constant 0 : i32
        %dma_start3A_141 = tpu.memref_slice %arg2[%dma_start3A_139, %dma_start3A_140] : memref<10000x32xf32, #tpu.memory_space<hbm>> -> memref<10000x32xf32, #tpu.memory_space<hbm>>
        tpu.enqueue_indirect_dma source(%dma_start3A_141 : memref<10000x32xf32, #tpu.memory_space<hbm>>) target(%arg14 : memref<400x32xf32, #tpu.memory_space<vmem>>) offsets(%dma_start3A_138 : memref<400xi32, #tpu.memory_space<vmem>>) semaphore(%arg18 : memref<!tpu.dma_semaphore, #tpu.memory_space<semaphore_mem>>)
      } else {
      }
    }
    %scan3A_28 = arith.constant 12 : i32
    %dma_wait3A = arith.constant 9600 : i32
    %dma_wait3A_29 = tpu.memref_slice %arg8[%dma_wait3A] : memref<10000xi32, #tpu.memory_space<vmem>> -> memref<400xi32, #tpu.memory_space<vmem>>
    %dma_wait3A_30 = arith.constant 0 : i32
    %dma_wait3A_31 = arith.constant 0 : i32
    %dma_wait3A_32 = tpu.memref_slice %arg2[%dma_wait3A_30, %dma_wait3A_31] : memref<10000x32xf32, #tpu.memory_space<hbm>> -> memref<10000x32xf32, #tpu.memory_space<hbm>>
    tpu.wait_indirect_dma semaphore(%arg17 : memref<!tpu.dma_semaphore, #tpu.memory_space<semaphore_mem>>) src(%dma_wait3A_32 : memref<10000x32xf32, #tpu.memory_space<hbm>>) dst(%arg13 : memref<400x32xf32, #tpu.memory_space<vmem>>)
    %scan3A_33 = arith.constant 0 : i32
    %scan3A_34 = arith.constant 0 : i32
    %scan3A_35 = arith.constant 25 : i32
    %scan3A_36 = arith.addi %scan3A_34, %scan3A_35 : i32
    %scan3A_37 = arith.constant 1 : i32
    scf.for %scan3A_60 = %scan3A_34 to %scan3A_36 step %scan3A_37  : i32 {
      %mul3A_61 = arith.constant 16 : i32
      %mul3A_62 = arith.muli %scan3A_60, %mul3A_61 : i32
      %add3A_63 = arith.constant 9600 : i32
      %add3A_64 = arith.addi %add3A_63, %mul3A_62 : i32
      %get3A = arith.index_cast %add3A_64 : i32 to index
      %get3A_65 = tpu.vector_load %arg10[%get3A] {strides = array<i32>} : memref<10000xf32, #tpu.memory_space<vmem>>, vector<16xf32>,
      %get3A_66 = vector.shape_cast %get3A_65 : vector<16xf32> to vector<16xf32>
      %broadcast_in_dim3A = arith.constant 0 : i32
      %broadcast_in_dim3A_67 = vector.broadcast %broadcast_in_dim3A : i32 to vector<16x1xi32>
      %gather3A = vector.shape_cast %broadcast_in_dim3A_67 : vector<16x1xi32> to vector<16xi32>
      %gather3A_68 = tpu.dynamic_gather %get3A_66[%gather3A] in [0] : vector<16xf32>, vector<16xi32> -> vector<16xf32>
      %mul3A_69 = arith.constant 16 : i32
      %mul3A_70 = arith.muli %scan3A_60, %mul3A_69 : i32
      %add3A_71 = arith.constant 0 : i32
      %add3A_72 = arith.addi %mul3A_70, %add3A_71 : i32
      %get3A_73 = arith.index_cast %add3A_72 : i32 to index
      %get3A_74 = arith.constant 0 : index
      %get3A_75 = tpu.vector_load %arg13[%get3A_73, %get3A_74] {strides = array<i32>} : memref<400x32xf32, #tpu.memory_space<vmem>>, vector<1x16xf32>,
      %get3A_76 = vector.shape_cast %get3A_75 : vector<1x16xf32> to vector<16xf32>
      %mul3A_77 = arith.mulf %get3A_76, %gather3A_68 : vector<16xf32>
      %swap3A = arith.index_cast %add3A_72 : i32 to index
      %swap3A_78 = arith.constant 0 : index
      %swap3A_79 = tpu.vector_load %arg13[%swap3A, %swap3A_78] {strides = array<i32>} : memref<400x32xf32, #tpu.memory_space<vmem>>, vector<1x16xf32>,
      %swap3A_80 = vector.shape_cast %swap3A_79 : vector<1x16xf32> to vector<16xf32>
      %swap3A_81 = vector.shape_cast %mul3A_77 : vector<16xf32> to vector<1x16xf32>
      tpu.vector_store %arg13[%swap3A, %swap3A_78], %swap3A_81 {strides = array<i32>} : memref<400x32xf32, #tpu.memory_space<vmem>>, vector<1x16xf32>,
      %get3A_82 = arith.index_cast %add3A_72 : i32 to index
      %get3A_83 = arith.constant 16 : index
      %get3A_84 = tpu.vector_load %arg13[%get3A_82, %get3A_83] {strides = array<i32>} : memref<400x32xf32, #tpu.memory_space<vmem>>, vector<1x16xf32>,
      %get3A_85 = vector.shape_cast %get3A_84 : vector<1x16xf32> to vector<16xf32>
      %mul3A_86 = arith.mulf %get3A_85, %gather3A_68 : vector<16xf32>
      %swap3A_87 = arith.index_cast %add3A_72 : i32 to index
      %swap3A_88 = arith.constant 16 : index
      %swap3A_89 = tpu.vector_load %arg13[%swap3A_87, %swap3A_88] {strides = array<i32>} : memref<400x32xf32, #tpu.memory_space<vmem>>, vector<1x16xf32>,
      %swap3A_90 = vector.shape_cast %swap3A_89 : vector<1x16xf32> to vector<16xf32>
      %swap3A_91 = vector.shape_cast %mul3A_86 : vector<16xf32> to vector<1x16xf32>
      tpu.vector_store %arg13[%swap3A_87, %swap3A_88], %swap3A_91 {strides = array<i32>} : memref<400x32xf32, #tpu.memory_space<vmem>>, vector<1x16xf32>,
      %broadcast_in_dim3A_92 = arith.constant 1 : i32
      %broadcast_in_dim3A_93 = vector.broadcast %broadcast_in_dim3A_92 : i32 to vector<16x1xi32>
      %gather3A_94 = vector.shape_cast %broadcast_in_dim3A_93 : vector<16x1xi32> to vector<16xi32>
      %gather3A_95 = tpu.dynamic_gather %get3A_66[%gather3A_94] in [0] : vector<16xf32>, vector<16xi32> -> vector<16xf32>
      %mul3A_96 = arith.constant 16 : i32
      %mul3A_97 = arith.muli %scan3A_60, %mul3A_96 : i32
      %add3A_98 = arith.constant 1 : i32
      %add3A_99 = arith.addi %mul3A_97, %add3A_98 : i32
      %get3A_100 = arith.index_cast %add3A_99 : i32 to index
      %get3A_101 = arith.constant 0 : index
      %get3A_102 = tpu.vector_load %arg13[%get3A_100, %get3A_101] {strides = array<i32>} : memref<400x32xf32, #tpu.memory_space<vmem>>, vector<1x16xf32>,
      %get3A_103 = vector.shape_cast %get3A_102 : vector<1x16xf32> to vector<16xf32>
      %mul3A_104 = arith.mulf %get3A_103, %gather3A_95 : vector<16xf32>
      %swap3A_105 = arith.index_cast %add3A_99 : i32 to index
      %swap3A_106 = arith.constant 0 : index
      %swap3A_107 = tpu.vector_load %arg13[%swap3A_105, %swap3A_106] {strides = array<i32>} : memref<400x32xf32, #tpu.memory_space<vmem>>, vector<1x16xf32>,
      %swap3A_108 = vector.shape_cast %swap3A_107 : vector<1x16xf32> to vector<16xf32>
      %swap3A_109 = vector.shape_cast %mul3A_104 : vector<16xf32> to vector<1x16xf32>
      tpu.vector_store %arg13[%swap3A_105, %swap3A_106], %swap3A_109 {strides = array<i32>} : memref<400x32xf32, #tpu.memory_space<vmem>>, vector<1x16xf32>,
      %get3A_110 = arith.index_cast %add3A_99 : i32 to index
      %get3A_111 = arith.constant 16 : index
      %get3A_112 = tpu.vector_load %arg13[%get3A_110, %get3A_111] {strides = array<i32>} : memref<400x32xf32, #tpu.memory_space<vmem>>, vector<1x16xf32>,
      %get3A_113 = vector.shape_cast %get3A_112 : vector<1x16xf32> to vector<16xf32>
      %mul3A_114 = arith.mulf %get3A_113, %gather3A_95 : vector<16xf32>
      %swap3A_115 = arith.index_cast %add3A_99 : i32 to index
      %swap3A_116 = arith.constant 16 : index
      %swap3A_117 = tpu.vector_load %arg13[%swap3A_115, %swap3A_116] {strides = array<i32>} : memref<400x32xf32, #tpu.memory_space<vmem>>, vector<1x16xf32>,
      %swap3A_118 = vector.shape_cast %swap3A_117 : vector<1x16xf32> to vector<16xf32>
      %swap3A_119 = vector.shape_cast %mul3A_114 : vector<16xf32> to vector<1x16xf32>
      tpu.vector_store %arg13[%swap3A_115, %swap3A_116], %swap3A_119 {strides = array<i32>} : memref<400x32xf32, #tpu.memory_space<vmem>>, vector<1x16xf32>,
      %broadcast_in_dim3A_120 = arith.constant 2 : i32
      %broadcast_in_dim3A_121 = vector.broadcast %broadcast_in_dim3A_120 : i32 to vector<16x1xi32>
      %gather3A_122 = vector.shape_cast %broadcast_in_dim3A_121 : vector<16x1xi32> to vector<16xi32>
      %gather3A_123 = tpu.dynamic_gather %get3A_66[%gather3A_122] in [0] : vector<16xf32>, vector<16xi32> -> vector<16xf32>
      %mul3A_124 = arith.constant 16 : i32
      %mul3A_125 = arith.muli %scan3A_60, %mul3A_124 : i32
      %add3A_126 = arith.constant 2 : i32
      %add3A_127 = arith.addi %mul3A_125, %add3A_126 : i32
      %get3A_128 = arith.index_cast %add3A_127 : i32 to index
      %get3A_129 = arith.constant 0 : index
      %get3A_130 = tpu.vector_load %arg13[%get3A_128, %get3A_129] {strides = array<i32>} : memref<400x32xf32, #tpu.memory_space<vmem>>, vector<1x16xf32>,
      %get3A_131 = vector.shape_cast %get3A_130 : vector<1x16xf32> to vector<16xf32>
      %mul3A_132 = arith.mulf %get3A_131, %gather3A_123 : vector<16xf32>
      %swap3A_133 = arith.index_cast %add3A_127 : i32 to index
      %swap3A_134 = arith.constant 0 : index
      %swap3A_135 = tpu.vector_load %arg13[%swap3A_133, %swap3A_134] {strides = array<i32>} : memref<400x32xf32, #tpu.memory_space<vmem>>, vector<1x16xf32>,
      %swap3A_136 = vector.shape_cast %swap3A_135 : vector<1x16xf32> to vector<16xf32>
      %swap3A_137 = vector.shape_cast %mul3A_132 : vector<16xf32> to vector<1x16xf32>
      tpu.vector_store %arg13[%swap3A_133, %swap3A_134], %swap3A_137 {strides = array<i32>} : memref<400x32xf32, #tpu.memory_space<vmem>>, vector<1x16xf32>,
      %get3A_138 = arith.index_cast %add3A_127 : i32 to index
      %get3A_139 = arith.constant 16 : index
      %get3A_140 = tpu.vector_load %arg13[%get3A_138, %get3A_139] {strides = array<i32>} : memref<400x32xf32, #tpu.memory_space<vmem>>, vector<1x16xf32>,
      %get3A_141 = vector.shape_cast %get3A_140 : vector<1x16xf32> to vector<16xf32>
      %mul3A_142 = arith.mulf %get3A_141, %gather3A_123 : vector<16xf32>
      %swap3A_143 = arith.index_cast %add3A_127 : i32 to index
      %swap3A_144 = arith.constant 16 : index
      %swap3A_145 = tpu.vector_load %arg13[%swap3A_143, %swap3A_144] {strides = array<i32>} : memref<400x32xf32, #tpu.memory_space<vmem>>, vector<1x16xf32>,
      %swap3A_146 = vector.shape_cast %swap3A_145 : vector<1x16xf32> to vector<16xf32>
      %swap3A_147 = vector.shape_cast %mul3A_142 : vector<16xf32> to vector<1x16xf32>
      tpu.vector_store %arg13[%swap3A_143, %swap3A_144], %swap3A_147 {strides = array<i32>} : memref<400x32xf32, #tpu.memory_space<vmem>>, vector<1x16xf32>,
      %broadcast_in_dim3A_148 = arith.constant 3 : i32
      %broadcast_in_dim3A_149 = vector.broadcast %broadcast_in_dim3A_148 : i32 to vector<16x1xi32>
      %gather3A_150 = vector.shape_cast %broadcast_in_dim3A_149 : vector<16x1xi32> to vector<16xi32>
      %gather3A_151 = tpu.dynamic_gather %get3A_66[%gather3A_150] in [0] : vector<16xf32>, vector<16xi32> -> vector<16xf32>
      %mul3A_152 = arith.constant 16 : i32
      %mul3A_153 = arith.muli %scan3A_60, %mul3A_152 : i32
      %add3A_154 = arith.constant 3 : i32
      %add3A_155 = arith.addi %mul3A_153, %add3A_154 : i32
      %get3A_156 = arith.index_cast %add3A_155 : i32 to index
      %get3A_157 = arith.constant 0 : index
      %get3A_158 = tpu.vector_load %arg13[%get3A_156, %get3A_157] {strides = array<i32>} : memref<400x32xf32, #tpu.memory_space<vmem>>, vector<1x16xf32>,
      %get3A_159 = vector.shape_cast %get3A_158 : vector<1x16xf32> to vector<16xf32>
      %mul3A_160 = arith.mulf %get3A_159, %gather3A_151 : vector<16xf32>
      %swap3A_161 = arith.index_cast %add3A_155 : i32 to index
      %swap3A_162 = arith.constant 0 : index
      %swap3A_163 = tpu.vector_load %arg13[%swap3A_161, %swap3A_162] {strides = array<i32>} : memref<400x32xf32, #tpu.memory_space<vmem>>, vector<1x16xf32>,
      %swap3A_164 = vector.shape_cast %swap3A_163 : vector<1x16xf32> to vector<16xf32>
      %swap3A_165 = vector.shape_cast %mul3A_160 : vector<16xf32> to vector<1x16xf32>
      tpu.vector_store %arg13[%swap3A_161, %swap3A_162], %swap3A_165 {strides = array<i32>} : memref<400x32xf32, #tpu.memory_space<vmem>>, vector<1x16xf32>,
      %get3A_166 = arith.index_cast %add3A_155 : i32 to index
      %get3A_167 = arith.constant 16 : index
      %get3A_168 = tpu.vector_load %arg13[%get3A_166, %get3A_167] {strides = array<i32>} : memref<400x32xf32, #tpu.memory_space<vmem>>, vector<1x16xf32>,
      %get3A_169 = vector.shape_cast %get3A_168 : vector<1x16xf32> to vector<16xf32>
      %mul3A_170 = arith.mulf %get3A_169, %gather3A_151 : vector<16xf32>
      %swap3A_171 = arith.index_cast %add3A_155 : i32 to index
      %swap3A_172 = arith.constant 16 : index
      %swap3A_173 = tpu.vector_load %arg13[%swap3A_171, %swap3A_172] {strides = array<i32>} : memref<400x32xf32, #tpu.memory_space<vmem>>, vector<1x16xf32>,
      %swap3A_174 = vector.shape_cast %swap3A_173 : vector<1x16xf32> to vector<16xf32>
      %swap3A_175 = vector.shape_cast %mul3A_170 : vector<16xf32> to vector<1x16xf32>
      tpu.vector_store %arg13[%swap3A_171, %swap3A_172], %swap3A_175 {strides = array<i32>} : memref<400x32xf32, #tpu.memory_space<vmem>>, vector<1x16xf32>,
      %broadcast_in_dim3A_176 = arith.constant 4 : i32
      %broadcast_in_dim3A_177 = vector.broadcast %broadcast_in_dim3A_176 : i32 to vector<16x1xi32>
      %gather3A_178 = vector.shape_cast %broadcast_in_dim3A_177 : vector<16x1xi32> to vector<16xi32>
      %gather3A_179 = tpu.dynamic_gather %get3A_66[%gather3A_178] in [0] : vector<16xf32>, vector<16xi32> -> vector<16xf32>
      %mul3A_180 = arith.constant 16 : i32
      %mul3A_181 = arith.muli %scan3A_60, %mul3A_180 : i32
      %add3A_182 = arith.constant 4 : i32
      %add3A_183 = arith.addi %mul3A_181, %add3A_182 : i32
      %get3A_184 = arith.index_cast %add3A_183 : i32 to index
      %get3A_185 = arith.constant 0 : index
      %get3A_186 = tpu.vector_load %arg13[%get3A_184, %get3A_185] {strides = array<i32>} : memref<400x32xf32, #tpu.memory_space<vmem>>, vector<1x16xf32>,
      %get3A_187 = vector.shape_cast %get3A_186 : vector<1x16xf32> to vector<16xf32>
      %mul3A_188 = arith.mulf %get3A_187, %gather3A_179 : vector<16xf32>
      %swap3A_189 = arith.index_cast %add3A_183 : i32 to index
      %swap3A_190 = arith.constant 0 : index
      %swap3A_191 = tpu.vector_load %arg13[%swap3A_189, %swap3A_190] {strides = array<i32>} : memref<400x32xf32, #tpu.memory_space<vmem>>, vector<1x16xf32>,
      %swap3A_192 = vector.shape_cast %swap3A_191 : vector<1x16xf32> to vector<16xf32>
      %swap3A_193 = vector.shape_cast %mul3A_188 : vector<16xf32> to vector<1x16xf32>
      tpu.vector_store %arg13[%swap3A_189, %swap3A_190], %swap3A_193 {strides = array<i32>} : memref<400x32xf32, #tpu.memory_space<vmem>>, vector<1x16xf32>,
      %get3A_194 = arith.index_cast %add3A_183 : i32 to index
      %get3A_195 = arith.constant 16 : index
      %get3A_196 = tpu.vector_load %arg13[%get3A_194, %get3A_195] {strides = array<i32>} : memref<400x32xf32, #tpu.memory_space<vmem>>, vector<1x16xf32>,
      %get3A_197 = vector.shape_cast %get3A_196 : vector<1x16xf32> to vector<16xf32>
      %mul3A_198 = arith.mulf %get3A_197, %gather3A_179 : vector<16xf32>
      %swap3A_199 = arith.index_cast %add3A_183 : i32 to index
      %swap3A_200 = arith.constant 16 : index
      %swap3A_201 = tpu.vector_load %arg13[%swap3A_199, %swap3A_200] {strides = array<i32>} : memref<400x32xf32, #tpu.memory_space<vmem>>, vector<1x16xf32>,
      %swap3A_202 = vector.shape_cast %swap3A_201 : vector<1x16xf32> to vector<16xf32>
      %swap3A_203 = vector.shape_cast %mul3A_198 : vector<16xf32> to vector<1x16xf32>
      tpu.vector_store %arg13[%swap3A_199, %swap3A_200], %swap3A_203 {strides = array<i32>} : memref<400x32xf32, #tpu.memory_space<vmem>>, vector<1x16xf32>,
      %broadcast_in_dim3A_204 = arith.constant 5 : i32
      %broadcast_in_dim3A_205 = vector.broadcast %broadcast_in_dim3A_204 : i32 to vector<16x1xi32>
      %gather3A_206 = vector.shape_cast %broadcast_in_dim3A_205 : vector<16x1xi32> to vector<16xi32>
      %gather3A_207 = tpu.dynamic_gather %get3A_66[%gather3A_206] in [0] : vector<16xf32>, vector<16xi32> -> vector<16xf32>
      %mul3A_208 = arith.constant 16 : i32
      %mul3A_209 = arith.muli %scan3A_60, %mul3A_208 : i32
      %add3A_210 = arith.constant 5 : i32
      %add3A_211 = arith.addi %mul3A_209, %add3A_210 : i32
      %get3A_212 = arith.index_cast %add3A_211 : i32 to index
      %get3A_213 = arith.constant 0 : index
      %get3A_214 = tpu.vector_load %arg13[%get3A_212, %get3A_213] {strides = array<i32>} : memref<400x32xf32, #tpu.memory_space<vmem>>, vector<1x16xf32>,
      %get3A_215 = vector.shape_cast %get3A_214 : vector<1x16xf32> to vector<16xf32>
      %mul3A_216 = arith.mulf %get3A_215, %gather3A_207 : vector<16xf32>
      %swap3A_217 = arith.index_cast %add3A_211 : i32 to index
      %swap3A_218 = arith.constant 0 : index
      %swap3A_219 = tpu.vector_load %arg13[%swap3A_217, %swap3A_218] {strides = array<i32>} : memref<400x32xf32, #tpu.memory_space<vmem>>, vector<1x16xf32>,
      %swap3A_220 = vector.shape_cast %swap3A_219 : vector<1x16xf32> to vector<16xf32>
      %swap3A_221 = vector.shape_cast %mul3A_216 : vector<16xf32> to vector<1x16xf32>
      tpu.vector_store %arg13[%swap3A_217, %swap3A_218], %swap3A_221 {strides = array<i32>} : memref<400x32xf32, #tpu.memory_space<vmem>>, vector<1x16xf32>,
      %get3A_222 = arith.index_cast %add3A_211 : i32 to index
      %get3A_223 = arith.constant 16 : index
      %get3A_224 = tpu.vector_load %arg13[%get3A_222, %get3A_223] {strides = array<i32>} : memref<400x32xf32, #tpu.memory_space<vmem>>, vector<1x16xf32>,
      %get3A_225 = vector.shape_cast %get3A_224 : vector<1x16xf32> to vector<16xf32>
      %mul3A_226 = arith.mulf %get3A_225, %gather3A_207 : vector<16xf32>
      %swap3A_227 = arith.index_cast %add3A_211 : i32 to index
      %swap3A_228 = arith.constant 16 : index
      %swap3A_229 = tpu.vector_load %arg13[%swap3A_227, %swap3A_228] {strides = array<i32>} : memref<400x32xf32, #tpu.memory_space<vmem>>, vector<1x16xf32>,
      %swap3A_230 = vector.shape_cast %swap3A_229 : vector<1x16xf32> to vector<16xf32>
      %swap3A_231 = vector.shape_cast %mul3A_226 : vector<16xf32> to vector<1x16xf32>
      tpu.vector_store %arg13[%swap3A_227, %swap3A_228], %swap3A_231 {strides = array<i32>} : memref<400x32xf32, #tpu.memory_space<vmem>>, vector<1x16xf32>,
      %broadcast_in_dim3A_232 = arith.constant 6 : i32
      %broadcast_in_dim3A_233 = vector.broadcast %broadcast_in_dim3A_232 : i32 to vector<16x1xi32>
      %gather3A_234 = vector.shape_cast %broadcast_in_dim3A_233 : vector<16x1xi32> to vector<16xi32>
      %gather3A_235 = tpu.dynamic_gather %get3A_66[%gather3A_234] in [0] : vector<16xf32>, vector<16xi32> -> vector<16xf32>
      %mul3A_236 = arith.constant 16 : i32
      %mul3A_237 = arith.muli %scan3A_60, %mul3A_236 : i32
      %add3A_238 = arith.constant 6 : i32
      %add3A_239 = arith.addi %mul3A_237, %add3A_238 : i32
      %get3A_240 = arith.index_cast %add3A_239 : i32 to index
      %get3A_241 = arith.constant 0 : index
      %get3A_242 = tpu.vector_load %arg13[%get3A_240, %get3A_241] {strides = array<i32>} : memref<400x32xf32, #tpu.memory_space<vmem>>, vector<1x16xf32>,
      %get3A_243 = vector.shape_cast %get3A_242 : vector<1x16xf32> to vector<16xf32>
      %mul3A_244 = arith.mulf %get3A_243, %gather3A_235 : vector<16xf32>
      %swap3A_245 = arith.index_cast %add3A_239 : i32 to index
      %swap3A_246 = arith.constant 0 : index
      %swap3A_247 = tpu.vector_load %arg13[%swap3A_245, %swap3A_246] {strides = array<i32>} : memref<400x32xf32, #tpu.memory_space<vmem>>, vector<1x16xf32>,
      %swap3A_248 = vector.shape_cast %swap3A_247 : vector<1x16xf32> to vector<16xf32>
      %swap3A_249 = vector.shape_cast %mul3A_244 : vector<16xf32> to vector<1x16xf32>
      tpu.vector_store %arg13[%swap3A_245, %swap3A_246], %swap3A_249 {strides = array<i32>} : memref<400x32xf32, #tpu.memory_space<vmem>>, vector<1x16xf32>,
      %get3A_250 = arith.index_cast %add3A_239 : i32 to index
      %get3A_251 = arith.constant 16 : index
      %get3A_252 = tpu.vector_load %arg13[%get3A_250, %get3A_251] {strides = array<i32>} : memref<400x32xf32, #tpu.memory_space<vmem>>, vector<1x16xf32>,
      %get3A_253 = vector.shape_cast %get3A_252 : vector<1x16xf32> to vector<16xf32>
      %mul3A_254 = arith.mulf %get3A_253, %gather3A_235 : vector<16xf32>
      %swap3A_255 = arith.index_cast %add3A_239 : i32 to index
      %swap3A_256 = arith.constant 16 : index
      %swap3A_257 = tpu.vector_load %arg13[%swap3A_255, %swap3A_256] {strides = array<i32>} : memref<400x32xf32, #tpu.memory_space<vmem>>, vector<1x16xf32>,
      %swap3A_258 = vector.shape_cast %swap3A_257 : vector<1x16xf32> to vector<16xf32>
      %swap3A_259 = vector.shape_cast %mul3A_254 : vector<16xf32> to vector<1x16xf32>
      tpu.vector_store %arg13[%swap3A_255, %swap3A_256], %swap3A_259 {strides = array<i32>} : memref<400x32xf32, #tpu.memory_space<vmem>>, vector<1x16xf32>,
      %broadcast_in_dim3A_260 = arith.constant 7 : i32
      %broadcast_in_dim3A_261 = vector.broadcast %broadcast_in_dim3A_260 : i32 to vector<16x1xi32>
      %gather3A_262 = vector.shape_cast %broadcast_in_dim3A_261 : vector<16x1xi32> to vector<16xi32>
      %gather3A_263 = tpu.dynamic_gather %get3A_66[%gather3A_262] in [0] : vector<16xf32>, vector<16xi32> -> vector<16xf32>
      %mul3A_264 = arith.constant 16 : i32
      %mul3A_265 = arith.muli %scan3A_60, %mul3A_264 : i32
      %add3A_266 = arith.constant 7 : i32
      %add3A_267 = arith.addi %mul3A_265, %add3A_266 : i32
      %get3A_268 = arith.index_cast %add3A_267 : i32 to index
      %get3A_269 = arith.constant 0 : index
      %get3A_270 = tpu.vector_load %arg13[%get3A_268, %get3A_269] {strides = array<i32>} : memref<400x32xf32, #tpu.memory_space<vmem>>, vector<1x16xf32>,
      %get3A_271 = vector.shape_cast %get3A_270 : vector<1x16xf32> to vector<16xf32>
      %mul3A_272 = arith.mulf %get3A_271, %gather3A_263 : vector<16xf32>
      %swap3A_273 = arith.index_cast %add3A_267 : i32 to index
      %swap3A_274 = arith.constant 0 : index
      %swap3A_275 = tpu.vector_load %arg13[%swap3A_273, %swap3A_274] {strides = array<i32>} : memref<400x32xf32, #tpu.memory_space<vmem>>, vector<1x16xf32>,
      %swap3A_276 = vector.shape_cast %swap3A_275 : vector<1x16xf32> to vector<16xf32>
      %swap3A_277 = vector.shape_cast %mul3A_272 : vector<16xf32> to vector<1x16xf32>
      tpu.vector_store %arg13[%swap3A_273, %swap3A_274], %swap3A_277 {strides = array<i32>} : memref<400x32xf32, #tpu.memory_space<vmem>>, vector<1x16xf32>,
      %get3A_278 = arith.index_cast %add3A_267 : i32 to index
      %get3A_279 = arith.constant 16 : index
      %get3A_280 = tpu.vector_load %arg13[%get3A_278, %get3A_279] {strides = array<i32>} : memref<400x32xf32, #tpu.memory_space<vmem>>, vector<1x16xf32>,
      %get3A_281 = vector.shape_cast %get3A_280 : vector<1x16xf32> to vector<16xf32>
      %mul3A_282 = arith.mulf %get3A_281, %gather3A_263 : vector<16xf32>
      %swap3A_283 = arith.index_cast %add3A_267 : i32 to index
      %swap3A_284 = arith.constant 16 : index
      %swap3A_285 = tpu.vector_load %arg13[%swap3A_283, %swap3A_284] {strides = array<i32>} : memref<400x32xf32, #tpu.memory_space<vmem>>, vector<1x16xf32>,
      %swap3A_286 = vector.shape_cast %swap3A_285 : vector<1x16xf32> to vector<16xf32>
      %swap3A_287 = vector.shape_cast %mul3A_282 : vector<16xf32> to vector<1x16xf32>
      tpu.vector_store %arg13[%swap3A_283, %swap3A_284], %swap3A_287 {strides = array<i32>} : memref<400x32xf32, #tpu.memory_space<vmem>>, vector<1x16xf32>,
      %broadcast_in_dim3A_288 = arith.constant 8 : i32
      %broadcast_in_dim3A_289 = vector.broadcast %broadcast_in_dim3A_288 : i32 to vector<16x1xi32>
      %gather3A_290 = vector.shape_cast %broadcast_in_dim3A_289 : vector<16x1xi32> to vector<16xi32>
      %gather3A_291 = tpu.dynamic_gather %get3A_66[%gather3A_290] in [0] : vector<16xf32>, vector<16xi32> -> vector<16xf32>
      %mul3A_292 = arith.constant 16 : i32
      %mul3A_293 = arith.muli %scan3A_60, %mul3A_292 : i32
      %add3A_294 = arith.constant 8 : i32
      %add3A_295 = arith.addi %mul3A_293, %add3A_294 : i32
      %get3A_296 = arith.index_cast %add3A_295 : i32 to index
      %get3A_297 = arith.constant 0 : index
      %get3A_298 = tpu.vector_load %arg13[%get3A_296, %get3A_297] {strides = array<i32>} : memref<400x32xf32, #tpu.memory_space<vmem>>, vector<1x16xf32>,
      %get3A_299 = vector.shape_cast %get3A_298 : vector<1x16xf32> to vector<16xf32>
      %mul3A_300 = arith.mulf %get3A_299, %gather3A_291 : vector<16xf32>
      %swap3A_301 = arith.index_cast %add3A_295 : i32 to index
      %swap3A_302 = arith.constant 0 : index
      %swap3A_303 = tpu.vector_load %arg13[%swap3A_301, %swap3A_302] {strides = array<i32>} : memref<400x32xf32, #tpu.memory_space<vmem>>, vector<1x16xf32>,
      %swap3A_304 = vector.shape_cast %swap3A_303 : vector<1x16xf32> to vector<16xf32>
      %swap3A_305 = vector.shape_cast %mul3A_300 : vector<16xf32> to vector<1x16xf32>
      tpu.vector_store %arg13[%swap3A_301, %swap3A_302], %swap3A_305 {strides = array<i32>} : memref<400x32xf32, #tpu.memory_space<vmem>>, vector<1x16xf32>,
      %get3A_306 = arith.index_cast %add3A_295 : i32 to index
      %get3A_307 = arith.constant 16 : index
      %get3A_308 = tpu.vector_load %arg13[%get3A_306, %get3A_307] {strides = array<i32>} : memref<400x32xf32, #tpu.memory_space<vmem>>, vector<1x16xf32>,
      %get3A_309 = vector.shape_cast %get3A_308 : vector<1x16xf32> to vector<16xf32>
      %mul3A_310 = arith.mulf %get3A_309, %gather3A_291 : vector<16xf32>
      %swap3A_311 = arith.index_cast %add3A_295 : i32 to index
      %swap3A_312 = arith.constant 16 : index
      %swap3A_313 = tpu.vector_load %arg13[%swap3A_311, %swap3A_312] {strides = array<i32>} : memref<400x32xf32, #tpu.memory_space<vmem>>, vector<1x16xf32>,
      %swap3A_314 = vector.shape_cast %swap3A_313 : vector<1x16xf32> to vector<16xf32>
      %swap3A_315 = vector.shape_cast %mul3A_310 : vector<16xf32> to vector<1x16xf32>
      tpu.vector_store %arg13[%swap3A_311, %swap3A_312], %swap3A_315 {strides = array<i32>} : memref<400x32xf32, #tpu.memory_space<vmem>>, vector<1x16xf32>,
      %broadcast_in_dim3A_316 = arith.constant 9 : i32
      %broadcast_in_dim3A_317 = vector.broadcast %broadcast_in_dim3A_316 : i32 to vector<16x1xi32>
      %gather3A_318 = vector.shape_cast %broadcast_in_dim3A_317 : vector<16x1xi32> to vector<16xi32>
      %gather3A_319 = tpu.dynamic_gather %get3A_66[%gather3A_318] in [0] : vector<16xf32>, vector<16xi32> -> vector<16xf32>
      %mul3A_320 = arith.constant 16 : i32
      %mul3A_321 = arith.muli %scan3A_60, %mul3A_320 : i32
      %add3A_322 = arith.constant 9 : i32
      %add3A_323 = arith.addi %mul3A_321, %add3A_322 : i32
      %get3A_324 = arith.index_cast %add3A_323 : i32 to index
      %get3A_325 = arith.constant 0 : index
      %get3A_326 = tpu.vector_load %arg13[%get3A_324, %get3A_325] {strides = array<i32>} : memref<400x32xf32, #tpu.memory_space<vmem>>, vector<1x16xf32>,
      %get3A_327 = vector.shape_cast %get3A_326 : vector<1x16xf32> to vector<16xf32>
      %mul3A_328 = arith.mulf %get3A_327, %gather3A_319 : vector<16xf32>
      %swap3A_329 = arith.index_cast %add3A_323 : i32 to index
      %swap3A_330 = arith.constant 0 : index
      %swap3A_331 = tpu.vector_load %arg13[%swap3A_329, %swap3A_330] {strides = array<i32>} : memref<400x32xf32, #tpu.memory_space<vmem>>, vector<1x16xf32>,
      %swap3A_332 = vector.shape_cast %swap3A_331 : vector<1x16xf32> to vector<16xf32>
      %swap3A_333 = vector.shape_cast %mul3A_328 : vector<16xf32> to vector<1x16xf32>
      tpu.vector_store %arg13[%swap3A_329, %swap3A_330], %swap3A_333 {strides = array<i32>} : memref<400x32xf32, #tpu.memory_space<vmem>>, vector<1x16xf32>,
      %get3A_334 = arith.index_cast %add3A_323 : i32 to index
      %get3A_335 = arith.constant 16 : index
      %get3A_336 = tpu.vector_load %arg13[%get3A_334, %get3A_335] {strides = array<i32>} : memref<400x32xf32, #tpu.memory_space<vmem>>, vector<1x16xf32>,
      %get3A_337 = vector.shape_cast %get3A_336 : vector<1x16xf32> to vector<16xf32>
      %mul3A_338 = arith.mulf %get3A_337, %gather3A_319 : vector<16xf32>
      %swap3A_339 = arith.index_cast %add3A_323 : i32 to index
      %swap3A_340 = arith.constant 16 : index
      %swap3A_341 = tpu.vector_load %arg13[%swap3A_339, %swap3A_340] {strides = array<i32>} : memref<400x32xf32, #tpu.memory_space<vmem>>, vector<1x16xf32>,
      %swap3A_342 = vector.shape_cast %swap3A_341 : vector<1x16xf32> to vector<16xf32>
      %swap3A_343 = vector.shape_cast %mul3A_338 : vector<16xf32> to vector<1x16xf32>
      tpu.vector_store %arg13[%swap3A_339, %swap3A_340], %swap3A_343 {strides = array<i32>} : memref<400x32xf32, #tpu.memory_space<vmem>>, vector<1x16xf32>,
      %broadcast_in_dim3A_344 = arith.constant 10 : i32
      %broadcast_in_dim3A_345 = vector.broadcast %broadcast_in_dim3A_344 : i32 to vector<16x1xi32>
      %gather3A_346 = vector.shape_cast %broadcast_in_dim3A_345 : vector<16x1xi32> to vector<16xi32>
      %gather3A_347 = tpu.dynamic_gather %get3A_66[%gather3A_346] in [0] : vector<16xf32>, vector<16xi32> -> vector<16xf32>
      %mul3A_348 = arith.constant 16 : i32
      %mul3A_349 = arith.muli %scan3A_60, %mul3A_348 : i32
      %add3A_350 = arith.constant 10 : i32
      %add3A_351 = arith.addi %mul3A_349, %add3A_350 : i32
      %get3A_352 = arith.index_cast %add3A_351 : i32 to index
      %get3A_353 = arith.constant 0 : index
      %get3A_354 = tpu.vector_load %arg13[%get3A_352, %get3A_353] {strides = array<i32>} : memref<400x32xf32, #tpu.memory_space<vmem>>, vector<1x16xf32>,
      %get3A_355 = vector.shape_cast %get3A_354 : vector<1x16xf32> to vector<16xf32>
      %mul3A_356 = arith.mulf %get3A_355, %gather3A_347 : vector<16xf32>
      %swap3A_357 = arith.index_cast %add3A_351 : i32 to index
      %swap3A_358 = arith.constant 0 : index
      %swap3A_359 = tpu.vector_load %arg13[%swap3A_357, %swap3A_358] {strides = array<i32>} : memref<400x32xf32, #tpu.memory_space<vmem>>, vector<1x16xf32>,
      %swap3A_360 = vector.shape_cast %swap3A_359 : vector<1x16xf32> to vector<16xf32>
      %swap3A_361 = vector.shape_cast %mul3A_356 : vector<16xf32> to vector<1x16xf32>
      tpu.vector_store %arg13[%swap3A_357, %swap3A_358], %swap3A_361 {strides = array<i32>} : memref<400x32xf32, #tpu.memory_space<vmem>>, vector<1x16xf32>,
      %get3A_362 = arith.index_cast %add3A_351 : i32 to index
      %get3A_363 = arith.constant 16 : index
      %get3A_364 = tpu.vector_load %arg13[%get3A_362, %get3A_363] {strides = array<i32>} : memref<400x32xf32, #tpu.memory_space<vmem>>, vector<1x16xf32>,
      %get3A_365 = vector.shape_cast %get3A_364 : vector<1x16xf32> to vector<16xf32>
      %mul3A_366 = arith.mulf %get3A_365, %gather3A_347 : vector<16xf32>
      %swap3A_367 = arith.index_cast %add3A_351 : i32 to index
      %swap3A_368 = arith.constant 16 : index
      %swap3A_369 = tpu.vector_load %arg13[%swap3A_367, %swap3A_368] {strides = array<i32>} : memref<400x32xf32, #tpu.memory_space<vmem>>, vector<1x16xf32>,
      %swap3A_370 = vector.shape_cast %swap3A_369 : vector<1x16xf32> to vector<16xf32>
      %swap3A_371 = vector.shape_cast %mul3A_366 : vector<16xf32> to vector<1x16xf32>
      tpu.vector_store %arg13[%swap3A_367, %swap3A_368], %swap3A_371 {strides = array<i32>} : memref<400x32xf32, #tpu.memory_space<vmem>>, vector<1x16xf32>,
      %broadcast_in_dim3A_372 = arith.constant 11 : i32
      %broadcast_in_dim3A_373 = vector.broadcast %broadcast_in_dim3A_372 : i32 to vector<16x1xi32>
      %gather3A_374 = vector.shape_cast %broadcast_in_dim3A_373 : vector<16x1xi32> to vector<16xi32>
      %gather3A_375 = tpu.dynamic_gather %get3A_66[%gather3A_374] in [0] : vector<16xf32>, vector<16xi32> -> vector<16xf32>
      %mul3A_376 = arith.constant 16 : i32
      %mul3A_377 = arith.muli %scan3A_60, %mul3A_376 : i32
      %add3A_378 = arith.constant 11 : i32
      %add3A_379 = arith.addi %mul3A_377, %add3A_378 : i32
      %get3A_380 = arith.index_cast %add3A_379 : i32 to index
      %get3A_381 = arith.constant 0 : index
      %get3A_382 = tpu.vector_load %arg13[%get3A_380, %get3A_381] {strides = array<i32>} : memref<400x32xf32, #tpu.memory_space<vmem>>, vector<1x16xf32>,
      %get3A_383 = vector.shape_cast %get3A_382 : vector<1x16xf32> to vector<16xf32>
      %mul3A_384 = arith.mulf %get3A_383, %gather3A_375 : vector<16xf32>
      %swap3A_385 = arith.index_cast %add3A_379 : i32 to index
      %swap3A_386 = arith.constant 0 : index
      %swap3A_387 = tpu.vector_load %arg13[%swap3A_385, %swap3A_386] {strides = array<i32>} : memref<400x32xf32, #tpu.memory_space<vmem>>, vector<1x16xf32>,
      %swap3A_388 = vector.shape_cast %swap3A_387 : vector<1x16xf32> to vector<16xf32>
      %swap3A_389 = vector.shape_cast %mul3A_384 : vector<16xf32> to vector<1x16xf32>
      tpu.vector_store %arg13[%swap3A_385, %swap3A_386], %swap3A_389 {strides = array<i32>} : memref<400x32xf32, #tpu.memory_space<vmem>>, vector<1x16xf32>,
      %get3A_390 = arith.index_cast %add3A_379 : i32 to index
      %get3A_391 = arith.constant 16 : index
      %get3A_392 = tpu.vector_load %arg13[%get3A_390, %get3A_391] {strides = array<i32>} : memref<400x32xf32, #tpu.memory_space<vmem>>, vector<1x16xf32>,
      %get3A_393 = vector.shape_cast %get3A_392 : vector<1x16xf32> to vector<16xf32>
      %mul3A_394 = arith.mulf %get3A_393, %gather3A_375 : vector<16xf32>
      %swap3A_395 = arith.index_cast %add3A_379 : i32 to index
      %swap3A_396 = arith.constant 16 : index
      %swap3A_397 = tpu.vector_load %arg13[%swap3A_395, %swap3A_396] {strides = array<i32>} : memref<400x32xf32, #tpu.memory_space<vmem>>, vector<1x16xf32>,
      %swap3A_398 = vector.shape_cast %swap3A_397 : vector<1x16xf32> to vector<16xf32>
      %swap3A_399 = vector.shape_cast %mul3A_394 : vector<16xf32> to vector<1x16xf32>
      tpu.vector_store %arg13[%swap3A_395, %swap3A_396], %swap3A_399 {strides = array<i32>} : memref<400x32xf32, #tpu.memory_space<vmem>>, vector<1x16xf32>,
      %broadcast_in_dim3A_400 = arith.constant 12 : i32
      %broadcast_in_dim3A_401 = vector.broadcast %broadcast_in_dim3A_400 : i32 to vector<16x1xi32>
      %gather3A_402 = vector.shape_cast %broadcast_in_dim3A_401 : vector<16x1xi32> to vector<16xi32>
      %gather3A_403 = tpu.dynamic_gather %get3A_66[%gather3A_402] in [0] : vector<16xf32>, vector<16xi32> -> vector<16xf32>
      %mul3A_404 = arith.constant 16 : i32
      %mul3A_405 = arith.muli %scan3A_60, %mul3A_404 : i32
      %add3A_406 = arith.constant 12 : i32
      %add3A_407 = arith.addi %mul3A_405, %add3A_406 : i32
      %get3A_408 = arith.index_cast %add3A_407 : i32 to index
      %get3A_409 = arith.constant 0 : index
      %get3A_410 = tpu.vector_load %arg13[%get3A_408, %get3A_409] {strides = array<i32>} : memref<400x32xf32, #tpu.memory_space<vmem>>, vector<1x16xf32>,
      %get3A_411 = vector.shape_cast %get3A_410 : vector<1x16xf32> to vector<16xf32>
      %mul3A_412 = arith.mulf %get3A_411, %gather3A_403 : vector<16xf32>
      %swap3A_413 = arith.index_cast %add3A_407 : i32 to index
      %swap3A_414 = arith.constant 0 : index
      %swap3A_415 = tpu.vector_load %arg13[%swap3A_413, %swap3A_414] {strides = array<i32>} : memref<400x32xf32, #tpu.memory_space<vmem>>, vector<1x16xf32>,
      %swap3A_416 = vector.shape_cast %swap3A_415 : vector<1x16xf32> to vector<16xf32>
      %swap3A_417 = vector.shape_cast %mul3A_412 : vector<16xf32> to vector<1x16xf32>
      tpu.vector_store %arg13[%swap3A_413, %swap3A_414], %swap3A_417 {strides = array<i32>} : memref<400x32xf32, #tpu.memory_space<vmem>>, vector<1x16xf32>,
      %get3A_418 = arith.index_cast %add3A_407 : i32 to index
      %get3A_419 = arith.constant 16 : index
      %get3A_420 = tpu.vector_load %arg13[%get3A_418, %get3A_419] {strides = array<i32>} : memref<400x32xf32, #tpu.memory_space<vmem>>, vector<1x16xf32>,
      %get3A_421 = vector.shape_cast %get3A_420 : vector<1x16xf32> to vector<16xf32>
      %mul3A_422 = arith.mulf %get3A_421, %gather3A_403 : vector<16xf32>
      %swap3A_423 = arith.index_cast %add3A_407 : i32 to index
      %swap3A_424 = arith.constant 16 : index
      %swap3A_425 = tpu.vector_load %arg13[%swap3A_423, %swap3A_424] {strides = array<i32>} : memref<400x32xf32, #tpu.memory_space<vmem>>, vector<1x16xf32>,
      %swap3A_426 = vector.shape_cast %swap3A_425 : vector<1x16xf32> to vector<16xf32>
      %swap3A_427 = vector.shape_cast %mul3A_422 : vector<16xf32> to vector<1x16xf32>
      tpu.vector_store %arg13[%swap3A_423, %swap3A_424], %swap3A_427 {strides = array<i32>} : memref<400x32xf32, #tpu.memory_space<vmem>>, vector<1x16xf32>,
      %broadcast_in_dim3A_428 = arith.constant 13 : i32
      %broadcast_in_dim3A_429 = vector.broadcast %broadcast_in_dim3A_428 : i32 to vector<16x1xi32>
      %gather3A_430 = vector.shape_cast %broadcast_in_dim3A_429 : vector<16x1xi32> to vector<16xi32>
      %gather3A_431 = tpu.dynamic_gather %get3A_66[%gather3A_430] in [0] : vector<16xf32>, vector<16xi32> -> vector<16xf32>
      %mul3A_432 = arith.constant 16 : i32
      %mul3A_433 = arith.muli %scan3A_60, %mul3A_432 : i32
      %add3A_434 = arith.constant 13 : i32
      %add3A_435 = arith.addi %mul3A_433, %add3A_434 : i32
      %get3A_436 = arith.index_cast %add3A_435 : i32 to index
      %get3A_437 = arith.constant 0 : index
      %get3A_438 = tpu.vector_load %arg13[%get3A_436, %get3A_437] {strides = array<i32>} : memref<400x32xf32, #tpu.memory_space<vmem>>, vector<1x16xf32>,
      %get3A_439 = vector.shape_cast %get3A_438 : vector<1x16xf32> to vector<16xf32>
      %mul3A_440 = arith.mulf %get3A_439, %gather3A_431 : vector<16xf32>
      %swap3A_441 = arith.index_cast %add3A_435 : i32 to index
      %swap3A_442 = arith.constant 0 : index
      %swap3A_443 = tpu.vector_load %arg13[%swap3A_441, %swap3A_442] {strides = array<i32>} : memref<400x32xf32, #tpu.memory_space<vmem>>, vector<1x16xf32>,
      %swap3A_444 = vector.shape_cast %swap3A_443 : vector<1x16xf32> to vector<16xf32>
      %swap3A_445 = vector.shape_cast %mul3A_440 : vector<16xf32> to vector<1x16xf32>
      tpu.vector_store %arg13[%swap3A_441, %swap3A_442], %swap3A_445 {strides = array<i32>} : memref<400x32xf32, #tpu.memory_space<vmem>>, vector<1x16xf32>,
      %get3A_446 = arith.index_cast %add3A_435 : i32 to index
      %get3A_447 = arith.constant 16 : index
      %get3A_448 = tpu.vector_load %arg13[%get3A_446, %get3A_447] {strides = array<i32>} : memref<400x32xf32, #tpu.memory_space<vmem>>, vector<1x16xf32>,
      %get3A_449 = vector.shape_cast %get3A_448 : vector<1x16xf32> to vector<16xf32>
      %mul3A_450 = arith.mulf %get3A_449, %gather3A_431 : vector<16xf32>
      %swap3A_451 = arith.index_cast %add3A_435 : i32 to index
      %swap3A_452 = arith.constant 16 : index
      %swap3A_453 = tpu.vector_load %arg13[%swap3A_451, %swap3A_452] {strides = array<i32>} : memref<400x32xf32, #tpu.memory_space<vmem>>, vector<1x16xf32>,
      %swap3A_454 = vector.shape_cast %swap3A_453 : vector<1x16xf32> to vector<16xf32>
      %swap3A_455 = vector.shape_cast %mul3A_450 : vector<16xf32> to vector<1x16xf32>
      tpu.vector_store %arg13[%swap3A_451, %swap3A_452], %swap3A_455 {strides = array<i32>} : memref<400x32xf32, #tpu.memory_space<vmem>>, vector<1x16xf32>,
      %broadcast_in_dim3A_456 = arith.constant 14 : i32
      %broadcast_in_dim3A_457 = vector.broadcast %broadcast_in_dim3A_456 : i32 to vector<16x1xi32>
      %gather3A_458 = vector.shape_cast %broadcast_in_dim3A_457 : vector<16x1xi32> to vector<16xi32>
      %gather3A_459 = tpu.dynamic_gather %get3A_66[%gather3A_458] in [0] : vector<16xf32>, vector<16xi32> -> vector<16xf32>
      %mul3A_460 = arith.constant 16 : i32
      %mul3A_461 = arith.muli %scan3A_60, %mul3A_460 : i32
      %add3A_462 = arith.constant 14 : i32
      %add3A_463 = arith.addi %mul3A_461, %add3A_462 : i32
      %get3A_464 = arith.index_cast %add3A_463 : i32 to index
      %get3A_465 = arith.constant 0 : index
      %get3A_466 = tpu.vector_load %arg13[%get3A_464, %get3A_465] {strides = array<i32>} : memref<400x32xf32, #tpu.memory_space<vmem>>, vector<1x16xf32>,
      %get3A_467 = vector.shape_cast %get3A_466 : vector<1x16xf32> to vector<16xf32>
      %mul3A_468 = arith.mulf %get3A_467, %gather3A_459 : vector<16xf32>
      %swap3A_469 = arith.index_cast %add3A_463 : i32 to index
      %swap3A_470 = arith.constant 0 : index
      %swap3A_471 = tpu.vector_load %arg13[%swap3A_469, %swap3A_470] {strides = array<i32>} : memref<400x32xf32, #tpu.memory_space<vmem>>, vector<1x16xf32>,
      %swap3A_472 = vector.shape_cast %swap3A_471 : vector<1x16xf32> to vector<16xf32>
      %swap3A_473 = vector.shape_cast %mul3A_468 : vector<16xf32> to vector<1x16xf32>
      tpu.vector_store %arg13[%swap3A_469, %swap3A_470], %swap3A_473 {strides = array<i32>} : memref<400x32xf32, #tpu.memory_space<vmem>>, vector<1x16xf32>,
      %get3A_474 = arith.index_cast %add3A_463 : i32 to index
      %get3A_475 = arith.constant 16 : index
      %get3A_476 = tpu.vector_load %arg13[%get3A_474, %get3A_475] {strides = array<i32>} : memref<400x32xf32, #tpu.memory_space<vmem>>, vector<1x16xf32>,
      %get3A_477 = vector.shape_cast %get3A_476 : vector<1x16xf32> to vector<16xf32>
      %mul3A_478 = arith.mulf %get3A_477, %gather3A_459 : vector<16xf32>
      %swap3A_479 = arith.index_cast %add3A_463 : i32 to index
      %swap3A_480 = arith.constant 16 : index
      %swap3A_481 = tpu.vector_load %arg13[%swap3A_479, %swap3A_480] {strides = array<i32>} : memref<400x32xf32, #tpu.memory_space<vmem>>, vector<1x16xf32>,
      %swap3A_482 = vector.shape_cast %swap3A_481 : vector<1x16xf32> to vector<16xf32>
      %swap3A_483 = vector.shape_cast %mul3A_478 : vector<16xf32> to vector<1x16xf32>
      tpu.vector_store %arg13[%swap3A_479, %swap3A_480], %swap3A_483 {strides = array<i32>} : memref<400x32xf32, #tpu.memory_space<vmem>>, vector<1x16xf32>,
      %broadcast_in_dim3A_484 = arith.constant 15 : i32
      %broadcast_in_dim3A_485 = vector.broadcast %broadcast_in_dim3A_484 : i32 to vector<16x1xi32>
      %gather3A_486 = vector.shape_cast %broadcast_in_dim3A_485 : vector<16x1xi32> to vector<16xi32>
      %gather3A_487 = tpu.dynamic_gather %get3A_66[%gather3A_486] in [0] : vector<16xf32>, vector<16xi32> -> vector<16xf32>
      %mul3A_488 = arith.constant 16 : i32
      %mul3A_489 = arith.muli %scan3A_60, %mul3A_488 : i32
      %add3A_490 = arith.constant 15 : i32
      %add3A_491 = arith.addi %mul3A_489, %add3A_490 : i32
      %get3A_492 = arith.index_cast %add3A_491 : i32 to index
      %get3A_493 = arith.constant 0 : index
      %get3A_494 = tpu.vector_load %arg13[%get3A_492, %get3A_493] {strides = array<i32>} : memref<400x32xf32, #tpu.memory_space<vmem>>, vector<1x16xf32>,
      %get3A_495 = vector.shape_cast %get3A_494 : vector<1x16xf32> to vector<16xf32>
      %mul3A_496 = arith.mulf %get3A_495, %gather3A_487 : vector<16xf32>
      %swap3A_497 = arith.index_cast %add3A_491 : i32 to index
      %swap3A_498 = arith.constant 0 : index
      %swap3A_499 = tpu.vector_load %arg13[%swap3A_497, %swap3A_498] {strides = array<i32>} : memref<400x32xf32, #tpu.memory_space<vmem>>, vector<1x16xf32>,
      %swap3A_500 = vector.shape_cast %swap3A_499 : vector<1x16xf32> to vector<16xf32>
      %swap3A_501 = vector.shape_cast %mul3A_496 : vector<16xf32> to vector<1x16xf32>
      tpu.vector_store %arg13[%swap3A_497, %swap3A_498], %swap3A_501 {strides = array<i32>} : memref<400x32xf32, #tpu.memory_space<vmem>>, vector<1x16xf32>,
      %get3A_502 = arith.index_cast %add3A_491 : i32 to index
      %get3A_503 = arith.constant 16 : index
      %get3A_504 = tpu.vector_load %arg13[%get3A_502, %get3A_503] {strides = array<i32>} : memref<400x32xf32, #tpu.memory_space<vmem>>, vector<1x16xf32>,
      %get3A_505 = vector.shape_cast %get3A_504 : vector<1x16xf32> to vector<16xf32>
      %mul3A_506 = arith.mulf %get3A_505, %gather3A_487 : vector<16xf32>
      %swap3A_507 = arith.index_cast %add3A_491 : i32 to index
      %swap3A_508 = arith.constant 16 : index
      %swap3A_509 = tpu.vector_load %arg13[%swap3A_507, %swap3A_508] {strides = array<i32>} : memref<400x32xf32, #tpu.memory_space<vmem>>, vector<1x16xf32>,
      %swap3A_510 = vector.shape_cast %swap3A_509 : vector<1x16xf32> to vector<16xf32>
      %swap3A_511 = vector.shape_cast %mul3A_506 : vector<16xf32> to vector<1x16xf32>
      tpu.vector_store %arg13[%swap3A_507, %swap3A_508], %swap3A_511 {strides = array<i32>} : memref<400x32xf32, #tpu.memory_space<vmem>>, vector<1x16xf32>,
    }
    %scan3A_38 = arith.constant 25 : i32
    %dma_start3A_39 = arith.constant 9600 : i32
    %dma_start3A_40 = tpu.memref_slice %arg9[%dma_start3A_39] : memref<10000xi32, #tpu.memory_space<vmem>> -> memref<400xi32, #tpu.memory_space<vmem>>
    %dma_start3A_41 = arith.constant 0 : i32
    %dma_start3A_42 = arith.constant 0 : i32
    %dma_start3A_43 = tpu.memref_slice %arg16[%dma_start3A_41, %dma_start3A_42] : memref<10000x32xf32, #tpu.memory_space<vmem_shared>> -> memref<10000x32xf32, #tpu.memory_space<vmem_shared>>
    tpu.enqueue_indirect_dma source(%arg13 : memref<400x32xf32, #tpu.memory_space<vmem>>) target(%dma_start3A_43 : memref<10000x32xf32, #tpu.memory_space<vmem_shared>>) offsets(%dma_start3A_40 : memref<400xi32, #tpu.memory_space<vmem>>) semaphore(%arg11 : memref<!tpu.dma_semaphore, #tpu.memory_space<semaphore_mem>>) {add = true}
    %dma_wait3A_44 = arith.constant 9600 : i32
    %dma_wait3A_45 = tpu.memref_slice %arg9[%dma_wait3A_44] : memref<10000xi32, #tpu.memory_space<vmem>> -> memref<400xi32, #tpu.memory_space<vmem>>
    %dma_wait3A_46 = arith.constant 0 : i32
    %dma_wait3A_47 = arith.constant 0 : i32
    %dma_wait3A_48 = tpu.memref_slice %arg16[%dma_wait3A_46, %dma_wait3A_47] : memref<10000x32xf32, #tpu.memory_space<vmem_shared>> -> memref<10000x32xf32, #tpu.memory_space<vmem_shared>>
    tpu.wait_indirect_dma semaphore(%arg11 : memref<!tpu.dma_semaphore, #tpu.memory_space<semaphore_mem>>) src(%arg13 : memref<400x32xf32, #tpu.memory_space<vmem>>) dst(%dma_wait3A_48 : memref<10000x32xf32, #tpu.memory_space<vmem_shared>>)
    %barrier3A_49 = arith.constant 0 : index
    tpu.barrier barrier_id(%barrier3A_49)
    %lt3A_50 = arith.constant 15 : i32
    %lt3A_51 = arith.cmpi slt, %arg1, %lt3A_50 : i32
    %convert_element_type3A_52 = arith.extui %lt3A_51 : i1 to i32
    %cond3A_53 = arith.constant 0 : i32
    %cond3A_54 = arith.cmpi ne, %convert_element_type3A_52, %cond3A_53 : i32
    scf.if %cond3A_54 {
      "tpu.region"() ({
        %run_scoped3A = tpu.sem_alloc : memref<!tpu.dma_semaphore, #tpu.memory_space<semaphore_mem>>
        %dma_start3A_63 = arith.constant 0 : i32
        %dma_start3A_64 = tpu.memref_slice %arg16[%mul3A_0, %dma_start3A_63] : memref<10000x32xf32, #tpu.memory_space<vmem_shared>> -> memref<640x32xf32, #tpu.memory_space<vmem_shared>>
        %dma_start3A_65 = arith.constant 0 : i32
        %dma_start3A_66 = tpu.memref_slice %arg16[%mul3A_0, %dma_start3A_65] : memref<10000x32xf32, #tpu.memory_space<vmem_shared>> -> memref<640x32xf32, #tpu.memory_space<vmem_shared>>
        tpu.enqueue_dma source(%dma_start3A_66 : memref<640x32xf32, #tpu.memory_space<vmem_shared>>) target(%arg15 : memref<640x32xf32, #tpu.memory_space<vmem>>) target_semaphore(%run_scoped3A : memref<!tpu.dma_semaphore, #tpu.memory_space<semaphore_mem>>)
        %dma_wait3A_67 = arith.constant 0 : i32
        %dma_wait3A_68 = tpu.memref_slice %arg16[%mul3A_0, %dma_wait3A_67] : memref<10000x32xf32, #tpu.memory_space<vmem_shared>> -> memref<640x32xf32, #tpu.memory_space<vmem_shared>>
        %dma_wait3A_69 = arith.constant 0 : i32
        %dma_wait3A_70 = tpu.memref_slice %arg16[%mul3A_0, %dma_wait3A_69] : memref<10000x32xf32, #tpu.memory_space<vmem_shared>> -> memref<640x32xf32, #tpu.memory_space<vmem_shared>>
        tpu.wait_dma2 semaphore(%run_scoped3A : memref<!tpu.dma_semaphore, #tpu.memory_space<semaphore_mem>>) src(%dma_wait3A_70 : memref<640x32xf32, #tpu.memory_space<vmem_shared>>) dst(%arg15 : memref<640x32xf32, #tpu.memory_space<vmem>>)
        tpu.yield
      }) : () -> ()
      %mul3A_60 = arith.constant 10000 : i32
      %mul3A_61 = arith.muli %arg0, %mul3A_60 : i32
      %add3A_62 = arith.addi %mul3A_61, %mul3A_0 : i32
      "tpu.region"() ({
        %run_scoped3A = tpu.sem_alloc : memref<!tpu.dma_semaphore, #tpu.memory_space<semaphore_mem>>
        %dma_start3A_63 = arith.constant 0 : i32
        %dma_start3A_64 = tpu.memref_slice %arg7[%add3A_62, %dma_start3A_63] : memref<20000x32xf32, #tpu.memory_space<hbm>> -> memref<640x32xf32, #tpu.memory_space<hbm>>
        %dma_start3A_65 = arith.constant 0 : i32
        %dma_start3A_66 = tpu.memref_slice %arg7[%add3A_62, %dma_start3A_65] : memref<20000x32xf32, #tpu.memory_space<hbm>> -> memref<640x32xf32, #tpu.memory_space<hbm>>
        tpu.enqueue_dma source(%arg15 : memref<640x32xf32, #tpu.memory_space<vmem>>) target(%dma_start3A_66 : memref<640x32xf32, #tpu.memory_space<hbm>>) target_semaphore(%run_scoped3A : memref<!tpu.dma_semaphore, #tpu.memory_space<semaphore_mem>>)
        %dma_wait3A_67 = arith.constant 0 : i32
        %dma_wait3A_68 = tpu.memref_slice %arg7[%add3A_62, %dma_wait3A_67] : memref<20000x32xf32, #tpu.memory_space<hbm>> -> memref<640x32xf32, #tpu.memory_space<hbm>>
        %dma_wait3A_69 = arith.constant 0 : i32
        %dma_wait3A_70 = tpu.memref_slice %arg7[%add3A_62, %dma_wait3A_69] : memref<20000x32xf32, #tpu.memory_space<hbm>> -> memref<640x32xf32, #tpu.memory_space<hbm>>
        tpu.wait_dma2 semaphore(%run_scoped3A : memref<!tpu.dma_semaphore, #tpu.memory_space<semaphore_mem>>) src(%arg15 : memref<640x32xf32, #tpu.memory_space<vmem>>) dst(%dma_wait3A_70 : memref<640x32xf32, #tpu.memory_space<hbm>>)
        tpu.yield
      }) : () -> ()
    } else {
    }
    %eq3A_55 = arith.constant 15 : i32
    %eq3A_56 = arith.cmpi eq, %arg1, %eq3A_55 : i32
    %convert_element_type3A_57 = arith.extui %eq3A_56 : i1 to i32
    %cond3A_58 = arith.constant 0 : i32
    %cond3A_59 = arith.cmpi ne, %convert_element_type3A_57, %cond3A_58 : i32
    scf.if %cond3A_59 {
      "tpu.region"() ({
        %run_scoped3A = tpu.sem_alloc : memref<!tpu.dma_semaphore, #tpu.memory_space<semaphore_mem>>
        %dma_start3A_64 = arith.constant 0 : i32
        %dma_start3A_65 = arith.constant 0 : i32
        %dma_start3A_66 = tpu.memref_slice %arg15[%dma_start3A_64, %dma_start3A_65] : memref<640x32xf32, #tpu.memory_space<vmem>> -> memref<400x32xf32, #tpu.memory_space<vmem>>
        %dma_start3A_67 = arith.constant 9600 : i32
        %dma_start3A_68 = arith.constant 0 : i32
        %dma_start3A_69 = tpu.memref_slice %arg16[%dma_start3A_67, %dma_start3A_68] : memref<10000x32xf32, #tpu.memory_space<vmem_shared>> -> memref<400x32xf32, #tpu.memory_space<vmem_shared>>
        %dma_start3A_70 = arith.constant 0 : i32
        %dma_start3A_71 = arith.constant 0 : i32
        %dma_start3A_72 = tpu.memref_slice %arg15[%dma_start3A_70, %dma_start3A_71] : memref<640x32xf32, #tpu.memory_space<vmem>> -> memref<400x32xf32, #tpu.memory_space<vmem>>
        %dma_start3A_73 = arith.constant 9600 : i32
        %dma_start3A_74 = arith.constant 0 : i32
        %dma_start3A_75 = tpu.memref_slice %arg16[%dma_start3A_73, %dma_start3A_74] : memref<10000x32xf32, #tpu.memory_space<vmem_shared>> -> memref<400x32xf32, #tpu.memory_space<vmem_shared>>
        tpu.enqueue_dma source(%dma_start3A_75 : memref<400x32xf32, #tpu.memory_space<vmem_shared>>) target(%dma_start3A_72 : memref<400x32xf32, #tpu.memory_space<vmem>>) target_semaphore(%run_scoped3A : memref<!tpu.dma_semaphore, #tpu.memory_space<semaphore_mem>>)
        %dma_wait3A_76 = arith.constant 0 : i32
        %dma_wait3A_77 = arith.constant 0 : i32
        %dma_wait3A_78 = tpu.memref_slice %arg15[%dma_wait3A_76, %dma_wait3A_77] : memref<640x32xf32, #tpu.memory_space<vmem>> -> memref<400x32xf32, #tpu.memory_space<vmem>>
        %dma_wait3A_79 = arith.constant 9600 : i32
        %dma_wait3A_80 = arith.constant 0 : i32
        %dma_wait3A_81 = tpu.memref_slice %arg16[%dma_wait3A_79, %dma_wait3A_80] : memref<10000x32xf32, #tpu.memory_space<vmem_shared>> -> memref<400x32xf32, #tpu.memory_space<vmem_shared>>
        %dma_wait3A_82 = arith.constant 0 : i32
        %dma_wait3A_83 = arith.constant 0 : i32
        %dma_wait3A_84 = tpu.memref_slice %arg15[%dma_wait3A_82, %dma_wait3A_83] : memref<640x32xf32, #tpu.memory_space<vmem>> -> memref<400x32xf32, #tpu.memory_space<vmem>>
        %dma_wait3A_85 = arith.constant 9600 : i32
        %dma_wait3A_86 = arith.constant 0 : i32
        %dma_wait3A_87 = tpu.memref_slice %arg16[%dma_wait3A_85, %dma_wait3A_86] : memref<10000x32xf32, #tpu.memory_space<vmem_shared>> -> memref<400x32xf32, #tpu.memory_space<vmem_shared>>
        tpu.wait_dma2 semaphore(%run_scoped3A : memref<!tpu.dma_semaphore, #tpu.memory_space<semaphore_mem>>) src(%dma_wait3A_87 : memref<400x32xf32, #tpu.memory_space<vmem_shared>>) dst(%dma_wait3A_84 : memref<400x32xf32, #tpu.memory_space<vmem>>)
        tpu.yield
      }) : () -> ()
      %mul3A_60 = arith.constant 10000 : i32
      %mul3A_61 = arith.muli %arg0, %mul3A_60 : i32
      %add3A_62 = arith.constant 9600 : i32
      %add3A_63 = arith.addi %mul3A_61, %add3A_62 : i32
      "tpu.region"() ({
        %run_scoped3A = tpu.sem_alloc : memref<!tpu.dma_semaphore, #tpu.memory_space<semaphore_mem>>
        %dma_start3A_64 = arith.constant 0 : i32
        %dma_start3A_65 = arith.constant 0 : i32
        %dma_start3A_66 = tpu.memref_slice %arg15[%dma_start3A_64, %dma_start3A_65] : memref<640x32xf32, #tpu.memory_space<vmem>> -> memref<400x32xf32, #tpu.memory_space<vmem>>
        %dma_start3A_67 = arith.constant 0 : i32
        %dma_start3A_68 = tpu.memref_slice %arg7[%add3A_63, %dma_start3A_67] : memref<20000x32xf32, #tpu.memory_space<hbm>> -> memref<400x32xf32, #tpu.memory_space<hbm>>
        %dma_start3A_69 = arith.constant 0 : i32
        %dma_start3A_70 = tpu.memref_slice %arg7[%add3A_63, %dma_start3A_69] : memref<20000x32xf32, #tpu.memory_space<hbm>> -> memref<400x32xf32, #tpu.memory_space<hbm>>
        %dma_start3A_71 = arith.constant 0 : i32
        %dma_start3A_72 = arith.constant 0 : i32
        %dma_start3A_73 = tpu.memref_slice %arg15[%dma_start3A_71, %dma_start3A_72] : memref<640x32xf32, #tpu.memory_space<vmem>> -> memref<400x32xf32, #tpu.memory_space<vmem>>
        tpu.enqueue_dma source(%dma_start3A_73 : memref<400x32xf32, #tpu.memory_space<vmem>>) target(%dma_start3A_70 : memref<400x32xf32, #tpu.memory_space<hbm>>) target_semaphore(%run_scoped3A : memref<!tpu.dma_semaphore, #tpu.memory_space<semaphore_mem>>)
        %dma_wait3A_74 = arith.constant 0 : i32
        %dma_wait3A_75 = arith.constant 0 : i32
        %dma_wait3A_76 = tpu.memref_slice %arg15[%dma_wait3A_74, %dma_wait3A_75] : memref<640x32xf32, #tpu.memory_space<vmem>> -> memref<400x32xf32, #tpu.memory_space<vmem>>
        %dma_wait3A_77 = arith.constant 0 : i32
        %dma_wait3A_78 = tpu.memref_slice %arg7[%add3A_63, %dma_wait3A_77] : memref<20000x32xf32, #tpu.memory_space<hbm>> -> memref<400x32xf32, #tpu.memory_space<hbm>>
        %dma_wait3A_79 = arith.constant 0 : i32
        %dma_wait3A_80 = tpu.memref_slice %arg7[%add3A_63, %dma_wait3A_79] : memref<20000x32xf32, #tpu.memory_space<hbm>> -> memref<400x32xf32, #tpu.memory_space<hbm>>
        %dma_wait3A_81 = arith.constant 0 : i32
        %dma_wait3A_82 = arith.constant 0 : i32
        %dma_wait3A_83 = tpu.memref_slice %arg15[%dma_wait3A_81, %dma_wait3A_82] : memref<640x32xf32, #tpu.memory_space<vmem>> -> memref<400x32xf32, #tpu.memory_space<vmem>>
        tpu.wait_dma2 semaphore(%run_scoped3A : memref<!tpu.dma_semaphore, #tpu.memory_space<semaphore_mem>>) src(%dma_wait3A_83 : memref<400x32xf32, #tpu.memory_space<vmem>>) dst(%dma_wait3A_80 : memref<400x32xf32, #tpu.memory_space<hbm>>)
        tpu.yield
      }) : () -> ()
    } else {
    }
    return
  }
}

module attributes {stable_mosaic.version = 14 : i64} {
  func.func @_dense1_body(%arg0: i32, %arg1: memref<2000x128xf32, #tpu.memory_space<vmem>>, %arg2: memref<2000x1xi32, #tpu.memory_space<vmem>>, %arg3: memref<7x128x16xf32, #tpu.memory_space<vmem>>, %arg4: memref<112x32xf32, #tpu.memory_space<vmem>>, %arg5: memref<2000x32xf32, #tpu.memory_space<vmem>>) attributes {dimension_semantics = [#tpu.dimension_semantics<arbitrary>], iteration_bounds = array<i64: 5>, scalar_prefetch = 0 : i64, scratch_operands = 0 : i64, tpu.core_type = #tpu.core_type<tc>, window_params = [{transform_indices = @transform_0, window_bounds = array<i64: 2000, 128>}, {transform_indices = @transform_1, window_bounds = array<i64: 2000, 1>}, {pipeline_mode = #tpu.pipeline_mode<synchronous>, transform_indices = @transform_2, window_bounds = array<i64: 7, 128, 16>}, {pipeline_mode = #tpu.pipeline_mode<synchronous>, transform_indices = @transform_3, window_bounds = array<i64: 112, 32>}, {transform_indices = @transform_4, window_bounds = array<i64: 2000, 32>}]} {
    %get3A = arith.constant 0 : index
    %get3A_0 = arith.constant 0 : index
    %get3A_1 = arith.constant 0 : index
    %get3A_2 = vector.load %arg3[%get3A, %get3A_0, %get3A_1] : memref<7x128x16xf32, #tpu.memory_space<vmem>>, vector<1x128x16xf32>
    %get3A_3 = vector.shape_cast %get3A_2 : vector<1x128x16xf32> to vector<128x16xf32>
    %get3A_4 = arith.constant 0 : index
    %get3A_5 = arith.constant 0 : index
    %get3A_6 = vector.load %arg4[%get3A_4, %get3A_5] : memref<112x32xf32, #tpu.memory_space<vmem>>, vector<16x32xf32>
    %dot_general3A = arith.constant dense<0.000000e+00> : vector<128x32xf32>
    %dot_general3A_7 = tpu.matmul %get3A_3, %get3A_6, %dot_general3A {dimension_numbers = #tpu.dot_dimension_numbers<[1], [0], [0], [1], [0, 0, 1, 1], [], []>, transpose_lhs_hint = false} : vector<128x16xf32>, vector<16x32xf32>, vector<128x32xf32> -> vector<128x32xf32>
    %get3A_8 = arith.constant 1 : index
    %get3A_9 = arith.constant 0 : index
    %get3A_10 = arith.constant 0 : index
    %get3A_11 = vector.load %arg3[%get3A_8, %get3A_9, %get3A_10] : memref<7x128x16xf32, #tpu.memory_space<vmem>>, vector<1x128x16xf32>
    %get3A_12 = vector.shape_cast %get3A_11 : vector<1x128x16xf32> to vector<128x16xf32>
    %get3A_13 = arith.constant 16 : index
    %get3A_14 = arith.constant 0 : index
    %get3A_15 = vector.load %arg4[%get3A_13, %get3A_14] : memref<112x32xf32, #tpu.memory_space<vmem>>, vector<16x32xf32>
    %dot_general3A_16 = arith.constant dense<0.000000e+00> : vector<128x32xf32>
    %dot_general3A_17 = tpu.matmul %get3A_12, %get3A_15, %dot_general3A_16 {dimension_numbers = #tpu.dot_dimension_numbers<[1], [0], [0], [1], [0, 0, 1, 1], [], []>, transpose_lhs_hint = false} : vector<128x16xf32>, vector<16x32xf32>, vector<128x32xf32> -> vector<128x32xf32>
    %get3A_18 = arith.constant 2 : index
    %get3A_19 = arith.constant 0 : index
    %get3A_20 = arith.constant 0 : index
    %get3A_21 = vector.load %arg3[%get3A_18, %get3A_19, %get3A_20] : memref<7x128x16xf32, #tpu.memory_space<vmem>>, vector<1x128x16xf32>
    %get3A_22 = vector.shape_cast %get3A_21 : vector<1x128x16xf32> to vector<128x16xf32>
    %get3A_23 = arith.constant 32 : index
    %get3A_24 = arith.constant 0 : index
    %get3A_25 = vector.load %arg4[%get3A_23, %get3A_24] : memref<112x32xf32, #tpu.memory_space<vmem>>, vector<16x32xf32>
    %dot_general3A_26 = arith.constant dense<0.000000e+00> : vector<128x32xf32>
    %dot_general3A_27 = tpu.matmul %get3A_22, %get3A_25, %dot_general3A_26 {dimension_numbers = #tpu.dot_dimension_numbers<[1], [0], [0], [1], [0, 0, 1, 1], [], []>, transpose_lhs_hint = false} : vector<128x16xf32>, vector<16x32xf32>, vector<128x32xf32> -> vector<128x32xf32>
    %get3A_28 = arith.constant 3 : index
    %get3A_29 = arith.constant 0 : index
    %get3A_30 = arith.constant 0 : index
    %get3A_31 = vector.load %arg3[%get3A_28, %get3A_29, %get3A_30] : memref<7x128x16xf32, #tpu.memory_space<vmem>>, vector<1x128x16xf32>
    %get3A_32 = vector.shape_cast %get3A_31 : vector<1x128x16xf32> to vector<128x16xf32>
    %get3A_33 = arith.constant 48 : index
    %get3A_34 = arith.constant 0 : index
    %get3A_35 = vector.load %arg4[%get3A_33, %get3A_34] : memref<112x32xf32, #tpu.memory_space<vmem>>, vector<16x32xf32>
    %dot_general3A_36 = arith.constant dense<0.000000e+00> : vector<128x32xf32>
    %dot_general3A_37 = tpu.matmul %get3A_32, %get3A_35, %dot_general3A_36 {dimension_numbers = #tpu.dot_dimension_numbers<[1], [0], [0], [1], [0, 0, 1, 1], [], []>, transpose_lhs_hint = false} : vector<128x16xf32>, vector<16x32xf32>, vector<128x32xf32> -> vector<128x32xf32>
    %get3A_38 = arith.constant 4 : index
    %get3A_39 = arith.constant 0 : index
    %get3A_40 = arith.constant 0 : index
    %get3A_41 = vector.load %arg3[%get3A_38, %get3A_39, %get3A_40] : memref<7x128x16xf32, #tpu.memory_space<vmem>>, vector<1x128x16xf32>
    %get3A_42 = vector.shape_cast %get3A_41 : vector<1x128x16xf32> to vector<128x16xf32>
    %get3A_43 = arith.constant 64 : index
    %get3A_44 = arith.constant 0 : index
    %get3A_45 = vector.load %arg4[%get3A_43, %get3A_44] : memref<112x32xf32, #tpu.memory_space<vmem>>, vector<16x32xf32>
    %dot_general3A_46 = arith.constant dense<0.000000e+00> : vector<128x32xf32>
    %dot_general3A_47 = tpu.matmul %get3A_42, %get3A_45, %dot_general3A_46 {dimension_numbers = #tpu.dot_dimension_numbers<[1], [0], [0], [1], [0, 0, 1, 1], [], []>, transpose_lhs_hint = false} : vector<128x16xf32>, vector<16x32xf32>, vector<128x32xf32> -> vector<128x32xf32>
    %get3A_48 = arith.constant 5 : index
    %get3A_49 = arith.constant 0 : index
    %get3A_50 = arith.constant 0 : index
    %get3A_51 = vector.load %arg3[%get3A_48, %get3A_49, %get3A_50] : memref<7x128x16xf32, #tpu.memory_space<vmem>>, vector<1x128x16xf32>
    %get3A_52 = vector.shape_cast %get3A_51 : vector<1x128x16xf32> to vector<128x16xf32>
    %get3A_53 = arith.constant 80 : index
    %get3A_54 = arith.constant 0 : index
    %get3A_55 = vector.load %arg4[%get3A_53, %get3A_54] : memref<112x32xf32, #tpu.memory_space<vmem>>, vector<16x32xf32>
    %dot_general3A_56 = arith.constant dense<0.000000e+00> : vector<128x32xf32>
    %dot_general3A_57 = tpu.matmul %get3A_52, %get3A_55, %dot_general3A_56 {dimension_numbers = #tpu.dot_dimension_numbers<[1], [0], [0], [1], [0, 0, 1, 1], [], []>, transpose_lhs_hint = false} : vector<128x16xf32>, vector<16x32xf32>, vector<128x32xf32> -> vector<128x32xf32>
    %get3A_58 = arith.constant 6 : index
    %get3A_59 = arith.constant 0 : index
    %get3A_60 = arith.constant 0 : index
    %get3A_61 = vector.load %arg3[%get3A_58, %get3A_59, %get3A_60] : memref<7x128x16xf32, #tpu.memory_space<vmem>>, vector<1x128x16xf32>
    %get3A_62 = vector.shape_cast %get3A_61 : vector<1x128x16xf32> to vector<128x16xf32>
    %get3A_63 = arith.constant 96 : index
    %get3A_64 = arith.constant 0 : index
    %get3A_65 = vector.load %arg4[%get3A_63, %get3A_64] : memref<112x32xf32, #tpu.memory_space<vmem>>, vector<16x32xf32>
    %dot_general3A_66 = arith.constant dense<0.000000e+00> : vector<128x32xf32>
    %dot_general3A_67 = tpu.matmul %get3A_62, %get3A_65, %dot_general3A_66 {dimension_numbers = #tpu.dot_dimension_numbers<[1], [0], [0], [1], [0, 0, 1, 1], [], []>, transpose_lhs_hint = false} : vector<128x16xf32>, vector<16x32xf32>, vector<128x32xf32> -> vector<128x32xf32>
    %concatenate3A = tpu.concatenate %dot_general3A_7, %dot_general3A_17, %dot_general3A_27, %dot_general3A_37, %dot_general3A_47, %dot_general3A_57, %dot_general3A_67 in 1 : vector<128x32xf32>, vector<128x32xf32>, vector<128x32xf32>, vector<128x32xf32>, vector<128x32xf32>, vector<128x32xf32>, vector<128x32xf32> -> vector<128x224xf32>
    %get3A_68 = arith.constant 0 : index
    %get3A_69 = arith.constant 0 : index
    %get3A_70 = vector.load %arg1[%get3A_68, %get3A_69] : memref<2000x128xf32, #tpu.memory_space<vmem>>, vector<2000x128xf32>
    %dot_general3A_71 = arith.constant dense<0.000000e+00> : vector<2000x224xf32>
    %dot_general3A_72 = tpu.matmul %get3A_70, %concatenate3A, %dot_general3A_71 {dimension_numbers = #tpu.dot_dimension_numbers<[1], [0], [0], [1], [0, 0, 1, 1], [], []>, transpose_lhs_hint = false} : vector<2000x128xf32>, vector<128x224xf32>, vector<2000x224xf32> -> vector<2000x224xf32>
    %get3A_73 = arith.constant 0 : index
    %get3A_74 = arith.constant 0 : index
    %get3A_75 = vector.load %arg2[%get3A_73, %get3A_74] : memref<2000x1xi32, #tpu.memory_space<vmem>>, vector<2000x1xi32>
    %broadcast_in_dim3A = arith.constant 0.000000e+00 : f32
    %broadcast_in_dim3A_76 = vector.broadcast %broadcast_in_dim3A : f32 to vector<2000x32xf32>
    %eq3A = arith.constant 0 : i32
    %eq3A_77 = vector.broadcast %eq3A : i32 to vector<2000x1xi32>
    %eq3A_78 = arith.cmpi eq, %get3A_75, %eq3A_77 : vector<2000x1xi32>
    %slice3A = vector.extract_strided_slice %dot_general3A_72 {offsets = [0, 0], sizes = [2000, 32], strides = [1, 1]} : vector<2000x224xf32> to vector<2000x32xf32>
    %jit3A = arith.constant 0.000000e+00 : f32
    %broadcast_in_dim3A_79 = vector.shape_cast %eq3A_78 : vector<2000x1xi1> to vector<2000x1xi1>
    %broadcast_in_dim3A_80 = vector.broadcast %broadcast_in_dim3A_79 : vector<2000x1xi1> to vector<2000x32xi1>
    %broadcast_in_dim3A_81 = vector.broadcast %jit3A : f32 to vector<2000x32xf32>
    %select_n3A = arith.select %broadcast_in_dim3A_80, %slice3A, %broadcast_in_dim3A_81 : vector<2000x32xi1>, vector<2000x32xf32>
    %add3A = arith.addf %broadcast_in_dim3A_76, %select_n3A : vector<2000x32xf32>
    %eq3A_82 = arith.constant 1 : i32
    %eq3A_83 = vector.broadcast %eq3A_82 : i32 to vector<2000x1xi32>
    %eq3A_84 = arith.cmpi eq, %get3A_75, %eq3A_83 : vector<2000x1xi32>
    %slice3A_85 = vector.extract_strided_slice %dot_general3A_72 {offsets = [0, 32], sizes = [2000, 32], strides = [1, 1]} : vector<2000x224xf32> to vector<2000x32xf32>
    %jit3A_86 = arith.constant 0.000000e+00 : f32
    %broadcast_in_dim3A_87 = vector.shape_cast %eq3A_84 : vector<2000x1xi1> to vector<2000x1xi1>
    %broadcast_in_dim3A_88 = vector.broadcast %broadcast_in_dim3A_87 : vector<2000x1xi1> to vector<2000x32xi1>
    %broadcast_in_dim3A_89 = vector.broadcast %jit3A_86 : f32 to vector<2000x32xf32>
    %select_n3A_90 = arith.select %broadcast_in_dim3A_88, %slice3A_85, %broadcast_in_dim3A_89 : vector<2000x32xi1>, vector<2000x32xf32>
    %add3A_91 = arith.addf %add3A, %select_n3A_90 : vector<2000x32xf32>
    %eq3A_92 = arith.constant 2 : i32
    %eq3A_93 = vector.broadcast %eq3A_92 : i32 to vector<2000x1xi32>
    %eq3A_94 = arith.cmpi eq, %get3A_75, %eq3A_93 : vector<2000x1xi32>
    %slice3A_95 = vector.extract_strided_slice %dot_general3A_72 {offsets = [0, 64], sizes = [2000, 32], strides = [1, 1]} : vector<2000x224xf32> to vector<2000x32xf32>
    %jit3A_96 = arith.constant 0.000000e+00 : f32
    %broadcast_in_dim3A_97 = vector.shape_cast %eq3A_94 : vector<2000x1xi1> to vector<2000x1xi1>
    %broadcast_in_dim3A_98 = vector.broadcast %broadcast_in_dim3A_97 : vector<2000x1xi1> to vector<2000x32xi1>
    %broadcast_in_dim3A_99 = vector.broadcast %jit3A_96 : f32 to vector<2000x32xf32>
    %select_n3A_100 = arith.select %broadcast_in_dim3A_98, %slice3A_95, %broadcast_in_dim3A_99 : vector<2000x32xi1>, vector<2000x32xf32>
    %add3A_101 = arith.addf %add3A_91, %select_n3A_100 : vector<2000x32xf32>
    %eq3A_102 = arith.constant 3 : i32
    %eq3A_103 = vector.broadcast %eq3A_102 : i32 to vector<2000x1xi32>
    %eq3A_104 = arith.cmpi eq, %get3A_75, %eq3A_103 : vector<2000x1xi32>
    %slice3A_105 = vector.extract_strided_slice %dot_general3A_72 {offsets = [0, 96], sizes = [2000, 32], strides = [1, 1]} : vector<2000x224xf32> to vector<2000x32xf32>
    %jit3A_106 = arith.constant 0.000000e+00 : f32
    %broadcast_in_dim3A_107 = vector.shape_cast %eq3A_104 : vector<2000x1xi1> to vector<2000x1xi1>
    %broadcast_in_dim3A_108 = vector.broadcast %broadcast_in_dim3A_107 : vector<2000x1xi1> to vector<2000x32xi1>
    %broadcast_in_dim3A_109 = vector.broadcast %jit3A_106 : f32 to vector<2000x32xf32>
    %select_n3A_110 = arith.select %broadcast_in_dim3A_108, %slice3A_105, %broadcast_in_dim3A_109 : vector<2000x32xi1>, vector<2000x32xf32>
    %add3A_111 = arith.addf %add3A_101, %select_n3A_110 : vector<2000x32xf32>
    %eq3A_112 = arith.constant 4 : i32
    %eq3A_113 = vector.broadcast %eq3A_112 : i32 to vector<2000x1xi32>
    %eq3A_114 = arith.cmpi eq, %get3A_75, %eq3A_113 : vector<2000x1xi32>
    %slice3A_115 = vector.extract_strided_slice %dot_general3A_72 {offsets = [0, 128], sizes = [2000, 32], strides = [1, 1]} : vector<2000x224xf32> to vector<2000x32xf32>
    %jit3A_116 = arith.constant 0.000000e+00 : f32
    %broadcast_in_dim3A_117 = vector.shape_cast %eq3A_114 : vector<2000x1xi1> to vector<2000x1xi1>
    %broadcast_in_dim3A_118 = vector.broadcast %broadcast_in_dim3A_117 : vector<2000x1xi1> to vector<2000x32xi1>
    %broadcast_in_dim3A_119 = vector.broadcast %jit3A_116 : f32 to vector<2000x32xf32>
    %select_n3A_120 = arith.select %broadcast_in_dim3A_118, %slice3A_115, %broadcast_in_dim3A_119 : vector<2000x32xi1>, vector<2000x32xf32>
    %add3A_121 = arith.addf %add3A_111, %select_n3A_120 : vector<2000x32xf32>
    %eq3A_122 = arith.constant 5 : i32
    %eq3A_123 = vector.broadcast %eq3A_122 : i32 to vector<2000x1xi32>
    %eq3A_124 = arith.cmpi eq, %get3A_75, %eq3A_123 : vector<2000x1xi32>
    %slice3A_125 = vector.extract_strided_slice %dot_general3A_72 {offsets = [0, 160], sizes = [2000, 32], strides = [1, 1]} : vector<2000x224xf32> to vector<2000x32xf32>
    %jit3A_126 = arith.constant 0.000000e+00 : f32
    %broadcast_in_dim3A_127 = vector.shape_cast %eq3A_124 : vector<2000x1xi1> to vector<2000x1xi1>
    %broadcast_in_dim3A_128 = vector.broadcast %broadcast_in_dim3A_127 : vector<2000x1xi1> to vector<2000x32xi1>
    %broadcast_in_dim3A_129 = vector.broadcast %jit3A_126 : f32 to vector<2000x32xf32>
    %select_n3A_130 = arith.select %broadcast_in_dim3A_128, %slice3A_125, %broadcast_in_dim3A_129 : vector<2000x32xi1>, vector<2000x32xf32>
    %add3A_131 = arith.addf %add3A_121, %select_n3A_130 : vector<2000x32xf32>
    %eq3A_132 = arith.constant 6 : i32
    %eq3A_133 = vector.broadcast %eq3A_132 : i32 to vector<2000x1xi32>
    %eq3A_134 = arith.cmpi eq, %get3A_75, %eq3A_133 : vector<2000x1xi32>
    %slice3A_135 = vector.extract_strided_slice %dot_general3A_72 {offsets = [0, 192], sizes = [2000, 32], strides = [1, 1]} : vector<2000x224xf32> to vector<2000x32xf32>
    %jit3A_136 = arith.constant 0.000000e+00 : f32
    %broadcast_in_dim3A_137 = vector.shape_cast %eq3A_134 : vector<2000x1xi1> to vector<2000x1xi1>
    %broadcast_in_dim3A_138 = vector.broadcast %broadcast_in_dim3A_137 : vector<2000x1xi1> to vector<2000x32xi1>
    %broadcast_in_dim3A_139 = vector.broadcast %jit3A_136 : f32 to vector<2000x32xf32>
    %select_n3A_140 = arith.select %broadcast_in_dim3A_138, %slice3A_135, %broadcast_in_dim3A_139 : vector<2000x32xi1>, vector<2000x32xf32>
    %add3A_141 = arith.addf %add3A_131, %select_n3A_140 : vector<2000x32xf32>
    %swap3A = arith.constant 0 : index
    %swap3A_142 = arith.constant 0 : index
    %swap3A_143 = vector.load %arg5[%swap3A, %swap3A_142] : memref<2000x32xf32, #tpu.memory_space<vmem>>, vector<2000x32xf32>
    tpu.vector_store %arg5[%swap3A, %swap3A_142], %add3A_141 {strides = array<i32>} : memref<2000x32xf32, #tpu.memory_space<vmem>>, vector<2000x32xf32>,
    return
  }
  func.func @transform_0(%arg0: i32) -> (i32, i32) {
    %c0_i32 = arith.constant 0 : i32
    %c0_i32_0 = arith.constant 0 : i32
    return %arg0, %c0_i32 : i32, i32
  }
  func.func @transform_1(%arg0: i32) -> (i32, i32) {
    %c0_i32 = arith.constant 0 : i32
    %c0_i32_0 = arith.constant 0 : i32
    return %arg0, %c0_i32 : i32, i32
  }
  func.func @transform_2(%arg0: i32) -> (i32, i32, i32) {
    %c0_i32 = arith.constant 0 : i32
    %c0_i32_0 = arith.constant 0 : i32
    %c0_i32_1 = arith.constant 0 : i32
    %c0_i32_2 = arith.constant 0 : i32
    return %c0_i32, %c0_i32_0, %c0_i32_1 : i32, i32, i32
  }
  func.func @transform_3(%arg0: i32) -> (i32, i32) {
    %c0_i32 = arith.constant 0 : i32
    %c0_i32_0 = arith.constant 0 : i32
    %c0_i32_1 = arith.constant 0 : i32
    return %c0_i32, %c0_i32_0 : i32, i32
  }
  func.func @transform_4(%arg0: i32) -> (i32, i32) {
    %c0_i32 = arith.constant 0 : i32
    %c0_i32_0 = arith.constant 0 : i32
    return %arg0, %c0_i32 : i32, i32
  }
}

module attributes {stable_mosaic.version = 14 : i64} {
  func.func @_mid_body(%arg0: i32, %arg1: memref<2x2000x32xf32, #tpu.memory_space<vmem>>, %arg2: memref<2000x1xi32, #tpu.memory_space<vmem>>, %arg3: memref<1x112xf32, #tpu.memory_space<vmem>>, %arg4: memref<112x32xf32, #tpu.memory_space<vmem>>, %arg5: memref<1x32xf32, #tpu.memory_space<vmem>>, %arg6: memref<7x32x16xf32, #tpu.memory_space<vmem>>, %arg7: memref<112x32xf32, #tpu.memory_space<vmem>>, %arg8: memref<2000x32xf32, #tpu.memory_space<vmem>>) attributes {dimension_semantics = [#tpu.dimension_semantics<arbitrary>], iteration_bounds = array<i64: 5>, scalar_prefetch = 0 : i64, scratch_operands = 0 : i64, tpu.core_type = #tpu.core_type<tc>, window_params = [{transform_indices = @transform_0, window_bounds = array<i64: 2, 2000, 32>}, {transform_indices = @transform_1, window_bounds = array<i64: 2000, 1>}, {pipeline_mode = #tpu.pipeline_mode<synchronous>, transform_indices = @transform_2, window_bounds = array<i64: 1, 112>}, {pipeline_mode = #tpu.pipeline_mode<synchronous>, transform_indices = @transform_3, window_bounds = array<i64: 112, 32>}, {pipeline_mode = #tpu.pipeline_mode<synchronous>, transform_indices = @transform_4, window_bounds = array<i64: 1, 32>}, {pipeline_mode = #tpu.pipeline_mode<synchronous>, transform_indices = @transform_5, window_bounds = array<i64: 7, 32, 16>}, {pipeline_mode = #tpu.pipeline_mode<synchronous>, transform_indices = @transform_6, window_bounds = array<i64: 112, 32>}, {transform_indices = @transform_7, window_bounds = array<i64: 2000, 32>}]} {
    %get3A = arith.constant 0 : index
    %get3A_0 = arith.constant 0 : index
    %get3A_1 = vector.load %arg3[%get3A, %get3A_0] : memref<1x112xf32, #tpu.memory_space<vmem>>, vector<1x112xf32>
    %get3A_2 = arith.constant 0 : index
    %get3A_3 = arith.constant 0 : index
    %get3A_4 = vector.load %arg4[%get3A_2, %get3A_3] : memref<112x32xf32, #tpu.memory_space<vmem>>, vector<112x32xf32>
    %dot_general3A = arith.constant dense<0.000000e+00> : vector<1x32xf32>
    %dot_general3A_5 = tpu.matmul %get3A_1, %get3A_4, %dot_general3A {dimension_numbers = #tpu.dot_dimension_numbers<[1], [0], [0], [1], [0, 0, 1, 1], [], []>, transpose_lhs_hint = false} : vector<1x112xf32>, vector<112x32xf32>, vector<1x32xf32> -> vector<1x32xf32>
    %get3A_6 = arith.constant 0 : index
    %get3A_7 = arith.constant 0 : index
    %get3A_8 = vector.load %arg5[%get3A_6, %get3A_7] : memref<1x32xf32, #tpu.memory_space<vmem>>, vector<1x32xf32>
    %add3A = arith.addf %dot_general3A_5, %get3A_8 : vector<1x32xf32>
    %get3A_9 = arith.constant 0 : index
    %get3A_10 = arith.constant 0 : index
    %get3A_11 = arith.constant 0 : index
    %get3A_12 = vector.load %arg1[%get3A_9, %get3A_10, %get3A_11] : memref<2x2000x32xf32, #tpu.memory_space<vmem>>, vector<1x2000x32xf32>
    %get3A_13 = vector.shape_cast %get3A_12 : vector<1x2000x32xf32> to vector<2000x32xf32>
    %get3A_14 = arith.constant 1 : index
    %get3A_15 = arith.constant 0 : index
    %get3A_16 = arith.constant 0 : index
    %get3A_17 = vector.load %arg1[%get3A_14, %get3A_15, %get3A_16] : memref<2x2000x32xf32, #tpu.memory_space<vmem>>, vector<1x2000x32xf32>
    %get3A_18 = vector.shape_cast %get3A_17 : vector<1x2000x32xf32> to vector<2000x32xf32>
    %add3A_19 = arith.addf %get3A_13, %get3A_18 : vector<2000x32xf32>
    %add3A_20 = vector.broadcast %add3A : vector<1x32xf32> to vector<2000x32xf32>
    %add3A_21 = arith.addf %add3A_19, %add3A_20 : vector<2000x32xf32>
    %ge3A = arith.constant 0.000000e+00 : f32
    %ge3A_22 = vector.broadcast %ge3A : f32 to vector<2000x32xf32>
    %ge3A_23 = arith.cmpf oge, %add3A_21, %ge3A_22 : vector<2000x32xf32>
    %mul3A = arith.constant 0.00999999977 : f32
    %mul3A_24 = vector.broadcast %mul3A : f32 to vector<2000x32xf32>
    %mul3A_25 = arith.mulf %mul3A_24, %add3A_21 : vector<2000x32xf32>
    %select_n3A = arith.select %ge3A_23, %add3A_21, %mul3A_25 : vector<2000x32xi1>, vector<2000x32xf32>
    %get3A_26 = arith.constant 0 : index
    %get3A_27 = arith.constant 0 : index
    %get3A_28 = arith.constant 0 : index
    %get3A_29 = vector.load %arg6[%get3A_26, %get3A_27, %get3A_28] : memref<7x32x16xf32, #tpu.memory_space<vmem>>, vector<1x32x16xf32>
    %get3A_30 = vector.shape_cast %get3A_29 : vector<1x32x16xf32> to vector<32x16xf32>
    %get3A_31 = arith.constant 0 : index
    %get3A_32 = arith.constant 0 : index
    %get3A_33 = vector.load %arg7[%get3A_31, %get3A_32] : memref<112x32xf32, #tpu.memory_space<vmem>>, vector<16x32xf32>
    %dot_general3A_34 = arith.constant dense<0.000000e+00> : vector<32x32xf32>
    %dot_general3A_35 = tpu.matmul %get3A_30, %get3A_33, %dot_general3A_34 {dimension_numbers = #tpu.dot_dimension_numbers<[1], [0], [0], [1], [0, 0, 1, 1], [], []>, transpose_lhs_hint = false} : vector<32x16xf32>, vector<16x32xf32>, vector<32x32xf32> -> vector<32x32xf32>
    %get3A_36 = arith.constant 1 : index
    %get3A_37 = arith.constant 0 : index
    %get3A_38 = arith.constant 0 : index
    %get3A_39 = vector.load %arg6[%get3A_36, %get3A_37, %get3A_38] : memref<7x32x16xf32, #tpu.memory_space<vmem>>, vector<1x32x16xf32>
    %get3A_40 = vector.shape_cast %get3A_39 : vector<1x32x16xf32> to vector<32x16xf32>
    %get3A_41 = arith.constant 16 : index
    %get3A_42 = arith.constant 0 : index
    %get3A_43 = vector.load %arg7[%get3A_41, %get3A_42] : memref<112x32xf32, #tpu.memory_space<vmem>>, vector<16x32xf32>
    %dot_general3A_44 = arith.constant dense<0.000000e+00> : vector<32x32xf32>
    %dot_general3A_45 = tpu.matmul %get3A_40, %get3A_43, %dot_general3A_44 {dimension_numbers = #tpu.dot_dimension_numbers<[1], [0], [0], [1], [0, 0, 1, 1], [], []>, transpose_lhs_hint = false} : vector<32x16xf32>, vector<16x32xf32>, vector<32x32xf32> -> vector<32x32xf32>
    %get3A_46 = arith.constant 2 : index
    %get3A_47 = arith.constant 0 : index
    %get3A_48 = arith.constant 0 : index
    %get3A_49 = vector.load %arg6[%get3A_46, %get3A_47, %get3A_48] : memref<7x32x16xf32, #tpu.memory_space<vmem>>, vector<1x32x16xf32>
    %get3A_50 = vector.shape_cast %get3A_49 : vector<1x32x16xf32> to vector<32x16xf32>
    %get3A_51 = arith.constant 32 : index
    %get3A_52 = arith.constant 0 : index
    %get3A_53 = vector.load %arg7[%get3A_51, %get3A_52] : memref<112x32xf32, #tpu.memory_space<vmem>>, vector<16x32xf32>
    %dot_general3A_54 = arith.constant dense<0.000000e+00> : vector<32x32xf32>
    %dot_general3A_55 = tpu.matmul %get3A_50, %get3A_53, %dot_general3A_54 {dimension_numbers = #tpu.dot_dimension_numbers<[1], [0], [0], [1], [0, 0, 1, 1], [], []>, transpose_lhs_hint = false} : vector<32x16xf32>, vector<16x32xf32>, vector<32x32xf32> -> vector<32x32xf32>
    %get3A_56 = arith.constant 3 : index
    %get3A_57 = arith.constant 0 : index
    %get3A_58 = arith.constant 0 : index
    %get3A_59 = vector.load %arg6[%get3A_56, %get3A_57, %get3A_58] : memref<7x32x16xf32, #tpu.memory_space<vmem>>, vector<1x32x16xf32>
    %get3A_60 = vector.shape_cast %get3A_59 : vector<1x32x16xf32> to vector<32x16xf32>
    %get3A_61 = arith.constant 48 : index
    %get3A_62 = arith.constant 0 : index
    %get3A_63 = vector.load %arg7[%get3A_61, %get3A_62] : memref<112x32xf32, #tpu.memory_space<vmem>>, vector<16x32xf32>
    %dot_general3A_64 = arith.constant dense<0.000000e+00> : vector<32x32xf32>
    %dot_general3A_65 = tpu.matmul %get3A_60, %get3A_63, %dot_general3A_64 {dimension_numbers = #tpu.dot_dimension_numbers<[1], [0], [0], [1], [0, 0, 1, 1], [], []>, transpose_lhs_hint = false} : vector<32x16xf32>, vector<16x32xf32>, vector<32x32xf32> -> vector<32x32xf32>
    %get3A_66 = arith.constant 4 : index
    %get3A_67 = arith.constant 0 : index
    %get3A_68 = arith.constant 0 : index
    %get3A_69 = vector.load %arg6[%get3A_66, %get3A_67, %get3A_68] : memref<7x32x16xf32, #tpu.memory_space<vmem>>, vector<1x32x16xf32>
    %get3A_70 = vector.shape_cast %get3A_69 : vector<1x32x16xf32> to vector<32x16xf32>
    %get3A_71 = arith.constant 64 : index
    %get3A_72 = arith.constant 0 : index
    %get3A_73 = vector.load %arg7[%get3A_71, %get3A_72] : memref<112x32xf32, #tpu.memory_space<vmem>>, vector<16x32xf32>
    %dot_general3A_74 = arith.constant dense<0.000000e+00> : vector<32x32xf32>
    %dot_general3A_75 = tpu.matmul %get3A_70, %get3A_73, %dot_general3A_74 {dimension_numbers = #tpu.dot_dimension_numbers<[1], [0], [0], [1], [0, 0, 1, 1], [], []>, transpose_lhs_hint = false} : vector<32x16xf32>, vector<16x32xf32>, vector<32x32xf32> -> vector<32x32xf32>
    %get3A_76 = arith.constant 5 : index
    %get3A_77 = arith.constant 0 : index
    %get3A_78 = arith.constant 0 : index
    %get3A_79 = vector.load %arg6[%get3A_76, %get3A_77, %get3A_78] : memref<7x32x16xf32, #tpu.memory_space<vmem>>, vector<1x32x16xf32>
    %get3A_80 = vector.shape_cast %get3A_79 : vector<1x32x16xf32> to vector<32x16xf32>
    %get3A_81 = arith.constant 80 : index
    %get3A_82 = arith.constant 0 : index
    %get3A_83 = vector.load %arg7[%get3A_81, %get3A_82] : memref<112x32xf32, #tpu.memory_space<vmem>>, vector<16x32xf32>
    %dot_general3A_84 = arith.constant dense<0.000000e+00> : vector<32x32xf32>
    %dot_general3A_85 = tpu.matmul %get3A_80, %get3A_83, %dot_general3A_84 {dimension_numbers = #tpu.dot_dimension_numbers<[1], [0], [0], [1], [0, 0, 1, 1], [], []>, transpose_lhs_hint = false} : vector<32x16xf32>, vector<16x32xf32>, vector<32x32xf32> -> vector<32x32xf32>
    %get3A_86 = arith.constant 6 : index
    %get3A_87 = arith.constant 0 : index
    %get3A_88 = arith.constant 0 : index
    %get3A_89 = vector.load %arg6[%get3A_86, %get3A_87, %get3A_88] : memref<7x32x16xf32, #tpu.memory_space<vmem>>, vector<1x32x16xf32>
    %get3A_90 = vector.shape_cast %get3A_89 : vector<1x32x16xf32> to vector<32x16xf32>
    %get3A_91 = arith.constant 96 : index
    %get3A_92 = arith.constant 0 : index
    %get3A_93 = vector.load %arg7[%get3A_91, %get3A_92] : memref<112x32xf32, #tpu.memory_space<vmem>>, vector<16x32xf32>
    %dot_general3A_94 = arith.constant dense<0.000000e+00> : vector<32x32xf32>
    %dot_general3A_95 = tpu.matmul %get3A_90, %get3A_93, %dot_general3A_94 {dimension_numbers = #tpu.dot_dimension_numbers<[1], [0], [0], [1], [0, 0, 1, 1], [], []>, transpose_lhs_hint = false} : vector<32x16xf32>, vector<16x32xf32>, vector<32x32xf32> -> vector<32x32xf32>
    %concatenate3A = tpu.concatenate %dot_general3A_35, %dot_general3A_45, %dot_general3A_55, %dot_general3A_65, %dot_general3A_75, %dot_general3A_85, %dot_general3A_95 in 1 : vector<32x32xf32>, vector<32x32xf32>, vector<32x32xf32>, vector<32x32xf32>, vector<32x32xf32>, vector<32x32xf32>, vector<32x32xf32> -> vector<32x224xf32>
    %dot_general3A_96 = arith.constant dense<0.000000e+00> : vector<2000x224xf32>
    %dot_general3A_97 = tpu.matmul %select_n3A, %concatenate3A, %dot_general3A_96 {dimension_numbers = #tpu.dot_dimension_numbers<[1], [0], [0], [1], [0, 0, 1, 1], [], []>, transpose_lhs_hint = false} : vector<2000x32xf32>, vector<32x224xf32>, vector<2000x224xf32> -> vector<2000x224xf32>
    %get3A_98 = arith.constant 0 : index
    %get3A_99 = arith.constant 0 : index
    %get3A_100 = vector.load %arg2[%get3A_98, %get3A_99] : memref<2000x1xi32, #tpu.memory_space<vmem>>, vector<2000x1xi32>
    %broadcast_in_dim3A = arith.constant 0.000000e+00 : f32
    %broadcast_in_dim3A_101 = vector.broadcast %broadcast_in_dim3A : f32 to vector<2000x32xf32>
    %eq3A = arith.constant 0 : i32
    %eq3A_102 = vector.broadcast %eq3A : i32 to vector<2000x1xi32>
    %eq3A_103 = arith.cmpi eq, %get3A_100, %eq3A_102 : vector<2000x1xi32>
    %slice3A = vector.extract_strided_slice %dot_general3A_97 {offsets = [0, 0], sizes = [2000, 32], strides = [1, 1]} : vector<2000x224xf32> to vector<2000x32xf32>
    %jit3A = arith.constant 0.000000e+00 : f32
    %broadcast_in_dim3A_104 = vector.shape_cast %eq3A_103 : vector<2000x1xi1> to vector<2000x1xi1>
    %broadcast_in_dim3A_105 = vector.broadcast %broadcast_in_dim3A_104 : vector<2000x1xi1> to vector<2000x32xi1>
    %broadcast_in_dim3A_106 = vector.broadcast %jit3A : f32 to vector<2000x32xf32>
    %select_n3A_107 = arith.select %broadcast_in_dim3A_105, %slice3A, %broadcast_in_dim3A_106 : vector<2000x32xi1>, vector<2000x32xf32>
    %add3A_108 = arith.addf %broadcast_in_dim3A_101, %select_n3A_107 : vector<2000x32xf32>
    %eq3A_109 = arith.constant 1 : i32
    %eq3A_110 = vector.broadcast %eq3A_109 : i32 to vector<2000x1xi32>
    %eq3A_111 = arith.cmpi eq, %get3A_100, %eq3A_110 : vector<2000x1xi32>
    %slice3A_112 = vector.extract_strided_slice %dot_general3A_97 {offsets = [0, 32], sizes = [2000, 32], strides = [1, 1]} : vector<2000x224xf32> to vector<2000x32xf32>
    %jit3A_113 = arith.constant 0.000000e+00 : f32
    %broadcast_in_dim3A_114 = vector.shape_cast %eq3A_111 : vector<2000x1xi1> to vector<2000x1xi1>
    %broadcast_in_dim3A_115 = vector.broadcast %broadcast_in_dim3A_114 : vector<2000x1xi1> to vector<2000x32xi1>
    %broadcast_in_dim3A_116 = vector.broadcast %jit3A_113 : f32 to vector<2000x32xf32>
    %select_n3A_117 = arith.select %broadcast_in_dim3A_115, %slice3A_112, %broadcast_in_dim3A_116 : vector<2000x32xi1>, vector<2000x32xf32>
    %add3A_118 = arith.addf %add3A_108, %select_n3A_117 : vector<2000x32xf32>
    %eq3A_119 = arith.constant 2 : i32
    %eq3A_120 = vector.broadcast %eq3A_119 : i32 to vector<2000x1xi32>
    %eq3A_121 = arith.cmpi eq, %get3A_100, %eq3A_120 : vector<2000x1xi32>
    %slice3A_122 = vector.extract_strided_slice %dot_general3A_97 {offsets = [0, 64], sizes = [2000, 32], strides = [1, 1]} : vector<2000x224xf32> to vector<2000x32xf32>
    %jit3A_123 = arith.constant 0.000000e+00 : f32
    %broadcast_in_dim3A_124 = vector.shape_cast %eq3A_121 : vector<2000x1xi1> to vector<2000x1xi1>
    %broadcast_in_dim3A_125 = vector.broadcast %broadcast_in_dim3A_124 : vector<2000x1xi1> to vector<2000x32xi1>
    %broadcast_in_dim3A_126 = vector.broadcast %jit3A_123 : f32 to vector<2000x32xf32>
    %select_n3A_127 = arith.select %broadcast_in_dim3A_125, %slice3A_122, %broadcast_in_dim3A_126 : vector<2000x32xi1>, vector<2000x32xf32>
    %add3A_128 = arith.addf %add3A_118, %select_n3A_127 : vector<2000x32xf32>
    %eq3A_129 = arith.constant 3 : i32
    %eq3A_130 = vector.broadcast %eq3A_129 : i32 to vector<2000x1xi32>
    %eq3A_131 = arith.cmpi eq, %get3A_100, %eq3A_130 : vector<2000x1xi32>
    %slice3A_132 = vector.extract_strided_slice %dot_general3A_97 {offsets = [0, 96], sizes = [2000, 32], strides = [1, 1]} : vector<2000x224xf32> to vector<2000x32xf32>
    %jit3A_133 = arith.constant 0.000000e+00 : f32
    %broadcast_in_dim3A_134 = vector.shape_cast %eq3A_131 : vector<2000x1xi1> to vector<2000x1xi1>
    %broadcast_in_dim3A_135 = vector.broadcast %broadcast_in_dim3A_134 : vector<2000x1xi1> to vector<2000x32xi1>
    %broadcast_in_dim3A_136 = vector.broadcast %jit3A_133 : f32 to vector<2000x32xf32>
    %select_n3A_137 = arith.select %broadcast_in_dim3A_135, %slice3A_132, %broadcast_in_dim3A_136 : vector<2000x32xi1>, vector<2000x32xf32>
    %add3A_138 = arith.addf %add3A_128, %select_n3A_137 : vector<2000x32xf32>
    %eq3A_139 = arith.constant 4 : i32
    %eq3A_140 = vector.broadcast %eq3A_139 : i32 to vector<2000x1xi32>
    %eq3A_141 = arith.cmpi eq, %get3A_100, %eq3A_140 : vector<2000x1xi32>
    %slice3A_142 = vector.extract_strided_slice %dot_general3A_97 {offsets = [0, 128], sizes = [2000, 32], strides = [1, 1]} : vector<2000x224xf32> to vector<2000x32xf32>
    %jit3A_143 = arith.constant 0.000000e+00 : f32
    %broadcast_in_dim3A_144 = vector.shape_cast %eq3A_141 : vector<2000x1xi1> to vector<2000x1xi1>
    %broadcast_in_dim3A_145 = vector.broadcast %broadcast_in_dim3A_144 : vector<2000x1xi1> to vector<2000x32xi1>
    %broadcast_in_dim3A_146 = vector.broadcast %jit3A_143 : f32 to vector<2000x32xf32>
    %select_n3A_147 = arith.select %broadcast_in_dim3A_145, %slice3A_142, %broadcast_in_dim3A_146 : vector<2000x32xi1>, vector<2000x32xf32>
    %add3A_148 = arith.addf %add3A_138, %select_n3A_147 : vector<2000x32xf32>
    %eq3A_149 = arith.constant 5 : i32
    %eq3A_150 = vector.broadcast %eq3A_149 : i32 to vector<2000x1xi32>
    %eq3A_151 = arith.cmpi eq, %get3A_100, %eq3A_150 : vector<2000x1xi32>
    %slice3A_152 = vector.extract_strided_slice %dot_general3A_97 {offsets = [0, 160], sizes = [2000, 32], strides = [1, 1]} : vector<2000x224xf32> to vector<2000x32xf32>
    %jit3A_153 = arith.constant 0.000000e+00 : f32
    %broadcast_in_dim3A_154 = vector.shape_cast %eq3A_151 : vector<2000x1xi1> to vector<2000x1xi1>
    %broadcast_in_dim3A_155 = vector.broadcast %broadcast_in_dim3A_154 : vector<2000x1xi1> to vector<2000x32xi1>
    %broadcast_in_dim3A_156 = vector.broadcast %jit3A_153 : f32 to vector<2000x32xf32>
    %select_n3A_157 = arith.select %broadcast_in_dim3A_155, %slice3A_152, %broadcast_in_dim3A_156 : vector<2000x32xi1>, vector<2000x32xf32>
    %add3A_158 = arith.addf %add3A_148, %select_n3A_157 : vector<2000x32xf32>
    %eq3A_159 = arith.constant 6 : i32
    %eq3A_160 = vector.broadcast %eq3A_159 : i32 to vector<2000x1xi32>
    %eq3A_161 = arith.cmpi eq, %get3A_100, %eq3A_160 : vector<2000x1xi32>
    %slice3A_162 = vector.extract_strided_slice %dot_general3A_97 {offsets = [0, 192], sizes = [2000, 32], strides = [1, 1]} : vector<2000x224xf32> to vector<2000x32xf32>
    %jit3A_163 = arith.constant 0.000000e+00 : f32
    %broadcast_in_dim3A_164 = vector.shape_cast %eq3A_161 : vector<2000x1xi1> to vector<2000x1xi1>
    %broadcast_in_dim3A_165 = vector.broadcast %broadcast_in_dim3A_164 : vector<2000x1xi1> to vector<2000x32xi1>
    %broadcast_in_dim3A_166 = vector.broadcast %jit3A_163 : f32 to vector<2000x32xf32>
    %select_n3A_167 = arith.select %broadcast_in_dim3A_165, %slice3A_162, %broadcast_in_dim3A_166 : vector<2000x32xi1>, vector<2000x32xf32>
    %add3A_168 = arith.addf %add3A_158, %select_n3A_167 : vector<2000x32xf32>
    %swap3A = arith.constant 0 : index
    %swap3A_169 = arith.constant 0 : index
    %swap3A_170 = vector.load %arg8[%swap3A, %swap3A_169] : memref<2000x32xf32, #tpu.memory_space<vmem>>, vector<2000x32xf32>
    tpu.vector_store %arg8[%swap3A, %swap3A_169], %add3A_168 {strides = array<i32>} : memref<2000x32xf32, #tpu.memory_space<vmem>>, vector<2000x32xf32>,
    return
  }
  func.func @transform_0(%arg0: i32) -> (i32, i32, i32) {
    %c0_i32 = arith.constant 0 : i32
    %c0_i32_0 = arith.constant 0 : i32
    %c0_i32_1 = arith.constant 0 : i32
    return %c0_i32, %arg0, %c0_i32_0 : i32, i32, i32
  }
  func.func @transform_1(%arg0: i32) -> (i32, i32) {
    %c0_i32 = arith.constant 0 : i32
    %c0_i32_0 = arith.constant 0 : i32
    return %arg0, %c0_i32 : i32, i32
  }
  func.func @transform_2(%arg0: i32) -> (i32, i32) {
    %c0_i32 = arith.constant 0 : i32
    %c0_i32_0 = arith.constant 0 : i32
    %c0_i32_1 = arith.constant 0 : i32
    return %c0_i32, %c0_i32_0 : i32, i32
  }
  func.func @transform_3(%arg0: i32) -> (i32, i32) {
    %c0_i32 = arith.constant 0 : i32
    %c0_i32_0 = arith.constant 0 : i32
    %c0_i32_1 = arith.constant 0 : i32
    return %c0_i32, %c0_i32_0 : i32, i32
  }
  func.func @transform_4(%arg0: i32) -> (i32, i32) {
    %c0_i32 = arith.constant 0 : i32
    %c0_i32_0 = arith.constant 0 : i32
    %c0_i32_1 = arith.constant 0 : i32
    return %c0_i32, %c0_i32_0 : i32, i32
  }
  func.func @transform_5(%arg0: i32) -> (i32, i32, i32) {
    %c0_i32 = arith.constant 0 : i32
    %c0_i32_0 = arith.constant 0 : i32
    %c0_i32_1 = arith.constant 0 : i32
    %c0_i32_2 = arith.constant 0 : i32
    return %c0_i32, %c0_i32_0, %c0_i32_1 : i32, i32, i32
  }
  func.func @transform_6(%arg0: i32) -> (i32, i32) {
    %c0_i32 = arith.constant 0 : i32
    %c0_i32_0 = arith.constant 0 : i32
    %c0_i32_1 = arith.constant 0 : i32
    return %c0_i32, %c0_i32_0 : i32, i32
  }
  func.func @transform_7(%arg0: i32) -> (i32, i32) {
    %c0_i32 = arith.constant 0 : i32
    %c0_i32_0 = arith.constant 0 : i32
    return %arg0, %c0_i32 : i32, i32
  }
}

module attributes {stable_mosaic.version = 14 : i64} {
  func.func @_final_body(%arg0: memref<2x10000x32xf32, #tpu.memory_space<vmem>>, %arg1: memref<1x112xf32, #tpu.memory_space<vmem>>, %arg2: memref<112x32xf32, #tpu.memory_space<vmem>>, %arg3: memref<1x32xf32, #tpu.memory_space<vmem>>, %arg4: memref<1x32xf32, #tpu.memory_space<vmem>>) attributes {dimension_semantics = [], scalar_prefetch = 0 : i64, scratch_operands = 0 : i64, tpu.core_type = #tpu.core_type<tc>} {
    %get3A = arith.constant 0 : index
    %get3A_0 = arith.constant 0 : index
    %get3A_1 = vector.load %arg1[%get3A, %get3A_0] : memref<1x112xf32, #tpu.memory_space<vmem>>, vector<1x112xf32>
    %get3A_2 = arith.constant 0 : index
    %get3A_3 = arith.constant 0 : index
    %get3A_4 = vector.load %arg2[%get3A_2, %get3A_3] : memref<112x32xf32, #tpu.memory_space<vmem>>, vector<112x32xf32>
    %dot_general3A = arith.constant dense<0.000000e+00> : vector<1x32xf32>
    %dot_general3A_5 = tpu.matmul %get3A_1, %get3A_4, %dot_general3A {dimension_numbers = #tpu.dot_dimension_numbers<[1], [0], [0], [1], [0, 0, 1, 1], [], []>, transpose_lhs_hint = false} : vector<1x112xf32>, vector<112x32xf32>, vector<1x32xf32> -> vector<1x32xf32>
    %get3A_6 = arith.constant 0 : index
    %get3A_7 = arith.constant 0 : index
    %get3A_8 = vector.load %arg3[%get3A_6, %get3A_7] : memref<1x32xf32, #tpu.memory_space<vmem>>, vector<1x32xf32>
    %add3A = arith.addf %dot_general3A_5, %get3A_8 : vector<1x32xf32>
    %get3A_9 = arith.constant 0 : index
    %get3A_10 = arith.constant 0 : index
    %get3A_11 = arith.constant 0 : index
    %get3A_12 = vector.load %arg0[%get3A_9, %get3A_10, %get3A_11] : memref<2x10000x32xf32, #tpu.memory_space<vmem>>, vector<1x10000x32xf32>
    %get3A_13 = vector.shape_cast %get3A_12 : vector<1x10000x32xf32> to vector<10000x32xf32>
    %get3A_14 = arith.constant 1 : index
    %get3A_15 = arith.constant 0 : index
    %get3A_16 = arith.constant 0 : index
    %get3A_17 = vector.load %arg0[%get3A_14, %get3A_15, %get3A_16] : memref<2x10000x32xf32, #tpu.memory_space<vmem>>, vector<1x10000x32xf32>
    %get3A_18 = vector.shape_cast %get3A_17 : vector<1x10000x32xf32> to vector<10000x32xf32>
    %add3A_19 = arith.addf %get3A_13, %get3A_18 : vector<10000x32xf32>
    %add3A_20 = vector.broadcast %add3A : vector<1x32xf32> to vector<10000x32xf32>
    %add3A_21 = arith.addf %add3A_19, %add3A_20 : vector<10000x32xf32>
    %logistic3A = arith.negf %add3A_21 : vector<10000x32xf32>
    %logistic3A_22 = math.exp %logistic3A : vector<10000x32xf32>
    %logistic3A_23 = arith.constant 1.000000e+00 : f32
    %logistic3A_24 = vector.broadcast %logistic3A_23 : f32 to vector<10000x32xf32>
    %logistic3A_25 = arith.addf %logistic3A_24, %logistic3A_22 : vector<10000x32xf32>
    %logistic3A_26 = arith.divf %logistic3A_24, %logistic3A_25 : vector<10000x32xf32>
    %reduce_sum3A = arith.constant dense<0.000000e+00> : vector<32xf32>
    %reduce_sum3A_27 = vector.multi_reduction <add>, %logistic3A_26, %reduce_sum3A [0] : vector<10000x32xf32> to vector<32xf32>
    %broadcast_in_dim3A = vector.shape_cast %reduce_sum3A_27 : vector<32xf32> to vector<1x32xf32>
    %swap3A = arith.constant 0 : index
    %swap3A_28 = arith.constant 0 : index
    %swap3A_29 = vector.load %arg4[%swap3A, %swap3A_28] : memref<1x32xf32, #tpu.memory_space<vmem>>, vector<1x32xf32>
    tpu.vector_store %arg4[%swap3A, %swap3A_28], %broadcast_in_dim3A {strides = array<i32>} : memref<1x32xf32, #tpu.memory_space<vmem>>, vector<1x32xf32>,
    return
  }
}

</mosaic_0001>

<sc_bundles>
// kernel: kernel.10.cloned.1.call-start
scs
__scs_entry_jumppad:
0x0: {  	(pc) =	sbr.rel $0x88, $3  }
0x1: {  	(tag) =	ssettag $0x0;
	lr =	simm.s32 $0x1  }
0x2: {  	[smem:$0x3F95] =	sst lr;
	_ =	strace $0xD0000000  }
0x3: {  	_ = 	snop  }
0x4: {  	_ = 	snop  }
0x5: {  	_ = 	snop  }
0x6: {  	_ = 	snop  }
0x7: {  	_ = 	snop  }
__scs_overlays_trampoline_lowered:
0x8: {  	[smem:$0x3FA4] =	sst s0  }
0x9: {  	[smem:$0x3FA5] =	sst s1  }
0xa: {  	[smem:$0x3FA6] =	sst s2  }
0xb: {  	[smem:$0x3FA7] =	sst s3  }
0xc: {  	[smem:$0x3FA8] =	sst s4  }
0xd: {  	[smem:$0x3FA9] =	sst s5  }
0xe: {  	[smem:$0x3FAA] =	sst s6  }
0xf: {  	[smem:$0x3FAB] =	sst s7  }
0x10: {  	[smem:$0x3FAC] =	sst s8  }
0x11: {  	[smem:$0x3FAD] =	sst s9;
	s0 =	simm.s32 @!p0 $0x0  }
0x12: {  	s1 =	sld [smem:$0x3F93];
	s0 =	simm.s32 @p0 $0x1  }
0x13: {  	[smem:$0x3FAE] =	sst s0;
	s0 =	simm.s32 @!p1 $0x0  }
0x14: {  	s2 =	sld [smem:$0x3F92];
	s0 =	simm.s32 @p1 $0x1  }
0x15: {  	[smem:$0x3FAF] =	sst s0;
	s0 =	simm.s32 @!p2 $0x0  }
0x16: {  	s3 =	sld [smem:$0x3FDB];
	s0 =	simm.s32 @p2 $0x1  }
0x17: {  	s4 =	simm.s32 $0x1BF5;
	[smem:$0x3FB1] =	sst s0  }
0x18: {  	s0 =	sld [smem:$0x3F94];
	_ =	swait.ge [sflag:s4], $0x0  }
0x19: {  	s7 =	sld [smem:$0x3F95]  }
0x1a: {  	s8 =	sadd.s32 $0xFFFFE003, lr  }
0x1b: {  	s9 =	sadd.s32 $0xFFFFFEF7, lr;
	s5 =	simm.s32 $0xFFFFFFFF;
	p2 =	slt.u32 s8, $0xFFFFF086  }
0x1c: {  	p1 =	slt.u32 s9, $0xF7A;
	s5 =	simm.s32 @!p2 $0x0  }
0x1d: {  	s5 =	simm.s32 @p1 $0x1;
	p0 =	seq.s32 s7, s2  }
0x1e: {  	s7 =	smul.u32 @!p0 $0xF7A, s2;
	p2 =	seq.s32 @!p0 s5, $0x0  }
0x1f: {  	s9 =	smul.u32 $0xF7A, s1;
	s8 =	simm.s32 @!p0 $0x1BF5;
	p2 =	por !p2, p0  }
0x20: {  	[sflag:s8] =	ssyncset.s32 @!p0 $0xFFFFF086;
	s6 =	sadd.s32 @!p0 s3, s7;
	s7 =	simm.s32 @!p0 $0x108  }
0x21: {  	s3 =	sadd.s32 s3, s9;
	s6 =	sadd.s32 @!p0 $0x88, s6;
	s7 =	simm.s32 @p2 $0x1082  }
0x22: {  	[simem:s7], [sflag:s8] =	dma.local @!p0 [hbm:s6], $0xF7A  }
0x23: {  	s9 =	sor.u32 $0xD0000000, s2;
	s6 =	simm.s32 $0x108;
	_ =	swait.ge @!p0 [sflag:s8], $0x0  }
0x24: {  	s3 =	sadd.s32 $0x88, s3;
	s6 =	simm.s32 @!p1 $0x1082;
	[sflag:s4] =	ssyncset.s32 $0xFFFFF086  }
0x25: {  	[simem:s6], [sflag:s4] =	dma.local [hbm:s3], $0xF7A  }
0x26: {  	[smem:$0x3F95] =	sst s1;
	(tag) =	ssettag s2;
	_ =	strace s9  }
0x27: {  	s1 =	sld [smem:$0x3FA5]  }
0x28: {  	s2 =	sld [smem:$0x3FA6]  }
0x29: {  	s4 =	sld [smem:$0x3FA8]  }
0x2a: {  	p0 =	seq.s32 s5, $0x0;
	s5 =	sld [smem:$0x3FA9]  }
0x2b: {  	s6 =	sld [smem:$0x3FAA]  }
0x2c: {  	s7 =	sld [smem:$0x3FAB]  }
0x2d: {  	s3 =	simm.s32 $0x108;
	s8 =	sld [smem:$0x3FAC]  }
0x2e: {  	s3 =	simm.s32 @!p0 $0x1082;
	s9 =	sld [smem:$0x3FAD]  }
0x2f: {  	lr =	sadd.s32 s0, s3;
	s0 =	sld [smem:$0x3FA4]  }
0x30: {  	s3 =	sld [smem:$0x3FA7]  }
0x31: {  	[smem:$0x3FB0] =	sst s10  }
0x32: {  	s10 =	sld [smem:$0x3FAE];
	_ =	sdelay $0x3  }
0x33: {  	p0 =	seq.s32 s10, $0x1;
	s10 =	sld [smem:$0x3FB0];
	_ =	sdelay $0x3  }
0x34: {  	[smem:$0x3FB0] =	sst s10  }
0x35: {  	s10 =	sld [smem:$0x3FAF];
	_ =	sdelay $0x3  }
0x36: {  	p1 =	seq.s32 s10, $0x1;
	s10 =	sld [smem:$0x3FB0];
	_ =	sdelay $0x3  }
0x37: {  	[smem:$0x3FB0] =	sst s10  }
0x38: {  	s10 =	sld [smem:$0x3FB1]  }
0x39: {  	_ = 	snop;
	(pc) =	sbr.ind lr, $3  }
0x3a: {  	_ = 	snop  }
0x3b: {  	_ = 	snop  }
0x3c: {  	p2 =	seq.s32 s10, $0x1;
	s10 =	sld [smem:$0x3FB0]  }
0x3d: {  	_ =	shalt  }
0x3e: {  	_ =	shalt  }
0x3f: {  	_ =	shalt  }
0x40: {  	_ =	shalt  }
0x41: {  	_ =	shalt  }
0x42: {  	_ =	shalt  }
0x43: {  	_ =	shalt  }
0x44: {  	_ =	shalt  }
0x45: {  	_ =	shalt  }
0x46: {  	_ =	shalt  }
0x47: {  	_ =	shalt  }
0x48: {  	_ =	shalt  }
0x49: {  	_ =	shalt  }
0x4a: {  	_ =	shalt  }
0x4b: {  	_ =	shalt  }
0x4c: {  	_ =	shalt  }
0x4d: {  	_ =	shalt  }
0x4e: {  	_ =	shalt  }
0x4f: {  	_ =	shalt  }
0x50: {  	_ =	shalt  }
0x51: {  	_ =	shalt  }
0x52: {  	_ =	shalt  }
0x53: {  	_ =	shalt  }
0x54: {  	_ =	shalt  }
0x55: {  	_ =	shalt  }
0x56: {  	_ =	shalt  }
0x57: {  	_ =	shalt  }
0x58: {  	_ =	shalt  }
0x59: {  	_ =	shalt  }
0x5a: {  	_ =	shalt  }
0x5b: {  	_ =	shalt  }
0x5c: {  	_ =	shalt  }
0x5d: {  	_ =	shalt  }
0x5e: {  	_ =	shalt  }
0x5f: {  	_ =	shalt  }
0x60: {  	_ =	shalt  }
0x61: {  	_ =	shalt  }
0x62: {  	_ =	shalt  }
0x63: {  	_ =	shalt  }
0x64: {  	_ =	shalt  }
0x65: {  	_ =	shalt  }
0x66: {  	_ =	shalt  }
0x67: {  	_ =	shalt  }
0x68: {  	_ =	shalt  }
0x69: {  	_ =	shalt  }
0x6a: {  	_ =	shalt  }
0x6b: {  	_ =	shalt  }
0x6c: {  	_ =	shalt  }
0x6d: {  	_ =	shalt  }
0x6e: {  	_ =	shalt  }
0x6f: {  	_ =	shalt  }
0x70: {  	_ =	shalt  }
0x71: {  	_ =	shalt  }
0x72: {  	_ =	shalt  }
0x73: {  	_ =	shalt  }
0x74: {  	_ =	shalt  }
0x75: {  	_ =	shalt  }
0x76: {  	_ =	shalt  }
0x77: {  	_ =	shalt  }
0x78: {  	_ =	shalt  }
0x79: {  	_ =	shalt  }
0x7a: {  	_ =	shalt  }
0x7b: {  	_ =	shalt  }
0x7c: {  	_ =	shalt  }
0x7d: {  	_ =	shalt  }
0x7e: {  	_ =	shalt  }
0x7f: {  	_ =	shalt  }
0x80: {  	_ =	shalt  }
0x81: {  	_ =	shalt  }
0x82: {  	_ =	shalt  }
0x83: {  	_ =	shalt  }
0x84: {  	_ =	shalt  }
0x85: {  	_ =	shalt  }
0x86: {  	_ =	shalt  }
0x87: {  	_ =	shalt  }
.Lfunc_end0:
.L_simem_size_0:
called_computation.1_lowered:
.L_overlay_start_0:
0x88: {  	s2 =	sld [smem:$0x3FD9]  }
0x89: {  	s3 =	sld [smem:$0x3FFE];
	_ =	sdelay $0x1  }
0x8a: {  	s1 =	srdreg.scid  }
0x8b: {  	s0 =	sand.u32 $0x1, s1  }
0x8c: {  	s17 =	sshll.u32 s0, $0xA;
	s2 =	sadd.s32 s3, s2  }
0x8d: {  	s2 =	sadd.s32 s2, s17  }
0x8e: {  	[smem:$0x3FBC] =	sst s2  }
0x8f: {  	_ = 	snop  }
0x90: {  	s2 =	sld [smem:$0x3FC7];
	(tm) =	ssettm $0x1  }
0x91: {  	s18 =	sld [smem:$0x3FFB];
	_ =	sdelay $0x3  }
0x92: {  	_ =	strace s18  }
0x93: {  	s3 =	sld [smem:$0x3FFC];
	_ =	sdelay $0x3  }
0x94: {  	_ =	strace s3  }
0x95: {  	s3 =	sld [smem:$0x3FFD];
	_ =	sdelay $0x3  }
0x96: {  	_ =	strace s3  }
0x97: {  	_ =	strace $0x8FFFFFFF  }
0x98: {  	s19 =	sld [smem:$0x3FDB];
	_ =	sdelay $0x1  }
0x99: {  	s4 =	simm.s32 $_scs_section_size  }
0x9a: {  	s5 =	simm.s32 $_size__tile_overlayer_lowered;
	s6 =	simm.s32 $_tile_overlayer_lowered  }
0x9b: {  	s22 =	simm.s32 $0x1BFF;
	s21 =	sshll.u32 s6, $0x1;
	s3 =	sadd.s32 s4, s19  }
0x9c: {  	s7 =	simm.s32 $0x0;
	s20 =	sshll.u32 s5, $0x1;
	s5 =	sadd.s32 s21, s3  }
0x9d: {  	[timem:s7], [sflag:s22] =	dma.local [hbm:s5], s20  }
0x9e: {  	_ =	swait.ge [sflag:s22], s20  }
0x9f: {  	s4 =	ssub.s32 $0x0, s20;
	[sflag:s22] =	ssyncset.done $0x0  }
0xa0: {  	[sflag:s22] =	ssyncadd.s32 s4;
	_ =	sdelay $0x1  }
0xa1: {  	s23 =	simm.s32 $0x1B8B  }
0xa2: {  	_ =	swait.ge [sflag:s23], $0x1  }
0xa3: {  	[sflag:s23] =	ssyncset.done $0x0  }
0xa4: {  	s25 =	simm.s32 $0x1B8E;
	s24 =	sld [smem:$0x3FFE];
	[sflag:s23] =	ssyncadd.s32 $0xFFFFFFFF  }
0xa5: {  	s26 =	simm.s32 $execute0_lowered;
	[smem:$0x3FD2] =	sst s25  }
0xa6: {  	s5 =	sshll.u32 s26, $0x1;
	_ =	strace $0x80000049;
	[dreg:$0x1] =	wrdreg $0xFFFFFFFF  }
0xa7: {  	s28 =	simm.s32 $_size_execute0_lowered;
	s3 =	sadd.s32 s3, s5;
	[dreg:$0x0] =	wrdreg $0x0  }
0xa8: {  	s5 =	sshll.u32 s28, $0x1;
	[dreg:$0x2] =	wrdreg s3  }
0xa9: {  	[dreg:$0x3] =	wrdreg s5  }
0xaa: {  	[dreg:$0x4] =	wrdreg $0xC0  }
0xab: {  	_ =	task [dreg:s7], $0x5FFFF  }
0xac: {  	[dreg:$0x1] =	wrdreg $0xFFFFFFFF  }
0xad: {  	[dreg:$0x0] =	wrdreg $0x60  }
0xae: {  	[dreg:$0x2] =	wrdreg s24  }
0xaf: {  	[dreg:$0x3] =	wrdreg s2  }
0xb0: {  	[dreg:$0x4] =	wrdreg $0x129300  }
0xb1: {  	[dreg:$0x5] =	wrdreg $0x9  }
0xb2: {  	_ =	task.clear_ibuf [dreg:s7], $0x6FFFF;
	_ =	strace $0x90000049  }
0xb3: {  	s29 =	simm.s32 $0x9;
	_ =	strace $0x8000004B  }
0xb4: {  	_ =	swait.ge [sflag:s29], $0x1  }
0xb5: {  	[sflag:s29] =	ssyncadd.s32 $0xFFFFFFFF  }
0xb6: {  	_ =	strace $0x9000004B  }
0xb7: {  	_ =	sfence  }
0xb8: {  	s30 =	sld [smem:$0x0];
	_ =	sdelay $0x2  }
0xb9: {  	s31 =	sshll.u32 s1, $0xD;
	s1 =	sshrl.u32 s1, $0x2  }
0xba: {  	s3 =	sand.u32 $0x4000, s31;
	s1 =	sadd.s32 s1, s30  }
0xbb: {  	s0 =	sor.u32 s3, s0;
	s1 =	sshll.u32 s1, $0x11  }
0xbc: {  	s0 =	sor.u32 s1, s0  }
0xbd: {  	s0 =	sadd.s32 $0x8F2B, s0  }
0xbe: {  	[sflag:s0] =	ssyncadd.remote.s32 $0x1  }
0xbf: {  	_ =	sfence.sel $0xFFFF  }
0xc0: {  	[dreg:$0x0] =	wrdreg $0xFFFFFFFF;
	(pc) =	sbr.abs _section_cstart, $3  }
0xc1: {  	[dreg:$0x1] =	wrdreg $0xFFFFFFFF  }
0xc2: {  	_ =	task.clear_ibuf [dreg:s7], $0x2FFFF;
	_ =	strace $0x9FFFFFFF  }
0xc3: {  	(tm) =	ssettm $0x7FFFFFFF  }
tec
execute0_lowered:
.L_overlay_start_1:
0x0: {  	(tag) =	ssettag $0x1  }
0x1: {  	s0 =	rddreg [dreg:$0x0]  }
0x2: {  	s1 =	rddreg [dreg:$0x1]  }
0x3: {  	s3 =	srdreg.scid;
	s15 =	stileid.u32  }
0x4: {  	s2 =	rddreg [dreg:$0x2];
	s18 =	simm.s32 $0x190;
	s19 =	simm.s32 $0x7530  }
0x5: {  	s20 =	simm.s32 $0xA730;
	s21 =	simm.s32 $0x3;
	s22 =	simm.s32 $0x4  }
0x6: {  	s23 =	simm.s32 $0x1;
	s24 =	simm.s32 $0x2;
	s25 =	simm.s32 $0x4C90  }
0x7: {  	s26 =	simm.s32 $0x0;
	s8 =	sand.u32 $0x1, s3;
	s10 =	smul.u32 $0xA00, s15  }
0x8: {  	s4 =	sshll.u32 s15, $0x1;
	s3 =	simm.s32 $0x0;
	s12 =	smul.u32 $0x14000, s15  }
0x9: {  	s5 =	sadd.s32 $0x1EC00, s0;
	p0 =	seq.s32 s15, $0xF;
	s28 =	smul.u32 $0x4E200, s8  }
0xa: {  	s15 =	simm.s32 $0x5;
	s4 =	sor.u32 s8, s4;
	s14 =	smul.u32 $0x9C40, s8  }
0xb: {  	[smem:$0x7FF] =	sst s3;
	s6 =	ssub.s32 $0x2, s8;
	s9 =	smul.u32 $0x4E2, s4  }
0xc: {  	v0 =	vimm.s32 $0x0;
	_ =	strace $0x8000004A;
	s4 =	sadd.s32 $0x1200, s0;
	s11 =	sshrl.u32 s6, $0x1  }
0xd: {  	v1 =	vimm.s32 $0x1;
	v2 =	vimm.s32 $0x2;
	v3 =	vimm.s32 $0x3;
	s29 =	sshrl.u32 s12, $0x2;
	s13 =	ssub.s32 s6, s11;
	s11 =	sshrl.u32 s28, $0x3  }
0xe: {  	v4 =	vimm.s32 $0x4;
	v5 =	vimm.s32 $0x5;
	v6 =	vimm.s32 $0x6;
	s30 =	sadd.s32 s10, s14;
	s10 =	sadd.s32 $0x4B000, s2;
	s7 =	sadd.s32 s9, s0  }
0xf: {  	v7 =	vimm.s32 $0x7;
	v8 =	vimm.s32 $0x8;
	v9 =	vimm.s32 $0x9;
	s0 =	sadd.s32 $0x1F600, s0;
	s8 =	sadd.s32 s1, s9;
	s9 =	sadd.s32 s29, s2  }
0x10: {  	v10 =	vimm.s32 $0xA;
	v11 =	vimm.s32 $0xB;
	v12 =	vimm.s32 $0xC;
	s13 =	smax.u32 s13, $0x1;
	s6 =	sadd.s32 $0x14E00, s7;
	s31 =	sadd.s32 s0, s11  }
0x11: {  	v13 =	vimm.s32 $0xD;
	v14 =	vimm.s32 $0xE;
	v15 =	vimm.s32 $0xF;
	s7 =	sadd.s32 $0xB000, s7;
	s11 =	sadd.s32 s0, s30;
	s12 =	sadd.s32 $0x9600, s31  }
.LBB2_1:
0x12: {  	s0 =	simm.s32 $0xD930  }
0x13: {  	[tilespmem:s0], [sflag:$0x5] =	stream.linear.gather [hbm4b:s5+s3], $0x5000, $0x38;
	[tilespmem:$0x17750] =	vst v63  }
0x14: {  	_ =	swait.ge [sflag:s15], $0x5000  }
0x15: {  	[sflag:s15] =	ssyncset.done $0x0  }
0x16: {  	[sflag:s15] =	ssyncadd.s32 $0xFFFFB000  }
0x17: {  	[tilespmem:s3], [sflag:$0x5] =	stream.linear.gather [hbm4b:s6+s3], $0x2710, $0x38;
	[tilespmem:$0x17750] =	vst v63  }
0x18: {  	_ =	swait.ge [sflag:s15], $0x2710  }
0x19: {  	[sflag:s15] =	ssyncset.done $0x0  }
0x1a: {  	s17 =	simm.s32 $0x2710;
	[sflag:s15] =	ssyncadd.s32 $0xFFFFD8F0  }
0x1b: {  	[tilespmem:s17], [sflag:$0x5] =	stream.linear.gather [hbm4b:s7+s3], $0x2710, $0x38;
	[tilespmem:$0x17750] =	vst v63  }
0x1c: {  	_ =	swait.ge [sflag:s15], $0x2710  }
0x1d: {  	[sflag:s15] =	ssyncset.done $0x0  }
0x1e: {  	s31 =	simm.s32 $0x4E20;
	[sflag:s15] =	ssyncadd.s32 $0xFFFFD8F0  }
0x1f: {  	[tilespmem:s31], [sflag:$0x5] =	stream.linear.gather [hbm4b:s8+s3], $0x2710, $0x38;
	[tilespmem:$0x17750] =	vst v63  }
0x20: {  	_ =	swait.ge [sflag:s15], $0x2710  }
0x21: {  	[sflag:s15] =	ssyncset.done $0x0  }
0x22: {  	s0 =	simm.s32 @p0 $0xD930;
	[sflag:s15] =	ssyncadd.s32 $0xFFFFD8F0  }
0x23: {  	[spmem:s10] =	stream.linear.scatter @p0 [tilespmem:s0], [sflag:$0x5], $0x3200, $0x38;
	[tilespmem:$0x17750] =	vst v63  }
0x24: {  	s0 =	simm.s32 @p0 $0x5  }
0x25: {  	_ =	swait.ge @p0 [sflag:s0], $0x3200  }
0x26: {  	[sflag:s0] =	ssyncset.done @p0 $0x0  }
0x27: {  	[sflag:s0] =	ssyncadd.s32 @p0 $0xFFFFCE00;
	s0 =	simm.s32 @!p0 $0xD930  }
0x28: {  	[spmem:s9] =	stream.linear.scatter @!p0 [tilespmem:s0], [sflag:$0x5], $0x5000, $0x38;
	[tilespmem:$0x17750] =	vst v63  }
0x29: {  	s0 =	simm.s32 @!p0 $0x5  }
0x2a: {  	_ =	swait.ge @!p0 [sflag:s0], $0x5000  }
0x2b: {  	[sflag:s0] =	ssyncset.done @!p0 $0x0  }
0x2c: {  	[sflag:s0] =	ssyncadd.s32 @!p0 $0xFFFFB000  }
0x2d: {  	[bflag:$0x0] =	sbarrier.arrive $0xFFFF  }
0x2e: {  	[tilespmem:s19], [sflag:$0x3] =	stream.indirect.gather [hbm4b:s4+s18], $0x20, s3, s18, $0xb8;
	[tilespmem:$0x17750] =	vst v63  }
0x2f: {  	s28 =	simm.s32 $0x4FB0;
	s29 =	simm.s32 $0x4E20;
	s30 =	simm.s32 $0x0  }
0x30: {  	[tilespmem:s20], [sflag:$0x4] =	stream.indirect.gather [hbm4b:s4+s18], $0x20, s18, s18, $0xb8;
	[tilespmem:$0x17750] =	vst v63  }
.LBB2_2:
0x31: {  	_ =	swait.ge [sflag:s21], $0x3200  }
0x32: {  	[sflag:s21] =	ssyncset.done $0x0  }
0x33: {  	s0 =	simm.s32 $0x7630;
	[sflag:s21] =	ssyncadd.s32 $0xFFFFCE00  }
0x34: {  	v22 =	vld [tilespmem:s0+$0xFFFFFFA0]  }
0x35: {  	v19 =	vld [tilespmem:s0+$0xFFFFFFF0]  }
0x36: {  	v16 =	vld [tilespmem:s0+$0xFFFFFF60]  }
0x37: {  	v23 =	vld [tilespmem:s0+$0xFFFFFFD0]  }
0x38: {  	v20 =	vmov s29;
	v24 =	vld [tilespmem:s0+$0x80]  }
0x39: {  	v27 =	vld [tilespmem:s0+$0xFFFFFF10]  }
0x3a: {  	v31 =	vld [tilespmem:s0+$0xE0]  }
0x3b: {  	v26 =	vld [tilespmem:s0+$0xFFFFFF40]  }
0x3c: {  	s1 =	simm.s32 $0x0;
	v18 =	vld [tilespmem:s0+$0xFFFFFF90]  }
0x3d: {  	v17 =	vld.idx.msk [tilespmem:v20+s1+$0x0 ss:$0x1], $0xffff  }
0x3e: {  	v25 =	vld [tilespmem:s0+$0xFFFFFFC0]  }
0x3f: {  	v28 =	vld [tilespmem:s0+$0xFFFFFF00]  }
0x40: {  	v29 =	vld [tilespmem:s0+$0xD0]  }
0x41: {  	v38 =	vld [tilespmem:s0+$0xC0]  }
0x42: {  	v36 =	vld [tilespmem:s0+$0x90];
	v34 =	vperm.xlane v17, v0;
	v21 =	vperm.xlane v17, v15  }
0x43: {  	v37 =	vld [tilespmem:s0+$0xFFFFFF50];
	v35 =	vperm.xlane v17, v2;
	v33 =	vperm.xlane v17, v14  }
0x44: {  	v32 =	vld [tilespmem:s0+$0xB0];
	v30 =	vperm.xlane v17, v12;
	v40 =	vmul.f32 v28, v34  }
0x45: {  	s31 =	simm.s32 $0x40;
	s14 =	simm.s32 $0x7630;
	s1 =	smul.u32 $0xC80, s30;
	v28 =	vperm.xlane v17, v13;
	v39 =	vmul.f32 v26, v35;
	v26 =	vld [tilespmem:s0+$0x60]  }
.LBB2_3:
0x46: {  	p1 =	sne.s32 s31, $0x600  }
0x47: {  	[tilespmem:s0+$0xFFFFFF00] =	vst v40;
	v40 =	vld [tilespmem:s0+$0xFFFFFFB0];
	v38 =	vmul.f32 v38, v33;
	v31 =	vmul.f32 v31, v21;
	s14 =	sadd.s32 $0x200, s14;
	s16 =	smov.u32 s31;
	s31 =	sadd.s32 $0x40, s31  }
0x48: {  	[tilespmem:s0+$0xFFFFFF40] =	vst v39;
	v39 =	vperm.xlane v17, v10;
	v36 =	vmul.f32 v36, v30;
	v41 =	vld [tilespmem:s0+$0xA0]  }
0x49: {  	v27 =	vmul.f32 v27, v34;
	v34 =	vmul.f32 v37, v35;
	v35 =	vld [tilespmem:s0+$0x70];
	[tilespmem:s0+$0xE0] =	vst v31  }
0x4a: {  	v31 =	vperm.xlane v17, v5;
	v37 =	vld [tilespmem:s0+$0xFFFFFFE0];
	v32 =	vmul.f32 v32, v28;
	[tilespmem:s0+$0xC0] =	vst v38  }
0x4b: {  	v29 =	vmul.f32 v29, v33;
	[tilespmem:s0+$0xFFFFFF10] =	vst v27;
	v27 =	vperm.xlane v17, v6;
	v38 =	vld [tilespmem:s0+$0x40]  }
0x4c: {  	v42 =	vperm.xlane v17, v11;
	v22 =	vmul.f32 v22, v31;
	v33 =	vld [tilespmem:s0+$0xFFFFFF20];
	[tilespmem:s0+$0x90] =	vst v36  }
0x4d: {  	[tilespmem:s0+$0xFFFFFF50] =	vst v34;
	v34 =	vperm.xlane v17, v9;
	v36 =	vld [tilespmem:s0+$0x20];
	v28 =	vmul.f32 v41, v28  }
0x4e: {  	v31 =	vmul.f32 v40, v31;
	v40 =	vld [tilespmem:s0+$0x50];
	v35 =	vmul.f32 v35, v42;
	[tilespmem:s0+$0xD0] =	vst v29  }
0x4f: {  	v24 =	vmul.f32 v24, v30;
	v29 =	vperm.xlane v17, v7;
	v41 =	vld [tilespmem:s0+$0x30];
	[tilespmem:s0+$0xA0] =	vst v28  }
0x50: {  	v25 =	vmul.f32 v25, v27;
	v28 =	vperm.xlane v17, v3;
	v30 =	vld [tilespmem:s0+$0x0];
	[tilespmem:s0+$0x70] =	vst v35  }
0x51: {  	v26 =	vmul.f32 v26, v42;
	v23 =	vmul.f32 v23, v27;
	v27 =	vld [tilespmem:s0+$0x10];
	[tilespmem:s0+$0x80] =	vst v24  }
0x52: {  	v35 =	vperm.xlane v17, v8;
	v38 =	vmul.f32 v38, v39;
	v24 =	vld [tilespmem:s0+$0xFFFFFF30];
	[tilespmem:s0+$0xB0] =	vst v32  }
0x53: {  	v32 =	vperm.xlane v17, v1;
	v42 =	vld [tilespmem:s0+$0xFFFFFF70];
	[tilespmem:s0+$0xFFFFFFD0] =	vst v23;
	v39 =	vmul.f32 v40, v39  }
0x54: {  	v19 =	vmul.f32 v19, v29;
	v23 =	vmul.f32 v37, v29;
	[tilespmem:s0+$0xFFFFFFC0] =	vst v25;
	v25 =	vld [tilespmem:s0+$0xF0]  }
0x55: {  	v37 =	vmul.f32 v41, v34;
	v29 =	vld [tilespmem:s0+$0xFFFFFF80];
	[tilespmem:s0+$0xFFFFFFA0] =	vst v22;
	v30 =	vmul.f32 v30, v35  }
0x56: {  	v22 =	vld [tilespmem:s14+$0xFFFFFFA0];
	[tilespmem:s0+$0xFFFFFFF0] =	vst v19;
	v35 =	vmul.f32 v27, v35;
	v27 =	vmul.f32 v36, v34  }
0x57: {  	v19 =	vmul.f32 v33, v32;
	v32 =	vmul.f32 v24, v32;
	[tilespmem:s0+$0x60] =	vst v26  }
0x58: {  	v16 =	vmul.f32 v16, v28;
	v24 =	vmul.f32 v42, v28;
	[tilespmem:s0+$0xFFFFFFB0] =	vst v31  }
0x59: {  	v17 =	vperm.xlane v17, v4;
	[tilespmem:s0+$0xFFFFFF20] =	vst v19;
	v19 =	vmul.f32 v25, v21  }
0x5a: {  	[tilespmem:s0+$0xFFFFFF60] =	vst v16  }
0x5b: {  	v21 =	vmul.f32 v29, v17;
	v16 =	vmul.f32 v18, v17;
	[tilespmem:s0+$0x40] =	vst v38  }
0x5c: {  	[tilespmem:s0+$0xFFFFFFE0] =	vst v23  }
0x5d: {  	[tilespmem:s0+$0xF0] =	vst v19  }
0x5e: {  	[tilespmem:s0+$0xFFFFFF90] =	vst v16  }
0x5f: {  	[tilespmem:s0+$0xFFFFFF70] =	vst v24  }
0x60: {  	v19 =	vld [tilespmem:s14+$0xFFFFFFF0];
	[tilespmem:s0+$0x20] =	vst v27  }
0x61: {  	v16 =	vld [tilespmem:s14+$0xFFFFFF60];
	[tilespmem:s0+$0x30] =	vst v37  }
0x62: {  	v23 =	vld [tilespmem:s14+$0xFFFFFFD0];
	[tilespmem:s0+$0xFFFFFF80] =	vst v21  }
0x63: {  	v24 =	vld [tilespmem:s14+$0x80];
	[tilespmem:s0+$0x50] =	vst v39  }
0x64: {  	v27 =	vld [tilespmem:s14+$0xFFFFFF10];
	[tilespmem:s0+$0x0] =	vst v30  }
0x65: {  	v31 =	vld [tilespmem:s14+$0xE0];
	[tilespmem:s0+$0xFFFFFF30] =	vst v32  }
0x66: {  	s16 =	sshra.s32 s16, $0x2;
	v26 =	vld [tilespmem:s14+$0xFFFFFF40];
	[tilespmem:s0+$0x10] =	vst v35;
	s0 =	smov.u32 s14  }
0x67: {  	v17 =	vld.idx.msk [tilespmem:v20+s16+$0x0 ss:$0x1], $0xffff  }
0x68: {  	v18 =	vld [tilespmem:s14+$0xFFFFFF90]  }
0x69: {  	v25 =	vld [tilespmem:s14+$0xFFFFFFC0]  }
0x6a: {  	v28 =	vld [tilespmem:s14+$0xFFFFFF00]  }
0x6b: {  	v29 =	vld [tilespmem:s14+$0xD0]  }
.Ltmp0:
0x6c: {  	v38 =	vld [tilespmem:s14+$0xC0];
	(pc) =	sbr.rel @p1 .LBB2_3-.Ltmp0, $4  }
0x6d: {  	v34 =	vperm.xlane v17, v0;
	v21 =	vperm.xlane v17, v15;
	v36 =	vld [tilespmem:s14+$0x90]  }
0x6e: {  	v35 =	vperm.xlane v17, v2;
	v33 =	vperm.xlane v17, v14;
	v37 =	vld [tilespmem:s14+$0xFFFFFF50]  }
0x6f: {  	v40 =	vmul.f32 v28, v34;
	v28 =	vperm.xlane v17, v13;
	v32 =	vld [tilespmem:s14+$0xB0]  }
0x70: {  	v30 =	vperm.xlane v17, v12;
	v39 =	vmul.f32 v26, v35;
	v26 =	vld [tilespmem:s14+$0x60]  }
0x71: {  	[tilespmem:s0+$0xFFFFFF00] =	vst v40;
	v20 =	vmul.f32 v31, v21  }
0x72: {  	v31 =	vmul.f32 v38, v33;
	[tilespmem:s0+$0xFFFFFF40] =	vst v39  }
0x73: {  	v27 =	vmul.f32 v27, v34;
	[tilespmem:s0+$0xE0] =	vst v20  }
0x74: {  	v24 =	vmul.f32 v24, v30;
	[tilespmem:s0+$0xC0] =	vst v31  }
0x75: {  	v54 =	vld [tilespmem:s0+$0xA0];
	v20 =	vmul.f32 v36, v30;
	[tilespmem:s0+$0xFFFFFF10] =	vst v27  }
0x76: {  	v55 =	vld [tilespmem:s0+$0x70];
	v60 =	vperm.xlane v17, v5;
	v35 =	vmul.f32 v37, v35;
	[tilespmem:s0+$0x80] =	vst v24  }
0x77: {  	v56 =	vperm.xlane v17, v11;
	v27 =	vmul.f32 v29, v33;
	[tilespmem:s0+$0x90] =	vst v20  }
0x78: {  	v22 =	vmul.f32 v22, v60;
	[tilespmem:s0+$0xFFFFFF50] =	vst v35  }
0x79: {  	[tilespmem:s0+$0xD0] =	vst v27;
	v26 =	vmul.f32 v26, v56  }
0x7a: {  	[tilespmem:s0+$0xFFFFFFA0] =	vst v22;
	v57 =	vmul.f32 v54, v28  }
0x7b: {  	v31 =	vld [tilespmem:s0+$0xFFFFFFB0];
	v24 =	vperm.xlane v17, v7;
	v34 =	vmul.f32 v55, v56;
	[tilespmem:s0+$0x60] =	vst v26  }
0x7c: {  	v29 =	vld [tilespmem:s0+$0xFFFFFF20];
	v27 =	vperm.xlane v17, v6;
	v28 =	vmul.f32 v32, v28;
	[tilespmem:s0+$0xA0] =	vst v57  }
0x7d: {  	v19 =	vmul.f32 v19, v24;
	[tilespmem:s0+$0x70] =	vst v34  }
0x7e: {  	v58 =	vld [tilespmem:s0+$0x40];
	v23 =	vmul.f32 v23, v27;
	[tilespmem:s0+$0xB0] =	vst v28  }
0x7f: {  	v62 =	vperm.xlane v17, v1;
	v20 =	vld [tilespmem:s0+$0xFFFFFFE0];
	v25 =	vmul.f32 v25, v27;
	[tilespmem:s0+$0xFFFFFFF0] =	vst v19  }
0x80: {  	v63 =	vld [tilespmem:s0+$0xF0];
	v22 =	vmul.f32 v31, v60;
	v31 =	vperm.xlane v17, v3;
	[tilespmem:s0+$0xFFFFFFD0] =	vst v23  }
0x81: {  	v19 =	vperm.xlane v17, v10;
	v29 =	vmul.f32 v29, v62;
	[tilespmem:s0+$0xFFFFFFC0] =	vst v25  }
0x82: {  	v28 =	vld [tilespmem:s0+$0xFFFFFF70];
	v16 =	vmul.f32 v16, v31;
	[tilespmem:s0+$0xFFFFFFB0] =	vst v22  }
0x83: {  	v30 =	vld [tilespmem:s0+$0x20];
	v22 =	vmul.f32 v58, v19;
	[tilespmem:s0+$0xFFFFFF20] =	vst v29  }
0x84: {  	v61 =	vld [tilespmem:s0+$0x30];
	v20 =	vmul.f32 v20, v24;
	v24 =	vperm.xlane v17, v4;
	[tilespmem:s0+$0xFFFFFF60] =	vst v16  }
0x85: {  	v23 =	vld [tilespmem:s0+$0xFFFFFF80];
	v16 =	vmul.f32 v63, v21;
	[tilespmem:s0+$0x40] =	vst v22  }
0x86: {  	v59 =	vld [tilespmem:s0+$0x50];
	v21 =	vperm.xlane v17, v9;
	v18 =	vmul.f32 v18, v24;
	[tilespmem:s0+$0xFFFFFFE0] =	vst v20  }
0x87: {  	v27 =	vld [tilespmem:s0+$0x0];
	v20 =	vmul.f32 v28, v31;
	[tilespmem:s0+$0xF0] =	vst v16  }
0x88: {  	v26 =	vld [tilespmem:s0+$0xFFFFFF30];
	v16 =	vmul.f32 v30, v21;
	[tilespmem:s0+$0xFFFFFF90] =	vst v18  }
0x89: {  	v25 =	vld [tilespmem:s0+$0x10];
	v18 =	vmul.f32 v61, v21;
	[tilespmem:s0+$0xFFFFFF70] =	vst v20  }
0x8a: {  	v17 =	vperm.xlane v17, v8;
	v20 =	vmul.f32 v23, v24;
	[tilespmem:s0+$0x20] =	vst v16  }
0x8b: {  	v16 =	vmul.f32 v59, v19;
	[tilespmem:s0+$0x30] =	vst v18  }
0x8c: {  	v18 =	vmul.f32 v27, v17;
	[tilespmem:s0+$0xFFFFFF80] =	vst v20  }
0x8d: {  	v19 =	vmul.f32 v26, v62;
	[tilespmem:s0+$0x50] =	vst v16  }
0x8e: {  	v16 =	vmul.f32 v25, v17;
	[tilespmem:s0+$0x0] =	vst v18  }
0x8f: {  	s31 =	sshra.s32 s1, $0x2;
	[tilespmem:s0+$0xFFFFFF30] =	vst v19  }
0x90: {  	s17 =	sadd.s32 $0x2710, s31;
	[tilespmem:s0+$0x10] =	vst v16  }
0x91: {  	[spmem:s2] =	stream.indirect.scatter.add.f32 [tilespmem:s19], [sflag:$0x1], $0x20, s17, s18, $0xb8;
	[tilespmem:$0x17750] =	vst v63  }
0x92: {  	_ =	swait.ge [sflag:s22], $0x3200  }
0x93: {  	[sflag:s22] =	ssyncset.done $0x0  }
0x94: {  	s0 =	simm.s32 $0xA830;
	[sflag:s22] =	ssyncadd.s32 $0xFFFFCE00  }
0x95: {  	v22 =	vld [tilespmem:s0+$0xFFFFFFA0]  }
0x96: {  	v19 =	vld [tilespmem:s0+$0xFFFFFFF0]  }
0x97: {  	v16 =	vld [tilespmem:s0+$0xFFFFFF60]  }
0x98: {  	v20 =	vmov s28;
	v23 =	vld [tilespmem:s0+$0xFFFFFFD0]  }
0x99: {  	v24 =	vld [tilespmem:s0+$0x80]  }
0x9a: {  	v27 =	vld [tilespmem:s0+$0xFFFFFF10]  }
0x9b: {  	v31 =	vld [tilespmem:s0+$0xE0]  }
0x9c: {  	s14 =	simm.s32 $0x0;
	v26 =	vld [tilespmem:s0+$0xFFFFFF40]  }
0x9d: {  	v17 =	vld.idx.msk [tilespmem:v20+s14+$0x0 ss:$0x1], $0xffff  }
0x9e: {  	v18 =	vld [tilespmem:s0+$0xFFFFFF90]  }
0x9f: {  	v25 =	vld [tilespmem:s0+$0xFFFFFFC0]  }
0xa0: {  	v28 =	vld [tilespmem:s0+$0xFFFFFF00]  }
0xa1: {  	v29 =	vld [tilespmem:s0+$0xD0]  }
0xa2: {  	v38 =	vld [tilespmem:s0+$0xC0]  }
0xa3: {  	v36 =	vld [tilespmem:s0+$0x90];
	v34 =	vperm.xlane v17, v0;
	v21 =	vperm.xlane v17, v15  }
0xa4: {  	v37 =	vld [tilespmem:s0+$0xFFFFFF50];
	v35 =	vperm.xlane v17, v2;
	v33 =	vperm.xlane v17, v14  }
0xa5: {  	v32 =	vld [tilespmem:s0+$0xB0];
	v30 =	vperm.xlane v17, v12;
	v40 =	vmul.f32 v28, v34  }
0xa6: {  	s1 =	sadd.s32 $0x640, s1;
	s16 =	simm.s32 $0xA830;
	s14 =	simm.s32 $0x40;
	v28 =	vperm.xlane v17, v13;
	v39 =	vmul.f32 v26, v35;
	v26 =	vld [tilespmem:s0+$0x60]  }
.LBB2_5:
0xa7: {  	p1 =	sne.s32 s14, $0x600  }
0xa8: {  	[tilespmem:s0+$0xFFFFFF00] =	vst v40;
	v40 =	vld [tilespmem:s0+$0xFFFFFFB0];
	v38 =	vmul.f32 v38, v33;
	v31 =	vmul.f32 v31, v21;
	s16 =	sadd.s32 $0x200, s16;
	s17 =	smov.u32 s14;
	s14 =	sadd.s32 $0x40, s14  }
0xa9: {  	[tilespmem:s0+$0xFFFFFF40] =	vst v39;
	v39 =	vperm.xlane v17, v10;
	v36 =	vmul.f32 v36, v30;
	v41 =	vld [tilespmem:s0+$0xA0]  }
0xaa: {  	v27 =	vmul.f32 v27, v34;
	v34 =	vmul.f32 v37, v35;
	v35 =	vld [tilespmem:s0+$0x70];
	[tilespmem:s0+$0xE0] =	vst v31  }
0xab: {  	v31 =	vperm.xlane v17, v5;
	v37 =	vld [tilespmem:s0+$0xFFFFFFE0];
	v32 =	vmul.f32 v32, v28;
	[tilespmem:s0+$0xC0] =	vst v38  }
0xac: {  	v29 =	vmul.f32 v29, v33;
	[tilespmem:s0+$0xFFFFFF10] =	vst v27;
	v27 =	vperm.xlane v17, v6;
	v38 =	vld [tilespmem:s0+$0x40]  }
0xad: {  	v42 =	vperm.xlane v17, v11;
	v22 =	vmul.f32 v22, v31;
	v33 =	vld [tilespmem:s0+$0xFFFFFF20];
	[tilespmem:s0+$0x90] =	vst v36  }
0xae: {  	[tilespmem:s0+$0xFFFFFF50] =	vst v34;
	v34 =	vperm.xlane v17, v9;
	v36 =	vld [tilespmem:s0+$0x20];
	v28 =	vmul.f32 v41, v28  }
0xaf: {  	v31 =	vmul.f32 v40, v31;
	v40 =	vld [tilespmem:s0+$0x50];
	v35 =	vmul.f32 v35, v42;
	[tilespmem:s0+$0xD0] =	vst v29  }
0xb0: {  	v24 =	vmul.f32 v24, v30;
	v29 =	vperm.xlane v17, v7;
	v41 =	vld [tilespmem:s0+$0x30];
	[tilespmem:s0+$0xA0] =	vst v28  }
0xb1: {  	v25 =	vmul.f32 v25, v27;
	v28 =	vperm.xlane v17, v3;
	v30 =	vld [tilespmem:s0+$0x0];
	[tilespmem:s0+$0x70] =	vst v35  }
0xb2: {  	v26 =	vmul.f32 v26, v42;
	v23 =	vmul.f32 v23, v27;
	v27 =	vld [tilespmem:s0+$0x10];
	[tilespmem:s0+$0x80] =	vst v24  }
0xb3: {  	v35 =	vperm.xlane v17, v8;
	v38 =	vmul.f32 v38, v39;
	v24 =	vld [tilespmem:s0+$0xFFFFFF30];
	[tilespmem:s0+$0xB0] =	vst v32  }
0xb4: {  	v32 =	vperm.xlane v17, v1;
	v42 =	vld [tilespmem:s0+$0xFFFFFF70];
	[tilespmem:s0+$0xFFFFFFD0] =	vst v23;
	v39 =	vmul.f32 v40, v39  }
0xb5: {  	v19 =	vmul.f32 v19, v29;
	v23 =	vmul.f32 v37, v29;
	[tilespmem:s0+$0xFFFFFFC0] =	vst v25;
	v25 =	vld [tilespmem:s0+$0xF0]  }
0xb6: {  	v37 =	vmul.f32 v41, v34;
	v29 =	vld [tilespmem:s0+$0xFFFFFF80];
	[tilespmem:s0+$0xFFFFFFA0] =	vst v22;
	v30 =	vmul.f32 v30, v35  }
0xb7: {  	v22 =	vld [tilespmem:s16+$0xFFFFFFA0];
	[tilespmem:s0+$0xFFFFFFF0] =	vst v19;
	v35 =	vmul.f32 v27, v35;
	v27 =	vmul.f32 v36, v34  }
0xb8: {  	v19 =	vmul.f32 v33, v32;
	v32 =	vmul.f32 v24, v32;
	[tilespmem:s0+$0x60] =	vst v26  }
0xb9: {  	v16 =	vmul.f32 v16, v28;
	v24 =	vmul.f32 v42, v28;
	[tilespmem:s0+$0xFFFFFFB0] =	vst v31  }
0xba: {  	v17 =	vperm.xlane v17, v4;
	[tilespmem:s0+$0xFFFFFF20] =	vst v19;
	v19 =	vmul.f32 v25, v21  }
0xbb: {  	[tilespmem:s0+$0xFFFFFF60] =	vst v16  }
0xbc: {  	v21 =	vmul.f32 v29, v17;
	v16 =	vmul.f32 v18, v17;
	[tilespmem:s0+$0x40] =	vst v38  }
0xbd: {  	[tilespmem:s0+$0xFFFFFFE0] =	vst v23  }
0xbe: {  	[tilespmem:s0+$0xF0] =	vst v19  }
0xbf: {  	[tilespmem:s0+$0xFFFFFF90] =	vst v16  }
0xc0: {  	[tilespmem:s0+$0xFFFFFF70] =	vst v24  }
0xc1: {  	v19 =	vld [tilespmem:s16+$0xFFFFFFF0];
	[tilespmem:s0+$0x20] =	vst v27  }
0xc2: {  	v16 =	vld [tilespmem:s16+$0xFFFFFF60];
	[tilespmem:s0+$0x30] =	vst v37  }
0xc3: {  	v23 =	vld [tilespmem:s16+$0xFFFFFFD0];
	[tilespmem:s0+$0xFFFFFF80] =	vst v21  }
0xc4: {  	v24 =	vld [tilespmem:s16+$0x80];
	[tilespmem:s0+$0x50] =	vst v39  }
0xc5: {  	v27 =	vld [tilespmem:s16+$0xFFFFFF10];
	[tilespmem:s0+$0x0] =	vst v30  }
0xc6: {  	v31 =	vld [tilespmem:s16+$0xE0];
	[tilespmem:s0+$0xFFFFFF30] =	vst v32  }
0xc7: {  	s17 =	sshra.s32 s17, $0x2;
	v26 =	vld [tilespmem:s16+$0xFFFFFF40];
	[tilespmem:s0+$0x10] =	vst v35;
	s0 =	smov.u32 s16  }
0xc8: {  	v17 =	vld.idx.msk [tilespmem:v20+s17+$0x0 ss:$0x1], $0xffff  }
0xc9: {  	v18 =	vld [tilespmem:s16+$0xFFFFFF90]  }
0xca: {  	v25 =	vld [tilespmem:s16+$0xFFFFFFC0]  }
0xcb: {  	v28 =	vld [tilespmem:s16+$0xFFFFFF00]  }
0xcc: {  	v29 =	vld [tilespmem:s16+$0xD0]  }
.Ltmp1:
0xcd: {  	v38 =	vld [tilespmem:s16+$0xC0];
	(pc) =	sbr.rel @p1 .LBB2_5-.Ltmp1, $4  }
0xce: {  	v34 =	vperm.xlane v17, v0;
	v21 =	vperm.xlane v17, v15;
	v36 =	vld [tilespmem:s16+$0x90]  }
0xcf: {  	v35 =	vperm.xlane v17, v2;
	v33 =	vperm.xlane v17, v14;
	v37 =	vld [tilespmem:s16+$0xFFFFFF50]  }
0xd0: {  	v40 =	vmul.f32 v28, v34;
	v28 =	vperm.xlane v17, v13;
	v32 =	vld [tilespmem:s16+$0xB0]  }
0xd1: {  	v30 =	vperm.xlane v17, v12;
	v39 =	vmul.f32 v26, v35;
	v26 =	vld [tilespmem:s16+$0x60]  }
0xd2: {  	[tilespmem:s0+$0xFFFFFF00] =	vst v40;
	v20 =	vmul.f32 v31, v21  }
0xd3: {  	v52 =	vmul.f32 v38, v33;
	[tilespmem:s0+$0xFFFFFF40] =	vst v39  }
0xd4: {  	v27 =	vmul.f32 v27, v34;
	[tilespmem:s0+$0xE0] =	vst v20  }
0xd5: {  	v57 =	vmul.f32 v29, v33;
	[tilespmem:s0+$0xC0] =	vst v52  }
0xd6: {  	v55 =	vmul.f32 v36, v30;
	[tilespmem:s0+$0xFFFFFF10] =	vst v27  }
0xd7: {  	v63 =	vperm.xlane v17, v6;
	v24 =	vmul.f32 v24, v30;
	[tilespmem:s0+$0xD0] =	vst v57  }
0xd8: {  	v35 =	vmul.f32 v37, v35;
	[tilespmem:s0+$0x90] =	vst v55  }
0xd9: {  	v43 =	vperm.xlane v17, v5;
	v23 =	vmul.f32 v23, v63;
	[tilespmem:s0+$0x80] =	vst v24  }
0xda: {  	v45 =	vperm.xlane v17, v7;
	v25 =	vmul.f32 v25, v63;
	[tilespmem:s0+$0xFFFFFF50] =	vst v35  }
0xdb: {  	v22 =	vmul.f32 v22, v43;
	[tilespmem:s0+$0xFFFFFFD0] =	vst v23  }
0xdc: {  	v53 =	vld [tilespmem:s0+$0xA0];
	v59 =	vperm.xlane v17, v11;
	v19 =	vmul.f32 v19, v45;
	[tilespmem:s0+$0xFFFFFFC0] =	vst v25  }
0xdd: {  	v54 =	vld [tilespmem:s0+$0x70];
	v52 =	vperm.xlane v17, v3;
	v41 =	vmul.f32 v32, v28;
	[tilespmem:s0+$0xFFFFFFA0] =	vst v22  }
0xde: {  	v56 =	vld [tilespmem:s0+$0xFFFFFFB0];
	v57 =	vperm.xlane v17, v4;
	v26 =	vmul.f32 v26, v59;
	[tilespmem:s0+$0xFFFFFFF0] =	vst v19  }
0xdf: {  	v58 =	vld [tilespmem:s0+$0xFFFFFF20];
	v16 =	vmul.f32 v16, v52;
	[tilespmem:s0+$0xB0] =	vst v41  }
0xe0: {  	v60 =	vld [tilespmem:s0+$0xFFFFFFE0];
	v18 =	vmul.f32 v18, v57;
	[tilespmem:s0+$0x60] =	vst v26  }
0xe1: {  	v47 =	vld [tilespmem:s0+$0xFFFFFF70];
	v61 =	vmul.f32 v53, v28;
	[tilespmem:s0+$0xFFFFFF60] =	vst v16  }
0xe2: {  	v62 =	vld [tilespmem:s0+$0x40];
	v50 =	vperm.xlane v17, v1;
	v34 =	vmul.f32 v54, v59;
	[tilespmem:s0+$0xFFFFFF90] =	vst v18  }
0xe3: {  	v44 =	vld [tilespmem:s0+$0x30];
	v51 =	vmul.f32 v56, v43;
	[tilespmem:s0+$0xA0] =	vst v61  }
0xe4: {  	v53 =	vld [tilespmem:s0+$0xF0];
	v29 =	vmul.f32 v58, v50;
	[tilespmem:s0+$0x70] =	vst v34  }
0xe5: {  	v48 =	vld [tilespmem:s0+$0xFFFFFF80];
	v54 =	vperm.xlane v17, v10;
	v20 =	vmul.f32 v60, v45;
	[tilespmem:s0+$0xFFFFFFB0] =	vst v51  }
0xe6: {  	v42 =	vld [tilespmem:s0+$0x20];
	v58 =	vperm.xlane v17, v9;
	v59 =	vmul.f32 v47, v52;
	[tilespmem:s0+$0xFFFFFF20] =	vst v29  }
0xe7: {  	v46 =	vld [tilespmem:s0+$0x0];
	v56 =	vmul.f32 v62, v54;
	[tilespmem:s0+$0xFFFFFFE0] =	vst v20  }
0xe8: {  	v40 =	vld [tilespmem:s0+$0x50];
	v60 =	vmul.f32 v44, v58;
	[tilespmem:s0+$0xFFFFFF70] =	vst v59  }
0xe9: {  	v55 =	vld [tilespmem:s0+$0xFFFFFF30];
	[tilespmem:s0+$0x40] =	vst v56;
	v16 =	vmul.f32 v53, v21  }
0xea: {  	v49 =	vld [tilespmem:s0+$0x10];
	v17 =	vperm.xlane v17, v8;
	v61 =	vmul.f32 v48, v57;
	[tilespmem:s0+$0x30] =	vst v60  }
0xeb: {  	[tilespmem:s0+$0xF0] =	vst v16;
	v16 =	vmul.f32 v42, v58  }
0xec: {  	v62 =	vmul.f32 v46, v17;
	[tilespmem:s0+$0xFFFFFF80] =	vst v61  }
0xed: {  	[tilespmem:s0+$0x20] =	vst v16;
	v16 =	vmul.f32 v40, v54  }
0xee: {  	v63 =	vmul.f32 v55, v50;
	[tilespmem:s0+$0x0] =	vst v62  }
0xef: {  	[tilespmem:s0+$0x50] =	vst v16;
	v16 =	vmul.f32 v49, v17  }
0xf0: {  	s1 =	sshra.s32 s1, $0x2;
	[tilespmem:s0+$0xFFFFFF30] =	vst v63  }
0xf1: {  	s16 =	sadd.s32 $0x2710, s1;
	[tilespmem:s0+$0x10] =	vst v16  }
0xf2: {  	[spmem:s2] =	stream.indirect.scatter.add.f32 [tilespmem:s20], [sflag:$0x2], $0x20, s16, s18, $0xb8;
	[tilespmem:$0x17750] =	vst v63  }
0xf3: {  	_ =	swait.ge [sflag:s23], $0x3200  }
0xf4: {  	p1 =	seq.s32 s30, $0xB;
	[sflag:s23] =	ssyncset.done $0x0  }
.Ltmp2:
0xf5: {  	s17 =	sadd.s32 $0x320, s31;
	[sflag:s23] =	ssyncadd.s32 $0xFFFFCE00;
	(pc) =	sbr.rel @p1 .LBB2_8-.Ltmp2, $4  }
0xf6: {  	[tilespmem:s19], [sflag:$0x3] =	stream.indirect.gather [hbm4b:s4+s18], $0x20, s17, s18, $0xb8;
	[tilespmem:$0x17750] =	vst v63  }
0xf7: {  	_ =	swait.ge [sflag:s24], $0x3200  }
0xf8: {  	[sflag:s24] =	ssyncset.done $0x0  }
0xf9: {  	[sflag:s24] =	ssyncadd.s32 $0xFFFFCE00  }
.Ltmp3:
0xfa: {  	(pc) =	sbr.rel .LBB2_2-.Ltmp3, $4  }
0xfb: {  	_ = 	snop  }
0xfc: {  	s0 =	sadd.s32 $0x4B0, s31  }
0xfd: {  	s30 =	sadd.s32 $0x1, s30;
	s29 =	sadd.s32 $0x320, s29;
	s28 =	sadd.s32 $0x320, s28  }
0xfe: {  	[tilespmem:s20], [sflag:$0x4] =	stream.indirect.gather [hbm4b:s4+s18], $0x20, s0, s18, $0xb8;
	[tilespmem:$0x17750] =	vst v63  }
.LBB2_8:
0xff: {  	_ =	swait.ge [sflag:s21], $0x3200  }
0x100: {  	[sflag:s21] =	ssyncset.done $0x0  }
0x101: {  	s0 =	simm.s32 $0x7630;
	[sflag:s21] =	ssyncadd.s32 $0xFFFFCE00  }
0x102: {  	v21 =	vld [tilespmem:s0+$0xFFFFFFA0]  }
0x103: {  	v19 =	vld [tilespmem:s0+$0xFFFFFFF0]  }
0x104: {  	v16 =	vld [tilespmem:s0+$0xFFFFFF60]  }
0x105: {  	v22 =	vld [tilespmem:s0+$0xFFFFFFD0]  }
0x106: {  	v23 =	vld [tilespmem:s0+$0x80]  }
0x107: {  	v26 =	vld [tilespmem:s0+$0xFFFFFF10]  }
0x108: {  	v30 =	vld [tilespmem:s0+$0xE0]  }
0x109: {  	v25 =	vld [tilespmem:s0+$0xFFFFFF40]  }
0x10a: {  	s1 =	simm.s32 $0x0;
	v17 =	vld [tilespmem:s0+$0xFFFFFF90]  }
0x10b: {  	v18 =	vld [tilespmem:s1+$0x73A0]  }
0x10c: {  	v24 =	vld [tilespmem:s0+$0xFFFFFFC0]  }
0x10d: {  	v27 =	vld [tilespmem:s0+$0xFFFFFF00]  }
0x10e: {  	v28 =	vld [tilespmem:s0+$0xD0]  }
0x10f: {  	v37 =	vld [tilespmem:s0+$0xC0]  }
0x110: {  	v35 =	vld [tilespmem:s0+$0x90];
	v33 =	vperm.xlane v18, v0;
	v20 =	vperm.xlane v18, v15  }
0x111: {  	v36 =	vld [tilespmem:s0+$0xFFFFFF50];
	v34 =	vperm.xlane v18, v2;
	v32 =	vperm.xlane v18, v14  }
0x112: {  	v31 =	vld [tilespmem:s0+$0xB0];
	v29 =	vperm.xlane v18, v12;
	v39 =	vmul.f32 v27, v33  }
0x113: {  	s14 =	simm.s32 $0x7630;
	s1 =	simm.s32 $0x40;
	v27 =	vperm.xlane v18, v13;
	v38 =	vmul.f32 v25, v34;
	v25 =	vld [tilespmem:s0+$0x60]  }
.LBB2_9:
0x114: {  	p1 =	sne.s32 s1, $0x600  }
0x115: {  	[tilespmem:s0+$0xFFFFFF00] =	vst v39;
	v39 =	vld [tilespmem:s0+$0xFFFFFFB0];
	v37 =	vmul.f32 v37, v32;
	v30 =	vmul.f32 v30, v20;
	s14 =	sadd.s32 $0x200, s14;
	s16 =	smov.u32 s1;
	s1 =	sadd.s32 $0x40, s1  }
0x116: {  	[tilespmem:s0+$0xFFFFFF40] =	vst v38;
	v38 =	vperm.xlane v18, v10;
	v35 =	vmul.f32 v35, v29;
	v40 =	vld [tilespmem:s0+$0xA0]  }
0x117: {  	v26 =	vmul.f32 v26, v33;
	v33 =	vmul.f32 v36, v34;
	v34 =	vld [tilespmem:s0+$0x70];
	[tilespmem:s0+$0xE0] =	vst v30  }
0x118: {  	v30 =	vperm.xlane v18, v5;
	v36 =	vld [tilespmem:s0+$0xFFFFFFE0];
	v31 =	vmul.f32 v31, v27;
	[tilespmem:s0+$0xC0] =	vst v37  }
0x119: {  	v28 =	vmul.f32 v28, v32;
	[tilespmem:s0+$0xFFFFFF10] =	vst v26;
	v26 =	vperm.xlane v18, v6;
	v37 =	vld [tilespmem:s0+$0x40]  }
0x11a: {  	v41 =	vperm.xlane v18, v11;
	v21 =	vmul.f32 v21, v30;
	v32 =	vld [tilespmem:s0+$0xFFFFFF20];
	[tilespmem:s0+$0x90] =	vst v35  }
0x11b: {  	[tilespmem:s0+$0xFFFFFF50] =	vst v33;
	v33 =	vperm.xlane v18, v9;
	v35 =	vld [tilespmem:s0+$0x20];
	v27 =	vmul.f32 v40, v27  }
0x11c: {  	v30 =	vmul.f32 v39, v30;
	v39 =	vld [tilespmem:s0+$0x50];
	v34 =	vmul.f32 v34, v41;
	[tilespmem:s0+$0xD0] =	vst v28  }
0x11d: {  	v23 =	vmul.f32 v23, v29;
	v28 =	vperm.xlane v18, v7;
	v40 =	vld [tilespmem:s0+$0x30];
	[tilespmem:s0+$0xA0] =	vst v27  }
0x11e: {  	v24 =	vmul.f32 v24, v26;
	v27 =	vperm.xlane v18, v3;
	v29 =	vld [tilespmem:s0+$0x0];
	[tilespmem:s0+$0x70] =	vst v34  }
0x11f: {  	v25 =	vmul.f32 v25, v41;
	v22 =	vmul.f32 v22, v26;
	v26 =	vld [tilespmem:s0+$0x10];
	[tilespmem:s0+$0x80] =	vst v23  }
0x120: {  	v34 =	vperm.xlane v18, v8;
	v37 =	vmul.f32 v37, v38;
	v23 =	vld [tilespmem:s0+$0xFFFFFF30];
	[tilespmem:s0+$0xB0] =	vst v31  }
0x121: {  	v31 =	vperm.xlane v18, v1;
	v41 =	vld [tilespmem:s0+$0xFFFFFF70];
	[tilespmem:s0+$0xFFFFFFD0] =	vst v22;
	v38 =	vmul.f32 v39, v38  }
0x122: {  	v19 =	vmul.f32 v19, v28;
	v22 =	vmul.f32 v36, v28;
	[tilespmem:s0+$0xFFFFFFC0] =	vst v24;
	v24 =	vld [tilespmem:s0+$0xF0]  }
0x123: {  	v36 =	vmul.f32 v40, v33;
	v28 =	vld [tilespmem:s0+$0xFFFFFF80];
	[tilespmem:s0+$0xFFFFFFA0] =	vst v21;
	v29 =	vmul.f32 v29, v34  }
0x124: {  	v21 =	vld [tilespmem:s14+$0xFFFFFFA0];
	[tilespmem:s0+$0xFFFFFFF0] =	vst v19;
	v34 =	vmul.f32 v26, v34;
	v26 =	vmul.f32 v35, v33  }
0x125: {  	v19 =	vmul.f32 v32, v31;
	v31 =	vmul.f32 v23, v31;
	[tilespmem:s0+$0x60] =	vst v25  }
0x126: {  	v16 =	vmul.f32 v16, v27;
	v23 =	vmul.f32 v41, v27;
	[tilespmem:s0+$0xFFFFFFB0] =	vst v30  }
0x127: {  	v18 =	vperm.xlane v18, v4;
	[tilespmem:s0+$0xFFFFFF20] =	vst v19;
	v19 =	vmul.f32 v24, v20  }
0x128: {  	[tilespmem:s0+$0xFFFFFF60] =	vst v16  }
0x129: {  	v20 =	vmul.f32 v28, v18;
	v16 =	vmul.f32 v17, v18;
	[tilespmem:s0+$0x40] =	vst v37  }
0x12a: {  	[tilespmem:s0+$0xFFFFFFE0] =	vst v22  }
0x12b: {  	[tilespmem:s0+$0xF0] =	vst v19  }
0x12c: {  	[tilespmem:s0+$0xFFFFFF90] =	vst v16  }
0x12d: {  	v19 =	vld [tilespmem:s14+$0xFFFFFFF0];
	[tilespmem:s0+$0xFFFFFF70] =	vst v23  }
0x12e: {  	v16 =	vld [tilespmem:s14+$0xFFFFFF60];
	[tilespmem:s0+$0x20] =	vst v26  }
0x12f: {  	v22 =	vld [tilespmem:s14+$0xFFFFFFD0];
	[tilespmem:s0+$0x30] =	vst v36  }
0x130: {  	v23 =	vld [tilespmem:s14+$0x80];
	[tilespmem:s0+$0xFFFFFF80] =	vst v20  }
0x131: {  	v26 =	vld [tilespmem:s14+$0xFFFFFF10];
	[tilespmem:s0+$0x50] =	vst v38  }
0x132: {  	v30 =	vld [tilespmem:s14+$0xE0];
	[tilespmem:s0+$0x0] =	vst v29  }
0x133: {  	v25 =	vld [tilespmem:s14+$0xFFFFFF40];
	[tilespmem:s0+$0xFFFFFF30] =	vst v31  }
0x134: {  	s16 =	sshra.s32 s16, $0x2;
	v17 =	vld [tilespmem:s14+$0xFFFFFF90];
	[tilespmem:s0+$0x10] =	vst v34;
	s0 =	smov.u32 s14  }
0x135: {  	v18 =	vld [tilespmem:s16+$0x73A0]  }
0x136: {  	v24 =	vld [tilespmem:s14+$0xFFFFFFC0]  }
0x137: {  	v27 =	vld [tilespmem:s14+$0xFFFFFF00]  }
0x138: {  	v28 =	vld [tilespmem:s14+$0xD0]  }
.Ltmp4:
0x139: {  	v37 =	vld [tilespmem:s14+$0xC0];
	(pc) =	sbr.rel @p1 .LBB2_9-.Ltmp4, $4  }
0x13a: {  	v33 =	vperm.xlane v18, v0;
	v35 =	vld [tilespmem:s14+$0x90];
	v20 =	vperm.xlane v18, v15  }
0x13b: {  	v34 =	vperm.xlane v18, v2;
	v32 =	vperm.xlane v18, v14;
	v36 =	vld [tilespmem:s14+$0xFFFFFF50]  }
0x13c: {  	v39 =	vmul.f32 v27, v33;
	v27 =	vperm.xlane v18, v13;
	v31 =	vld [tilespmem:s14+$0xB0]  }
0x13d: {  	v29 =	vperm.xlane v18, v12;
	v38 =	vmul.f32 v25, v34;
	v25 =	vld [tilespmem:s14+$0x60]  }
0x13e: {  	[tilespmem:s0+$0xFFFFFF00] =	vst v39;
	v30 =	vmul.f32 v30, v20  }
0x13f: {  	v37 =	vmul.f32 v37, v32;
	[tilespmem:s0+$0xFFFFFF40] =	vst v38  }
0x140: {  	v26 =	vmul.f32 v26, v33;
	[tilespmem:s0+$0xE0] =	vst v30  }
0x141: {  	v58 =	vmul.f32 v28, v32;
	[tilespmem:s0+$0xC0] =	vst v37  }
0x142: {  	v56 =	vmul.f32 v35, v29;
	[tilespmem:s0+$0xFFFFFF10] =	vst v26  }
0x143: {  	v40 =	vperm.xlane v18, v6;
	v23 =	vmul.f32 v23, v29;
	[tilespmem:s0+$0xD0] =	vst v58  }
0x144: {  	v34 =	vmul.f32 v36, v34;
	[tilespmem:s0+$0x90] =	vst v56  }
0x145: {  	v44 =	vperm.xlane v18, v5;
	v22 =	vmul.f32 v22, v40;
	[tilespmem:s0+$0x80] =	vst v23  }
0x146: {  	v46 =	vperm.xlane v18, v7;
	v24 =	vmul.f32 v24, v40;
	[tilespmem:s0+$0xFFFFFF50] =	vst v34  }
0x147: {  	v53 =	vperm.xlane v18, v3;
	v21 =	vmul.f32 v21, v44;
	[tilespmem:s0+$0xFFFFFFD0] =	vst v22  }
0x148: {  	v54 =	vld [tilespmem:s0+$0xA0];
	v19 =	vmul.f32 v19, v46;
	[tilespmem:s0+$0xFFFFFFC0] =	vst v24  }
0x149: {  	v55 =	vld [tilespmem:s0+$0x70];
	v60 =	vperm.xlane v18, v11;
	v16 =	vmul.f32 v16, v53;
	[tilespmem:s0+$0xFFFFFFA0] =	vst v21  }
0x14a: {  	v57 =	vld [tilespmem:s0+$0xFFFFFFB0];
	v58 =	vperm.xlane v18, v4;
	v42 =	vmul.f32 v31, v27;
	[tilespmem:s0+$0xFFFFFFF0] =	vst v19  }
0x14b: {  	v59 =	vld [tilespmem:s0+$0xFFFFFF20];
	v25 =	vmul.f32 v25, v60;
	[tilespmem:s0+$0xFFFFFF60] =	vst v16  }
0x14c: {  	v61 =	vld [tilespmem:s0+$0xFFFFFFE0];
	v17 =	vmul.f32 v17, v58;
	[tilespmem:s0+$0xB0] =	vst v42  }
0x14d: {  	v48 =	vld [tilespmem:s0+$0xFFFFFF70];
	v62 =	vmul.f32 v54, v27;
	[tilespmem:s0+$0x60] =	vst v25  }
0x14e: {  	v63 =	vld [tilespmem:s0+$0x40];
	v51 =	vperm.xlane v18, v1;
	v33 =	vmul.f32 v55, v60;
	[tilespmem:s0+$0xFFFFFF90] =	vst v17  }
0x14f: {  	v45 =	vld [tilespmem:s0+$0x30];
	v52 =	vmul.f32 v57, v44;
	[tilespmem:s0+$0xA0] =	vst v62  }
0x150: {  	v54 =	vld [tilespmem:s0+$0xF0];
	v28 =	vmul.f32 v59, v51;
	[tilespmem:s0+$0x70] =	vst v33  }
0x151: {  	v49 =	vld [tilespmem:s0+$0xFFFFFF80];
	v55 =	vperm.xlane v18, v10;
	v23 =	vmul.f32 v61, v46;
	[tilespmem:s0+$0xFFFFFFB0] =	vst v52  }
0x152: {  	v43 =	vld [tilespmem:s0+$0x20];
	v59 =	vperm.xlane v18, v9;
	v60 =	vmul.f32 v48, v53;
	[tilespmem:s0+$0xFFFFFF20] =	vst v28  }
0x153: {  	v56 =	vld [tilespmem:s0+$0xFFFFFF30];
	v57 =	vmul.f32 v63, v55;
	[tilespmem:s0+$0xFFFFFFE0] =	vst v23  }
0x154: {  	v41 =	vld [tilespmem:s0+$0x50];
	v17 =	vmul.f32 v45, v59;
	[tilespmem:s0+$0xFFFFFF70] =	vst v60  }
0x155: {  	v47 =	vld [tilespmem:s0+$0x0];
	[tilespmem:s0+$0x40] =	vst v57;
	v16 =	vmul.f32 v54, v20  }
0x156: {  	v50 =	vld [tilespmem:s0+$0x10];
	v62 =	vmul.f32 v49, v58;
	[tilespmem:s0+$0x30] =	vst v17  }
0x157: {  	[tilespmem:s0+$0xF0] =	vst v16;
	v16 =	vmul.f32 v43, v59  }
0x158: {  	v61 =	vperm.xlane v18, v8;
	v63 =	vmul.f32 v56, v51;
	[tilespmem:s0+$0xFFFFFF80] =	vst v62  }
0x159: {  	[tilespmem:s0+$0x20] =	vst v16;
	v16 =	vmul.f32 v41, v55  }
0x15a: {  	v17 =	vmul.f32 v47, v61;
	[tilespmem:s0+$0xFFFFFF30] =	vst v63  }
0x15b: {  	[tilespmem:s0+$0x50] =	vst v16;
	v16 =	vmul.f32 v50, v61  }
0x15c: {  	[tilespmem:s0+$0x0] =	vst v17  }
0x15d: {  	[tilespmem:s0+$0x10] =	vst v16  }
0x15e: {  	[spmem:s2] =	stream.indirect.scatter.add.f32 [tilespmem:s19], [sflag:$0x1], $0x20, s25, s18, $0xb8;
	[tilespmem:$0x17750] =	vst v63  }
0x15f: {  	_ =	swait.ge [sflag:s23], $0x3200  }
0x160: {  	[sflag:s23] =	ssyncset.done $0x0  }
0x161: {  	[sflag:s23] =	ssyncadd.s32 $0xFFFFCE00  }
0x162: {  	s1 =	simm.s32 @p0 $0x5;
	s0 =	simm.s32 @p0 $0xD930;
	[bflag:$0x0] =	sbarrier.arrive $0xFFFF  }
0x163: {  	[tilespmem:s0], [sflag:$0x5] =	stream.linear.gather @p0 [spmem:s10], $0x3200, $0x38;
	[tilespmem:$0x17750] =	vst v63  }
0x164: {  	_ =	swait.ge @p0 [sflag:s1], $0x3200  }
0x165: {  	[sflag:s1] =	ssyncset.done @p0 $0x0  }
0x166: {  	s14 =	simm.s32 @p0 $0x0;
	[sflag:s1] =	ssyncadd.s32 @p0 $0xFFFFCE00  }
0x167: {  	[hbm4b:s12+s14] =	stream.linear.scatter @p0 [tilespmem:s0], [sflag:$0x5], $0x3200, $0x38;
	[tilespmem:$0x17750] =	vst v63  }
0x168: {  	_ =	swait.ge @p0 [sflag:s1], $0x3200  }
0x169: {  	[sflag:s1] =	ssyncset.done @p0 $0x0  }
0x16a: {  	s0 =	simm.s32 @!p0 $0xD930;
	[sflag:s1] =	ssyncadd.s32 @p0 $0xFFFFCE00;
	s1 =	simm.s32 @!p0 $0x5  }
0x16b: {  	[tilespmem:s0], [sflag:$0x5] =	stream.linear.gather @!p0 [spmem:s9], $0x5000, $0x38;
	[tilespmem:$0x17750] =	vst v63  }
0x16c: {  	s26 =	sadd.s32 $0x1, s26;
	_ =	swait.ge @!p0 [sflag:s1], $0x5000  }
0x16d: {  	p1 =	sne.s32 s26, s13;
	[sflag:s1] =	ssyncset.done @!p0 $0x0  }
.Ltmp5:
0x16e: {  	s14 =	simm.s32 @!p0 $0x0;
	[sflag:s1] =	ssyncadd.s32 @!p0 $0xFFFFB000;
	(pc) =	sbr.rel @p1 .LBB2_1-.Ltmp5, $4  }
0x16f: {  	[hbm4b:s11+s14] =	stream.linear.scatter @!p0 [tilespmem:s0], [sflag:$0x5], $0x5000, $0x38;
	[tilespmem:$0x17750] =	vst v63  }
0x170: {  	_ =	swait.ge @!p0 [sflag:s1], $0x5000  }
0x171: {  	[sflag:s1] =	ssyncset.done @!p0 $0x0  }
0x172: {  	[sflag:s1] =	ssyncadd.s32 @!p0 $0xFFFFB000  }
0x173: {  	_ =	sfence.sel $0x180000  }
0x174: {  	[bflag:$0x0] =	sbarrier.arrive $0xFFFF  }
0x175: {  	_ =	strace $0x9000004A  }
0x176: {  	s0 =	stileid.u32;
	[bflag:$0x2] =	sbarrier.arrive $0xFFFF  }
0x177: {  	p0 =	sne.s32 s0, $0x0;
	s0 =	rddreg [dreg:$0x3]  }
0x178: {  	s0 =	sadd.s32 @!p0 $0x100000, s0  }
0x179: {  	[sflag:s0] =	ssyncadd.tile.s32 @!p0 $0x1;
	_ =	shalt  }
.Lfunc_end2:
_tile_overlayer_lowered:
.L_overlay_start_2:
0x17a: {  	(tag) =	ssettag $0x2  }
0x17b: {  	s0 =	rddreg [dreg:$0x0];
	s2 =	stileid.u32  }
0x17c: {  	s1 =	rddreg [dreg:$0x1];
	p0 =	sne.s32 s2, $0x0  }
0x17d: {  	s3 =	rddreg [dreg:$0x2];
	[bflag:$0x3] =	sbarrier.arrive $0xFFFF;
	s2 =	simm.s32 @!p0 $0x1C05  }
0x17e: {  	[timem:s3], [sflag:s2] =	dma.local @!p0 [hbm:s0], s1  }
0x17f: {  	s0 =	simm.s32 @!p0 $0x5  }
0x180: {  	_ =	swait.ge @!p0 [sflag:s0], s1  }
0x181: {  	s1 =	ssub.s32 @!p0 $0x0, s1;
	[sflag:s0] =	ssyncset.done @!p0 $0x0  }
0x182: {  	[sflag:s0] =	ssyncadd.s32 @!p0 s1  }
0x183: {  	[bflag:$0x3] =	sbarrier.arrive $0xFFFF  }
0x184: {  	_ =	shalt  }

// kernel: kernel.7.cloned.1.call-start
scs
__scs_entry_jumppad:
0x0: {  	(pc) =	sbr.rel $0x88, $3  }
0x1: {  	(tag) =	ssettag $0x0;
	lr =	simm.s32 $0x1  }
0x2: {  	[smem:$0x3F95] =	sst lr;
	_ =	strace $0xD0000000  }
0x3: {  	_ = 	snop  }
0x4: {  	_ = 	snop  }
0x5: {  	_ = 	snop  }
0x6: {  	_ = 	snop  }
0x7: {  	_ = 	snop  }
__scs_overlays_trampoline_lowered:
0x8: {  	[smem:$0x3FA4] =	sst s0  }
0x9: {  	[smem:$0x3FA5] =	sst s1  }
0xa: {  	[smem:$0x3FA6] =	sst s2  }
0xb: {  	[smem:$0x3FA7] =	sst s3  }
0xc: {  	[smem:$0x3FA8] =	sst s4  }
0xd: {  	[smem:$0x3FA9] =	sst s5  }
0xe: {  	[smem:$0x3FAA] =	sst s6  }
0xf: {  	[smem:$0x3FAB] =	sst s7  }
0x10: {  	[smem:$0x3FAC] =	sst s8  }
0x11: {  	[smem:$0x3FAD] =	sst s9;
	s0 =	simm.s32 @!p0 $0x0  }
0x12: {  	s1 =	sld [smem:$0x3F93];
	s0 =	simm.s32 @p0 $0x1  }
0x13: {  	[smem:$0x3FAE] =	sst s0;
	s0 =	simm.s32 @!p1 $0x0  }
0x14: {  	s2 =	sld [smem:$0x3F92];
	s0 =	simm.s32 @p1 $0x1  }
0x15: {  	[smem:$0x3FAF] =	sst s0;
	s0 =	simm.s32 @!p2 $0x0  }
0x16: {  	s3 =	sld [smem:$0x3FDB];
	s0 =	simm.s32 @p2 $0x1  }
0x17: {  	s4 =	simm.s32 $0x1BF5;
	[smem:$0x3FB1] =	sst s0  }
0x18: {  	s0 =	sld [smem:$0x3F94];
	_ =	swait.ge [sflag:s4], $0x0  }
0x19: {  	s7 =	sld [smem:$0x3F95]  }
0x1a: {  	s8 =	sadd.s32 $0xFFFFE003, lr  }
0x1b: {  	s9 =	sadd.s32 $0xFFFFFEF7, lr;
	s5 =	simm.s32 $0xFFFFFFFF;
	p2 =	slt.u32 s8, $0xFFFFF086  }
0x1c: {  	p1 =	slt.u32 s9, $0xF7A;
	s5 =	simm.s32 @!p2 $0x0  }
0x1d: {  	s5 =	simm.s32 @p1 $0x1;
	p0 =	seq.s32 s7, s2  }
0x1e: {  	s7 =	smul.u32 @!p0 $0xF7A, s2;
	p2 =	seq.s32 @!p0 s5, $0x0  }
0x1f: {  	s9 =	smul.u32 $0xF7A, s1;
	s8 =	simm.s32 @!p0 $0x1BF5;
	p2 =	por !p2, p0  }
0x20: {  	[sflag:s8] =	ssyncset.s32 @!p0 $0xFFFFF086;
	s6 =	sadd.s32 @!p0 s3, s7;
	s7 =	simm.s32 @!p0 $0x108  }
0x21: {  	s3 =	sadd.s32 s3, s9;
	s6 =	sadd.s32 @!p0 $0x88, s6;
	s7 =	simm.s32 @p2 $0x1082  }
0x22: {  	[simem:s7], [sflag:s8] =	dma.local @!p0 [hbm:s6], $0xF7A  }
0x23: {  	s9 =	sor.u32 $0xD0000000, s2;
	s6 =	simm.s32 $0x108;
	_ =	swait.ge @!p0 [sflag:s8], $0x0  }
0x24: {  	s3 =	sadd.s32 $0x88, s3;
	s6 =	simm.s32 @!p1 $0x1082;
	[sflag:s4] =	ssyncset.s32 $0xFFFFF086  }
0x25: {  	[simem:s6], [sflag:s4] =	dma.local [hbm:s3], $0xF7A  }
0x26: {  	[smem:$0x3F95] =	sst s1;
	(tag) =	ssettag s2;
	_ =	strace s9  }
0x27: {  	s1 =	sld [smem:$0x3FA5]  }
0x28: {  	s2 =	sld [smem:$0x3FA6]  }
0x29: {  	s4 =	sld [smem:$0x3FA8]  }
0x2a: {  	p0 =	seq.s32 s5, $0x0;
	s5 =	sld [smem:$0x3FA9]  }
0x2b: {  	s6 =	sld [smem:$0x3FAA]  }
0x2c: {  	s7 =	sld [smem:$0x3FAB]  }
0x2d: {  	s3 =	simm.s32 $0x108;
	s8 =	sld [smem:$0x3FAC]  }
0x2e: {  	s3 =	simm.s32 @!p0 $0x1082;
	s9 =	sld [smem:$0x3FAD]  }
0x2f: {  	lr =	sadd.s32 s0, s3;
	s0 =	sld [smem:$0x3FA4]  }
0x30: {  	s3 =	sld [smem:$0x3FA7]  }
0x31: {  	[smem:$0x3FB0] =	sst s10  }
0x32: {  	s10 =	sld [smem:$0x3FAE];
	_ =	sdelay $0x3  }
0x33: {  	p0 =	seq.s32 s10, $0x1;
	s10 =	sld [smem:$0x3FB0];
	_ =	sdelay $0x3  }
0x34: {  	[smem:$0x3FB0] =	sst s10  }
0x35: {  	s10 =	sld [smem:$0x3FAF];
	_ =	sdelay $0x3  }
0x36: {  	p1 =	seq.s32 s10, $0x1;
	s10 =	sld [smem:$0x3FB0];
	_ =	sdelay $0x3  }
0x37: {  	[smem:$0x3FB0] =	sst s10  }
0x38: {  	s10 =	sld [smem:$0x3FB1]  }
0x39: {  	_ = 	snop;
	(pc) =	sbr.ind lr, $3  }
0x3a: {  	_ = 	snop  }
0x3b: {  	_ = 	snop  }
0x3c: {  	p2 =	seq.s32 s10, $0x1;
	s10 =	sld [smem:$0x3FB0]  }
0x3d: {  	_ =	shalt  }
0x3e: {  	_ =	shalt  }
0x3f: {  	_ =	shalt  }
0x40: {  	_ =	shalt  }
0x41: {  	_ =	shalt  }
0x42: {  	_ =	shalt  }
0x43: {  	_ =	shalt  }
0x44: {  	_ =	shalt  }
0x45: {  	_ =	shalt  }
0x46: {  	_ =	shalt  }
0x47: {  	_ =	shalt  }
0x48: {  	_ =	shalt  }
0x49: {  	_ =	shalt  }
0x4a: {  	_ =	shalt  }
0x4b: {  	_ =	shalt  }
0x4c: {  	_ =	shalt  }
0x4d: {  	_ =	shalt  }
0x4e: {  	_ =	shalt  }
0x4f: {  	_ =	shalt  }
0x50: {  	_ =	shalt  }
0x51: {  	_ =	shalt  }
0x52: {  	_ =	shalt  }
0x53: {  	_ =	shalt  }
0x54: {  	_ =	shalt  }
0x55: {  	_ =	shalt  }
0x56: {  	_ =	shalt  }
0x57: {  	_ =	shalt  }
0x58: {  	_ =	shalt  }
0x59: {  	_ =	shalt  }
0x5a: {  	_ =	shalt  }
0x5b: {  	_ =	shalt  }
0x5c: {  	_ =	shalt  }
0x5d: {  	_ =	shalt  }
0x5e: {  	_ =	shalt  }
0x5f: {  	_ =	shalt  }
0x60: {  	_ =	shalt  }
0x61: {  	_ =	shalt  }
0x62: {  	_ =	shalt  }
0x63: {  	_ =	shalt  }
0x64: {  	_ =	shalt  }
0x65: {  	_ =	shalt  }
0x66: {  	_ =	shalt  }
0x67: {  	_ =	shalt  }
0x68: {  	_ =	shalt  }
0x69: {  	_ =	shalt  }
0x6a: {  	_ =	shalt  }
0x6b: {  	_ =	shalt  }
0x6c: {  	_ =	shalt  }
0x6d: {  	_ =	shalt  }
0x6e: {  	_ =	shalt  }
0x6f: {  	_ =	shalt  }
0x70: {  	_ =	shalt  }
0x71: {  	_ =	shalt  }
0x72: {  	_ =	shalt  }
0x73: {  	_ =	shalt  }
0x74: {  	_ =	shalt  }
0x75: {  	_ =	shalt  }
0x76: {  	_ =	shalt  }
0x77: {  	_ =	shalt  }
0x78: {  	_ =	shalt  }
0x79: {  	_ =	shalt  }
0x7a: {  	_ =	shalt  }
0x7b: {  	_ =	shalt  }
0x7c: {  	_ =	shalt  }
0x7d: {  	_ =	shalt  }
0x7e: {  	_ =	shalt  }
0x7f: {  	_ =	shalt  }
0x80: {  	_ =	shalt  }
0x81: {  	_ =	shalt  }
0x82: {  	_ =	shalt  }
0x83: {  	_ =	shalt  }
0x84: {  	_ =	shalt  }
0x85: {  	_ =	shalt  }
0x86: {  	_ =	shalt  }
0x87: {  	_ =	shalt  }
.Lfunc_end0:
.L_simem_size_0:
called_computation_lowered:
.L_overlay_start_0:
0x88: {  	s2 =	sld [smem:$0x3FD9]  }
0x89: {  	s3 =	sld [smem:$0x3FFE];
	_ =	sdelay $0x1  }
0x8a: {  	s1 =	srdreg.scid  }
0x8b: {  	s0 =	sand.u32 $0x1, s1  }
0x8c: {  	s17 =	sshll.u32 s0, $0xA;
	s2 =	sadd.s32 s3, s2  }
0x8d: {  	s2 =	sadd.s32 s2, s17  }
0x8e: {  	[smem:$0x3FBC] =	sst s2  }
0x8f: {  	_ = 	snop  }
0x90: {  	s2 =	sld [smem:$0x3FC7];
	(tm) =	ssettm $0x1  }
0x91: {  	s18 =	sld [smem:$0x3FFB];
	_ =	sdelay $0x3  }
0x92: {  	_ =	strace s18  }
0x93: {  	s3 =	sld [smem:$0x3FFC];
	_ =	sdelay $0x3  }
0x94: {  	_ =	strace s3  }
0x95: {  	s3 =	sld [smem:$0x3FFD];
	_ =	sdelay $0x3  }
0x96: {  	_ =	strace s3  }
0x97: {  	_ =	strace $0x8FFFFFFF  }
0x98: {  	s19 =	sld [smem:$0x3FDB];
	_ =	sdelay $0x1  }
0x99: {  	s4 =	simm.s32 $_scs_section_size  }
0x9a: {  	s5 =	simm.s32 $_size__tile_overlayer_lowered;
	s6 =	simm.s32 $_tile_overlayer_lowered  }
0x9b: {  	s22 =	simm.s32 $0x1BFF;
	s21 =	sshll.u32 s6, $0x1;
	s3 =	sadd.s32 s4, s19  }
0x9c: {  	s7 =	simm.s32 $0x0;
	s20 =	sshll.u32 s5, $0x1;
	s5 =	sadd.s32 s21, s3  }
0x9d: {  	[timem:s7], [sflag:s22] =	dma.local [hbm:s5], s20  }
0x9e: {  	_ =	swait.ge [sflag:s22], s20  }
0x9f: {  	s4 =	ssub.s32 $0x0, s20;
	[sflag:s22] =	ssyncset.done $0x0  }
0xa0: {  	[sflag:s22] =	ssyncadd.s32 s4;
	_ =	sdelay $0x1  }
0xa1: {  	s23 =	simm.s32 $0x1B8B  }
0xa2: {  	_ =	swait.ge [sflag:s23], $0x1  }
0xa3: {  	[sflag:s23] =	ssyncset.done $0x0  }
0xa4: {  	s25 =	simm.s32 $0x1B8E;
	s24 =	sld [smem:$0x3FFE];
	[sflag:s23] =	ssyncadd.s32 $0xFFFFFFFF  }
0xa5: {  	s26 =	simm.s32 $execute0_lowered;
	[smem:$0x3FD2] =	sst s25  }
0xa6: {  	s5 =	sshll.u32 s26, $0x1;
	_ =	strace $0x80000046;
	[dreg:$0x1] =	wrdreg $0xFFFFFFFF  }
0xa7: {  	s28 =	simm.s32 $_size_execute0_lowered;
	s3 =	sadd.s32 s3, s5;
	[dreg:$0x0] =	wrdreg $0x0  }
0xa8: {  	s5 =	sshll.u32 s28, $0x1;
	[dreg:$0x2] =	wrdreg s3  }
0xa9: {  	[dreg:$0x3] =	wrdreg s5  }
0xaa: {  	[dreg:$0x4] =	wrdreg $0xC0  }
0xab: {  	_ =	task [dreg:s7], $0x5FFFF  }
0xac: {  	[dreg:$0x1] =	wrdreg $0xFFFFFFFF  }
0xad: {  	[dreg:$0x0] =	wrdreg $0x60  }
0xae: {  	[dreg:$0x2] =	wrdreg s24  }
0xaf: {  	[dreg:$0x3] =	wrdreg s2  }
0xb0: {  	[dreg:$0x4] =	wrdreg $0x129300  }
0xb1: {  	[dreg:$0x5] =	wrdreg $0x9  }
0xb2: {  	_ =	task.clear_ibuf [dreg:s7], $0x6FFFF;
	_ =	strace $0x90000046  }
0xb3: {  	s29 =	simm.s32 $0x9;
	_ =	strace $0x80000048  }
0xb4: {  	_ =	swait.ge [sflag:s29], $0x1  }
0xb5: {  	[sflag:s29] =	ssyncadd.s32 $0xFFFFFFFF  }
0xb6: {  	_ =	strace $0x90000048  }
0xb7: {  	_ =	sfence  }
0xb8: {  	s30 =	sld [smem:$0x0];
	_ =	sdelay $0x2  }
0xb9: {  	s31 =	sshll.u32 s1, $0xD;
	s1 =	sshrl.u32 s1, $0x2  }
0xba: {  	s3 =	sand.u32 $0x4000, s31;
	s1 =	sadd.s32 s1, s30  }
0xbb: {  	s0 =	sor.u32 s3, s0;
	s1 =	sshll.u32 s1, $0x11  }
0xbc: {  	s0 =	sor.u32 s1, s0  }
0xbd: {  	s0 =	sadd.s32 $0x8F2B, s0  }
0xbe: {  	[sflag:s0] =	ssyncadd.remote.s32 $0x1  }
0xbf: {  	_ =	sfence.sel $0xFFFF  }
0xc0: {  	[dreg:$0x0] =	wrdreg $0xFFFFFFFF;
	(pc) =	sbr.abs _section_cstart, $3  }
0xc1: {  	[dreg:$0x1] =	wrdreg $0xFFFFFFFF  }
0xc2: {  	_ =	task.clear_ibuf [dreg:s7], $0x2FFFF;
	_ =	strace $0x9FFFFFFF  }
0xc3: {  	(tm) =	ssettm $0x7FFFFFFF  }
tec
execute0_lowered:
.L_overlay_start_1:
0x0: {  	(tag) =	ssettag $0x1  }
0x1: {  	s0 =	rddreg [dreg:$0x0]  }
0x2: {  	s1 =	rddreg [dreg:$0x1]  }
0x3: {  	s3 =	srdreg.scid;
	s15 =	stileid.u32  }
0x4: {  	s2 =	rddreg [dreg:$0x2];
	s18 =	simm.s32 $0x190;
	s19 =	simm.s32 $0x7530  }
0x5: {  	s20 =	simm.s32 $0xA730;
	s21 =	simm.s32 $0x3;
	s22 =	simm.s32 $0x4  }
0x6: {  	s23 =	simm.s32 $0x1;
	s24 =	simm.s32 $0x2;
	s25 =	simm.s32 $0x4C90  }
0x7: {  	s26 =	simm.s32 $0x0;
	s8 =	sand.u32 $0x1, s3;
	s10 =	smul.u32 $0xA00, s15  }
0x8: {  	s4 =	sshll.u32 s15, $0x1;
	s3 =	simm.s32 $0x0;
	s12 =	smul.u32 $0x14000, s15  }
0x9: {  	s5 =	sadd.s32 $0x1EC00, s0;
	p0 =	seq.s32 s15, $0xF;
	s28 =	smul.u32 $0x4E200, s8  }
0xa: {  	s15 =	simm.s32 $0x5;
	s4 =	sor.u32 s8, s4;
	s14 =	smul.u32 $0x9C40, s8  }
0xb: {  	[smem:$0x7FF] =	sst s3;
	s6 =	ssub.s32 $0x2, s8;
	s9 =	smul.u32 $0x4E2, s4  }
0xc: {  	v0 =	vimm.s32 $0x0;
	_ =	strace $0x80000047;
	s4 =	sadd.s32 $0x1200, s0;
	s11 =	sshrl.u32 s6, $0x1  }
0xd: {  	v1 =	vimm.s32 $0x1;
	v2 =	vimm.s32 $0x2;
	v3 =	vimm.s32 $0x3;
	s29 =	sshrl.u32 s12, $0x2;
	s13 =	ssub.s32 s6, s11;
	s11 =	sshrl.u32 s28, $0x3  }
0xe: {  	v4 =	vimm.s32 $0x4;
	v5 =	vimm.s32 $0x5;
	v6 =	vimm.s32 $0x6;
	s30 =	sadd.s32 s10, s14;
	s10 =	sadd.s32 $0x4B000, s2;
	s7 =	sadd.s32 s9, s0  }
0xf: {  	v7 =	vimm.s32 $0x7;
	v8 =	vimm.s32 $0x8;
	v9 =	vimm.s32 $0x9;
	s0 =	sadd.s32 $0x1F600, s0;
	s8 =	sadd.s32 s1, s9;
	s9 =	sadd.s32 s29, s2  }
0x10: {  	v10 =	vimm.s32 $0xA;
	v11 =	vimm.s32 $0xB;
	v12 =	vimm.s32 $0xC;
	s13 =	smax.u32 s13, $0x1;
	s6 =	sadd.s32 $0x14E00, s7;
	s31 =	sadd.s32 s0, s11  }
0x11: {  	v13 =	vimm.s32 $0xD;
	v14 =	vimm.s32 $0xE;
	v15 =	vimm.s32 $0xF;
	s7 =	sadd.s32 $0xB000, s7;
	s11 =	sadd.s32 s0, s30;
	s12 =	sadd.s32 $0x9600, s31  }
.LBB2_1:
0x12: {  	s0 =	simm.s32 $0xD930  }
0x13: {  	[tilespmem:s0], [sflag:$0x5] =	stream.linear.gather [hbm4b:s5+s3], $0x5000, $0x38;
	[tilespmem:$0x17750] =	vst v63  }
0x14: {  	_ =	swait.ge [sflag:s15], $0x5000  }
0x15: {  	[sflag:s15] =	ssyncset.done $0x0  }
0x16: {  	[sflag:s15] =	ssyncadd.s32 $0xFFFFB000  }
0x17: {  	[tilespmem:s3], [sflag:$0x5] =	stream.linear.gather [hbm4b:s6+s3], $0x2710, $0x38;
	[tilespmem:$0x17750] =	vst v63  }
0x18: {  	_ =	swait.ge [sflag:s15], $0x2710  }
0x19: {  	[sflag:s15] =	ssyncset.done $0x0  }
0x1a: {  	s17 =	simm.s32 $0x2710;
	[sflag:s15] =	ssyncadd.s32 $0xFFFFD8F0  }
0x1b: {  	[tilespmem:s17], [sflag:$0x5] =	stream.linear.gather [hbm4b:s7+s3], $0x2710, $0x38;
	[tilespmem:$0x17750] =	vst v63  }
0x1c: {  	_ =	swait.ge [sflag:s15], $0x2710  }
0x1d: {  	[sflag:s15] =	ssyncset.done $0x0  }
0x1e: {  	s31 =	simm.s32 $0x4E20;
	[sflag:s15] =	ssyncadd.s32 $0xFFFFD8F0  }
0x1f: {  	[tilespmem:s31], [sflag:$0x5] =	stream.linear.gather [hbm4b:s8+s3], $0x2710, $0x38;
	[tilespmem:$0x17750] =	vst v63  }
0x20: {  	_ =	swait.ge [sflag:s15], $0x2710  }
0x21: {  	[sflag:s15] =	ssyncset.done $0x0  }
0x22: {  	s0 =	simm.s32 @p0 $0xD930;
	[sflag:s15] =	ssyncadd.s32 $0xFFFFD8F0  }
0x23: {  	[spmem:s10] =	stream.linear.scatter @p0 [tilespmem:s0], [sflag:$0x5], $0x3200, $0x38;
	[tilespmem:$0x17750] =	vst v63  }
0x24: {  	s0 =	simm.s32 @p0 $0x5  }
0x25: {  	_ =	swait.ge @p0 [sflag:s0], $0x3200  }
0x26: {  	[sflag:s0] =	ssyncset.done @p0 $0x0  }
0x27: {  	[sflag:s0] =	ssyncadd.s32 @p0 $0xFFFFCE00;
	s0 =	simm.s32 @!p0 $0xD930  }
0x28: {  	[spmem:s9] =	stream.linear.scatter @!p0 [tilespmem:s0], [sflag:$0x5], $0x5000, $0x38;
	[tilespmem:$0x17750] =	vst v63  }
0x29: {  	s0 =	simm.s32 @!p0 $0x5  }
0x2a: {  	_ =	swait.ge @!p0 [sflag:s0], $0x5000  }
0x2b: {  	[sflag:s0] =	ssyncset.done @!p0 $0x0  }
0x2c: {  	[sflag:s0] =	ssyncadd.s32 @!p0 $0xFFFFB000  }
0x2d: {  	[bflag:$0x0] =	sbarrier.arrive $0xFFFF  }
0x2e: {  	[tilespmem:s19], [sflag:$0x3] =	stream.indirect.gather [hbm4b:s4+s18], $0x20, s3, s18, $0xb8;
	[tilespmem:$0x17750] =	vst v63  }
0x2f: {  	s28 =	simm.s32 $0x4FB0;
	s29 =	simm.s32 $0x4E20;
	s30 =	simm.s32 $0x0  }
0x30: {  	[tilespmem:s20], [sflag:$0x4] =	stream.indirect.gather [hbm4b:s4+s18], $0x20, s18, s18, $0xb8;
	[tilespmem:$0x17750] =	vst v63  }
.LBB2_2:
0x31: {  	_ =	swait.ge [sflag:s21], $0x3200  }
0x32: {  	[sflag:s21] =	ssyncset.done $0x0  }
0x33: {  	s0 =	simm.s32 $0x7630;
	[sflag:s21] =	ssyncadd.s32 $0xFFFFCE00  }
0x34: {  	v22 =	vld [tilespmem:s0+$0xFFFFFFA0]  }
0x35: {  	v19 =	vld [tilespmem:s0+$0xFFFFFFF0]  }
0x36: {  	v16 =	vld [tilespmem:s0+$0xFFFFFF60]  }
0x37: {  	v23 =	vld [tilespmem:s0+$0xFFFFFFD0]  }
0x38: {  	v20 =	vmov s29;
	v24 =	vld [tilespmem:s0+$0x80]  }
0x39: {  	v27 =	vld [tilespmem:s0+$0xFFFFFF10]  }
0x3a: {  	v31 =	vld [tilespmem:s0+$0xE0]  }
0x3b: {  	v26 =	vld [tilespmem:s0+$0xFFFFFF40]  }
0x3c: {  	s1 =	simm.s32 $0x0;
	v18 =	vld [tilespmem:s0+$0xFFFFFF90]  }
0x3d: {  	v17 =	vld.idx.msk [tilespmem:v20+s1+$0x0 ss:$0x1], $0xffff  }
0x3e: {  	v25 =	vld [tilespmem:s0+$0xFFFFFFC0]  }
0x3f: {  	v28 =	vld [tilespmem:s0+$0xFFFFFF00]  }
0x40: {  	v29 =	vld [tilespmem:s0+$0xD0]  }
0x41: {  	v38 =	vld [tilespmem:s0+$0xC0]  }
0x42: {  	v36 =	vld [tilespmem:s0+$0x90];
	v34 =	vperm.xlane v17, v0;
	v21 =	vperm.xlane v17, v15  }
0x43: {  	v37 =	vld [tilespmem:s0+$0xFFFFFF50];
	v35 =	vperm.xlane v17, v2;
	v33 =	vperm.xlane v17, v14  }
0x44: {  	v32 =	vld [tilespmem:s0+$0xB0];
	v30 =	vperm.xlane v17, v12;
	v40 =	vmul.f32 v28, v34  }
0x45: {  	s31 =	simm.s32 $0x40;
	s14 =	simm.s32 $0x7630;
	s1 =	smul.u32 $0xC80, s30;
	v28 =	vperm.xlane v17, v13;
	v39 =	vmul.f32 v26, v35;
	v26 =	vld [tilespmem:s0+$0x60]  }
.LBB2_3:
0x46: {  	p1 =	sne.s32 s31, $0x600  }
0x47: {  	[tilespmem:s0+$0xFFFFFF00] =	vst v40;
	v40 =	vld [tilespmem:s0+$0xFFFFFFB0];
	v38 =	vmul.f32 v38, v33;
	v31 =	vmul.f32 v31, v21;
	s14 =	sadd.s32 $0x200, s14;
	s16 =	smov.u32 s31;
	s31 =	sadd.s32 $0x40, s31  }
0x48: {  	[tilespmem:s0+$0xFFFFFF40] =	vst v39;
	v39 =	vperm.xlane v17, v10;
	v36 =	vmul.f32 v36, v30;
	v41 =	vld [tilespmem:s0+$0xA0]  }
0x49: {  	v27 =	vmul.f32 v27, v34;
	v34 =	vmul.f32 v37, v35;
	v35 =	vld [tilespmem:s0+$0x70];
	[tilespmem:s0+$0xE0] =	vst v31  }
0x4a: {  	v31 =	vperm.xlane v17, v5;
	v37 =	vld [tilespmem:s0+$0xFFFFFFE0];
	v32 =	vmul.f32 v32, v28;
	[tilespmem:s0+$0xC0] =	vst v38  }
0x4b: {  	v29 =	vmul.f32 v29, v33;
	[tilespmem:s0+$0xFFFFFF10] =	vst v27;
	v27 =	vperm.xlane v17, v6;
	v38 =	vld [tilespmem:s0+$0x40]  }
0x4c: {  	v42 =	vperm.xlane v17, v11;
	v22 =	vmul.f32 v22, v31;
	v33 =	vld [tilespmem:s0+$0xFFFFFF20];
	[tilespmem:s0+$0x90] =	vst v36  }
0x4d: {  	[tilespmem:s0+$0xFFFFFF50] =	vst v34;
	v34 =	vperm.xlane v17, v9;
	v36 =	vld [tilespmem:s0+$0x20];
	v28 =	vmul.f32 v41, v28  }
0x4e: {  	v31 =	vmul.f32 v40, v31;
	v40 =	vld [tilespmem:s0+$0x50];
	v35 =	vmul.f32 v35, v42;
	[tilespmem:s0+$0xD0] =	vst v29  }
0x4f: {  	v24 =	vmul.f32 v24, v30;
	v29 =	vperm.xlane v17, v7;
	v41 =	vld [tilespmem:s0+$0x30];
	[tilespmem:s0+$0xA0] =	vst v28  }
0x50: {  	v25 =	vmul.f32 v25, v27;
	v28 =	vperm.xlane v17, v3;
	v30 =	vld [tilespmem:s0+$0x0];
	[tilespmem:s0+$0x70] =	vst v35  }
0x51: {  	v26 =	vmul.f32 v26, v42;
	v23 =	vmul.f32 v23, v27;
	v27 =	vld [tilespmem:s0+$0x10];
	[tilespmem:s0+$0x80] =	vst v24  }
0x52: {  	v35 =	vperm.xlane v17, v8;
	v38 =	vmul.f32 v38, v39;
	v24 =	vld [tilespmem:s0+$0xFFFFFF30];
	[tilespmem:s0+$0xB0] =	vst v32  }
0x53: {  	v32 =	vperm.xlane v17, v1;
	v42 =	vld [tilespmem:s0+$0xFFFFFF70];
	[tilespmem:s0+$0xFFFFFFD0] =	vst v23;
	v39 =	vmul.f32 v40, v39  }
0x54: {  	v19 =	vmul.f32 v19, v29;
	v23 =	vmul.f32 v37, v29;
	[tilespmem:s0+$0xFFFFFFC0] =	vst v25;
	v25 =	vld [tilespmem:s0+$0xF0]  }
0x55: {  	v37 =	vmul.f32 v41, v34;
	v29 =	vld [tilespmem:s0+$0xFFFFFF80];
	[tilespmem:s0+$0xFFFFFFA0] =	vst v22;
	v30 =	vmul.f32 v30, v35  }
0x56: {  	v22 =	vld [tilespmem:s14+$0xFFFFFFA0];
	[tilespmem:s0+$0xFFFFFFF0] =	vst v19;
	v35 =	vmul.f32 v27, v35;
	v27 =	vmul.f32 v36, v34  }
0x57: {  	v19 =	vmul.f32 v33, v32;
	v32 =	vmul.f32 v24, v32;
	[tilespmem:s0+$0x60] =	vst v26  }
0x58: {  	v16 =	vmul.f32 v16, v28;
	v24 =	vmul.f32 v42, v28;
	[tilespmem:s0+$0xFFFFFFB0] =	vst v31  }
0x59: {  	v17 =	vperm.xlane v17, v4;
	[tilespmem:s0+$0xFFFFFF20] =	vst v19;
	v19 =	vmul.f32 v25, v21  }
0x5a: {  	[tilespmem:s0+$0xFFFFFF60] =	vst v16  }
0x5b: {  	v21 =	vmul.f32 v29, v17;
	v16 =	vmul.f32 v18, v17;
	[tilespmem:s0+$0x40] =	vst v38  }
0x5c: {  	[tilespmem:s0+$0xFFFFFFE0] =	vst v23  }
0x5d: {  	[tilespmem:s0+$0xF0] =	vst v19  }
0x5e: {  	[tilespmem:s0+$0xFFFFFF90] =	vst v16  }
0x5f: {  	[tilespmem:s0+$0xFFFFFF70] =	vst v24  }
0x60: {  	v19 =	vld [tilespmem:s14+$0xFFFFFFF0];
	[tilespmem:s0+$0x20] =	vst v27  }
0x61: {  	v16 =	vld [tilespmem:s14+$0xFFFFFF60];
	[tilespmem:s0+$0x30] =	vst v37  }
0x62: {  	v23 =	vld [tilespmem:s14+$0xFFFFFFD0];
	[tilespmem:s0+$0xFFFFFF80] =	vst v21  }
0x63: {  	v24 =	vld [tilespmem:s14+$0x80];
	[tilespmem:s0+$0x50] =	vst v39  }
0x64: {  	v27 =	vld [tilespmem:s14+$0xFFFFFF10];
	[tilespmem:s0+$0x0] =	vst v30  }
0x65: {  	v31 =	vld [tilespmem:s14+$0xE0];
	[tilespmem:s0+$0xFFFFFF30] =	vst v32  }
0x66: {  	s16 =	sshra.s32 s16, $0x2;
	v26 =	vld [tilespmem:s14+$0xFFFFFF40];
	[tilespmem:s0+$0x10] =	vst v35;
	s0 =	smov.u32 s14  }
0x67: {  	v17 =	vld.idx.msk [tilespmem:v20+s16+$0x0 ss:$0x1], $0xffff  }
0x68: {  	v18 =	vld [tilespmem:s14+$0xFFFFFF90]  }
0x69: {  	v25 =	vld [tilespmem:s14+$0xFFFFFFC0]  }
0x6a: {  	v28 =	vld [tilespmem:s14+$0xFFFFFF00]  }
0x6b: {  	v29 =	vld [tilespmem:s14+$0xD0]  }
.Ltmp0:
0x6c: {  	v38 =	vld [tilespmem:s14+$0xC0];
	(pc) =	sbr.rel @p1 .LBB2_3-.Ltmp0, $4  }
0x6d: {  	v34 =	vperm.xlane v17, v0;
	v21 =	vperm.xlane v17, v15;
	v36 =	vld [tilespmem:s14+$0x90]  }
0x6e: {  	v35 =	vperm.xlane v17, v2;
	v33 =	vperm.xlane v17, v14;
	v37 =	vld [tilespmem:s14+$0xFFFFFF50]  }
0x6f: {  	v40 =	vmul.f32 v28, v34;
	v28 =	vperm.xlane v17, v13;
	v32 =	vld [tilespmem:s14+$0xB0]  }
0x70: {  	v30 =	vperm.xlane v17, v12;
	v39 =	vmul.f32 v26, v35;
	v26 =	vld [tilespmem:s14+$0x60]  }
0x71: {  	[tilespmem:s0+$0xFFFFFF00] =	vst v40;
	v20 =	vmul.f32 v31, v21  }
0x72: {  	v31 =	vmul.f32 v38, v33;
	[tilespmem:s0+$0xFFFFFF40] =	vst v39  }
0x73: {  	v27 =	vmul.f32 v27, v34;
	[tilespmem:s0+$0xE0] =	vst v20  }
0x74: {  	v24 =	vmul.f32 v24, v30;
	[tilespmem:s0+$0xC0] =	vst v31  }
0x75: {  	v54 =	vld [tilespmem:s0+$0xA0];
	v20 =	vmul.f32 v36, v30;
	[tilespmem:s0+$0xFFFFFF10] =	vst v27  }
0x76: {  	v55 =	vld [tilespmem:s0+$0x70];
	v60 =	vperm.xlane v17, v5;
	v35 =	vmul.f32 v37, v35;
	[tilespmem:s0+$0x80] =	vst v24  }
0x77: {  	v56 =	vperm.xlane v17, v11;
	v27 =	vmul.f32 v29, v33;
	[tilespmem:s0+$0x90] =	vst v20  }
0x78: {  	v22 =	vmul.f32 v22, v60;
	[tilespmem:s0+$0xFFFFFF50] =	vst v35  }
0x79: {  	[tilespmem:s0+$0xD0] =	vst v27;
	v26 =	vmul.f32 v26, v56  }
0x7a: {  	[tilespmem:s0+$0xFFFFFFA0] =	vst v22;
	v57 =	vmul.f32 v54, v28  }
0x7b: {  	v31 =	vld [tilespmem:s0+$0xFFFFFFB0];
	v24 =	vperm.xlane v17, v7;
	v34 =	vmul.f32 v55, v56;
	[tilespmem:s0+$0x60] =	vst v26  }
0x7c: {  	v29 =	vld [tilespmem:s0+$0xFFFFFF20];
	v27 =	vperm.xlane v17, v6;
	v28 =	vmul.f32 v32, v28;
	[tilespmem:s0+$0xA0] =	vst v57  }
0x7d: {  	v19 =	vmul.f32 v19, v24;
	[tilespmem:s0+$0x70] =	vst v34  }
0x7e: {  	v58 =	vld [tilespmem:s0+$0x40];
	v23 =	vmul.f32 v23, v27;
	[tilespmem:s0+$0xB0] =	vst v28  }
0x7f: {  	v62 =	vperm.xlane v17, v1;
	v20 =	vld [tilespmem:s0+$0xFFFFFFE0];
	v25 =	vmul.f32 v25, v27;
	[tilespmem:s0+$0xFFFFFFF0] =	vst v19  }
0x80: {  	v63 =	vld [tilespmem:s0+$0xF0];
	v22 =	vmul.f32 v31, v60;
	v31 =	vperm.xlane v17, v3;
	[tilespmem:s0+$0xFFFFFFD0] =	vst v23  }
0x81: {  	v19 =	vperm.xlane v17, v10;
	v29 =	vmul.f32 v29, v62;
	[tilespmem:s0+$0xFFFFFFC0] =	vst v25  }
0x82: {  	v28 =	vld [tilespmem:s0+$0xFFFFFF70];
	v16 =	vmul.f32 v16, v31;
	[tilespmem:s0+$0xFFFFFFB0] =	vst v22  }
0x83: {  	v30 =	vld [tilespmem:s0+$0x20];
	v22 =	vmul.f32 v58, v19;
	[tilespmem:s0+$0xFFFFFF20] =	vst v29  }
0x84: {  	v61 =	vld [tilespmem:s0+$0x30];
	v20 =	vmul.f32 v20, v24;
	v24 =	vperm.xlane v17, v4;
	[tilespmem:s0+$0xFFFFFF60] =	vst v16  }
0x85: {  	v23 =	vld [tilespmem:s0+$0xFFFFFF80];
	v16 =	vmul.f32 v63, v21;
	[tilespmem:s0+$0x40] =	vst v22  }
0x86: {  	v59 =	vld [tilespmem:s0+$0x50];
	v21 =	vperm.xlane v17, v9;
	v18 =	vmul.f32 v18, v24;
	[tilespmem:s0+$0xFFFFFFE0] =	vst v20  }
0x87: {  	v27 =	vld [tilespmem:s0+$0x0];
	v20 =	vmul.f32 v28, v31;
	[tilespmem:s0+$0xF0] =	vst v16  }
0x88: {  	v26 =	vld [tilespmem:s0+$0xFFFFFF30];
	v16 =	vmul.f32 v30, v21;
	[tilespmem:s0+$0xFFFFFF90] =	vst v18  }
0x89: {  	v25 =	vld [tilespmem:s0+$0x10];
	v18 =	vmul.f32 v61, v21;
	[tilespmem:s0+$0xFFFFFF70] =	vst v20  }
0x8a: {  	v17 =	vperm.xlane v17, v8;
	v20 =	vmul.f32 v23, v24;
	[tilespmem:s0+$0x20] =	vst v16  }
0x8b: {  	v16 =	vmul.f32 v59, v19;
	[tilespmem:s0+$0x30] =	vst v18  }
0x8c: {  	v18 =	vmul.f32 v27, v17;
	[tilespmem:s0+$0xFFFFFF80] =	vst v20  }
0x8d: {  	v19 =	vmul.f32 v26, v62;
	[tilespmem:s0+$0x50] =	vst v16  }
0x8e: {  	v16 =	vmul.f32 v25, v17;
	[tilespmem:s0+$0x0] =	vst v18  }
0x8f: {  	s31 =	sshra.s32 s1, $0x2;
	[tilespmem:s0+$0xFFFFFF30] =	vst v19  }
0x90: {  	s17 =	sadd.s32 $0x2710, s31;
	[tilespmem:s0+$0x10] =	vst v16  }
0x91: {  	[spmem:s2] =	stream.indirect.scatter.add.f32 [tilespmem:s19], [sflag:$0x1], $0x20, s17, s18, $0xb8;
	[tilespmem:$0x17750] =	vst v63  }
0x92: {  	_ =	swait.ge [sflag:s22], $0x3200  }
0x93: {  	[sflag:s22] =	ssyncset.done $0x0  }
0x94: {  	s0 =	simm.s32 $0xA830;
	[sflag:s22] =	ssyncadd.s32 $0xFFFFCE00  }
0x95: {  	v22 =	vld [tilespmem:s0+$0xFFFFFFA0]  }
0x96: {  	v19 =	vld [tilespmem:s0+$0xFFFFFFF0]  }
0x97: {  	v16 =	vld [tilespmem:s0+$0xFFFFFF60]  }
0x98: {  	v20 =	vmov s28;
	v23 =	vld [tilespmem:s0+$0xFFFFFFD0]  }
0x99: {  	v24 =	vld [tilespmem:s0+$0x80]  }
0x9a: {  	v27 =	vld [tilespmem:s0+$0xFFFFFF10]  }
0x9b: {  	v31 =	vld [tilespmem:s0+$0xE0]  }
0x9c: {  	s14 =	simm.s32 $0x0;
	v26 =	vld [tilespmem:s0+$0xFFFFFF40]  }
0x9d: {  	v17 =	vld.idx.msk [tilespmem:v20+s14+$0x0 ss:$0x1], $0xffff  }
0x9e: {  	v18 =	vld [tilespmem:s0+$0xFFFFFF90]  }
0x9f: {  	v25 =	vld [tilespmem:s0+$0xFFFFFFC0]  }
0xa0: {  	v28 =	vld [tilespmem:s0+$0xFFFFFF00]  }
0xa1: {  	v29 =	vld [tilespmem:s0+$0xD0]  }
0xa2: {  	v38 =	vld [tilespmem:s0+$0xC0]  }
0xa3: {  	v36 =	vld [tilespmem:s0+$0x90];
	v34 =	vperm.xlane v17, v0;
	v21 =	vperm.xlane v17, v15  }
0xa4: {  	v37 =	vld [tilespmem:s0+$0xFFFFFF50];
	v35 =	vperm.xlane v17, v2;
	v33 =	vperm.xlane v17, v14  }
0xa5: {  	v32 =	vld [tilespmem:s0+$0xB0];
	v30 =	vperm.xlane v17, v12;
	v40 =	vmul.f32 v28, v34  }
0xa6: {  	s1 =	sadd.s32 $0x640, s1;
	s16 =	simm.s32 $0xA830;
	s14 =	simm.s32 $0x40;
	v28 =	vperm.xlane v17, v13;
	v39 =	vmul.f32 v26, v35;
	v26 =	vld [tilespmem:s0+$0x60]  }
.LBB2_5:
0xa7: {  	p1 =	sne.s32 s14, $0x600  }
0xa8: {  	[tilespmem:s0+$0xFFFFFF00] =	vst v40;
	v40 =	vld [tilespmem:s0+$0xFFFFFFB0];
	v38 =	vmul.f32 v38, v33;
	v31 =	vmul.f32 v31, v21;
	s16 =	sadd.s32 $0x200, s16;
	s17 =	smov.u32 s14;
	s14 =	sadd.s32 $0x40, s14  }
0xa9: {  	[tilespmem:s0+$0xFFFFFF40] =	vst v39;
	v39 =	vperm.xlane v17, v10;
	v36 =	vmul.f32 v36, v30;
	v41 =	vld [tilespmem:s0+$0xA0]  }
0xaa: {  	v27 =	vmul.f32 v27, v34;
	v34 =	vmul.f32 v37, v35;
	v35 =	vld [tilespmem:s0+$0x70];
	[tilespmem:s0+$0xE0] =	vst v31  }
0xab: {  	v31 =	vperm.xlane v17, v5;
	v37 =	vld [tilespmem:s0+$0xFFFFFFE0];
	v32 =	vmul.f32 v32, v28;
	[tilespmem:s0+$0xC0] =	vst v38  }
0xac: {  	v29 =	vmul.f32 v29, v33;
	[tilespmem:s0+$0xFFFFFF10] =	vst v27;
	v27 =	vperm.xlane v17, v6;
	v38 =	vld [tilespmem:s0+$0x40]  }
0xad: {  	v42 =	vperm.xlane v17, v11;
	v22 =	vmul.f32 v22, v31;
	v33 =	vld [tilespmem:s0+$0xFFFFFF20];
	[tilespmem:s0+$0x90] =	vst v36  }
0xae: {  	[tilespmem:s0+$0xFFFFFF50] =	vst v34;
	v34 =	vperm.xlane v17, v9;
	v36 =	vld [tilespmem:s0+$0x20];
	v28 =	vmul.f32 v41, v28  }
0xaf: {  	v31 =	vmul.f32 v40, v31;
	v40 =	vld [tilespmem:s0+$0x50];
	v35 =	vmul.f32 v35, v42;
	[tilespmem:s0+$0xD0] =	vst v29  }
0xb0: {  	v24 =	vmul.f32 v24, v30;
	v29 =	vperm.xlane v17, v7;
	v41 =	vld [tilespmem:s0+$0x30];
	[tilespmem:s0+$0xA0] =	vst v28  }
0xb1: {  	v25 =	vmul.f32 v25, v27;
	v28 =	vperm.xlane v17, v3;
	v30 =	vld [tilespmem:s0+$0x0];
	[tilespmem:s0+$0x70] =	vst v35  }
0xb2: {  	v26 =	vmul.f32 v26, v42;
	v23 =	vmul.f32 v23, v27;
	v27 =	vld [tilespmem:s0+$0x10];
	[tilespmem:s0+$0x80] =	vst v24  }
0xb3: {  	v35 =	vperm.xlane v17, v8;
	v38 =	vmul.f32 v38, v39;
	v24 =	vld [tilespmem:s0+$0xFFFFFF30];
	[tilespmem:s0+$0xB0] =	vst v32  }
0xb4: {  	v32 =	vperm.xlane v17, v1;
	v42 =	vld [tilespmem:s0+$0xFFFFFF70];
	[tilespmem:s0+$0xFFFFFFD0] =	vst v23;
	v39 =	vmul.f32 v40, v39  }
0xb5: {  	v19 =	vmul.f32 v19, v29;
	v23 =	vmul.f32 v37, v29;
	[tilespmem:s0+$0xFFFFFFC0] =	vst v25;
	v25 =	vld [tilespmem:s0+$0xF0]  }
0xb6: {  	v37 =	vmul.f32 v41, v34;
	v29 =	vld [tilespmem:s0+$0xFFFFFF80];
	[tilespmem:s0+$0xFFFFFFA0] =	vst v22;
	v30 =	vmul.f32 v30, v35  }
0xb7: {  	v22 =	vld [tilespmem:s16+$0xFFFFFFA0];
	[tilespmem:s0+$0xFFFFFFF0] =	vst v19;
	v35 =	vmul.f32 v27, v35;
	v27 =	vmul.f32 v36, v34  }
0xb8: {  	v19 =	vmul.f32 v33, v32;
	v32 =	vmul.f32 v24, v32;
	[tilespmem:s0+$0x60] =	vst v26  }
0xb9: {  	v16 =	vmul.f32 v16, v28;
	v24 =	vmul.f32 v42, v28;
	[tilespmem:s0+$0xFFFFFFB0] =	vst v31  }
0xba: {  	v17 =	vperm.xlane v17, v4;
	[tilespmem:s0+$0xFFFFFF20] =	vst v19;
	v19 =	vmul.f32 v25, v21  }
0xbb: {  	[tilespmem:s0+$0xFFFFFF60] =	vst v16  }
0xbc: {  	v21 =	vmul.f32 v29, v17;
	v16 =	vmul.f32 v18, v17;
	[tilespmem:s0+$0x40] =	vst v38  }
0xbd: {  	[tilespmem:s0+$0xFFFFFFE0] =	vst v23  }
0xbe: {  	[tilespmem:s0+$0xF0] =	vst v19  }
0xbf: {  	[tilespmem:s0+$0xFFFFFF90] =	vst v16  }
0xc0: {  	[tilespmem:s0+$0xFFFFFF70] =	vst v24  }
0xc1: {  	v19 =	vld [tilespmem:s16+$0xFFFFFFF0];
	[tilespmem:s0+$0x20] =	vst v27  }
0xc2: {  	v16 =	vld [tilespmem:s16+$0xFFFFFF60];
	[tilespmem:s0+$0x30] =	vst v37  }
0xc3: {  	v23 =	vld [tilespmem:s16+$0xFFFFFFD0];
	[tilespmem:s0+$0xFFFFFF80] =	vst v21  }
0xc4: {  	v24 =	vld [tilespmem:s16+$0x80];
	[tilespmem:s0+$0x50] =	vst v39  }
0xc5: {  	v27 =	vld [tilespmem:s16+$0xFFFFFF10];
	[tilespmem:s0+$0x0] =	vst v30  }
0xc6: {  	v31 =	vld [tilespmem:s16+$0xE0];
	[tilespmem:s0+$0xFFFFFF30] =	vst v32  }
0xc7: {  	s17 =	sshra.s32 s17, $0x2;
	v26 =	vld [tilespmem:s16+$0xFFFFFF40];
	[tilespmem:s0+$0x10] =	vst v35;
	s0 =	smov.u32 s16  }
0xc8: {  	v17 =	vld.idx.msk [tilespmem:v20+s17+$0x0 ss:$0x1], $0xffff  }
0xc9: {  	v18 =	vld [tilespmem:s16+$0xFFFFFF90]  }
0xca: {  	v25 =	vld [tilespmem:s16+$0xFFFFFFC0]  }
0xcb: {  	v28 =	vld [tilespmem:s16+$0xFFFFFF00]  }
0xcc: {  	v29 =	vld [tilespmem:s16+$0xD0]  }
.Ltmp1:
0xcd: {  	v38 =	vld [tilespmem:s16+$0xC0];
	(pc) =	sbr.rel @p1 .LBB2_5-.Ltmp1, $4  }
0xce: {  	v34 =	vperm.xlane v17, v0;
	v21 =	vperm.xlane v17, v15;
	v36 =	vld [tilespmem:s16+$0x90]  }
0xcf: {  	v35 =	vperm.xlane v17, v2;
	v33 =	vperm.xlane v17, v14;
	v37 =	vld [tilespmem:s16+$0xFFFFFF50]  }
0xd0: {  	v40 =	vmul.f32 v28, v34;
	v28 =	vperm.xlane v17, v13;
	v32 =	vld [tilespmem:s16+$0xB0]  }
0xd1: {  	v30 =	vperm.xlane v17, v12;
	v39 =	vmul.f32 v26, v35;
	v26 =	vld [tilespmem:s16+$0x60]  }
0xd2: {  	[tilespmem:s0+$0xFFFFFF00] =	vst v40;
	v20 =	vmul.f32 v31, v21  }
0xd3: {  	v52 =	vmul.f32 v38, v33;
	[tilespmem:s0+$0xFFFFFF40] =	vst v39  }
0xd4: {  	v27 =	vmul.f32 v27, v34;
	[tilespmem:s0+$0xE0] =	vst v20  }
0xd5: {  	v57 =	vmul.f32 v29, v33;
	[tilespmem:s0+$0xC0] =	vst v52  }
0xd6: {  	v55 =	vmul.f32 v36, v30;
	[tilespmem:s0+$0xFFFFFF10] =	vst v27  }
0xd7: {  	v63 =	vperm.xlane v17, v6;
	v24 =	vmul.f32 v24, v30;
	[tilespmem:s0+$0xD0] =	vst v57  }
0xd8: {  	v35 =	vmul.f32 v37, v35;
	[tilespmem:s0+$0x90] =	vst v55  }
0xd9: {  	v43 =	vperm.xlane v17, v5;
	v23 =	vmul.f32 v23, v63;
	[tilespmem:s0+$0x80] =	vst v24  }
0xda: {  	v45 =	vperm.xlane v17, v7;
	v25 =	vmul.f32 v25, v63;
	[tilespmem:s0+$0xFFFFFF50] =	vst v35  }
0xdb: {  	v22 =	vmul.f32 v22, v43;
	[tilespmem:s0+$0xFFFFFFD0] =	vst v23  }
0xdc: {  	v53 =	vld [tilespmem:s0+$0xA0];
	v59 =	vperm.xlane v17, v11;
	v19 =	vmul.f32 v19, v45;
	[tilespmem:s0+$0xFFFFFFC0] =	vst v25  }
0xdd: {  	v54 =	vld [tilespmem:s0+$0x70];
	v52 =	vperm.xlane v17, v3;
	v41 =	vmul.f32 v32, v28;
	[tilespmem:s0+$0xFFFFFFA0] =	vst v22  }
0xde: {  	v56 =	vld [tilespmem:s0+$0xFFFFFFB0];
	v57 =	vperm.xlane v17, v4;
	v26 =	vmul.f32 v26, v59;
	[tilespmem:s0+$0xFFFFFFF0] =	vst v19  }
0xdf: {  	v58 =	vld [tilespmem:s0+$0xFFFFFF20];
	v16 =	vmul.f32 v16, v52;
	[tilespmem:s0+$0xB0] =	vst v41  }
0xe0: {  	v60 =	vld [tilespmem:s0+$0xFFFFFFE0];
	v18 =	vmul.f32 v18, v57;
	[tilespmem:s0+$0x60] =	vst v26  }
0xe1: {  	v47 =	vld [tilespmem:s0+$0xFFFFFF70];
	v61 =	vmul.f32 v53, v28;
	[tilespmem:s0+$0xFFFFFF60] =	vst v16  }
0xe2: {  	v62 =	vld [tilespmem:s0+$0x40];
	v50 =	vperm.xlane v17, v1;
	v34 =	vmul.f32 v54, v59;
	[tilespmem:s0+$0xFFFFFF90] =	vst v18  }
0xe3: {  	v44 =	vld [tilespmem:s0+$0x30];
	v51 =	vmul.f32 v56, v43;
	[tilespmem:s0+$0xA0] =	vst v61  }
0xe4: {  	v53 =	vld [tilespmem:s0+$0xF0];
	v29 =	vmul.f32 v58, v50;
	[tilespmem:s0+$0x70] =	vst v34  }
0xe5: {  	v48 =	vld [tilespmem:s0+$0xFFFFFF80];
	v54 =	vperm.xlane v17, v10;
	v20 =	vmul.f32 v60, v45;
	[tilespmem:s0+$0xFFFFFFB0] =	vst v51  }
0xe6: {  	v42 =	vld [tilespmem:s0+$0x20];
	v58 =	vperm.xlane v17, v9;
	v59 =	vmul.f32 v47, v52;
	[tilespmem:s0+$0xFFFFFF20] =	vst v29  }
0xe7: {  	v46 =	vld [tilespmem:s0+$0x0];
	v56 =	vmul.f32 v62, v54;
	[tilespmem:s0+$0xFFFFFFE0] =	vst v20  }
0xe8: {  	v40 =	vld [tilespmem:s0+$0x50];
	v60 =	vmul.f32 v44, v58;
	[tilespmem:s0+$0xFFFFFF70] =	vst v59  }
0xe9: {  	v55 =	vld [tilespmem:s0+$0xFFFFFF30];
	[tilespmem:s0+$0x40] =	vst v56;
	v16 =	vmul.f32 v53, v21  }
0xea: {  	v49 =	vld [tilespmem:s0+$0x10];
	v17 =	vperm.xlane v17, v8;
	v61 =	vmul.f32 v48, v57;
	[tilespmem:s0+$0x30] =	vst v60  }
0xeb: {  	[tilespmem:s0+$0xF0] =	vst v16;
	v16 =	vmul.f32 v42, v58  }
0xec: {  	v62 =	vmul.f32 v46, v17;
	[tilespmem:s0+$0xFFFFFF80] =	vst v61  }
0xed: {  	[tilespmem:s0+$0x20] =	vst v16;
	v16 =	vmul.f32 v40, v54  }
0xee: {  	v63 =	vmul.f32 v55, v50;
	[tilespmem:s0+$0x0] =	vst v62  }
0xef: {  	[tilespmem:s0+$0x50] =	vst v16;
	v16 =	vmul.f32 v49, v17  }
0xf0: {  	s1 =	sshra.s32 s1, $0x2;
	[tilespmem:s0+$0xFFFFFF30] =	vst v63  }
0xf1: {  	s16 =	sadd.s32 $0x2710, s1;
	[tilespmem:s0+$0x10] =	vst v16  }
0xf2: {  	[spmem:s2] =	stream.indirect.scatter.add.f32 [tilespmem:s20], [sflag:$0x2], $0x20, s16, s18, $0xb8;
	[tilespmem:$0x17750] =	vst v63  }
0xf3: {  	_ =	swait.ge [sflag:s23], $0x3200  }
0xf4: {  	p1 =	seq.s32 s30, $0xB;
	[sflag:s23] =	ssyncset.done $0x0  }
.Ltmp2:
0xf5: {  	s17 =	sadd.s32 $0x320, s31;
	[sflag:s23] =	ssyncadd.s32 $0xFFFFCE00;
	(pc) =	sbr.rel @p1 .LBB2_8-.Ltmp2, $4  }
0xf6: {  	[tilespmem:s19], [sflag:$0x3] =	stream.indirect.gather [hbm4b:s4+s18], $0x20, s17, s18, $0xb8;
	[tilespmem:$0x17750] =	vst v63  }
0xf7: {  	_ =	swait.ge [sflag:s24], $0x3200  }
0xf8: {  	[sflag:s24] =	ssyncset.done $0x0  }
0xf9: {  	[sflag:s24] =	ssyncadd.s32 $0xFFFFCE00  }
.Ltmp3:
0xfa: {  	(pc) =	sbr.rel .LBB2_2-.Ltmp3, $4  }
0xfb: {  	_ = 	snop  }
0xfc: {  	s0 =	sadd.s32 $0x4B0, s31  }
0xfd: {  	s30 =	sadd.s32 $0x1, s30;
	s29 =	sadd.s32 $0x320, s29;
	s28 =	sadd.s32 $0x320, s28  }
0xfe: {  	[tilespmem:s20], [sflag:$0x4] =	stream.indirect.gather [hbm4b:s4+s18], $0x20, s0, s18, $0xb8;
	[tilespmem:$0x17750] =	vst v63  }
.LBB2_8:
0xff: {  	_ =	swait.ge [sflag:s21], $0x3200  }
0x100: {  	[sflag:s21] =	ssyncset.done $0x0  }
0x101: {  	s0 =	simm.s32 $0x7630;
	[sflag:s21] =	ssyncadd.s32 $0xFFFFCE00  }
0x102: {  	v21 =	vld [tilespmem:s0+$0xFFFFFFA0]  }
0x103: {  	v19 =	vld [tilespmem:s0+$0xFFFFFFF0]  }
0x104: {  	v16 =	vld [tilespmem:s0+$0xFFFFFF60]  }
0x105: {  	v22 =	vld [tilespmem:s0+$0xFFFFFFD0]  }
0x106: {  	v23 =	vld [tilespmem:s0+$0x80]  }
0x107: {  	v26 =	vld [tilespmem:s0+$0xFFFFFF10]  }
0x108: {  	v30 =	vld [tilespmem:s0+$0xE0]  }
0x109: {  	v25 =	vld [tilespmem:s0+$0xFFFFFF40]  }
0x10a: {  	s1 =	simm.s32 $0x0;
	v17 =	vld [tilespmem:s0+$0xFFFFFF90]  }
0x10b: {  	v18 =	vld [tilespmem:s1+$0x73A0]  }
0x10c: {  	v24 =	vld [tilespmem:s0+$0xFFFFFFC0]  }
0x10d: {  	v27 =	vld [tilespmem:s0+$0xFFFFFF00]  }
0x10e: {  	v28 =	vld [tilespmem:s0+$0xD0]  }
0x10f: {  	v37 =	vld [tilespmem:s0+$0xC0]  }
0x110: {  	v35 =	vld [tilespmem:s0+$0x90];
	v33 =	vperm.xlane v18, v0;
	v20 =	vperm.xlane v18, v15  }
0x111: {  	v36 =	vld [tilespmem:s0+$0xFFFFFF50];
	v34 =	vperm.xlane v18, v2;
	v32 =	vperm.xlane v18, v14  }
0x112: {  	v31 =	vld [tilespmem:s0+$0xB0];
	v29 =	vperm.xlane v18, v12;
	v39 =	vmul.f32 v27, v33  }
0x113: {  	s14 =	simm.s32 $0x7630;
	s1 =	simm.s32 $0x40;
	v27 =	vperm.xlane v18, v13;
	v38 =	vmul.f32 v25, v34;
	v25 =	vld [tilespmem:s0+$0x60]  }
.LBB2_9:
0x114: {  	p1 =	sne.s32 s1, $0x600  }
0x115: {  	[tilespmem:s0+$0xFFFFFF00] =	vst v39;
	v39 =	vld [tilespmem:s0+$0xFFFFFFB0];
	v37 =	vmul.f32 v37, v32;
	v30 =	vmul.f32 v30, v20;
	s14 =	sadd.s32 $0x200, s14;
	s16 =	smov.u32 s1;
	s1 =	sadd.s32 $0x40, s1  }
0x116: {  	[tilespmem:s0+$0xFFFFFF40] =	vst v38;
	v38 =	vperm.xlane v18, v10;
	v35 =	vmul.f32 v35, v29;
	v40 =	vld [tilespmem:s0+$0xA0]  }
0x117: {  	v26 =	vmul.f32 v26, v33;
	v33 =	vmul.f32 v36, v34;
	v34 =	vld [tilespmem:s0+$0x70];
	[tilespmem:s0+$0xE0] =	vst v30  }
0x118: {  	v30 =	vperm.xlane v18, v5;
	v36 =	vld [tilespmem:s0+$0xFFFFFFE0];
	v31 =	vmul.f32 v31, v27;
	[tilespmem:s0+$0xC0] =	vst v37  }
0x119: {  	v28 =	vmul.f32 v28, v32;
	[tilespmem:s0+$0xFFFFFF10] =	vst v26;
	v26 =	vperm.xlane v18, v6;
	v37 =	vld [tilespmem:s0+$0x40]  }
0x11a: {  	v41 =	vperm.xlane v18, v11;
	v21 =	vmul.f32 v21, v30;
	v32 =	vld [tilespmem:s0+$0xFFFFFF20];
	[tilespmem:s0+$0x90] =	vst v35  }
0x11b: {  	[tilespmem:s0+$0xFFFFFF50] =	vst v33;
	v33 =	vperm.xlane v18, v9;
	v35 =	vld [tilespmem:s0+$0x20];
	v27 =	vmul.f32 v40, v27  }
0x11c: {  	v30 =	vmul.f32 v39, v30;
	v39 =	vld [tilespmem:s0+$0x50];
	v34 =	vmul.f32 v34, v41;
	[tilespmem:s0+$0xD0] =	vst v28  }
0x11d: {  	v23 =	vmul.f32 v23, v29;
	v28 =	vperm.xlane v18, v7;
	v40 =	vld [tilespmem:s0+$0x30];
	[tilespmem:s0+$0xA0] =	vst v27  }
0x11e: {  	v24 =	vmul.f32 v24, v26;
	v27 =	vperm.xlane v18, v3;
	v29 =	vld [tilespmem:s0+$0x0];
	[tilespmem:s0+$0x70] =	vst v34  }
0x11f: {  	v25 =	vmul.f32 v25, v41;
	v22 =	vmul.f32 v22, v26;
	v26 =	vld [tilespmem:s0+$0x10];
	[tilespmem:s0+$0x80] =	vst v23  }
0x120: {  	v34 =	vperm.xlane v18, v8;
	v37 =	vmul.f32 v37, v38;
	v23 =	vld [tilespmem:s0+$0xFFFFFF30];
	[tilespmem:s0+$0xB0] =	vst v31  }
0x121: {  	v31 =	vperm.xlane v18, v1;
	v41 =	vld [tilespmem:s0+$0xFFFFFF70];
	[tilespmem:s0+$0xFFFFFFD0] =	vst v22;
	v38 =	vmul.f32 v39, v38  }
0x122: {  	v19 =	vmul.f32 v19, v28;
	v22 =	vmul.f32 v36, v28;
	[tilespmem:s0+$0xFFFFFFC0] =	vst v24;
	v24 =	vld [tilespmem:s0+$0xF0]  }
0x123: {  	v36 =	vmul.f32 v40, v33;
	v28 =	vld [tilespmem:s0+$0xFFFFFF80];
	[tilespmem:s0+$0xFFFFFFA0] =	vst v21;
	v29 =	vmul.f32 v29, v34  }
0x124: {  	v21 =	vld [tilespmem:s14+$0xFFFFFFA0];
	[tilespmem:s0+$0xFFFFFFF0] =	vst v19;
	v34 =	vmul.f32 v26, v34;
	v26 =	vmul.f32 v35, v33  }
0x125: {  	v19 =	vmul.f32 v32, v31;
	v31 =	vmul.f32 v23, v31;
	[tilespmem:s0+$0x60] =	vst v25  }
0x126: {  	v16 =	vmul.f32 v16, v27;
	v23 =	vmul.f32 v41, v27;
	[tilespmem:s0+$0xFFFFFFB0] =	vst v30  }
0x127: {  	v18 =	vperm.xlane v18, v4;
	[tilespmem:s0+$0xFFFFFF20] =	vst v19;
	v19 =	vmul.f32 v24, v20  }
0x128: {  	[tilespmem:s0+$0xFFFFFF60] =	vst v16  }
0x129: {  	v20 =	vmul.f32 v28, v18;
	v16 =	vmul.f32 v17, v18;
	[tilespmem:s0+$0x40] =	vst v37  }
0x12a: {  	[tilespmem:s0+$0xFFFFFFE0] =	vst v22  }
0x12b: {  	[tilespmem:s0+$0xF0] =	vst v19  }
0x12c: {  	[tilespmem:s0+$0xFFFFFF90] =	vst v16  }
0x12d: {  	v19 =	vld [tilespmem:s14+$0xFFFFFFF0];
	[tilespmem:s0+$0xFFFFFF70] =	vst v23  }
0x12e: {  	v16 =	vld [tilespmem:s14+$0xFFFFFF60];
	[tilespmem:s0+$0x20] =	vst v26  }
0x12f: {  	v22 =	vld [tilespmem:s14+$0xFFFFFFD0];
	[tilespmem:s0+$0x30] =	vst v36  }
0x130: {  	v23 =	vld [tilespmem:s14+$0x80];
	[tilespmem:s0+$0xFFFFFF80] =	vst v20  }
0x131: {  	v26 =	vld [tilespmem:s14+$0xFFFFFF10];
	[tilespmem:s0+$0x50] =	vst v38  }
0x132: {  	v30 =	vld [tilespmem:s14+$0xE0];
	[tilespmem:s0+$0x0] =	vst v29  }
0x133: {  	v25 =	vld [tilespmem:s14+$0xFFFFFF40];
	[tilespmem:s0+$0xFFFFFF30] =	vst v31  }
0x134: {  	s16 =	sshra.s32 s16, $0x2;
	v17 =	vld [tilespmem:s14+$0xFFFFFF90];
	[tilespmem:s0+$0x10] =	vst v34;
	s0 =	smov.u32 s14  }
0x135: {  	v18 =	vld [tilespmem:s16+$0x73A0]  }
0x136: {  	v24 =	vld [tilespmem:s14+$0xFFFFFFC0]  }
0x137: {  	v27 =	vld [tilespmem:s14+$0xFFFFFF00]  }
0x138: {  	v28 =	vld [tilespmem:s14+$0xD0]  }
.Ltmp4:
0x139: {  	v37 =	vld [tilespmem:s14+$0xC0];
	(pc) =	sbr.rel @p1 .LBB2_9-.Ltmp4, $4  }
0x13a: {  	v33 =	vperm.xlane v18, v0;
	v35 =	vld [tilespmem:s14+$0x90];
	v20 =	vperm.xlane v18, v15  }
0x13b: {  	v34 =	vperm.xlane v18, v2;
	v32 =	vperm.xlane v18, v14;
	v36 =	vld [tilespmem:s14+$0xFFFFFF50]  }
0x13c: {  	v39 =	vmul.f32 v27, v33;
	v27 =	vperm.xlane v18, v13;
	v31 =	vld [tilespmem:s14+$0xB0]  }
0x13d: {  	v29 =	vperm.xlane v18, v12;
	v38 =	vmul.f32 v25, v34;
	v25 =	vld [tilespmem:s14+$0x60]  }
0x13e: {  	[tilespmem:s0+$0xFFFFFF00] =	vst v39;
	v30 =	vmul.f32 v30, v20  }
0x13f: {  	v37 =	vmul.f32 v37, v32;
	[tilespmem:s0+$0xFFFFFF40] =	vst v38  }
0x140: {  	v26 =	vmul.f32 v26, v33;
	[tilespmem:s0+$0xE0] =	vst v30  }
0x141: {  	v58 =	vmul.f32 v28, v32;
	[tilespmem:s0+$0xC0] =	vst v37  }
0x142: {  	v56 =	vmul.f32 v35, v29;
	[tilespmem:s0+$0xFFFFFF10] =	vst v26  }
0x143: {  	v40 =	vperm.xlane v18, v6;
	v23 =	vmul.f32 v23, v29;
	[tilespmem:s0+$0xD0] =	vst v58  }
0x144: {  	v34 =	vmul.f32 v36, v34;
	[tilespmem:s0+$0x90] =	vst v56  }
0x145: {  	v44 =	vperm.xlane v18, v5;
	v22 =	vmul.f32 v22, v40;
	[tilespmem:s0+$0x80] =	vst v23  }
0x146: {  	v46 =	vperm.xlane v18, v7;
	v24 =	vmul.f32 v24, v40;
	[tilespmem:s0+$0xFFFFFF50] =	vst v34  }
0x147: {  	v53 =	vperm.xlane v18, v3;
	v21 =	vmul.f32 v21, v44;
	[tilespmem:s0+$0xFFFFFFD0] =	vst v22  }
0x148: {  	v54 =	vld [tilespmem:s0+$0xA0];
	v19 =	vmul.f32 v19, v46;
	[tilespmem:s0+$0xFFFFFFC0] =	vst v24  }
0x149: {  	v55 =	vld [tilespmem:s0+$0x70];
	v60 =	vperm.xlane v18, v11;
	v16 =	vmul.f32 v16, v53;
	[tilespmem:s0+$0xFFFFFFA0] =	vst v21  }
0x14a: {  	v57 =	vld [tilespmem:s0+$0xFFFFFFB0];
	v58 =	vperm.xlane v18, v4;
	v42 =	vmul.f32 v31, v27;
	[tilespmem:s0+$0xFFFFFFF0] =	vst v19  }
0x14b: {  	v59 =	vld [tilespmem:s0+$0xFFFFFF20];
	v25 =	vmul.f32 v25, v60;
	[tilespmem:s0+$0xFFFFFF60] =	vst v16  }
0x14c: {  	v61 =	vld [tilespmem:s0+$0xFFFFFFE0];
	v17 =	vmul.f32 v17, v58;
	[tilespmem:s0+$0xB0] =	vst v42  }
0x14d: {  	v48 =	vld [tilespmem:s0+$0xFFFFFF70];
	v62 =	vmul.f32 v54, v27;
	[tilespmem:s0+$0x60] =	vst v25  }
0x14e: {  	v63 =	vld [tilespmem:s0+$0x40];
	v51 =	vperm.xlane v18, v1;
	v33 =	vmul.f32 v55, v60;
	[tilespmem:s0+$0xFFFFFF90] =	vst v17  }
0x14f: {  	v45 =	vld [tilespmem:s0+$0x30];
	v52 =	vmul.f32 v57, v44;
	[tilespmem:s0+$0xA0] =	vst v62  }
0x150: {  	v54 =	vld [tilespmem:s0+$0xF0];
	v28 =	vmul.f32 v59, v51;
	[tilespmem:s0+$0x70] =	vst v33  }
0x151: {  	v49 =	vld [tilespmem:s0+$0xFFFFFF80];
	v55 =	vperm.xlane v18, v10;
	v23 =	vmul.f32 v61, v46;
	[tilespmem:s0+$0xFFFFFFB0] =	vst v52  }
0x152: {  	v43 =	vld [tilespmem:s0+$0x20];
	v59 =	vperm.xlane v18, v9;
	v60 =	vmul.f32 v48, v53;
	[tilespmem:s0+$0xFFFFFF20] =	vst v28  }
0x153: {  	v56 =	vld [tilespmem:s0+$0xFFFFFF30];
	v57 =	vmul.f32 v63, v55;
	[tilespmem:s0+$0xFFFFFFE0] =	vst v23  }
0x154: {  	v41 =	vld [tilespmem:s0+$0x50];
	v17 =	vmul.f32 v45, v59;
	[tilespmem:s0+$0xFFFFFF70] =	vst v60  }
0x155: {  	v47 =	vld [tilespmem:s0+$0x0];
	[tilespmem:s0+$0x40] =	vst v57;
	v16 =	vmul.f32 v54, v20  }
0x156: {  	v50 =	vld [tilespmem:s0+$0x10];
	v62 =	vmul.f32 v49, v58;
	[tilespmem:s0+$0x30] =	vst v17  }
0x157: {  	[tilespmem:s0+$0xF0] =	vst v16;
	v16 =	vmul.f32 v43, v59  }
0x158: {  	v61 =	vperm.xlane v18, v8;
	v63 =	vmul.f32 v56, v51;
	[tilespmem:s0+$0xFFFFFF80] =	vst v62  }
0x159: {  	[tilespmem:s0+$0x20] =	vst v16;
	v16 =	vmul.f32 v41, v55  }
0x15a: {  	v17 =	vmul.f32 v47, v61;
	[tilespmem:s0+$0xFFFFFF30] =	vst v63  }
0x15b: {  	[tilespmem:s0+$0x50] =	vst v16;
	v16 =	vmul.f32 v50, v61  }
0x15c: {  	[tilespmem:s0+$0x0] =	vst v17  }
0x15d: {  	[tilespmem:s0+$0x10] =	vst v16  }
0x15e: {  	[spmem:s2] =	stream.indirect.scatter.add.f32 [tilespmem:s19], [sflag:$0x1], $0x20, s25, s18, $0xb8;
	[tilespmem:$0x17750] =	vst v63  }
0x15f: {  	_ =	swait.ge [sflag:s23], $0x3200  }
0x160: {  	[sflag:s23] =	ssyncset.done $0x0  }
0x161: {  	[sflag:s23] =	ssyncadd.s32 $0xFFFFCE00  }
0x162: {  	s1 =	simm.s32 @p0 $0x5;
	s0 =	simm.s32 @p0 $0xD930;
	[bflag:$0x0] =	sbarrier.arrive $0xFFFF  }
0x163: {  	[tilespmem:s0], [sflag:$0x5] =	stream.linear.gather @p0 [spmem:s10], $0x3200, $0x38;
	[tilespmem:$0x17750] =	vst v63  }
0x164: {  	_ =	swait.ge @p0 [sflag:s1], $0x3200  }
0x165: {  	[sflag:s1] =	ssyncset.done @p0 $0x0  }
0x166: {  	s14 =	simm.s32 @p0 $0x0;
	[sflag:s1] =	ssyncadd.s32 @p0 $0xFFFFCE00  }
0x167: {  	[hbm4b:s12+s14] =	stream.linear.scatter @p0 [tilespmem:s0], [sflag:$0x5], $0x3200, $0x38;
	[tilespmem:$0x17750] =	vst v63  }
0x168: {  	_ =	swait.ge @p0 [sflag:s1], $0x3200  }
0x169: {  	[sflag:s1] =	ssyncset.done @p0 $0x0  }
0x16a: {  	s0 =	simm.s32 @!p0 $0xD930;
	[sflag:s1] =	ssyncadd.s32 @p0 $0xFFFFCE00;
	s1 =	simm.s32 @!p0 $0x5  }
0x16b: {  	[tilespmem:s0], [sflag:$0x5] =	stream.linear.gather @!p0 [spmem:s9], $0x5000, $0x38;
	[tilespmem:$0x17750] =	vst v63  }
0x16c: {  	s26 =	sadd.s32 $0x1, s26;
	_ =	swait.ge @!p0 [sflag:s1], $0x5000  }
0x16d: {  	p1 =	sne.s32 s26, s13;
	[sflag:s1] =	ssyncset.done @!p0 $0x0  }
.Ltmp5:
0x16e: {  	s14 =	simm.s32 @!p0 $0x0;
	[sflag:s1] =	ssyncadd.s32 @!p0 $0xFFFFB000;
	(pc) =	sbr.rel @p1 .LBB2_1-.Ltmp5, $4  }
0x16f: {  	[hbm4b:s11+s14] =	stream.linear.scatter @!p0 [tilespmem:s0], [sflag:$0x5], $0x5000, $0x38;
	[tilespmem:$0x17750] =	vst v63  }
0x170: {  	_ =	swait.ge @!p0 [sflag:s1], $0x5000  }
0x171: {  	[sflag:s1] =	ssyncset.done @!p0 $0x0  }
0x172: {  	[sflag:s1] =	ssyncadd.s32 @!p0 $0xFFFFB000  }
0x173: {  	_ =	sfence.sel $0x180000  }
0x174: {  	[bflag:$0x0] =	sbarrier.arrive $0xFFFF  }
0x175: {  	_ =	strace $0x90000047  }
0x176: {  	s0 =	stileid.u32;
	[bflag:$0x2] =	sbarrier.arrive $0xFFFF  }
0x177: {  	p0 =	sne.s32 s0, $0x0;
	s0 =	rddreg [dreg:$0x3]  }
0x178: {  	s0 =	sadd.s32 @!p0 $0x100000, s0  }
0x179: {  	[sflag:s0] =	ssyncadd.tile.s32 @!p0 $0x1;
	_ =	shalt  }
.Lfunc_end2:
_tile_overlayer_lowered:
.L_overlay_start_2:
0x17a: {  	(tag) =	ssettag $0x2  }
0x17b: {  	s0 =	rddreg [dreg:$0x0];
	s2 =	stileid.u32  }
0x17c: {  	s1 =	rddreg [dreg:$0x1];
	p0 =	sne.s32 s2, $0x0  }
0x17d: {  	s3 =	rddreg [dreg:$0x2];
	[bflag:$0x3] =	sbarrier.arrive $0xFFFF;
	s2 =	simm.s32 @!p0 $0x1C05  }
0x17e: {  	[timem:s3], [sflag:s2] =	dma.local @!p0 [hbm:s0], s1  }
0x17f: {  	s0 =	simm.s32 @!p0 $0x5  }
0x180: {  	_ =	swait.ge @!p0 [sflag:s0], s1  }
0x181: {  	s1 =	ssub.s32 @!p0 $0x0, s1;
	[sflag:s0] =	ssyncset.done @!p0 $0x0  }
0x182: {  	[sflag:s0] =	ssyncadd.s32 @!p0 s1  }
0x183: {  	[bflag:$0x3] =	sbarrier.arrive $0xFFFF  }
0x184: {  	_ =	shalt  }

</sc_bundles>
